<compile_context>
chip_gen: v7x
topology: tpu7x:2x2x1
jax: 0.10.2.dev20260603
libtpu: 0.0.44.dev20260713+nightly
codegen_flags: <defaults>
</compile_context>

<pallas_src>
import functools

import jax
import jax.numpy as jnp
from jax import lax
from jax.experimental import pallas as pl
from jax.experimental.pallas import tpu as pltpu
from jax.experimental.pallas import tpu_sc as plsc

B = 10000
DEG = 32
N = 50000
D = 128
K = DEG + 1
L = 16
NC, NS = 2, 16
NW = NC * NS
G = 64
BPAD = ((B + NW * G - 1) // (NW * G)) * (NW * G)
BPW = BPAD // NW
NG = BPW // G
NR = NG * K
VSEG = D // L
NACC = 4
CU = 4
REM = B % G


def _sc_aggregate(idx, features):
    mesh = plsc.VectorSubcoreMesh(
        core_axis_name="c", subcore_axis_name="s", num_cores=NC, num_subcores=NS
    )

    @functools.partial(
        pl.kernel,
        out_type=jax.ShapeDtypeStruct((B, D), jnp.float32),
        mesh=mesh,
        scratch_types=[
            pltpu.VMEM((NR, G), jnp.int32),
            [pltpu.VMEM((G, D), jnp.float32) for _ in range(NACC)],
            [pltpu.SemaphoreType.DMA for _ in range(NACC)],
        ],
    )
    def body(idx_hbm, feat_hbm, out_hbm, idx_v, accs, sems):
        w = lax.axis_index("s") * NC + lax.axis_index("c")
        pltpu.sync_copy(idx_hbm.at[w], idx_v)
        scale = jnp.float32(1.0 / K)
        ng = lax.min(NG, lax.max(0, (B - w * BPW + G - 1) // G))
        nfull = (K - NACC) // NACC
        ntail = (K - NACC) % NACC

        def g_body(g, carry):
            r0 = g * K
            for k in range(NACC):
                pltpu.async_copy(feat_hbm.at[idx_v.at[r0 + k]], accs[k], sems[k])

            def t_body(t, carry2):
                for k in range(NACC):
                    pltpu.make_async_copy(
                        feat_hbm.at[idx_v.at[r0]], accs[k], sems[k]
                    ).wait()
                    j = NACC + NACC * t + k
                    pltpu.async_copy(
                        feat_hbm.at[idx_v.at[r0 + j]], accs[k], sems[k], add=True
                    )
                return carry2

            lax.fori_loop(0, nfull, t_body, 0)
            for k in range(ntail):
                pltpu.make_async_copy(
                    feat_hbm.at[idx_v.at[r0]], accs[k], sems[k]
                ).wait()
                j = NACC + NACC * nfull + k
                pltpu.async_copy(
                    feat_hbm.at[idx_v.at[r0 + j]], accs[k], sems[k], add=True
                )
            for k in range(NACC):
                pltpu.make_async_copy(
                    feat_hbm.at[idx_v.at[r0]], accs[k], sems[k]
                ).wait()

            def red_body(c4, carry3):
                for cc in range(CU):
                    for v in range(VSEG):
                        sl = pl.ds(v * L, L)
                        acc = accs[0][c4 * CU + cc, sl]
                        for k in range(1, NACC):
                            acc = acc + accs[k][c4 * CU + cc, sl]
                        accs[0][c4 * CU + cc, sl] = acc * scale
                return carry3

            lax.fori_loop(0, G // CU, red_body, 0)
            row0 = w * BPW + g * G

            @pl.when(row0 + G <= B)
            def _():
                pltpu.sync_copy(accs[0], out_hbm.at[pl.ds(row0, G)])

            @pl.when(row0 + G > B)
            def _():
                pltpu.sync_copy(
                    accs[0].at[pl.ds(0, REM)], out_hbm.at[pl.ds(B - REM, REM)]
                )

            return carry

        lax.fori_loop(0, ng, g_body, 0)

    return body(idx, features)


def kernel(nodes, adj, features):
    nodes = nodes.astype(jnp.int32)
    adj = adj.astype(jnp.int32)
    idx = jnp.concatenate([nodes[:, None], adj], axis=1)
    pad = (
        jnp.arange(BPAD - B, dtype=jnp.int32)[:, None]
        + G * jnp.arange(K, dtype=jnp.int32)[None, :]
    )
    idx = jnp.concatenate([idx, pad], axis=0)
    idx = idx.reshape(NW, NG, G, K).transpose(0, 1, 3, 2).reshape(NW, NR, G)
    return _sc_aggregate(idx, features)

# --- scband reference (transcript-rebuilt; emitter-appended) ---
"""Pipeline reference for scband-aggregator-46540265619762 (READ-ONLY COPY).

The authoritative reference and input builder live on the scoring server;
editing this copy changes nothing except your own understanding.
"""

import jax, jax.numpy as jnp
import numpy as np

B = 10000
DEG = 32
N = 50000
D = 128

def setup_inputs(seed: int = 0) -> dict:
    key = jax.random.key(seed)
    k1, k2, k3 = jax.random.split(key, 3)
    nodes = jax.random.randint(k1, (B,), 0, N, dtype=jnp.int64) if jax.config.jax_enable_x64 else jax.random.randint(k1, (B,), 0, N).astype(jnp.int32)
    adj = jax.random.randint(k2, (B, DEG), 0, N).astype(nodes.dtype)
    features = jax.random.normal(k3, (N, D), dtype=jnp.float32)
    return {"nodes": nodes, "adj": adj, "features": features}

def reference(nodes, adj, features):
    # Faithful translation of the mean aggregator:
    # original builds a binary mask over (neighbors(node) union {node}) per batch
    # node, row-normalizes it, and multiplies by the gathered neighbor features.
    # With adj restructured as a fixed-degree neighbor matrix [B, DEG] (distinct
    # neighbors per row), this is exactly the mean over {node} U neighbors(node).
    self_feat = jnp.take(features, nodes, axis=0)          # [B, D] gather
    neigh_feat = jnp.take(features, adj, axis=0)           # [B, DEG, D] gather
    summed = neigh_feat.sum(axis=1) + self_feat            # include self-loop
    num_neighbors = jnp.float32(adj.shape[1] + 1)          # mask.sum(1, keepdim=True)
    return summed / num_neighbors                          # mask.div(...).mm(feats)

if __name__ == "__main__":
    import jax
    _d = setup_inputs()
    print(jax.jit(kernel)(*tuple(_d.values())))

</pallas_src>

<mosaic_0001>
#map = affine_map<(d0, d1) -> (0, 0, 0)>
#map1 = affine_map<(d0, d1) -> (0, 0)>
module attributes {stable_mosaic.version = 14 : i64} {
  func.func @body(%arg0: i32, %arg1: i32, %arg2: memref<32x165x64xi32, #tpu.memory_space<hbm>>, %arg3: memref<50000x128xf32, #tpu.memory_space<hbm>>, %arg4: memref<10000x128xf32, #tpu.memory_space<hbm>>, %arg5: memref<165x64xi32, #tpu.memory_space<vmem>>, %arg6: memref<64x128xf32, #tpu.memory_space<vmem>>, %arg7: memref<64x128xf32, #tpu.memory_space<vmem>>, %arg8: memref<64x128xf32, #tpu.memory_space<vmem>>, %arg9: memref<64x128xf32, #tpu.memory_space<vmem>>, %arg10: memref<!tpu.dma_semaphore, #tpu.memory_space<semaphore_mem>>, %arg11: memref<!tpu.dma_semaphore, #tpu.memory_space<semaphore_mem>>, %arg12: memref<!tpu.dma_semaphore, #tpu.memory_space<semaphore_mem>>, %arg13: memref<!tpu.dma_semaphore, #tpu.memory_space<semaphore_mem>>) attributes {dimension_semantics = [#tpu.dimension_semantics<core_parallel>, #tpu.dimension_semantics<subcore_parallel>], iteration_bounds = array<i64: 2, 16>, scalar_prefetch = 0 : i64, scratch_operands = 9 : i64, tpu.core_type = #tpu.core_type<sc_vector_subcore>, window_params = [{transform_indices = #map}, {transform_indices = #map1}, {transform_indices = #map1}]} {
    %mul3A = arith.constant 2 : i32
    %mul3A_0 = arith.muli %arg1, %mul3A : i32
    %add3A = arith.addi %mul3A_0, %arg0 : i32
    "tpu.region"() ({
      %run_scoped3A = tpu.sem_alloc : memref<!tpu.dma_semaphore, #tpu.memory_space<semaphore_mem>>
      %dma_start3A = arith.constant 0 : i32
      %dma_start3A_37 = arith.constant 0 : i32
      %dma_start3A_38 = tpu.memref_slice %arg2[%add3A, %dma_start3A, %dma_start3A_37] : memref<32x165x64xi32, #tpu.memory_space<hbm>> -> memref<1x165x64xi32, #tpu.memory_space<hbm>>
      %dma_start3A_39 = tpu.memref_squeeze %dma_start3A_38 : memref<1x165x64xi32, #tpu.memory_space<hbm>> -> memref<165x64xi32, #tpu.memory_space<hbm>>
      %dma_start3A_40 = arith.constant 0 : i32
      %dma_start3A_41 = arith.constant 0 : i32
      %dma_start3A_42 = tpu.memref_slice %arg2[%add3A, %dma_start3A_40, %dma_start3A_41] : memref<32x165x64xi32, #tpu.memory_space<hbm>> -> memref<1x165x64xi32, #tpu.memory_space<hbm>>
      %dma_start3A_43 = tpu.memref_squeeze %dma_start3A_42 : memref<1x165x64xi32, #tpu.memory_space<hbm>> -> memref<165x64xi32, #tpu.memory_space<hbm>>
      tpu.enqueue_dma source(%dma_start3A_43 : memref<165x64xi32, #tpu.memory_space<hbm>>) target(%arg5 : memref<165x64xi32, #tpu.memory_space<vmem>>) target_semaphore(%run_scoped3A : memref<!tpu.dma_semaphore, #tpu.memory_space<semaphore_mem>>)
      %dma_wait3A = arith.constant 0 : i32
      %dma_wait3A_44 = arith.constant 0 : i32
      %dma_wait3A_45 = tpu.memref_slice %arg2[%add3A, %dma_wait3A, %dma_wait3A_44] : memref<32x165x64xi32, #tpu.memory_space<hbm>> -> memref<1x165x64xi32, #tpu.memory_space<hbm>>
      %dma_wait3A_46 = tpu.memref_squeeze %dma_wait3A_45 : memref<1x165x64xi32, #tpu.memory_space<hbm>> -> memref<165x64xi32, #tpu.memory_space<hbm>>
      %dma_wait3A_47 = arith.constant 0 : i32
      %dma_wait3A_48 = arith.constant 0 : i32
      %dma_wait3A_49 = tpu.memref_slice %arg2[%add3A, %dma_wait3A_47, %dma_wait3A_48] : memref<32x165x64xi32, #tpu.memory_space<hbm>> -> memref<1x165x64xi32, #tpu.memory_space<hbm>>
      %dma_wait3A_50 = tpu.memref_squeeze %dma_wait3A_49 : memref<1x165x64xi32, #tpu.memory_space<hbm>> -> memref<165x64xi32, #tpu.memory_space<hbm>>
      tpu.wait_dma2 semaphore(%run_scoped3A : memref<!tpu.dma_semaphore, #tpu.memory_space<semaphore_mem>>) src(%dma_wait3A_50 : memref<165x64xi32, #tpu.memory_space<hbm>>) dst(%arg5 : memref<165x64xi32, #tpu.memory_space<vmem>>)
      tpu.yield
    }) : () -> ()
    %mul3A_1 = arith.constant 320 : i32
    %mul3A_2 = arith.muli %add3A, %mul3A_1 : i32
    %sub3A = arith.constant 10000 : i32
    %sub3A_3 = arith.subi %sub3A, %mul3A_2 : i32
    %add3A_4 = arith.constant 64 : i32
    %add3A_5 = arith.addi %sub3A_3, %add3A_4 : i32
    %sub3A_6 = arith.constant 1 : i32
    %sub3A_7 = arith.subi %add3A_5, %sub3A_6 : i32
    %jit3A = arith.constant 64 : i32
    %div3A = arith.divsi %sub3A_7, %jit3A : i32
    %sign3A = arith.constant 0 : i32
    %sign3A_8 = arith.cmpi sgt, %sub3A_7, %sign3A : i32
    %sign3A_9 = arith.extui %sign3A_8 : i1 to i32
    %sign3A_10 = arith.constant 0 : i32
    %sign3A_11 = arith.cmpi slt, %sub3A_7, %sign3A_10 : i32
    %sign3A_12 = arith.extui %sign3A_11 : i1 to i32
    %sign3A_13 = arith.subi %sign3A_9, %sign3A_12 : i32
    %sign3A_14 = arith.constant 0 : i32
    %sign3A_15 = arith.cmpi sgt, %jit3A, %sign3A_14 : i32
    %sign3A_16 = arith.extui %sign3A_15 : i1 to i32
    %sign3A_17 = arith.constant 0 : i32
    %sign3A_18 = arith.cmpi slt, %jit3A, %sign3A_17 : i32
    %sign3A_19 = arith.extui %sign3A_18 : i1 to i32
    %sign3A_20 = arith.subi %sign3A_16, %sign3A_19 : i32
    %ne3A = arith.cmpi ne, %sign3A_13, %sign3A_20 : i32
    %rem3A = arith.remsi %sub3A_7, %jit3A : i32
    %ne3A_21 = arith.constant 0 : i32
    %ne3A_22 = arith.cmpi ne, %rem3A, %ne3A_21 : i32
    %and3A = arith.andi %ne3A, %ne3A_22 : i1
    %sub3A_23 = arith.constant 1 : i32
    %sub3A_24 = arith.subi %div3A, %sub3A_23 : i32
    %select_n3A = arith.select %and3A, %sub3A_24, %div3A : i32
    %max3A = arith.constant 0 : i32
    %max3A_25 = arith.maxsi %max3A, %select_n3A : i32
    %min3A = arith.constant 5 : i32
    %min3A_26 = arith.minsi %min3A, %max3A_25 : i32
    %while3A = arith.constant 0 : i32
    %while3A_27 = arith.constant 0.0303030312 : f32
    %while3A_28 = arith.constant 0 : i32
    %while3A_29 = arith.subi %min3A_26, %while3A_28 : i32
    %while3A_30 = arith.addi %while3A_28, %while3A_29 : i32
    %while3A_31 = arith.constant 1 : i32
    %while3A_32 = arith.divsi %while3A_29, %while3A_31 : i32
    %while3A_33 = arith.muli %while3A_32, %while3A_31 : i32
    %while3A_34 = arith.addi %while3A_28, %while3A_33 : i32
    %while3A_35 = arith.constant 1 : i32
    scf.for %while3A_37 = %while3A_28 to %while3A_34 step %while3A_35  : i32 {
      %mul3A_38 = arith.constant 33 : i32
      %mul3A_39 = arith.muli %while3A_37, %mul3A_38 : i32
      %add3A_40 = arith.constant 0 : i32
      %add3A_41 = arith.addi %mul3A_39, %add3A_40 : i32
      %dma_start3A = arith.constant 0 : i32
      %dma_start3A_42 = tpu.memref_slice %arg5[%add3A_41, %dma_start3A] : memref<165x64xi32, #tpu.memory_space<vmem>> -> memref<1x64xi32, #tpu.memory_space<vmem>>
      %dma_start3A_43 = tpu.memref_squeeze %dma_start3A_42 : memref<1x64xi32, #tpu.memory_space<vmem>> -> memref<64xi32, #tpu.memory_space<vmem>>
      %dma_start3A_44 = arith.constant 0 : i32
      %dma_start3A_45 = arith.constant 0 : i32
      %dma_start3A_46 = tpu.memref_slice %arg3[%dma_start3A_44, %dma_start3A_45] : memref<50000x128xf32, #tpu.memory_space<hbm>> -> memref<50000x128xf32, #tpu.memory_space<hbm>>
      tpu.enqueue_indirect_dma source(%dma_start3A_46 : memref<50000x128xf32, #tpu.memory_space<hbm>>) target(%arg6 : memref<64x128xf32, #tpu.memory_space<vmem>>) offsets(%dma_start3A_43 : memref<64xi32, #tpu.memory_space<vmem>>) semaphore(%arg10 : memref<!tpu.dma_semaphore, #tpu.memory_space<semaphore_mem>>)
      %add3A_47 = arith.constant 1 : i32
      %add3A_48 = arith.addi %mul3A_39, %add3A_47 : i32
      %dma_start3A_49 = arith.constant 0 : i32
      %dma_start3A_50 = tpu.memref_slice %arg5[%add3A_48, %dma_start3A_49] : memref<165x64xi32, #tpu.memory_space<vmem>> -> memref<1x64xi32, #tpu.memory_space<vmem>>
      %dma_start3A_51 = tpu.memref_squeeze %dma_start3A_50 : memref<1x64xi32, #tpu.memory_space<vmem>> -> memref<64xi32, #tpu.memory_space<vmem>>
      %dma_start3A_52 = arith.constant 0 : i32
      %dma_start3A_53 = arith.constant 0 : i32
      %dma_start3A_54 = tpu.memref_slice %arg3[%dma_start3A_52, %dma_start3A_53] : memref<50000x128xf32, #tpu.memory_space<hbm>> -> memref<50000x128xf32, #tpu.memory_space<hbm>>
      tpu.enqueue_indirect_dma source(%dma_start3A_54 : memref<50000x128xf32, #tpu.memory_space<hbm>>) target(%arg7 : memref<64x128xf32, #tpu.memory_space<vmem>>) offsets(%dma_start3A_51 : memref<64xi32, #tpu.memory_space<vmem>>) semaphore(%arg11 : memref<!tpu.dma_semaphore, #tpu.memory_space<semaphore_mem>>)
      %add3A_55 = arith.constant 2 : i32
      %add3A_56 = arith.addi %mul3A_39, %add3A_55 : i32
      %dma_start3A_57 = arith.constant 0 : i32
      %dma_start3A_58 = tpu.memref_slice %arg5[%add3A_56, %dma_start3A_57] : memref<165x64xi32, #tpu.memory_space<vmem>> -> memref<1x64xi32, #tpu.memory_space<vmem>>
      %dma_start3A_59 = tpu.memref_squeeze %dma_start3A_58 : memref<1x64xi32, #tpu.memory_space<vmem>> -> memref<64xi32, #tpu.memory_space<vmem>>
      %dma_start3A_60 = arith.constant 0 : i32
      %dma_start3A_61 = arith.constant 0 : i32
      %dma_start3A_62 = tpu.memref_slice %arg3[%dma_start3A_60, %dma_start3A_61] : memref<50000x128xf32, #tpu.memory_space<hbm>> -> memref<50000x128xf32, #tpu.memory_space<hbm>>
      tpu.enqueue_indirect_dma source(%dma_start3A_62 : memref<50000x128xf32, #tpu.memory_space<hbm>>) target(%arg8 : memref<64x128xf32, #tpu.memory_space<vmem>>) offsets(%dma_start3A_59 : memref<64xi32, #tpu.memory_space<vmem>>) semaphore(%arg12 : memref<!tpu.dma_semaphore, #tpu.memory_space<semaphore_mem>>)
      %add3A_63 = arith.constant 3 : i32
      %add3A_64 = arith.addi %mul3A_39, %add3A_63 : i32
      %dma_start3A_65 = arith.constant 0 : i32
      %dma_start3A_66 = tpu.memref_slice %arg5[%add3A_64, %dma_start3A_65] : memref<165x64xi32, #tpu.memory_space<vmem>> -> memref<1x64xi32, #tpu.memory_space<vmem>>
      %dma_start3A_67 = tpu.memref_squeeze %dma_start3A_66 : memref<1x64xi32, #tpu.memory_space<vmem>> -> memref<64xi32, #tpu.memory_space<vmem>>
      %dma_start3A_68 = arith.constant 0 : i32
      %dma_start3A_69 = arith.constant 0 : i32
      %dma_start3A_70 = tpu.memref_slice %arg3[%dma_start3A_68, %dma_start3A_69] : memref<50000x128xf32, #tpu.memory_space<hbm>> -> memref<50000x128xf32, #tpu.memory_space<hbm>>
      tpu.enqueue_indirect_dma source(%dma_start3A_70 : memref<50000x128xf32, #tpu.memory_space<hbm>>) target(%arg9 : memref<64x128xf32, #tpu.memory_space<vmem>>) offsets(%dma_start3A_67 : memref<64xi32, #tpu.memory_space<vmem>>) semaphore(%arg13 : memref<!tpu.dma_semaphore, #tpu.memory_space<semaphore_mem>>)
      %scan3A = arith.constant 0 : i32
      %scan3A_71 = arith.constant 0 : i32
      %scan3A_72 = arith.constant 7 : i32
      %scan3A_73 = arith.addi %scan3A_71, %scan3A_72 : i32
      %scan3A_74 = arith.constant 1 : i32
      scf.for %scan3A_134 = %scan3A_71 to %scan3A_73 step %scan3A_74  : i32 {
        %dma_wait3A_135 = arith.constant 0 : i32
        %dma_wait3A_136 = tpu.memref_slice %arg5[%mul3A_39, %dma_wait3A_135] : memref<165x64xi32, #tpu.memory_space<vmem>> -> memref<1x64xi32, #tpu.memory_space<vmem>>
        %dma_wait3A_137 = tpu.memref_squeeze %dma_wait3A_136 : memref<1x64xi32, #tpu.memory_space<vmem>> -> memref<64xi32, #tpu.memory_space<vmem>>
        %dma_wait3A_138 = arith.constant 0 : i32
        %dma_wait3A_139 = arith.constant 0 : i32
        %dma_wait3A_140 = tpu.memref_slice %arg3[%dma_wait3A_138, %dma_wait3A_139] : memref<50000x128xf32, #tpu.memory_space<hbm>> -> memref<50000x128xf32, #tpu.memory_space<hbm>>
        tpu.wait_indirect_dma semaphore(%arg10 : memref<!tpu.dma_semaphore, #tpu.memory_space<semaphore_mem>>) src(%dma_wait3A_140 : memref<50000x128xf32, #tpu.memory_space<hbm>>) dst(%arg6 : memref<64x128xf32, #tpu.memory_space<vmem>>)
        %mul3A_141 = arith.constant 4 : i32
        %mul3A_142 = arith.muli %mul3A_141, %scan3A_134 : i32
        %add3A_143 = arith.constant 4 : i32
        %add3A_144 = arith.addi %add3A_143, %mul3A_142 : i32
        %add3A_145 = arith.constant 0 : i32
        %add3A_146 = arith.addi %add3A_144, %add3A_145 : i32
        %add3A_147 = arith.addi %mul3A_39, %add3A_146 : i32
        %dma_start3A_148 = arith.constant 0 : i32
        %dma_start3A_149 = tpu.memref_slice %arg5[%add3A_147, %dma_start3A_148] : memref<165x64xi32, #tpu.memory_space<vmem>> -> memref<1x64xi32, #tpu.memory_space<vmem>>
        %dma_start3A_150 = tpu.memref_squeeze %dma_start3A_149 : memref<1x64xi32, #tpu.memory_space<vmem>> -> memref<64xi32, #tpu.memory_space<vmem>>
        %dma_start3A_151 = arith.constant 0 : i32
        %dma_start3A_152 = arith.constant 0 : i32
        %dma_start3A_153 = tpu.memref_slice %arg3[%dma_start3A_151, %dma_start3A_152] : memref<50000x128xf32, #tpu.memory_space<hbm>> -> memref<50000x128xf32, #tpu.memory_space<hbm>>
        tpu.enqueue_indirect_dma source(%dma_start3A_153 : memref<50000x128xf32, #tpu.memory_space<hbm>>) target(%arg6 : memref<64x128xf32, #tpu.memory_space<vmem>>) offsets(%dma_start3A_150 : memref<64xi32, #tpu.memory_space<vmem>>) semaphore(%arg10 : memref<!tpu.dma_semaphore, #tpu.memory_space<semaphore_mem>>) {add = true}
        %dma_wait3A_154 = arith.constant 0 : i32
        %dma_wait3A_155 = tpu.memref_slice %arg5[%mul3A_39, %dma_wait3A_154] : memref<165x64xi32, #tpu.memory_space<vmem>> -> memref<1x64xi32, #tpu.memory_space<vmem>>
        %dma_wait3A_156 = tpu.memref_squeeze %dma_wait3A_155 : memref<1x64xi32, #tpu.memory_space<vmem>> -> memref<64xi32, #tpu.memory_space<vmem>>
        %dma_wait3A_157 = arith.constant 0 : i32
        %dma_wait3A_158 = arith.constant 0 : i32
        %dma_wait3A_159 = tpu.memref_slice %arg3[%dma_wait3A_157, %dma_wait3A_158] : memref<50000x128xf32, #tpu.memory_space<hbm>> -> memref<50000x128xf32, #tpu.memory_space<hbm>>
        tpu.wait_indirect_dma semaphore(%arg11 : memref<!tpu.dma_semaphore, #tpu.memory_space<semaphore_mem>>) src(%dma_wait3A_159 : memref<50000x128xf32, #tpu.memory_space<hbm>>) dst(%arg7 : memref<64x128xf32, #tpu.memory_space<vmem>>)
        %mul3A_160 = arith.constant 4 : i32
        %mul3A_161 = arith.muli %mul3A_160, %scan3A_134 : i32
        %add3A_162 = arith.constant 4 : i32
        %add3A_163 = arith.addi %add3A_162, %mul3A_161 : i32
        %add3A_164 = arith.constant 1 : i32
        %add3A_165 = arith.addi %add3A_163, %add3A_164 : i32
        %add3A_166 = arith.addi %mul3A_39, %add3A_165 : i32
        %dma_start3A_167 = arith.constant 0 : i32
        %dma_start3A_168 = tpu.memref_slice %arg5[%add3A_166, %dma_start3A_167] : memref<165x64xi32, #tpu.memory_space<vmem>> -> memref<1x64xi32, #tpu.memory_space<vmem>>
        %dma_start3A_169 = tpu.memref_squeeze %dma_start3A_168 : memref<1x64xi32, #tpu.memory_space<vmem>> -> memref<64xi32, #tpu.memory_space<vmem>>
        %dma_start3A_170 = arith.constant 0 : i32
        %dma_start3A_171 = arith.constant 0 : i32
        %dma_start3A_172 = tpu.memref_slice %arg3[%dma_start3A_170, %dma_start3A_171] : memref<50000x128xf32, #tpu.memory_space<hbm>> -> memref<50000x128xf32, #tpu.memory_space<hbm>>
        tpu.enqueue_indirect_dma source(%dma_start3A_172 : memref<50000x128xf32, #tpu.memory_space<hbm>>) target(%arg7 : memref<64x128xf32, #tpu.memory_space<vmem>>) offsets(%dma_start3A_169 : memref<64xi32, #tpu.memory_space<vmem>>) semaphore(%arg11 : memref<!tpu.dma_semaphore, #tpu.memory_space<semaphore_mem>>) {add = true}
        %dma_wait3A_173 = arith.constant 0 : i32
        %dma_wait3A_174 = tpu.memref_slice %arg5[%mul3A_39, %dma_wait3A_173] : memref<165x64xi32, #tpu.memory_space<vmem>> -> memref<1x64xi32, #tpu.memory_space<vmem>>
        %dma_wait3A_175 = tpu.memref_squeeze %dma_wait3A_174 : memref<1x64xi32, #tpu.memory_space<vmem>> -> memref<64xi32, #tpu.memory_space<vmem>>
        %dma_wait3A_176 = arith.constant 0 : i32
        %dma_wait3A_177 = arith.constant 0 : i32
        %dma_wait3A_178 = tpu.memref_slice %arg3[%dma_wait3A_176, %dma_wait3A_177] : memref<50000x128xf32, #tpu.memory_space<hbm>> -> memref<50000x128xf32, #tpu.memory_space<hbm>>
        tpu.wait_indirect_dma semaphore(%arg12 : memref<!tpu.dma_semaphore, #tpu.memory_space<semaphore_mem>>) src(%dma_wait3A_178 : memref<50000x128xf32, #tpu.memory_space<hbm>>) dst(%arg8 : memref<64x128xf32, #tpu.memory_space<vmem>>)
        %mul3A_179 = arith.constant 4 : i32
        %mul3A_180 = arith.muli %mul3A_179, %scan3A_134 : i32
        %add3A_181 = arith.constant 4 : i32
        %add3A_182 = arith.addi %add3A_181, %mul3A_180 : i32
        %add3A_183 = arith.constant 2 : i32
        %add3A_184 = arith.addi %add3A_182, %add3A_183 : i32
        %add3A_185 = arith.addi %mul3A_39, %add3A_184 : i32
        %dma_start3A_186 = arith.constant 0 : i32
        %dma_start3A_187 = tpu.memref_slice %arg5[%add3A_185, %dma_start3A_186] : memref<165x64xi32, #tpu.memory_space<vmem>> -> memref<1x64xi32, #tpu.memory_space<vmem>>
        %dma_start3A_188 = tpu.memref_squeeze %dma_start3A_187 : memref<1x64xi32, #tpu.memory_space<vmem>> -> memref<64xi32, #tpu.memory_space<vmem>>
        %dma_start3A_189 = arith.constant 0 : i32
        %dma_start3A_190 = arith.constant 0 : i32
        %dma_start3A_191 = tpu.memref_slice %arg3[%dma_start3A_189, %dma_start3A_190] : memref<50000x128xf32, #tpu.memory_space<hbm>> -> memref<50000x128xf32, #tpu.memory_space<hbm>>
        tpu.enqueue_indirect_dma source(%dma_start3A_191 : memref<50000x128xf32, #tpu.memory_space<hbm>>) target(%arg8 : memref<64x128xf32, #tpu.memory_space<vmem>>) offsets(%dma_start3A_188 : memref<64xi32, #tpu.memory_space<vmem>>) semaphore(%arg12 : memref<!tpu.dma_semaphore, #tpu.memory_space<semaphore_mem>>) {add = true}
        %dma_wait3A_192 = arith.constant 0 : i32
        %dma_wait3A_193 = tpu.memref_slice %arg5[%mul3A_39, %dma_wait3A_192] : memref<165x64xi32, #tpu.memory_space<vmem>> -> memref<1x64xi32, #tpu.memory_space<vmem>>
        %dma_wait3A_194 = tpu.memref_squeeze %dma_wait3A_193 : memref<1x64xi32, #tpu.memory_space<vmem>> -> memref<64xi32, #tpu.memory_space<vmem>>
        %dma_wait3A_195 = arith.constant 0 : i32
        %dma_wait3A_196 = arith.constant 0 : i32
        %dma_wait3A_197 = tpu.memref_slice %arg3[%dma_wait3A_195, %dma_wait3A_196] : memref<50000x128xf32, #tpu.memory_space<hbm>> -> memref<50000x128xf32, #tpu.memory_space<hbm>>
        tpu.wait_indirect_dma semaphore(%arg13 : memref<!tpu.dma_semaphore, #tpu.memory_space<semaphore_mem>>) src(%dma_wait3A_197 : memref<50000x128xf32, #tpu.memory_space<hbm>>) dst(%arg9 : memref<64x128xf32, #tpu.memory_space<vmem>>)
        %mul3A_198 = arith.constant 4 : i32
        %mul3A_199 = arith.muli %mul3A_198, %scan3A_134 : i32
        %add3A_200 = arith.constant 4 : i32
        %add3A_201 = arith.addi %add3A_200, %mul3A_199 : i32
        %add3A_202 = arith.constant 3 : i32
        %add3A_203 = arith.addi %add3A_201, %add3A_202 : i32
        %add3A_204 = arith.addi %mul3A_39, %add3A_203 : i32
        %dma_start3A_205 = arith.constant 0 : i32
        %dma_start3A_206 = tpu.memref_slice %arg5[%add3A_204, %dma_start3A_205] : memref<165x64xi32, #tpu.memory_space<vmem>> -> memref<1x64xi32, #tpu.memory_space<vmem>>
        %dma_start3A_207 = tpu.memref_squeeze %dma_start3A_206 : memref<1x64xi32, #tpu.memory_space<vmem>> -> memref<64xi32, #tpu.memory_space<vmem>>
        %dma_start3A_208 = arith.constant 0 : i32
        %dma_start3A_209 = arith.constant 0 : i32
        %dma_start3A_210 = tpu.memref_slice %arg3[%dma_start3A_208, %dma_start3A_209] : memref<50000x128xf32, #tpu.memory_space<hbm>> -> memref<50000x128xf32, #tpu.memory_space<hbm>>
        tpu.enqueue_indirect_dma source(%dma_start3A_210 : memref<50000x128xf32, #tpu.memory_space<hbm>>) target(%arg9 : memref<64x128xf32, #tpu.memory_space<vmem>>) offsets(%dma_start3A_207 : memref<64xi32, #tpu.memory_space<vmem>>) semaphore(%arg13 : memref<!tpu.dma_semaphore, #tpu.memory_space<semaphore_mem>>) {add = true}
      }
      %scan3A_75 = arith.constant 7 : i32
      %dma_wait3A = arith.constant 0 : i32
      %dma_wait3A_76 = tpu.memref_slice %arg5[%mul3A_39, %dma_wait3A] : memref<165x64xi32, #tpu.memory_space<vmem>> -> memref<1x64xi32, #tpu.memory_space<vmem>>
      %dma_wait3A_77 = tpu.memref_squeeze %dma_wait3A_76 : memref<1x64xi32, #tpu.memory_space<vmem>> -> memref<64xi32, #tpu.memory_space<vmem>>
      %dma_wait3A_78 = arith.constant 0 : i32
      %dma_wait3A_79 = arith.constant 0 : i32
      %dma_wait3A_80 = tpu.memref_slice %arg3[%dma_wait3A_78, %dma_wait3A_79] : memref<50000x128xf32, #tpu.memory_space<hbm>> -> memref<50000x128xf32, #tpu.memory_space<hbm>>
      tpu.wait_indirect_dma semaphore(%arg10 : memref<!tpu.dma_semaphore, #tpu.memory_space<semaphore_mem>>) src(%dma_wait3A_80 : memref<50000x128xf32, #tpu.memory_space<hbm>>) dst(%arg6 : memref<64x128xf32, #tpu.memory_space<vmem>>)
      %add3A_81 = arith.constant 32 : i32
      %add3A_82 = arith.addi %mul3A_39, %add3A_81 : i32
      %dma_start3A_83 = arith.constant 0 : i32
      %dma_start3A_84 = tpu.memref_slice %arg5[%add3A_82, %dma_start3A_83] : memref<165x64xi32, #tpu.memory_space<vmem>> -> memref<1x64xi32, #tpu.memory_space<vmem>>
      %dma_start3A_85 = tpu.memref_squeeze %dma_start3A_84 : memref<1x64xi32, #tpu.memory_space<vmem>> -> memref<64xi32, #tpu.memory_space<vmem>>
      %dma_start3A_86 = arith.constant 0 : i32
      %dma_start3A_87 = arith.constant 0 : i32
      %dma_start3A_88 = tpu.memref_slice %arg3[%dma_start3A_86, %dma_start3A_87] : memref<50000x128xf32, #tpu.memory_space<hbm>> -> memref<50000x128xf32, #tpu.memory_space<hbm>>
      tpu.enqueue_indirect_dma source(%dma_start3A_88 : memref<50000x128xf32, #tpu.memory_space<hbm>>) target(%arg6 : memref<64x128xf32, #tpu.memory_space<vmem>>) offsets(%dma_start3A_85 : memref<64xi32, #tpu.memory_space<vmem>>) semaphore(%arg10 : memref<!tpu.dma_semaphore, #tpu.memory_space<semaphore_mem>>) {add = true}
      %dma_wait3A_89 = arith.constant 0 : i32
      %dma_wait3A_90 = tpu.memref_slice %arg5[%mul3A_39, %dma_wait3A_89] : memref<165x64xi32, #tpu.memory_space<vmem>> -> memref<1x64xi32, #tpu.memory_space<vmem>>
      %dma_wait3A_91 = tpu.memref_squeeze %dma_wait3A_90 : memref<1x64xi32, #tpu.memory_space<vmem>> -> memref<64xi32, #tpu.memory_space<vmem>>
      %dma_wait3A_92 = arith.constant 0 : i32
      %dma_wait3A_93 = arith.constant 0 : i32
      %dma_wait3A_94 = tpu.memref_slice %arg3[%dma_wait3A_92, %dma_wait3A_93] : memref<50000x128xf32, #tpu.memory_space<hbm>> -> memref<50000x128xf32, #tpu.memory_space<hbm>>
      tpu.wait_indirect_dma semaphore(%arg10 : memref<!tpu.dma_semaphore, #tpu.memory_space<semaphore_mem>>) src(%dma_wait3A_94 : memref<50000x128xf32, #tpu.memory_space<hbm>>) dst(%arg6 : memref<64x128xf32, #tpu.memory_space<vmem>>)
      %dma_wait3A_95 = arith.constant 0 : i32
      %dma_wait3A_96 = tpu.memref_slice %arg5[%mul3A_39, %dma_wait3A_95] : memref<165x64xi32, #tpu.memory_space<vmem>> -> memref<1x64xi32, #tpu.memory_space<vmem>>
      %dma_wait3A_97 = tpu.memref_squeeze %dma_wait3A_96 : memref<1x64xi32, #tpu.memory_space<vmem>> -> memref<64xi32, #tpu.memory_space<vmem>>
      %dma_wait3A_98 = arith.constant 0 : i32
      %dma_wait3A_99 = arith.constant 0 : i32
      %dma_wait3A_100 = tpu.memref_slice %arg3[%dma_wait3A_98, %dma_wait3A_99] : memref<50000x128xf32, #tpu.memory_space<hbm>> -> memref<50000x128xf32, #tpu.memory_space<hbm>>
      tpu.wait_indirect_dma semaphore(%arg11 : memref<!tpu.dma_semaphore, #tpu.memory_space<semaphore_mem>>) src(%dma_wait3A_100 : memref<50000x128xf32, #tpu.memory_space<hbm>>) dst(%arg7 : memref<64x128xf32, #tpu.memory_space<vmem>>)
      %dma_wait3A_101 = arith.constant 0 : i32
      %dma_wait3A_102 = tpu.memref_slice %arg5[%mul3A_39, %dma_wait3A_101] : memref<165x64xi32, #tpu.memory_space<vmem>> -> memref<1x64xi32, #tpu.memory_space<vmem>>
      %dma_wait3A_103 = tpu.memref_squeeze %dma_wait3A_102 : memref<1x64xi32, #tpu.memory_space<vmem>> -> memref<64xi32, #tpu.memory_space<vmem>>
      %dma_wait3A_104 = arith.constant 0 : i32
      %dma_wait3A_105 = arith.constant 0 : i32
      %dma_wait3A_106 = tpu.memref_slice %arg3[%dma_wait3A_104, %dma_wait3A_105] : memref<50000x128xf32, #tpu.memory_space<hbm>> -> memref<50000x128xf32, #tpu.memory_space<hbm>>
      tpu.wait_indirect_dma semaphore(%arg12 : memref<!tpu.dma_semaphore, #tpu.memory_space<semaphore_mem>>) src(%dma_wait3A_106 : memref<50000x128xf32, #tpu.memory_space<hbm>>) dst(%arg8 : memref<64x128xf32, #tpu.memory_space<vmem>>)
      %dma_wait3A_107 = arith.constant 0 : i32
      %dma_wait3A_108 = tpu.memref_slice %arg5[%mul3A_39, %dma_wait3A_107] : memref<165x64xi32, #tpu.memory_space<vmem>> -> memref<1x64xi32, #tpu.memory_space<vmem>>
      %dma_wait3A_109 = tpu.memref_squeeze %dma_wait3A_108 : memref<1x64xi32, #tpu.memory_space<vmem>> -> memref<64xi32, #tpu.memory_space<vmem>>
      %dma_wait3A_110 = arith.constant 0 : i32
      %dma_wait3A_111 = arith.constant 0 : i32
      %dma_wait3A_112 = tpu.memref_slice %arg3[%dma_wait3A_110, %dma_wait3A_111] : memref<50000x128xf32, #tpu.memory_space<hbm>> -> memref<50000x128xf32, #tpu.memory_space<hbm>>
      tpu.wait_indirect_dma semaphore(%arg13 : memref<!tpu.dma_semaphore, #tpu.memory_space<semaphore_mem>>) src(%dma_wait3A_112 : memref<50000x128xf32, #tpu.memory_space<hbm>>) dst(%arg9 : memref<64x128xf32, #tpu.memory_space<vmem>>)
      %scan3A_113 = arith.constant 0 : i32
      %scan3A_114 = arith.constant 0 : i32
      %scan3A_115 = arith.constant 16 : i32
      %scan3A_116 = arith.addi %scan3A_114, %scan3A_115 : i32
      %scan3A_117 = arith.constant 1 : i32
      scf.for %scan3A_134 = %scan3A_114 to %scan3A_116 step %scan3A_117  : i32 {
        %mul3A_135 = arith.constant 4 : i32
        %mul3A_136 = arith.muli %scan3A_134, %mul3A_135 : i32
        %add3A_137 = arith.constant 0 : i32
        %add3A_138 = arith.addi %mul3A_136, %add3A_137 : i32
        %get3A = arith.index_cast %add3A_138 : i32 to index
        %get3A_139 = arith.constant 0 : index
        %get3A_140 = tpu.vector_load %arg6[%get3A, %get3A_139] {strides = array<i32>} : memref<64x128xf32, #tpu.memory_space<vmem>>, vector<1x16xf32>,
        %get3A_141 = vector.shape_cast %get3A_140 : vector<1x16xf32> to vector<16xf32>
        %mul3A_142 = arith.constant 4 : i32
        %mul3A_143 = arith.muli %scan3A_134, %mul3A_142 : i32
        %add3A_144 = arith.constant 0 : i32
        %add3A_145 = arith.addi %mul3A_143, %add3A_144 : i32
        %get3A_146 = arith.index_cast %add3A_145 : i32 to index
        %get3A_147 = arith.constant 0 : index
        %get3A_148 = tpu.vector_load %arg7[%get3A_146, %get3A_147] {strides = array<i32>} : memref<64x128xf32, #tpu.memory_space<vmem>>, vector<1x16xf32>,
        %get3A_149 = vector.shape_cast %get3A_148 : vector<1x16xf32> to vector<16xf32>
        %add3A_150 = arith.addf %get3A_141, %get3A_149 : vector<16xf32>
        %mul3A_151 = arith.constant 4 : i32
        %mul3A_152 = arith.muli %scan3A_134, %mul3A_151 : i32
        %add3A_153 = arith.constant 0 : i32
        %add3A_154 = arith.addi %mul3A_152, %add3A_153 : i32
        %get3A_155 = arith.index_cast %add3A_154 : i32 to index
        %get3A_156 = arith.constant 0 : index
        %get3A_157 = tpu.vector_load %arg8[%get3A_155, %get3A_156] {strides = array<i32>} : memref<64x128xf32, #tpu.memory_space<vmem>>, vector<1x16xf32>,
        %get3A_158 = vector.shape_cast %get3A_157 : vector<1x16xf32> to vector<16xf32>
        %add3A_159 = arith.addf %add3A_150, %get3A_158 : vector<16xf32>
        %mul3A_160 = arith.constant 4 : i32
        %mul3A_161 = arith.muli %scan3A_134, %mul3A_160 : i32
        %add3A_162 = arith.constant 0 : i32
        %add3A_163 = arith.addi %mul3A_161, %add3A_162 : i32
        %get3A_164 = arith.index_cast %add3A_163 : i32 to index
        %get3A_165 = arith.constant 0 : index
        %get3A_166 = tpu.vector_load %arg9[%get3A_164, %get3A_165] {strides = array<i32>} : memref<64x128xf32, #tpu.memory_space<vmem>>, vector<1x16xf32>,
        %get3A_167 = vector.shape_cast %get3A_166 : vector<1x16xf32> to vector<16xf32>
        %add3A_168 = arith.addf %add3A_159, %get3A_167 : vector<16xf32>
        %mul3A_169 = vector.broadcast %while3A_27 : f32 to vector<16xf32>
        %mul3A_170 = arith.mulf %add3A_168, %mul3A_169 : vector<16xf32>
        %mul3A_171 = arith.constant 4 : i32
        %mul3A_172 = arith.muli %scan3A_134, %mul3A_171 : i32
        %add3A_173 = arith.constant 0 : i32
        %add3A_174 = arith.addi %mul3A_172, %add3A_173 : i32
        %swap3A = arith.index_cast %add3A_174 : i32 to index
        %swap3A_175 = arith.constant 0 : index
        %swap3A_176 = tpu.vector_load %arg6[%swap3A, %swap3A_175] {strides = array<i32>} : memref<64x128xf32, #tpu.memory_space<vmem>>, vector<1x16xf32>,
        %swap3A_177 = vector.shape_cast %swap3A_176 : vector<1x16xf32> to vector<16xf32>
        %swap3A_178 = vector.shape_cast %mul3A_170 : vector<16xf32> to vector<1x16xf32>
        tpu.vector_store %arg6[%swap3A, %swap3A_175], %swap3A_178 {strides = array<i32>} : memref<64x128xf32, #tpu.memory_space<vmem>>, vector<1x16xf32>,
        %mul3A_179 = arith.constant 4 : i32
        %mul3A_180 = arith.muli %scan3A_134, %mul3A_179 : i32
        %add3A_181 = arith.constant 0 : i32
        %add3A_182 = arith.addi %mul3A_180, %add3A_181 : i32
        %get3A_183 = arith.index_cast %add3A_182 : i32 to index
        %get3A_184 = arith.constant 16 : index
        %get3A_185 = tpu.vector_load %arg6[%get3A_183, %get3A_184] {strides = array<i32>} : memref<64x128xf32, #tpu.memory_space<vmem>>, vector<1x16xf32>,
        %get3A_186 = vector.shape_cast %get3A_185 : vector<1x16xf32> to vector<16xf32>
        %mul3A_187 = arith.constant 4 : i32
        %mul3A_188 = arith.muli %scan3A_134, %mul3A_187 : i32
        %add3A_189 = arith.constant 0 : i32
        %add3A_190 = arith.addi %mul3A_188, %add3A_189 : i32
        %get3A_191 = arith.index_cast %add3A_190 : i32 to index
        %get3A_192 = arith.constant 16 : index
        %get3A_193 = tpu.vector_load %arg7[%get3A_191, %get3A_192] {strides = array<i32>} : memref<64x128xf32, #tpu.memory_space<vmem>>, vector<1x16xf32>,
        %get3A_194 = vector.shape_cast %get3A_193 : vector<1x16xf32> to vector<16xf32>
        %add3A_195 = arith.addf %get3A_186, %get3A_194 : vector<16xf32>
        %mul3A_196 = arith.constant 4 : i32
        %mul3A_197 = arith.muli %scan3A_134, %mul3A_196 : i32
        %add3A_198 = arith.constant 0 : i32
        %add3A_199 = arith.addi %mul3A_197, %add3A_198 : i32
        %get3A_200 = arith.index_cast %add3A_199 : i32 to index
        %get3A_201 = arith.constant 16 : index
        %get3A_202 = tpu.vector_load %arg8[%get3A_200, %get3A_201] {strides = array<i32>} : memref<64x128xf32, #tpu.memory_space<vmem>>, vector<1x16xf32>,
        %get3A_203 = vector.shape_cast %get3A_202 : vector<1x16xf32> to vector<16xf32>
        %add3A_204 = arith.addf %add3A_195, %get3A_203 : vector<16xf32>
        %mul3A_205 = arith.constant 4 : i32
        %mul3A_206 = arith.muli %scan3A_134, %mul3A_205 : i32
        %add3A_207 = arith.constant 0 : i32
        %add3A_208 = arith.addi %mul3A_206, %add3A_207 : i32
        %get3A_209 = arith.index_cast %add3A_208 : i32 to index
        %get3A_210 = arith.constant 16 : index
        %get3A_211 = tpu.vector_load %arg9[%get3A_209, %get3A_210] {strides = array<i32>} : memref<64x128xf32, #tpu.memory_space<vmem>>, vector<1x16xf32>,
        %get3A_212 = vector.shape_cast %get3A_211 : vector<1x16xf32> to vector<16xf32>
        %add3A_213 = arith.addf %add3A_204, %get3A_212 : vector<16xf32>
        %mul3A_214 = vector.broadcast %while3A_27 : f32 to vector<16xf32>
        %mul3A_215 = arith.mulf %add3A_213, %mul3A_214 : vector<16xf32>
        %mul3A_216 = arith.constant 4 : i32
        %mul3A_217 = arith.muli %scan3A_134, %mul3A_216 : i32
        %add3A_218 = arith.constant 0 : i32
        %add3A_219 = arith.addi %mul3A_217, %add3A_218 : i32
        %swap3A_220 = arith.index_cast %add3A_219 : i32 to index
        %swap3A_221 = arith.constant 16 : index
        %swap3A_222 = tpu.vector_load %arg6[%swap3A_220, %swap3A_221] {strides = array<i32>} : memref<64x128xf32, #tpu.memory_space<vmem>>, vector<1x16xf32>,
        %swap3A_223 = vector.shape_cast %swap3A_222 : vector<1x16xf32> to vector<16xf32>
        %swap3A_224 = vector.shape_cast %mul3A_215 : vector<16xf32> to vector<1x16xf32>
        tpu.vector_store %arg6[%swap3A_220, %swap3A_221], %swap3A_224 {strides = array<i32>} : memref<64x128xf32, #tpu.memory_space<vmem>>, vector<1x16xf32>,
        %mul3A_225 = arith.constant 4 : i32
        %mul3A_226 = arith.muli %scan3A_134, %mul3A_225 : i32
        %add3A_227 = arith.constant 0 : i32
        %add3A_228 = arith.addi %mul3A_226, %add3A_227 : i32
        %get3A_229 = arith.index_cast %add3A_228 : i32 to index
        %get3A_230 = arith.constant 32 : index
        %get3A_231 = tpu.vector_load %arg6[%get3A_229, %get3A_230] {strides = array<i32>} : memref<64x128xf32, #tpu.memory_space<vmem>>, vector<1x16xf32>,
        %get3A_232 = vector.shape_cast %get3A_231 : vector<1x16xf32> to vector<16xf32>
        %mul3A_233 = arith.constant 4 : i32
        %mul3A_234 = arith.muli %scan3A_134, %mul3A_233 : i32
        %add3A_235 = arith.constant 0 : i32
        %add3A_236 = arith.addi %mul3A_234, %add3A_235 : i32
        %get3A_237 = arith.index_cast %add3A_236 : i32 to index
        %get3A_238 = arith.constant 32 : index
        %get3A_239 = tpu.vector_load %arg7[%get3A_237, %get3A_238] {strides = array<i32>} : memref<64x128xf32, #tpu.memory_space<vmem>>, vector<1x16xf32>,
        %get3A_240 = vector.shape_cast %get3A_239 : vector<1x16xf32> to vector<16xf32>
        %add3A_241 = arith.addf %get3A_232, %get3A_240 : vector<16xf32>
        %mul3A_242 = arith.constant 4 : i32
        %mul3A_243 = arith.muli %scan3A_134, %mul3A_242 : i32
        %add3A_244 = arith.constant 0 : i32
        %add3A_245 = arith.addi %mul3A_243, %add3A_244 : i32
        %get3A_246 = arith.index_cast %add3A_245 : i32 to index
        %get3A_247 = arith.constant 32 : index
        %get3A_248 = tpu.vector_load %arg8[%get3A_246, %get3A_247] {strides = array<i32>} : memref<64x128xf32, #tpu.memory_space<vmem>>, vector<1x16xf32>,
        %get3A_249 = vector.shape_cast %get3A_248 : vector<1x16xf32> to vector<16xf32>
        %add3A_250 = arith.addf %add3A_241, %get3A_249 : vector<16xf32>
        %mul3A_251 = arith.constant 4 : i32
        %mul3A_252 = arith.muli %scan3A_134, %mul3A_251 : i32
        %add3A_253 = arith.constant 0 : i32
        %add3A_254 = arith.addi %mul3A_252, %add3A_253 : i32
        %get3A_255 = arith.index_cast %add3A_254 : i32 to index
        %get3A_256 = arith.constant 32 : index
        %get3A_257 = tpu.vector_load %arg9[%get3A_255, %get3A_256] {strides = array<i32>} : memref<64x128xf32, #tpu.memory_space<vmem>>, vector<1x16xf32>,
        %get3A_258 = vector.shape_cast %get3A_257 : vector<1x16xf32> to vector<16xf32>
        %add3A_259 = arith.addf %add3A_250, %get3A_258 : vector<16xf32>
        %mul3A_260 = vector.broadcast %while3A_27 : f32 to vector<16xf32>
        %mul3A_261 = arith.mulf %add3A_259, %mul3A_260 : vector<16xf32>
        %mul3A_262 = arith.constant 4 : i32
        %mul3A_263 = arith.muli %scan3A_134, %mul3A_262 : i32
        %add3A_264 = arith.constant 0 : i32
        %add3A_265 = arith.addi %mul3A_263, %add3A_264 : i32
        %swap3A_266 = arith.index_cast %add3A_265 : i32 to index
        %swap3A_267 = arith.constant 32 : index
        %swap3A_268 = tpu.vector_load %arg6[%swap3A_266, %swap3A_267] {strides = array<i32>} : memref<64x128xf32, #tpu.memory_space<vmem>>, vector<1x16xf32>,
        %swap3A_269 = vector.shape_cast %swap3A_268 : vector<1x16xf32> to vector<16xf32>
        %swap3A_270 = vector.shape_cast %mul3A_261 : vector<16xf32> to vector<1x16xf32>
        tpu.vector_store %arg6[%swap3A_266, %swap3A_267], %swap3A_270 {strides = array<i32>} : memref<64x128xf32, #tpu.memory_space<vmem>>, vector<1x16xf32>,
        %mul3A_271 = arith.constant 4 : i32
        %mul3A_272 = arith.muli %scan3A_134, %mul3A_271 : i32
        %add3A_273 = arith.constant 0 : i32
        %add3A_274 = arith.addi %mul3A_272, %add3A_273 : i32
        %get3A_275 = arith.index_cast %add3A_274 : i32 to index
        %get3A_276 = arith.constant 48 : index
        %get3A_277 = tpu.vector_load %arg6[%get3A_275, %get3A_276] {strides = array<i32>} : memref<64x128xf32, #tpu.memory_space<vmem>>, vector<1x16xf32>,
        %get3A_278 = vector.shape_cast %get3A_277 : vector<1x16xf32> to vector<16xf32>
        %mul3A_279 = arith.constant 4 : i32
        %mul3A_280 = arith.muli %scan3A_134, %mul3A_279 : i32
        %add3A_281 = arith.constant 0 : i32
        %add3A_282 = arith.addi %mul3A_280, %add3A_281 : i32
        %get3A_283 = arith.index_cast %add3A_282 : i32 to index
        %get3A_284 = arith.constant 48 : index
        %get3A_285 = tpu.vector_load %arg7[%get3A_283, %get3A_284] {strides = array<i32>} : memref<64x128xf32, #tpu.memory_space<vmem>>, vector<1x16xf32>,
        %get3A_286 = vector.shape_cast %get3A_285 : vector<1x16xf32> to vector<16xf32>
        %add3A_287 = arith.addf %get3A_278, %get3A_286 : vector<16xf32>
        %mul3A_288 = arith.constant 4 : i32
        %mul3A_289 = arith.muli %scan3A_134, %mul3A_288 : i32
        %add3A_290 = arith.constant 0 : i32
        %add3A_291 = arith.addi %mul3A_289, %add3A_290 : i32
        %get3A_292 = arith.index_cast %add3A_291 : i32 to index
        %get3A_293 = arith.constant 48 : index
        %get3A_294 = tpu.vector_load %arg8[%get3A_292, %get3A_293] {strides = array<i32>} : memref<64x128xf32, #tpu.memory_space<vmem>>, vector<1x16xf32>,
        %get3A_295 = vector.shape_cast %get3A_294 : vector<1x16xf32> to vector<16xf32>
        %add3A_296 = arith.addf %add3A_287, %get3A_295 : vector<16xf32>
        %mul3A_297 = arith.constant 4 : i32
        %mul3A_298 = arith.muli %scan3A_134, %mul3A_297 : i32
        %add3A_299 = arith.constant 0 : i32
        %add3A_300 = arith.addi %mul3A_298, %add3A_299 : i32
        %get3A_301 = arith.index_cast %add3A_300 : i32 to index
        %get3A_302 = arith.constant 48 : index
        %get3A_303 = tpu.vector_load %arg9[%get3A_301, %get3A_302] {strides = array<i32>} : memref<64x128xf32, #tpu.memory_space<vmem>>, vector<1x16xf32>,
        %get3A_304 = vector.shape_cast %get3A_303 : vector<1x16xf32> to vector<16xf32>
        %add3A_305 = arith.addf %add3A_296, %get3A_304 : vector<16xf32>
        %mul3A_306 = vector.broadcast %while3A_27 : f32 to vector<16xf32>
        %mul3A_307 = arith.mulf %add3A_305, %mul3A_306 : vector<16xf32>
        %mul3A_308 = arith.constant 4 : i32
        %mul3A_309 = arith.muli %scan3A_134, %mul3A_308 : i32
        %add3A_310 = arith.constant 0 : i32
        %add3A_311 = arith.addi %mul3A_309, %add3A_310 : i32
        %swap3A_312 = arith.index_cast %add3A_311 : i32 to index
        %swap3A_313 = arith.constant 48 : index
        %swap3A_314 = tpu.vector_load %arg6[%swap3A_312, %swap3A_313] {strides = array<i32>} : memref<64x128xf32, #tpu.memory_space<vmem>>, vector<1x16xf32>,
        %swap3A_315 = vector.shape_cast %swap3A_314 : vector<1x16xf32> to vector<16xf32>
        %swap3A_316 = vector.shape_cast %mul3A_307 : vector<16xf32> to vector<1x16xf32>
        tpu.vector_store %arg6[%swap3A_312, %swap3A_313], %swap3A_316 {strides = array<i32>} : memref<64x128xf32, #tpu.memory_space<vmem>>, vector<1x16xf32>,
        %mul3A_317 = arith.constant 4 : i32
        %mul3A_318 = arith.muli %scan3A_134, %mul3A_317 : i32
        %add3A_319 = arith.constant 0 : i32
        %add3A_320 = arith.addi %mul3A_318, %add3A_319 : i32
        %get3A_321 = arith.index_cast %add3A_320 : i32 to index
        %get3A_322 = arith.constant 64 : index
        %get3A_323 = tpu.vector_load %arg6[%get3A_321, %get3A_322] {strides = array<i32>} : memref<64x128xf32, #tpu.memory_space<vmem>>, vector<1x16xf32>,
        %get3A_324 = vector.shape_cast %get3A_323 : vector<1x16xf32> to vector<16xf32>
        %mul3A_325 = arith.constant 4 : i32
        %mul3A_326 = arith.muli %scan3A_134, %mul3A_325 : i32
        %add3A_327 = arith.constant 0 : i32
        %add3A_328 = arith.addi %mul3A_326, %add3A_327 : i32
        %get3A_329 = arith.index_cast %add3A_328 : i32 to index
        %get3A_330 = arith.constant 64 : index
        %get3A_331 = tpu.vector_load %arg7[%get3A_329, %get3A_330] {strides = array<i32>} : memref<64x128xf32, #tpu.memory_space<vmem>>, vector<1x16xf32>,
        %get3A_332 = vector.shape_cast %get3A_331 : vector<1x16xf32> to vector<16xf32>
        %add3A_333 = arith.addf %get3A_324, %get3A_332 : vector<16xf32>
        %mul3A_334 = arith.constant 4 : i32
        %mul3A_335 = arith.muli %scan3A_134, %mul3A_334 : i32
        %add3A_336 = arith.constant 0 : i32
        %add3A_337 = arith.addi %mul3A_335, %add3A_336 : i32
        %get3A_338 = arith.index_cast %add3A_337 : i32 to index
        %get3A_339 = arith.constant 64 : index
        %get3A_340 = tpu.vector_load %arg8[%get3A_338, %get3A_339] {strides = array<i32>} : memref<64x128xf32, #tpu.memory_space<vmem>>, vector<1x16xf32>,
        %get3A_341 = vector.shape_cast %get3A_340 : vector<1x16xf32> to vector<16xf32>
        %add3A_342 = arith.addf %add3A_333, %get3A_341 : vector<16xf32>
        %mul3A_343 = arith.constant 4 : i32
        %mul3A_344 = arith.muli %scan3A_134, %mul3A_343 : i32
        %add3A_345 = arith.constant 0 : i32
        %add3A_346 = arith.addi %mul3A_344, %add3A_345 : i32
        %get3A_347 = arith.index_cast %add3A_346 : i32 to index
        %get3A_348 = arith.constant 64 : index
        %get3A_349 = tpu.vector_load %arg9[%get3A_347, %get3A_348] {strides = array<i32>} : memref<64x128xf32, #tpu.memory_space<vmem>>, vector<1x16xf32>,
        %get3A_350 = vector.shape_cast %get3A_349 : vector<1x16xf32> to vector<16xf32>
        %add3A_351 = arith.addf %add3A_342, %get3A_350 : vector<16xf32>
        %mul3A_352 = vector.broadcast %while3A_27 : f32 to vector<16xf32>
        %mul3A_353 = arith.mulf %add3A_351, %mul3A_352 : vector<16xf32>
        %mul3A_354 = arith.constant 4 : i32
        %mul3A_355 = arith.muli %scan3A_134, %mul3A_354 : i32
        %add3A_356 = arith.constant 0 : i32
        %add3A_357 = arith.addi %mul3A_355, %add3A_356 : i32
        %swap3A_358 = arith.index_cast %add3A_357 : i32 to index
        %swap3A_359 = arith.constant 64 : index
        %swap3A_360 = tpu.vector_load %arg6[%swap3A_358, %swap3A_359] {strides = array<i32>} : memref<64x128xf32, #tpu.memory_space<vmem>>, vector<1x16xf32>,
        %swap3A_361 = vector.shape_cast %swap3A_360 : vector<1x16xf32> to vector<16xf32>
        %swap3A_362 = vector.shape_cast %mul3A_353 : vector<16xf32> to vector<1x16xf32>
        tpu.vector_store %arg6[%swap3A_358, %swap3A_359], %swap3A_362 {strides = array<i32>} : memref<64x128xf32, #tpu.memory_space<vmem>>, vector<1x16xf32>,
        %mul3A_363 = arith.constant 4 : i32
        %mul3A_364 = arith.muli %scan3A_134, %mul3A_363 : i32
        %add3A_365 = arith.constant 0 : i32
        %add3A_366 = arith.addi %mul3A_364, %add3A_365 : i32
        %get3A_367 = arith.index_cast %add3A_366 : i32 to index
        %get3A_368 = arith.constant 80 : index
        %get3A_369 = tpu.vector_load %arg6[%get3A_367, %get3A_368] {strides = array<i32>} : memref<64x128xf32, #tpu.memory_space<vmem>>, vector<1x16xf32>,
        %get3A_370 = vector.shape_cast %get3A_369 : vector<1x16xf32> to vector<16xf32>
        %mul3A_371 = arith.constant 4 : i32
        %mul3A_372 = arith.muli %scan3A_134, %mul3A_371 : i32
        %add3A_373 = arith.constant 0 : i32
        %add3A_374 = arith.addi %mul3A_372, %add3A_373 : i32
        %get3A_375 = arith.index_cast %add3A_374 : i32 to index
        %get3A_376 = arith.constant 80 : index
        %get3A_377 = tpu.vector_load %arg7[%get3A_375, %get3A_376] {strides = array<i32>} : memref<64x128xf32, #tpu.memory_space<vmem>>, vector<1x16xf32>,
        %get3A_378 = vector.shape_cast %get3A_377 : vector<1x16xf32> to vector<16xf32>
        %add3A_379 = arith.addf %get3A_370, %get3A_378 : vector<16xf32>
        %mul3A_380 = arith.constant 4 : i32
        %mul3A_381 = arith.muli %scan3A_134, %mul3A_380 : i32
        %add3A_382 = arith.constant 0 : i32
        %add3A_383 = arith.addi %mul3A_381, %add3A_382 : i32
        %get3A_384 = arith.index_cast %add3A_383 : i32 to index
        %get3A_385 = arith.constant 80 : index
        %get3A_386 = tpu.vector_load %arg8[%get3A_384, %get3A_385] {strides = array<i32>} : memref<64x128xf32, #tpu.memory_space<vmem>>, vector<1x16xf32>,
        %get3A_387 = vector.shape_cast %get3A_386 : vector<1x16xf32> to vector<16xf32>
        %add3A_388 = arith.addf %add3A_379, %get3A_387 : vector<16xf32>
        %mul3A_389 = arith.constant 4 : i32
        %mul3A_390 = arith.muli %scan3A_134, %mul3A_389 : i32
        %add3A_391 = arith.constant 0 : i32
        %add3A_392 = arith.addi %mul3A_390, %add3A_391 : i32
        %get3A_393 = arith.index_cast %add3A_392 : i32 to index
        %get3A_394 = arith.constant 80 : index
        %get3A_395 = tpu.vector_load %arg9[%get3A_393, %get3A_394] {strides = array<i32>} : memref<64x128xf32, #tpu.memory_space<vmem>>, vector<1x16xf32>,
        %get3A_396 = vector.shape_cast %get3A_395 : vector<1x16xf32> to vector<16xf32>
        %add3A_397 = arith.addf %add3A_388, %get3A_396 : vector<16xf32>
        %mul3A_398 = vector.broadcast %while3A_27 : f32 to vector<16xf32>
        %mul3A_399 = arith.mulf %add3A_397, %mul3A_398 : vector<16xf32>
        %mul3A_400 = arith.constant 4 : i32
        %mul3A_401 = arith.muli %scan3A_134, %mul3A_400 : i32
        %add3A_402 = arith.constant 0 : i32
        %add3A_403 = arith.addi %mul3A_401, %add3A_402 : i32
        %swap3A_404 = arith.index_cast %add3A_403 : i32 to index
        %swap3A_405 = arith.constant 80 : index
        %swap3A_406 = tpu.vector_load %arg6[%swap3A_404, %swap3A_405] {strides = array<i32>} : memref<64x128xf32, #tpu.memory_space<vmem>>, vector<1x16xf32>,
        %swap3A_407 = vector.shape_cast %swap3A_406 : vector<1x16xf32> to vector<16xf32>
        %swap3A_408 = vector.shape_cast %mul3A_399 : vector<16xf32> to vector<1x16xf32>
        tpu.vector_store %arg6[%swap3A_404, %swap3A_405], %swap3A_408 {strides = array<i32>} : memref<64x128xf32, #tpu.memory_space<vmem>>, vector<1x16xf32>,
        %mul3A_409 = arith.constant 4 : i32
        %mul3A_410 = arith.muli %scan3A_134, %mul3A_409 : i32
        %add3A_411 = arith.constant 0 : i32
        %add3A_412 = arith.addi %mul3A_410, %add3A_411 : i32
        %get3A_413 = arith.index_cast %add3A_412 : i32 to index
        %get3A_414 = arith.constant 96 : index
        %get3A_415 = tpu.vector_load %arg6[%get3A_413, %get3A_414] {strides = array<i32>} : memref<64x128xf32, #tpu.memory_space<vmem>>, vector<1x16xf32>,
        %get3A_416 = vector.shape_cast %get3A_415 : vector<1x16xf32> to vector<16xf32>
        %mul3A_417 = arith.constant 4 : i32
        %mul3A_418 = arith.muli %scan3A_134, %mul3A_417 : i32
        %add3A_419 = arith.constant 0 : i32
        %add3A_420 = arith.addi %mul3A_418, %add3A_419 : i32
        %get3A_421 = arith.index_cast %add3A_420 : i32 to index
        %get3A_422 = arith.constant 96 : index
        %get3A_423 = tpu.vector_load %arg7[%get3A_421, %get3A_422] {strides = array<i32>} : memref<64x128xf32, #tpu.memory_space<vmem>>, vector<1x16xf32>,
        %get3A_424 = vector.shape_cast %get3A_423 : vector<1x16xf32> to vector<16xf32>
        %add3A_425 = arith.addf %get3A_416, %get3A_424 : vector<16xf32>
        %mul3A_426 = arith.constant 4 : i32
        %mul3A_427 = arith.muli %scan3A_134, %mul3A_426 : i32
        %add3A_428 = arith.constant 0 : i32
        %add3A_429 = arith.addi %mul3A_427, %add3A_428 : i32
        %get3A_430 = arith.index_cast %add3A_429 : i32 to index
        %get3A_431 = arith.constant 96 : index
        %get3A_432 = tpu.vector_load %arg8[%get3A_430, %get3A_431] {strides = array<i32>} : memref<64x128xf32, #tpu.memory_space<vmem>>, vector<1x16xf32>,
        %get3A_433 = vector.shape_cast %get3A_432 : vector<1x16xf32> to vector<16xf32>
        %add3A_434 = arith.addf %add3A_425, %get3A_433 : vector<16xf32>
        %mul3A_435 = arith.constant 4 : i32
        %mul3A_436 = arith.muli %scan3A_134, %mul3A_435 : i32
        %add3A_437 = arith.constant 0 : i32
        %add3A_438 = arith.addi %mul3A_436, %add3A_437 : i32
        %get3A_439 = arith.index_cast %add3A_438 : i32 to index
        %get3A_440 = arith.constant 96 : index
        %get3A_441 = tpu.vector_load %arg9[%get3A_439, %get3A_440] {strides = array<i32>} : memref<64x128xf32, #tpu.memory_space<vmem>>, vector<1x16xf32>,
        %get3A_442 = vector.shape_cast %get3A_441 : vector<1x16xf32> to vector<16xf32>
        %add3A_443 = arith.addf %add3A_434, %get3A_442 : vector<16xf32>
        %mul3A_444 = vector.broadcast %while3A_27 : f32 to vector<16xf32>
        %mul3A_445 = arith.mulf %add3A_443, %mul3A_444 : vector<16xf32>
        %mul3A_446 = arith.constant 4 : i32
        %mul3A_447 = arith.muli %scan3A_134, %mul3A_446 : i32
        %add3A_448 = arith.constant 0 : i32
        %add3A_449 = arith.addi %mul3A_447, %add3A_448 : i32
        %swap3A_450 = arith.index_cast %add3A_449 : i32 to index
        %swap3A_451 = arith.constant 96 : index
        %swap3A_452 = tpu.vector_load %arg6[%swap3A_450, %swap3A_451] {strides = array<i32>} : memref<64x128xf32, #tpu.memory_space<vmem>>, vector<1x16xf32>,
        %swap3A_453 = vector.shape_cast %swap3A_452 : vector<1x16xf32> to vector<16xf32>
        %swap3A_454 = vector.shape_cast %mul3A_445 : vector<16xf32> to vector<1x16xf32>
        tpu.vector_store %arg6[%swap3A_450, %swap3A_451], %swap3A_454 {strides = array<i32>} : memref<64x128xf32, #tpu.memory_space<vmem>>, vector<1x16xf32>,
        %mul3A_455 = arith.constant 4 : i32
        %mul3A_456 = arith.muli %scan3A_134, %mul3A_455 : i32
        %add3A_457 = arith.constant 0 : i32
        %add3A_458 = arith.addi %mul3A_456, %add3A_457 : i32
        %get3A_459 = arith.index_cast %add3A_458 : i32 to index
        %get3A_460 = arith.constant 112 : index
        %get3A_461 = tpu.vector_load %arg6[%get3A_459, %get3A_460] {strides = array<i32>} : memref<64x128xf32, #tpu.memory_space<vmem>>, vector<1x16xf32>,
        %get3A_462 = vector.shape_cast %get3A_461 : vector<1x16xf32> to vector<16xf32>
        %mul3A_463 = arith.constant 4 : i32
        %mul3A_464 = arith.muli %scan3A_134, %mul3A_463 : i32
        %add3A_465 = arith.constant 0 : i32
        %add3A_466 = arith.addi %mul3A_464, %add3A_465 : i32
        %get3A_467 = arith.index_cast %add3A_466 : i32 to index
        %get3A_468 = arith.constant 112 : index
        %get3A_469 = tpu.vector_load %arg7[%get3A_467, %get3A_468] {strides = array<i32>} : memref<64x128xf32, #tpu.memory_space<vmem>>, vector<1x16xf32>,
        %get3A_470 = vector.shape_cast %get3A_469 : vector<1x16xf32> to vector<16xf32>
        %add3A_471 = arith.addf %get3A_462, %get3A_470 : vector<16xf32>
        %mul3A_472 = arith.constant 4 : i32
        %mul3A_473 = arith.muli %scan3A_134, %mul3A_472 : i32
        %add3A_474 = arith.constant 0 : i32
        %add3A_475 = arith.addi %mul3A_473, %add3A_474 : i32
        %get3A_476 = arith.index_cast %add3A_475 : i32 to index
        %get3A_477 = arith.constant 112 : index
        %get3A_478 = tpu.vector_load %arg8[%get3A_476, %get3A_477] {strides = array<i32>} : memref<64x128xf32, #tpu.memory_space<vmem>>, vector<1x16xf32>,
        %get3A_479 = vector.shape_cast %get3A_478 : vector<1x16xf32> to vector<16xf32>
        %add3A_480 = arith.addf %add3A_471, %get3A_479 : vector<16xf32>
        %mul3A_481 = arith.constant 4 : i32
        %mul3A_482 = arith.muli %scan3A_134, %mul3A_481 : i32
        %add3A_483 = arith.constant 0 : i32
        %add3A_484 = arith.addi %mul3A_482, %add3A_483 : i32
        %get3A_485 = arith.index_cast %add3A_484 : i32 to index
        %get3A_486 = arith.constant 112 : index
        %get3A_487 = tpu.vector_load %arg9[%get3A_485, %get3A_486] {strides = array<i32>} : memref<64x128xf32, #tpu.memory_space<vmem>>, vector<1x16xf32>,
        %get3A_488 = vector.shape_cast %get3A_487 : vector<1x16xf32> to vector<16xf32>
        %add3A_489 = arith.addf %add3A_480, %get3A_488 : vector<16xf32>
        %mul3A_490 = vector.broadcast %while3A_27 : f32 to vector<16xf32>
        %mul3A_491 = arith.mulf %add3A_489, %mul3A_490 : vector<16xf32>
        %mul3A_492 = arith.constant 4 : i32
        %mul3A_493 = arith.muli %scan3A_134, %mul3A_492 : i32
        %add3A_494 = arith.constant 0 : i32
        %add3A_495 = arith.addi %mul3A_493, %add3A_494 : i32
        %swap3A_496 = arith.index_cast %add3A_495 : i32 to index
        %swap3A_497 = arith.constant 112 : index
        %swap3A_498 = tpu.vector_load %arg6[%swap3A_496, %swap3A_497] {strides = array<i32>} : memref<64x128xf32, #tpu.memory_space<vmem>>, vector<1x16xf32>,
        %swap3A_499 = vector.shape_cast %swap3A_498 : vector<1x16xf32> to vector<16xf32>
        %swap3A_500 = vector.shape_cast %mul3A_491 : vector<16xf32> to vector<1x16xf32>
        tpu.vector_store %arg6[%swap3A_496, %swap3A_497], %swap3A_500 {strides = array<i32>} : memref<64x128xf32, #tpu.memory_space<vmem>>, vector<1x16xf32>,
        %mul3A_501 = arith.constant 4 : i32
        %mul3A_502 = arith.muli %scan3A_134, %mul3A_501 : i32
        %add3A_503 = arith.constant 1 : i32
        %add3A_504 = arith.addi %mul3A_502, %add3A_503 : i32
        %get3A_505 = arith.index_cast %add3A_504 : i32 to index
        %get3A_506 = arith.constant 0 : index
        %get3A_507 = tpu.vector_load %arg6[%get3A_505, %get3A_506] {strides = array<i32>} : memref<64x128xf32, #tpu.memory_space<vmem>>, vector<1x16xf32>,
        %get3A_508 = vector.shape_cast %get3A_507 : vector<1x16xf32> to vector<16xf32>
        %mul3A_509 = arith.constant 4 : i32
        %mul3A_510 = arith.muli %scan3A_134, %mul3A_509 : i32
        %add3A_511 = arith.constant 1 : i32
        %add3A_512 = arith.addi %mul3A_510, %add3A_511 : i32
        %get3A_513 = arith.index_cast %add3A_512 : i32 to index
        %get3A_514 = arith.constant 0 : index
        %get3A_515 = tpu.vector_load %arg7[%get3A_513, %get3A_514] {strides = array<i32>} : memref<64x128xf32, #tpu.memory_space<vmem>>, vector<1x16xf32>,
        %get3A_516 = vector.shape_cast %get3A_515 : vector<1x16xf32> to vector<16xf32>
        %add3A_517 = arith.addf %get3A_508, %get3A_516 : vector<16xf32>
        %mul3A_518 = arith.constant 4 : i32
        %mul3A_519 = arith.muli %scan3A_134, %mul3A_518 : i32
        %add3A_520 = arith.constant 1 : i32
        %add3A_521 = arith.addi %mul3A_519, %add3A_520 : i32
        %get3A_522 = arith.index_cast %add3A_521 : i32 to index
        %get3A_523 = arith.constant 0 : index
        %get3A_524 = tpu.vector_load %arg8[%get3A_522, %get3A_523] {strides = array<i32>} : memref<64x128xf32, #tpu.memory_space<vmem>>, vector<1x16xf32>,
        %get3A_525 = vector.shape_cast %get3A_524 : vector<1x16xf32> to vector<16xf32>
        %add3A_526 = arith.addf %add3A_517, %get3A_525 : vector<16xf32>
        %mul3A_527 = arith.constant 4 : i32
        %mul3A_528 = arith.muli %scan3A_134, %mul3A_527 : i32
        %add3A_529 = arith.constant 1 : i32
        %add3A_530 = arith.addi %mul3A_528, %add3A_529 : i32
        %get3A_531 = arith.index_cast %add3A_530 : i32 to index
        %get3A_532 = arith.constant 0 : index
        %get3A_533 = tpu.vector_load %arg9[%get3A_531, %get3A_532] {strides = array<i32>} : memref<64x128xf32, #tpu.memory_space<vmem>>, vector<1x16xf32>,
        %get3A_534 = vector.shape_cast %get3A_533 : vector<1x16xf32> to vector<16xf32>
        %add3A_535 = arith.addf %add3A_526, %get3A_534 : vector<16xf32>
        %mul3A_536 = vector.broadcast %while3A_27 : f32 to vector<16xf32>
        %mul3A_537 = arith.mulf %add3A_535, %mul3A_536 : vector<16xf32>
        %mul3A_538 = arith.constant 4 : i32
        %mul3A_539 = arith.muli %scan3A_134, %mul3A_538 : i32
        %add3A_540 = arith.constant 1 : i32
        %add3A_541 = arith.addi %mul3A_539, %add3A_540 : i32
        %swap3A_542 = arith.index_cast %add3A_541 : i32 to index
        %swap3A_543 = arith.constant 0 : index
        %swap3A_544 = tpu.vector_load %arg6[%swap3A_542, %swap3A_543] {strides = array<i32>} : memref<64x128xf32, #tpu.memory_space<vmem>>, vector<1x16xf32>,
        %swap3A_545 = vector.shape_cast %swap3A_544 : vector<1x16xf32> to vector<16xf32>
        %swap3A_546 = vector.shape_cast %mul3A_537 : vector<16xf32> to vector<1x16xf32>
        tpu.vector_store %arg6[%swap3A_542, %swap3A_543], %swap3A_546 {strides = array<i32>} : memref<64x128xf32, #tpu.memory_space<vmem>>, vector<1x16xf32>,
        %mul3A_547 = arith.constant 4 : i32
        %mul3A_548 = arith.muli %scan3A_134, %mul3A_547 : i32
        %add3A_549 = arith.constant 1 : i32
        %add3A_550 = arith.addi %mul3A_548, %add3A_549 : i32
        %get3A_551 = arith.index_cast %add3A_550 : i32 to index
        %get3A_552 = arith.constant 16 : index
        %get3A_553 = tpu.vector_load %arg6[%get3A_551, %get3A_552] {strides = array<i32>} : memref<64x128xf32, #tpu.memory_space<vmem>>, vector<1x16xf32>,
        %get3A_554 = vector.shape_cast %get3A_553 : vector<1x16xf32> to vector<16xf32>
        %mul3A_555 = arith.constant 4 : i32
        %mul3A_556 = arith.muli %scan3A_134, %mul3A_555 : i32
        %add3A_557 = arith.constant 1 : i32
        %add3A_558 = arith.addi %mul3A_556, %add3A_557 : i32
        %get3A_559 = arith.index_cast %add3A_558 : i32 to index
        %get3A_560 = arith.constant 16 : index
        %get3A_561 = tpu.vector_load %arg7[%get3A_559, %get3A_560] {strides = array<i32>} : memref<64x128xf32, #tpu.memory_space<vmem>>, vector<1x16xf32>,
        %get3A_562 = vector.shape_cast %get3A_561 : vector<1x16xf32> to vector<16xf32>
        %add3A_563 = arith.addf %get3A_554, %get3A_562 : vector<16xf32>
        %mul3A_564 = arith.constant 4 : i32
        %mul3A_565 = arith.muli %scan3A_134, %mul3A_564 : i32
        %add3A_566 = arith.constant 1 : i32
        %add3A_567 = arith.addi %mul3A_565, %add3A_566 : i32
        %get3A_568 = arith.index_cast %add3A_567 : i32 to index
        %get3A_569 = arith.constant 16 : index
        %get3A_570 = tpu.vector_load %arg8[%get3A_568, %get3A_569] {strides = array<i32>} : memref<64x128xf32, #tpu.memory_space<vmem>>, vector<1x16xf32>,
        %get3A_571 = vector.shape_cast %get3A_570 : vector<1x16xf32> to vector<16xf32>
        %add3A_572 = arith.addf %add3A_563, %get3A_571 : vector<16xf32>
        %mul3A_573 = arith.constant 4 : i32
        %mul3A_574 = arith.muli %scan3A_134, %mul3A_573 : i32
        %add3A_575 = arith.constant 1 : i32
        %add3A_576 = arith.addi %mul3A_574, %add3A_575 : i32
        %get3A_577 = arith.index_cast %add3A_576 : i32 to index
        %get3A_578 = arith.constant 16 : index
        %get3A_579 = tpu.vector_load %arg9[%get3A_577, %get3A_578] {strides = array<i32>} : memref<64x128xf32, #tpu.memory_space<vmem>>, vector<1x16xf32>,
        %get3A_580 = vector.shape_cast %get3A_579 : vector<1x16xf32> to vector<16xf32>
        %add3A_581 = arith.addf %add3A_572, %get3A_580 : vector<16xf32>
        %mul3A_582 = vector.broadcast %while3A_27 : f32 to vector<16xf32>
        %mul3A_583 = arith.mulf %add3A_581, %mul3A_582 : vector<16xf32>
        %mul3A_584 = arith.constant 4 : i32
        %mul3A_585 = arith.muli %scan3A_134, %mul3A_584 : i32
        %add3A_586 = arith.constant 1 : i32
        %add3A_587 = arith.addi %mul3A_585, %add3A_586 : i32
        %swap3A_588 = arith.index_cast %add3A_587 : i32 to index
        %swap3A_589 = arith.constant 16 : index
        %swap3A_590 = tpu.vector_load %arg6[%swap3A_588, %swap3A_589] {strides = array<i32>} : memref<64x128xf32, #tpu.memory_space<vmem>>, vector<1x16xf32>,
        %swap3A_591 = vector.shape_cast %swap3A_590 : vector<1x16xf32> to vector<16xf32>
        %swap3A_592 = vector.shape_cast %mul3A_583 : vector<16xf32> to vector<1x16xf32>
        tpu.vector_store %arg6[%swap3A_588, %swap3A_589], %swap3A_592 {strides = array<i32>} : memref<64x128xf32, #tpu.memory_space<vmem>>, vector<1x16xf32>,
        %mul3A_593 = arith.constant 4 : i32
        %mul3A_594 = arith.muli %scan3A_134, %mul3A_593 : i32
        %add3A_595 = arith.constant 1 : i32
        %add3A_596 = arith.addi %mul3A_594, %add3A_595 : i32
        %get3A_597 = arith.index_cast %add3A_596 : i32 to index
        %get3A_598 = arith.constant 32 : index
        %get3A_599 = tpu.vector_load %arg6[%get3A_597, %get3A_598] {strides = array<i32>} : memref<64x128xf32, #tpu.memory_space<vmem>>, vector<1x16xf32>,
        %get3A_600 = vector.shape_cast %get3A_599 : vector<1x16xf32> to vector<16xf32>
        %mul3A_601 = arith.constant 4 : i32
        %mul3A_602 = arith.muli %scan3A_134, %mul3A_601 : i32
        %add3A_603 = arith.constant 1 : i32
        %add3A_604 = arith.addi %mul3A_602, %add3A_603 : i32
        %get3A_605 = arith.index_cast %add3A_604 : i32 to index
        %get3A_606 = arith.constant 32 : index
        %get3A_607 = tpu.vector_load %arg7[%get3A_605, %get3A_606] {strides = array<i32>} : memref<64x128xf32, #tpu.memory_space<vmem>>, vector<1x16xf32>,
        %get3A_608 = vector.shape_cast %get3A_607 : vector<1x16xf32> to vector<16xf32>
        %add3A_609 = arith.addf %get3A_600, %get3A_608 : vector<16xf32>
        %mul3A_610 = arith.constant 4 : i32
        %mul3A_611 = arith.muli %scan3A_134, %mul3A_610 : i32
        %add3A_612 = arith.constant 1 : i32
        %add3A_613 = arith.addi %mul3A_611, %add3A_612 : i32
        %get3A_614 = arith.index_cast %add3A_613 : i32 to index
        %get3A_615 = arith.constant 32 : index
        %get3A_616 = tpu.vector_load %arg8[%get3A_614, %get3A_615] {strides = array<i32>} : memref<64x128xf32, #tpu.memory_space<vmem>>, vector<1x16xf32>,
        %get3A_617 = vector.shape_cast %get3A_616 : vector<1x16xf32> to vector<16xf32>
        %add3A_618 = arith.addf %add3A_609, %get3A_617 : vector<16xf32>
        %mul3A_619 = arith.constant 4 : i32
        %mul3A_620 = arith.muli %scan3A_134, %mul3A_619 : i32
        %add3A_621 = arith.constant 1 : i32
        %add3A_622 = arith.addi %mul3A_620, %add3A_621 : i32
        %get3A_623 = arith.index_cast %add3A_622 : i32 to index
        %get3A_624 = arith.constant 32 : index
        %get3A_625 = tpu.vector_load %arg9[%get3A_623, %get3A_624] {strides = array<i32>} : memref<64x128xf32, #tpu.memory_space<vmem>>, vector<1x16xf32>,
        %get3A_626 = vector.shape_cast %get3A_625 : vector<1x16xf32> to vector<16xf32>
        %add3A_627 = arith.addf %add3A_618, %get3A_626 : vector<16xf32>
        %mul3A_628 = vector.broadcast %while3A_27 : f32 to vector<16xf32>
        %mul3A_629 = arith.mulf %add3A_627, %mul3A_628 : vector<16xf32>
        %mul3A_630 = arith.constant 4 : i32
        %mul3A_631 = arith.muli %scan3A_134, %mul3A_630 : i32
        %add3A_632 = arith.constant 1 : i32
        %add3A_633 = arith.addi %mul3A_631, %add3A_632 : i32
        %swap3A_634 = arith.index_cast %add3A_633 : i32 to index
        %swap3A_635 = arith.constant 32 : index
        %swap3A_636 = tpu.vector_load %arg6[%swap3A_634, %swap3A_635] {strides = array<i32>} : memref<64x128xf32, #tpu.memory_space<vmem>>, vector<1x16xf32>,
        %swap3A_637 = vector.shape_cast %swap3A_636 : vector<1x16xf32> to vector<16xf32>
        %swap3A_638 = vector.shape_cast %mul3A_629 : vector<16xf32> to vector<1x16xf32>
        tpu.vector_store %arg6[%swap3A_634, %swap3A_635], %swap3A_638 {strides = array<i32>} : memref<64x128xf32, #tpu.memory_space<vmem>>, vector<1x16xf32>,
        %mul3A_639 = arith.constant 4 : i32
        %mul3A_640 = arith.muli %scan3A_134, %mul3A_639 : i32
        %add3A_641 = arith.constant 1 : i32
        %add3A_642 = arith.addi %mul3A_640, %add3A_641 : i32
        %get3A_643 = arith.index_cast %add3A_642 : i32 to index
        %get3A_644 = arith.constant 48 : index
        %get3A_645 = tpu.vector_load %arg6[%get3A_643, %get3A_644] {strides = array<i32>} : memref<64x128xf32, #tpu.memory_space<vmem>>, vector<1x16xf32>,
        %get3A_646 = vector.shape_cast %get3A_645 : vector<1x16xf32> to vector<16xf32>
        %mul3A_647 = arith.constant 4 : i32
        %mul3A_648 = arith.muli %scan3A_134, %mul3A_647 : i32
        %add3A_649 = arith.constant 1 : i32
        %add3A_650 = arith.addi %mul3A_648, %add3A_649 : i32
        %get3A_651 = arith.index_cast %add3A_650 : i32 to index
        %get3A_652 = arith.constant 48 : index
        %get3A_653 = tpu.vector_load %arg7[%get3A_651, %get3A_652] {strides = array<i32>} : memref<64x128xf32, #tpu.memory_space<vmem>>, vector<1x16xf32>,
        %get3A_654 = vector.shape_cast %get3A_653 : vector<1x16xf32> to vector<16xf32>
        %add3A_655 = arith.addf %get3A_646, %get3A_654 : vector<16xf32>
        %mul3A_656 = arith.constant 4 : i32
        %mul3A_657 = arith.muli %scan3A_134, %mul3A_656 : i32
        %add3A_658 = arith.constant 1 : i32
        %add3A_659 = arith.addi %mul3A_657, %add3A_658 : i32
        %get3A_660 = arith.index_cast %add3A_659 : i32 to index
        %get3A_661 = arith.constant 48 : index
        %get3A_662 = tpu.vector_load %arg8[%get3A_660, %get3A_661] {strides = array<i32>} : memref<64x128xf32, #tpu.memory_space<vmem>>, vector<1x16xf32>,
        %get3A_663 = vector.shape_cast %get3A_662 : vector<1x16xf32> to vector<16xf32>
        %add3A_664 = arith.addf %add3A_655, %get3A_663 : vector<16xf32>
        %mul3A_665 = arith.constant 4 : i32
        %mul3A_666 = arith.muli %scan3A_134, %mul3A_665 : i32
        %add3A_667 = arith.constant 1 : i32
        %add3A_668 = arith.addi %mul3A_666, %add3A_667 : i32
        %get3A_669 = arith.index_cast %add3A_668 : i32 to index
        %get3A_670 = arith.constant 48 : index
        %get3A_671 = tpu.vector_load %arg9[%get3A_669, %get3A_670] {strides = array<i32>} : memref<64x128xf32, #tpu.memory_space<vmem>>, vector<1x16xf32>,
        %get3A_672 = vector.shape_cast %get3A_671 : vector<1x16xf32> to vector<16xf32>
        %add3A_673 = arith.addf %add3A_664, %get3A_672 : vector<16xf32>
        %mul3A_674 = vector.broadcast %while3A_27 : f32 to vector<16xf32>
        %mul3A_675 = arith.mulf %add3A_673, %mul3A_674 : vector<16xf32>
        %mul3A_676 = arith.constant 4 : i32
        %mul3A_677 = arith.muli %scan3A_134, %mul3A_676 : i32
        %add3A_678 = arith.constant 1 : i32
        %add3A_679 = arith.addi %mul3A_677, %add3A_678 : i32
        %swap3A_680 = arith.index_cast %add3A_679 : i32 to index
        %swap3A_681 = arith.constant 48 : index
        %swap3A_682 = tpu.vector_load %arg6[%swap3A_680, %swap3A_681] {strides = array<i32>} : memref<64x128xf32, #tpu.memory_space<vmem>>, vector<1x16xf32>,
        %swap3A_683 = vector.shape_cast %swap3A_682 : vector<1x16xf32> to vector<16xf32>
        %swap3A_684 = vector.shape_cast %mul3A_675 : vector<16xf32> to vector<1x16xf32>
        tpu.vector_store %arg6[%swap3A_680, %swap3A_681], %swap3A_684 {strides = array<i32>} : memref<64x128xf32, #tpu.memory_space<vmem>>, vector<1x16xf32>,
        %mul3A_685 = arith.constant 4 : i32
        %mul3A_686 = arith.muli %scan3A_134, %mul3A_685 : i32
        %add3A_687 = arith.constant 1 : i32
        %add3A_688 = arith.addi %mul3A_686, %add3A_687 : i32
        %get3A_689 = arith.index_cast %add3A_688 : i32 to index
        %get3A_690 = arith.constant 64 : index
        %get3A_691 = tpu.vector_load %arg6[%get3A_689, %get3A_690] {strides = array<i32>} : memref<64x128xf32, #tpu.memory_space<vmem>>, vector<1x16xf32>,
        %get3A_692 = vector.shape_cast %get3A_691 : vector<1x16xf32> to vector<16xf32>
        %mul3A_693 = arith.constant 4 : i32
        %mul3A_694 = arith.muli %scan3A_134, %mul3A_693 : i32
        %add3A_695 = arith.constant 1 : i32
        %add3A_696 = arith.addi %mul3A_694, %add3A_695 : i32
        %get3A_697 = arith.index_cast %add3A_696 : i32 to index
        %get3A_698 = arith.constant 64 : index
        %get3A_699 = tpu.vector_load %arg7[%get3A_697, %get3A_698] {strides = array<i32>} : memref<64x128xf32, #tpu.memory_space<vmem>>, vector<1x16xf32>,
        %get3A_700 = vector.shape_cast %get3A_699 : vector<1x16xf32> to vector<16xf32>
        %add3A_701 = arith.addf %get3A_692, %get3A_700 : vector<16xf32>
        %mul3A_702 = arith.constant 4 : i32
        %mul3A_703 = arith.muli %scan3A_134, %mul3A_702 : i32
        %add3A_704 = arith.constant 1 : i32
        %add3A_705 = arith.addi %mul3A_703, %add3A_704 : i32
        %get3A_706 = arith.index_cast %add3A_705 : i32 to index
        %get3A_707 = arith.constant 64 : index
        %get3A_708 = tpu.vector_load %arg8[%get3A_706, %get3A_707] {strides = array<i32>} : memref<64x128xf32, #tpu.memory_space<vmem>>, vector<1x16xf32>,
        %get3A_709 = vector.shape_cast %get3A_708 : vector<1x16xf32> to vector<16xf32>
        %add3A_710 = arith.addf %add3A_701, %get3A_709 : vector<16xf32>
        %mul3A_711 = arith.constant 4 : i32
        %mul3A_712 = arith.muli %scan3A_134, %mul3A_711 : i32
        %add3A_713 = arith.constant 1 : i32
        %add3A_714 = arith.addi %mul3A_712, %add3A_713 : i32
        %get3A_715 = arith.index_cast %add3A_714 : i32 to index
        %get3A_716 = arith.constant 64 : index
        %get3A_717 = tpu.vector_load %arg9[%get3A_715, %get3A_716] {strides = array<i32>} : memref<64x128xf32, #tpu.memory_space<vmem>>, vector<1x16xf32>,
        %get3A_718 = vector.shape_cast %get3A_717 : vector<1x16xf32> to vector<16xf32>
        %add3A_719 = arith.addf %add3A_710, %get3A_718 : vector<16xf32>
        %mul3A_720 = vector.broadcast %while3A_27 : f32 to vector<16xf32>
        %mul3A_721 = arith.mulf %add3A_719, %mul3A_720 : vector<16xf32>
        %mul3A_722 = arith.constant 4 : i32
        %mul3A_723 = arith.muli %scan3A_134, %mul3A_722 : i32
        %add3A_724 = arith.constant 1 : i32
        %add3A_725 = arith.addi %mul3A_723, %add3A_724 : i32
        %swap3A_726 = arith.index_cast %add3A_725 : i32 to index
        %swap3A_727 = arith.constant 64 : index
        %swap3A_728 = tpu.vector_load %arg6[%swap3A_726, %swap3A_727] {strides = array<i32>} : memref<64x128xf32, #tpu.memory_space<vmem>>, vector<1x16xf32>,
        %swap3A_729 = vector.shape_cast %swap3A_728 : vector<1x16xf32> to vector<16xf32>
        %swap3A_730 = vector.shape_cast %mul3A_721 : vector<16xf32> to vector<1x16xf32>
        tpu.vector_store %arg6[%swap3A_726, %swap3A_727], %swap3A_730 {strides = array<i32>} : memref<64x128xf32, #tpu.memory_space<vmem>>, vector<1x16xf32>,
        %mul3A_731 = arith.constant 4 : i32
        %mul3A_732 = arith.muli %scan3A_134, %mul3A_731 : i32
        %add3A_733 = arith.constant 1 : i32
        %add3A_734 = arith.addi %mul3A_732, %add3A_733 : i32
        %get3A_735 = arith.index_cast %add3A_734 : i32 to index
        %get3A_736 = arith.constant 80 : index
        %get3A_737 = tpu.vector_load %arg6[%get3A_735, %get3A_736] {strides = array<i32>} : memref<64x128xf32, #tpu.memory_space<vmem>>, vector<1x16xf32>,
        %get3A_738 = vector.shape_cast %get3A_737 : vector<1x16xf32> to vector<16xf32>
        %mul3A_739 = arith.constant 4 : i32
        %mul3A_740 = arith.muli %scan3A_134, %mul3A_739 : i32
        %add3A_741 = arith.constant 1 : i32
        %add3A_742 = arith.addi %mul3A_740, %add3A_741 : i32
        %get3A_743 = arith.index_cast %add3A_742 : i32 to index
        %get3A_744 = arith.constant 80 : index
        %get3A_745 = tpu.vector_load %arg7[%get3A_743, %get3A_744] {strides = array<i32>} : memref<64x128xf32, #tpu.memory_space<vmem>>, vector<1x16xf32>,
        %get3A_746 = vector.shape_cast %get3A_745 : vector<1x16xf32> to vector<16xf32>
        %add3A_747 = arith.addf %get3A_738, %get3A_746 : vector<16xf32>
        %mul3A_748 = arith.constant 4 : i32
        %mul3A_749 = arith.muli %scan3A_134, %mul3A_748 : i32
        %add3A_750 = arith.constant 1 : i32
        %add3A_751 = arith.addi %mul3A_749, %add3A_750 : i32
        %get3A_752 = arith.index_cast %add3A_751 : i32 to index
        %get3A_753 = arith.constant 80 : index
        %get3A_754 = tpu.vector_load %arg8[%get3A_752, %get3A_753] {strides = array<i32>} : memref<64x128xf32, #tpu.memory_space<vmem>>, vector<1x16xf32>,
        %get3A_755 = vector.shape_cast %get3A_754 : vector<1x16xf32> to vector<16xf32>
        %add3A_756 = arith.addf %add3A_747, %get3A_755 : vector<16xf32>
        %mul3A_757 = arith.constant 4 : i32
        %mul3A_758 = arith.muli %scan3A_134, %mul3A_757 : i32
        %add3A_759 = arith.constant 1 : i32
        %add3A_760 = arith.addi %mul3A_758, %add3A_759 : i32
        %get3A_761 = arith.index_cast %add3A_760 : i32 to index
        %get3A_762 = arith.constant 80 : index
        %get3A_763 = tpu.vector_load %arg9[%get3A_761, %get3A_762] {strides = array<i32>} : memref<64x128xf32, #tpu.memory_space<vmem>>, vector<1x16xf32>,
        %get3A_764 = vector.shape_cast %get3A_763 : vector<1x16xf32> to vector<16xf32>
        %add3A_765 = arith.addf %add3A_756, %get3A_764 : vector<16xf32>
        %mul3A_766 = vector.broadcast %while3A_27 : f32 to vector<16xf32>
        %mul3A_767 = arith.mulf %add3A_765, %mul3A_766 : vector<16xf32>
        %mul3A_768 = arith.constant 4 : i32
        %mul3A_769 = arith.muli %scan3A_134, %mul3A_768 : i32
        %add3A_770 = arith.constant 1 : i32
        %add3A_771 = arith.addi %mul3A_769, %add3A_770 : i32
        %swap3A_772 = arith.index_cast %add3A_771 : i32 to index
        %swap3A_773 = arith.constant 80 : index
        %swap3A_774 = tpu.vector_load %arg6[%swap3A_772, %swap3A_773] {strides = array<i32>} : memref<64x128xf32, #tpu.memory_space<vmem>>, vector<1x16xf32>,
        %swap3A_775 = vector.shape_cast %swap3A_774 : vector<1x16xf32> to vector<16xf32>
        %swap3A_776 = vector.shape_cast %mul3A_767 : vector<16xf32> to vector<1x16xf32>
        tpu.vector_store %arg6[%swap3A_772, %swap3A_773], %swap3A_776 {strides = array<i32>} : memref<64x128xf32, #tpu.memory_space<vmem>>, vector<1x16xf32>,
        %mul3A_777 = arith.constant 4 : i32
        %mul3A_778 = arith.muli %scan3A_134, %mul3A_777 : i32
        %add3A_779 = arith.constant 1 : i32
        %add3A_780 = arith.addi %mul3A_778, %add3A_779 : i32
        %get3A_781 = arith.index_cast %add3A_780 : i32 to index
        %get3A_782 = arith.constant 96 : index
        %get3A_783 = tpu.vector_load %arg6[%get3A_781, %get3A_782] {strides = array<i32>} : memref<64x128xf32, #tpu.memory_space<vmem>>, vector<1x16xf32>,
        %get3A_784 = vector.shape_cast %get3A_783 : vector<1x16xf32> to vector<16xf32>
        %mul3A_785 = arith.constant 4 : i32
        %mul3A_786 = arith.muli %scan3A_134, %mul3A_785 : i32
        %add3A_787 = arith.constant 1 : i32
        %add3A_788 = arith.addi %mul3A_786, %add3A_787 : i32
        %get3A_789 = arith.index_cast %add3A_788 : i32 to index
        %get3A_790 = arith.constant 96 : index
        %get3A_791 = tpu.vector_load %arg7[%get3A_789, %get3A_790] {strides = array<i32>} : memref<64x128xf32, #tpu.memory_space<vmem>>, vector<1x16xf32>,
        %get3A_792 = vector.shape_cast %get3A_791 : vector<1x16xf32> to vector<16xf32>
        %add3A_793 = arith.addf %get3A_784, %get3A_792 : vector<16xf32>
        %mul3A_794 = arith.constant 4 : i32
        %mul3A_795 = arith.muli %scan3A_134, %mul3A_794 : i32
        %add3A_796 = arith.constant 1 : i32
        %add3A_797 = arith.addi %mul3A_795, %add3A_796 : i32
        %get3A_798 = arith.index_cast %add3A_797 : i32 to index
        %get3A_799 = arith.constant 96 : index
        %get3A_800 = tpu.vector_load %arg8[%get3A_798, %get3A_799] {strides = array<i32>} : memref<64x128xf32, #tpu.memory_space<vmem>>, vector<1x16xf32>,
        %get3A_801 = vector.shape_cast %get3A_800 : vector<1x16xf32> to vector<16xf32>
        %add3A_802 = arith.addf %add3A_793, %get3A_801 : vector<16xf32>
        %mul3A_803 = arith.constant 4 : i32
        %mul3A_804 = arith.muli %scan3A_134, %mul3A_803 : i32
        %add3A_805 = arith.constant 1 : i32
        %add3A_806 = arith.addi %mul3A_804, %add3A_805 : i32
        %get3A_807 = arith.index_cast %add3A_806 : i32 to index
        %get3A_808 = arith.constant 96 : index
        %get3A_809 = tpu.vector_load %arg9[%get3A_807, %get3A_808] {strides = array<i32>} : memref<64x128xf32, #tpu.memory_space<vmem>>, vector<1x16xf32>,
        %get3A_810 = vector.shape_cast %get3A_809 : vector<1x16xf32> to vector<16xf32>
        %add3A_811 = arith.addf %add3A_802, %get3A_810 : vector<16xf32>
        %mul3A_812 = vector.broadcast %while3A_27 : f32 to vector<16xf32>
        %mul3A_813 = arith.mulf %add3A_811, %mul3A_812 : vector<16xf32>
        %mul3A_814 = arith.constant 4 : i32
        %mul3A_815 = arith.muli %scan3A_134, %mul3A_814 : i32
        %add3A_816 = arith.constant 1 : i32
        %add3A_817 = arith.addi %mul3A_815, %add3A_816 : i32
        %swap3A_818 = arith.index_cast %add3A_817 : i32 to index
        %swap3A_819 = arith.constant 96 : index
        %swap3A_820 = tpu.vector_load %arg6[%swap3A_818, %swap3A_819] {strides = array<i32>} : memref<64x128xf32, #tpu.memory_space<vmem>>, vector<1x16xf32>,
        %swap3A_821 = vector.shape_cast %swap3A_820 : vector<1x16xf32> to vector<16xf32>
        %swap3A_822 = vector.shape_cast %mul3A_813 : vector<16xf32> to vector<1x16xf32>
        tpu.vector_store %arg6[%swap3A_818, %swap3A_819], %swap3A_822 {strides = array<i32>} : memref<64x128xf32, #tpu.memory_space<vmem>>, vector<1x16xf32>,
        %mul3A_823 = arith.constant 4 : i32
        %mul3A_824 = arith.muli %scan3A_134, %mul3A_823 : i32
        %add3A_825 = arith.constant 1 : i32
        %add3A_826 = arith.addi %mul3A_824, %add3A_825 : i32
        %get3A_827 = arith.index_cast %add3A_826 : i32 to index
        %get3A_828 = arith.constant 112 : index
        %get3A_829 = tpu.vector_load %arg6[%get3A_827, %get3A_828] {strides = array<i32>} : memref<64x128xf32, #tpu.memory_space<vmem>>, vector<1x16xf32>,
        %get3A_830 = vector.shape_cast %get3A_829 : vector<1x16xf32> to vector<16xf32>
        %mul3A_831 = arith.constant 4 : i32
        %mul3A_832 = arith.muli %scan3A_134, %mul3A_831 : i32
        %add3A_833 = arith.constant 1 : i32
        %add3A_834 = arith.addi %mul3A_832, %add3A_833 : i32
        %get3A_835 = arith.index_cast %add3A_834 : i32 to index
        %get3A_836 = arith.constant 112 : index
        %get3A_837 = tpu.vector_load %arg7[%get3A_835, %get3A_836] {strides = array<i32>} : memref<64x128xf32, #tpu.memory_space<vmem>>, vector<1x16xf32>,
        %get3A_838 = vector.shape_cast %get3A_837 : vector<1x16xf32> to vector<16xf32>
        %add3A_839 = arith.addf %get3A_830, %get3A_838 : vector<16xf32>
        %mul3A_840 = arith.constant 4 : i32
        %mul3A_841 = arith.muli %scan3A_134, %mul3A_840 : i32
        %add3A_842 = arith.constant 1 : i32
        %add3A_843 = arith.addi %mul3A_841, %add3A_842 : i32
        %get3A_844 = arith.index_cast %add3A_843 : i32 to index
        %get3A_845 = arith.constant 112 : index
        %get3A_846 = tpu.vector_load %arg8[%get3A_844, %get3A_845] {strides = array<i32>} : memref<64x128xf32, #tpu.memory_space<vmem>>, vector<1x16xf32>,
        %get3A_847 = vector.shape_cast %get3A_846 : vector<1x16xf32> to vector<16xf32>
        %add3A_848 = arith.addf %add3A_839, %get3A_847 : vector<16xf32>
        %mul3A_849 = arith.constant 4 : i32
        %mul3A_850 = arith.muli %scan3A_134, %mul3A_849 : i32
        %add3A_851 = arith.constant 1 : i32
        %add3A_852 = arith.addi %mul3A_850, %add3A_851 : i32
        %get3A_853 = arith.index_cast %add3A_852 : i32 to index
        %get3A_854 = arith.constant 112 : index
        %get3A_855 = tpu.vector_load %arg9[%get3A_853, %get3A_854] {strides = array<i32>} : memref<64x128xf32, #tpu.memory_space<vmem>>, vector<1x16xf32>,
        %get3A_856 = vector.shape_cast %get3A_855 : vector<1x16xf32> to vector<16xf32>
        %add3A_857 = arith.addf %add3A_848, %get3A_856 : vector<16xf32>
        %mul3A_858 = vector.broadcast %while3A_27 : f32 to vector<16xf32>
        %mul3A_859 = arith.mulf %add3A_857, %mul3A_858 : vector<16xf32>
        %mul3A_860 = arith.constant 4 : i32
        %mul3A_861 = arith.muli %scan3A_134, %mul3A_860 : i32
        %add3A_862 = arith.constant 1 : i32
        %add3A_863 = arith.addi %mul3A_861, %add3A_862 : i32
        %swap3A_864 = arith.index_cast %add3A_863 : i32 to index
        %swap3A_865 = arith.constant 112 : index
        %swap3A_866 = tpu.vector_load %arg6[%swap3A_864, %swap3A_865] {strides = array<i32>} : memref<64x128xf32, #tpu.memory_space<vmem>>, vector<1x16xf32>,
        %swap3A_867 = vector.shape_cast %swap3A_866 : vector<1x16xf32> to vector<16xf32>
        %swap3A_868 = vector.shape_cast %mul3A_859 : vector<16xf32> to vector<1x16xf32>
        tpu.vector_store %arg6[%swap3A_864, %swap3A_865], %swap3A_868 {strides = array<i32>} : memref<64x128xf32, #tpu.memory_space<vmem>>, vector<1x16xf32>,
        %mul3A_869 = arith.constant 4 : i32
        %mul3A_870 = arith.muli %scan3A_134, %mul3A_869 : i32
        %add3A_871 = arith.constant 2 : i32
        %add3A_872 = arith.addi %mul3A_870, %add3A_871 : i32
        %get3A_873 = arith.index_cast %add3A_872 : i32 to index
        %get3A_874 = arith.constant 0 : index
        %get3A_875 = tpu.vector_load %arg6[%get3A_873, %get3A_874] {strides = array<i32>} : memref<64x128xf32, #tpu.memory_space<vmem>>, vector<1x16xf32>,
        %get3A_876 = vector.shape_cast %get3A_875 : vector<1x16xf32> to vector<16xf32>
        %mul3A_877 = arith.constant 4 : i32
        %mul3A_878 = arith.muli %scan3A_134, %mul3A_877 : i32
        %add3A_879 = arith.constant 2 : i32
        %add3A_880 = arith.addi %mul3A_878, %add3A_879 : i32
        %get3A_881 = arith.index_cast %add3A_880 : i32 to index
        %get3A_882 = arith.constant 0 : index
        %get3A_883 = tpu.vector_load %arg7[%get3A_881, %get3A_882] {strides = array<i32>} : memref<64x128xf32, #tpu.memory_space<vmem>>, vector<1x16xf32>,
        %get3A_884 = vector.shape_cast %get3A_883 : vector<1x16xf32> to vector<16xf32>
        %add3A_885 = arith.addf %get3A_876, %get3A_884 : vector<16xf32>
        %mul3A_886 = arith.constant 4 : i32
        %mul3A_887 = arith.muli %scan3A_134, %mul3A_886 : i32
        %add3A_888 = arith.constant 2 : i32
        %add3A_889 = arith.addi %mul3A_887, %add3A_888 : i32
        %get3A_890 = arith.index_cast %add3A_889 : i32 to index
        %get3A_891 = arith.constant 0 : index
        %get3A_892 = tpu.vector_load %arg8[%get3A_890, %get3A_891] {strides = array<i32>} : memref<64x128xf32, #tpu.memory_space<vmem>>, vector<1x16xf32>,
        %get3A_893 = vector.shape_cast %get3A_892 : vector<1x16xf32> to vector<16xf32>
        %add3A_894 = arith.addf %add3A_885, %get3A_893 : vector<16xf32>
        %mul3A_895 = arith.constant 4 : i32
        %mul3A_896 = arith.muli %scan3A_134, %mul3A_895 : i32
        %add3A_897 = arith.constant 2 : i32
        %add3A_898 = arith.addi %mul3A_896, %add3A_897 : i32
        %get3A_899 = arith.index_cast %add3A_898 : i32 to index
        %get3A_900 = arith.constant 0 : index
        %get3A_901 = tpu.vector_load %arg9[%get3A_899, %get3A_900] {strides = array<i32>} : memref<64x128xf32, #tpu.memory_space<vmem>>, vector<1x16xf32>,
        %get3A_902 = vector.shape_cast %get3A_901 : vector<1x16xf32> to vector<16xf32>
        %add3A_903 = arith.addf %add3A_894, %get3A_902 : vector<16xf32>
        %mul3A_904 = vector.broadcast %while3A_27 : f32 to vector<16xf32>
        %mul3A_905 = arith.mulf %add3A_903, %mul3A_904 : vector<16xf32>
        %mul3A_906 = arith.constant 4 : i32
        %mul3A_907 = arith.muli %scan3A_134, %mul3A_906 : i32
        %add3A_908 = arith.constant 2 : i32
        %add3A_909 = arith.addi %mul3A_907, %add3A_908 : i32
        %swap3A_910 = arith.index_cast %add3A_909 : i32 to index
        %swap3A_911 = arith.constant 0 : index
        %swap3A_912 = tpu.vector_load %arg6[%swap3A_910, %swap3A_911] {strides = array<i32>} : memref<64x128xf32, #tpu.memory_space<vmem>>, vector<1x16xf32>,
        %swap3A_913 = vector.shape_cast %swap3A_912 : vector<1x16xf32> to vector<16xf32>
        %swap3A_914 = vector.shape_cast %mul3A_905 : vector<16xf32> to vector<1x16xf32>
        tpu.vector_store %arg6[%swap3A_910, %swap3A_911], %swap3A_914 {strides = array<i32>} : memref<64x128xf32, #tpu.memory_space<vmem>>, vector<1x16xf32>,
        %mul3A_915 = arith.constant 4 : i32
        %mul3A_916 = arith.muli %scan3A_134, %mul3A_915 : i32
        %add3A_917 = arith.constant 2 : i32
        %add3A_918 = arith.addi %mul3A_916, %add3A_917 : i32
        %get3A_919 = arith.index_cast %add3A_918 : i32 to index
        %get3A_920 = arith.constant 16 : index
        %get3A_921 = tpu.vector_load %arg6[%get3A_919, %get3A_920] {strides = array<i32>} : memref<64x128xf32, #tpu.memory_space<vmem>>, vector<1x16xf32>,
        %get3A_922 = vector.shape_cast %get3A_921 : vector<1x16xf32> to vector<16xf32>
        %mul3A_923 = arith.constant 4 : i32
        %mul3A_924 = arith.muli %scan3A_134, %mul3A_923 : i32
        %add3A_925 = arith.constant 2 : i32
        %add3A_926 = arith.addi %mul3A_924, %add3A_925 : i32
        %get3A_927 = arith.index_cast %add3A_926 : i32 to index
        %get3A_928 = arith.constant 16 : index
        %get3A_929 = tpu.vector_load %arg7[%get3A_927, %get3A_928] {strides = array<i32>} : memref<64x128xf32, #tpu.memory_space<vmem>>, vector<1x16xf32>,
        %get3A_930 = vector.shape_cast %get3A_929 : vector<1x16xf32> to vector<16xf32>
        %add3A_931 = arith.addf %get3A_922, %get3A_930 : vector<16xf32>
        %mul3A_932 = arith.constant 4 : i32
        %mul3A_933 = arith.muli %scan3A_134, %mul3A_932 : i32
        %add3A_934 = arith.constant 2 : i32
        %add3A_935 = arith.addi %mul3A_933, %add3A_934 : i32
        %get3A_936 = arith.index_cast %add3A_935 : i32 to index
        %get3A_937 = arith.constant 16 : index
        %get3A_938 = tpu.vector_load %arg8[%get3A_936, %get3A_937] {strides = array<i32>} : memref<64x128xf32, #tpu.memory_space<vmem>>, vector<1x16xf32>,
        %get3A_939 = vector.shape_cast %get3A_938 : vector<1x16xf32> to vector<16xf32>
        %add3A_940 = arith.addf %add3A_931, %get3A_939 : vector<16xf32>
        %mul3A_941 = arith.constant 4 : i32
        %mul3A_942 = arith.muli %scan3A_134, %mul3A_941 : i32
        %add3A_943 = arith.constant 2 : i32
        %add3A_944 = arith.addi %mul3A_942, %add3A_943 : i32
        %get3A_945 = arith.index_cast %add3A_944 : i32 to index
        %get3A_946 = arith.constant 16 : index
        %get3A_947 = tpu.vector_load %arg9[%get3A_945, %get3A_946] {strides = array<i32>} : memref<64x128xf32, #tpu.memory_space<vmem>>, vector<1x16xf32>,
        %get3A_948 = vector.shape_cast %get3A_947 : vector<1x16xf32> to vector<16xf32>
        %add3A_949 = arith.addf %add3A_940, %get3A_948 : vector<16xf32>
        %mul3A_950 = vector.broadcast %while3A_27 : f32 to vector<16xf32>
        %mul3A_951 = arith.mulf %add3A_949, %mul3A_950 : vector<16xf32>
        %mul3A_952 = arith.constant 4 : i32
        %mul3A_953 = arith.muli %scan3A_134, %mul3A_952 : i32
        %add3A_954 = arith.constant 2 : i32
        %add3A_955 = arith.addi %mul3A_953, %add3A_954 : i32
        %swap3A_956 = arith.index_cast %add3A_955 : i32 to index
        %swap3A_957 = arith.constant 16 : index
        %swap3A_958 = tpu.vector_load %arg6[%swap3A_956, %swap3A_957] {strides = array<i32>} : memref<64x128xf32, #tpu.memory_space<vmem>>, vector<1x16xf32>,
        %swap3A_959 = vector.shape_cast %swap3A_958 : vector<1x16xf32> to vector<16xf32>
        %swap3A_960 = vector.shape_cast %mul3A_951 : vector<16xf32> to vector<1x16xf32>
        tpu.vector_store %arg6[%swap3A_956, %swap3A_957], %swap3A_960 {strides = array<i32>} : memref<64x128xf32, #tpu.memory_space<vmem>>, vector<1x16xf32>,
        %mul3A_961 = arith.constant 4 : i32
        %mul3A_962 = arith.muli %scan3A_134, %mul3A_961 : i32
        %add3A_963 = arith.constant 2 : i32
        %add3A_964 = arith.addi %mul3A_962, %add3A_963 : i32
        %get3A_965 = arith.index_cast %add3A_964 : i32 to index
        %get3A_966 = arith.constant 32 : index
        %get3A_967 = tpu.vector_load %arg6[%get3A_965, %get3A_966] {strides = array<i32>} : memref<64x128xf32, #tpu.memory_space<vmem>>, vector<1x16xf32>,
        %get3A_968 = vector.shape_cast %get3A_967 : vector<1x16xf32> to vector<16xf32>
        %mul3A_969 = arith.constant 4 : i32
        %mul3A_970 = arith.muli %scan3A_134, %mul3A_969 : i32
        %add3A_971 = arith.constant 2 : i32
        %add3A_972 = arith.addi %mul3A_970, %add3A_971 : i32
        %get3A_973 = arith.index_cast %add3A_972 : i32 to index
        %get3A_974 = arith.constant 32 : index
        %get3A_975 = tpu.vector_load %arg7[%get3A_973, %get3A_974] {strides = array<i32>} : memref<64x128xf32, #tpu.memory_space<vmem>>, vector<1x16xf32>,
        %get3A_976 = vector.shape_cast %get3A_975 : vector<1x16xf32> to vector<16xf32>
        %add3A_977 = arith.addf %get3A_968, %get3A_976 : vector<16xf32>
        %mul3A_978 = arith.constant 4 : i32
        %mul3A_979 = arith.muli %scan3A_134, %mul3A_978 : i32
        %add3A_980 = arith.constant 2 : i32
        %add3A_981 = arith.addi %mul3A_979, %add3A_980 : i32
        %get3A_982 = arith.index_cast %add3A_981 : i32 to index
        %get3A_983 = arith.constant 32 : index
        %get3A_984 = tpu.vector_load %arg8[%get3A_982, %get3A_983] {strides = array<i32>} : memref<64x128xf32, #tpu.memory_space<vmem>>, vector<1x16xf32>,
        %get3A_985 = vector.shape_cast %get3A_984 : vector<1x16xf32> to vector<16xf32>
        %add3A_986 = arith.addf %add3A_977, %get3A_985 : vector<16xf32>
        %mul3A_987 = arith.constant 4 : i32
        %mul3A_988 = arith.muli %scan3A_134, %mul3A_987 : i32
        %add3A_989 = arith.constant 2 : i32
        %add3A_990 = arith.addi %mul3A_988, %add3A_989 : i32
        %get3A_991 = arith.index_cast %add3A_990 : i32 to index
        %get3A_992 = arith.constant 32 : index
        %get3A_993 = tpu.vector_load %arg9[%get3A_991, %get3A_992] {strides = array<i32>} : memref<64x128xf32, #tpu.memory_space<vmem>>, vector<1x16xf32>,
        %get3A_994 = vector.shape_cast %get3A_993 : vector<1x16xf32> to vector<16xf32>
        %add3A_995 = arith.addf %add3A_986, %get3A_994 : vector<16xf32>
        %mul3A_996 = vector.broadcast %while3A_27 : f32 to vector<16xf32>
        %mul3A_997 = arith.mulf %add3A_995, %mul3A_996 : vector<16xf32>
        %mul3A_998 = arith.constant 4 : i32
        %mul3A_999 = arith.muli %scan3A_134, %mul3A_998 : i32
        %add3A_1000 = arith.constant 2 : i32
        %add3A_1001 = arith.addi %mul3A_999, %add3A_1000 : i32
        %swap3A_1002 = arith.index_cast %add3A_1001 : i32 to index
        %swap3A_1003 = arith.constant 32 : index
        %swap3A_1004 = tpu.vector_load %arg6[%swap3A_1002, %swap3A_1003] {strides = array<i32>} : memref<64x128xf32, #tpu.memory_space<vmem>>, vector<1x16xf32>,
        %swap3A_1005 = vector.shape_cast %swap3A_1004 : vector<1x16xf32> to vector<16xf32>
        %swap3A_1006 = vector.shape_cast %mul3A_997 : vector<16xf32> to vector<1x16xf32>
        tpu.vector_store %arg6[%swap3A_1002, %swap3A_1003], %swap3A_1006 {strides = array<i32>} : memref<64x128xf32, #tpu.memory_space<vmem>>, vector<1x16xf32>,
        %mul3A_1007 = arith.constant 4 : i32
        %mul3A_1008 = arith.muli %scan3A_134, %mul3A_1007 : i32
        %add3A_1009 = arith.constant 2 : i32
        %add3A_1010 = arith.addi %mul3A_1008, %add3A_1009 : i32
        %get3A_1011 = arith.index_cast %add3A_1010 : i32 to index
        %get3A_1012 = arith.constant 48 : index
        %get3A_1013 = tpu.vector_load %arg6[%get3A_1011, %get3A_1012] {strides = array<i32>} : memref<64x128xf32, #tpu.memory_space<vmem>>, vector<1x16xf32>,
        %get3A_1014 = vector.shape_cast %get3A_1013 : vector<1x16xf32> to vector<16xf32>
        %mul3A_1015 = arith.constant 4 : i32
        %mul3A_1016 = arith.muli %scan3A_134, %mul3A_1015 : i32
        %add3A_1017 = arith.constant 2 : i32
        %add3A_1018 = arith.addi %mul3A_1016, %add3A_1017 : i32
        %get3A_1019 = arith.index_cast %add3A_1018 : i32 to index
        %get3A_1020 = arith.constant 48 : index
        %get3A_1021 = tpu.vector_load %arg7[%get3A_1019, %get3A_1020] {strides = array<i32>} : memref<64x128xf32, #tpu.memory_space<vmem>>, vector<1x16xf32>,
        %get3A_1022 = vector.shape_cast %get3A_1021 : vector<1x16xf32> to vector<16xf32>
        %add3A_1023 = arith.addf %get3A_1014, %get3A_1022 : vector<16xf32>
        %mul3A_1024 = arith.constant 4 : i32
        %mul3A_1025 = arith.muli %scan3A_134, %mul3A_1024 : i32
        %add3A_1026 = arith.constant 2 : i32
        %add3A_1027 = arith.addi %mul3A_1025, %add3A_1026 : i32
        %get3A_1028 = arith.index_cast %add3A_1027 : i32 to index
        %get3A_1029 = arith.constant 48 : index
        %get3A_1030 = tpu.vector_load %arg8[%get3A_1028, %get3A_1029] {strides = array<i32>} : memref<64x128xf32, #tpu.memory_space<vmem>>, vector<1x16xf32>,
        %get3A_1031 = vector.shape_cast %get3A_1030 : vector<1x16xf32> to vector<16xf32>
        %add3A_1032 = arith.addf %add3A_1023, %get3A_1031 : vector<16xf32>
        %mul3A_1033 = arith.constant 4 : i32
        %mul3A_1034 = arith.muli %scan3A_134, %mul3A_1033 : i32
        %add3A_1035 = arith.constant 2 : i32
        %add3A_1036 = arith.addi %mul3A_1034, %add3A_1035 : i32
        %get3A_1037 = arith.index_cast %add3A_1036 : i32 to index
        %get3A_1038 = arith.constant 48 : index
        %get3A_1039 = tpu.vector_load %arg9[%get3A_1037, %get3A_1038] {strides = array<i32>} : memref<64x128xf32, #tpu.memory_space<vmem>>, vector<1x16xf32>,
        %get3A_1040 = vector.shape_cast %get3A_1039 : vector<1x16xf32> to vector<16xf32>
        %add3A_1041 = arith.addf %add3A_1032, %get3A_1040 : vector<16xf32>
        %mul3A_1042 = vector.broadcast %while3A_27 : f32 to vector<16xf32>
        %mul3A_1043 = arith.mulf %add3A_1041, %mul3A_1042 : vector<16xf32>
        %mul3A_1044 = arith.constant 4 : i32
        %mul3A_1045 = arith.muli %scan3A_134, %mul3A_1044 : i32
        %add3A_1046 = arith.constant 2 : i32
        %add3A_1047 = arith.addi %mul3A_1045, %add3A_1046 : i32
        %swap3A_1048 = arith.index_cast %add3A_1047 : i32 to index
        %swap3A_1049 = arith.constant 48 : index
        %swap3A_1050 = tpu.vector_load %arg6[%swap3A_1048, %swap3A_1049] {strides = array<i32>} : memref<64x128xf32, #tpu.memory_space<vmem>>, vector<1x16xf32>,
        %swap3A_1051 = vector.shape_cast %swap3A_1050 : vector<1x16xf32> to vector<16xf32>
        %swap3A_1052 = vector.shape_cast %mul3A_1043 : vector<16xf32> to vector<1x16xf32>
        tpu.vector_store %arg6[%swap3A_1048, %swap3A_1049], %swap3A_1052 {strides = array<i32>} : memref<64x128xf32, #tpu.memory_space<vmem>>, vector<1x16xf32>,
        %mul3A_1053 = arith.constant 4 : i32
        %mul3A_1054 = arith.muli %scan3A_134, %mul3A_1053 : i32
        %add3A_1055 = arith.constant 2 : i32
        %add3A_1056 = arith.addi %mul3A_1054, %add3A_1055 : i32
        %get3A_1057 = arith.index_cast %add3A_1056 : i32 to index
        %get3A_1058 = arith.constant 64 : index
        %get3A_1059 = tpu.vector_load %arg6[%get3A_1057, %get3A_1058] {strides = array<i32>} : memref<64x128xf32, #tpu.memory_space<vmem>>, vector<1x16xf32>,
        %get3A_1060 = vector.shape_cast %get3A_1059 : vector<1x16xf32> to vector<16xf32>
        %mul3A_1061 = arith.constant 4 : i32
        %mul3A_1062 = arith.muli %scan3A_134, %mul3A_1061 : i32
        %add3A_1063 = arith.constant 2 : i32
        %add3A_1064 = arith.addi %mul3A_1062, %add3A_1063 : i32
        %get3A_1065 = arith.index_cast %add3A_1064 : i32 to index
        %get3A_1066 = arith.constant 64 : index
        %get3A_1067 = tpu.vector_load %arg7[%get3A_1065, %get3A_1066] {strides = array<i32>} : memref<64x128xf32, #tpu.memory_space<vmem>>, vector<1x16xf32>,
        %get3A_1068 = vector.shape_cast %get3A_1067 : vector<1x16xf32> to vector<16xf32>
        %add3A_1069 = arith.addf %get3A_1060, %get3A_1068 : vector<16xf32>
        %mul3A_1070 = arith.constant 4 : i32
        %mul3A_1071 = arith.muli %scan3A_134, %mul3A_1070 : i32
        %add3A_1072 = arith.constant 2 : i32
        %add3A_1073 = arith.addi %mul3A_1071, %add3A_1072 : i32
        %get3A_1074 = arith.index_cast %add3A_1073 : i32 to index
        %get3A_1075 = arith.constant 64 : index
        %get3A_1076 = tpu.vector_load %arg8[%get3A_1074, %get3A_1075] {strides = array<i32>} : memref<64x128xf32, #tpu.memory_space<vmem>>, vector<1x16xf32>,
        %get3A_1077 = vector.shape_cast %get3A_1076 : vector<1x16xf32> to vector<16xf32>
        %add3A_1078 = arith.addf %add3A_1069, %get3A_1077 : vector<16xf32>
        %mul3A_1079 = arith.constant 4 : i32
        %mul3A_1080 = arith.muli %scan3A_134, %mul3A_1079 : i32
        %add3A_1081 = arith.constant 2 : i32
        %add3A_1082 = arith.addi %mul3A_1080, %add3A_1081 : i32
        %get3A_1083 = arith.index_cast %add3A_1082 : i32 to index
        %get3A_1084 = arith.constant 64 : index
        %get3A_1085 = tpu.vector_load %arg9[%get3A_1083, %get3A_1084] {strides = array<i32>} : memref<64x128xf32, #tpu.memory_space<vmem>>, vector<1x16xf32>,
        %get3A_1086 = vector.shape_cast %get3A_1085 : vector<1x16xf32> to vector<16xf32>
        %add3A_1087 = arith.addf %add3A_1078, %get3A_1086 : vector<16xf32>
        %mul3A_1088 = vector.broadcast %while3A_27 : f32 to vector<16xf32>
        %mul3A_1089 = arith.mulf %add3A_1087, %mul3A_1088 : vector<16xf32>
        %mul3A_1090 = arith.constant 4 : i32
        %mul3A_1091 = arith.muli %scan3A_134, %mul3A_1090 : i32
        %add3A_1092 = arith.constant 2 : i32
        %add3A_1093 = arith.addi %mul3A_1091, %add3A_1092 : i32
        %swap3A_1094 = arith.index_cast %add3A_1093 : i32 to index
        %swap3A_1095 = arith.constant 64 : index
        %swap3A_1096 = tpu.vector_load %arg6[%swap3A_1094, %swap3A_1095] {strides = array<i32>} : memref<64x128xf32, #tpu.memory_space<vmem>>, vector<1x16xf32>,
        %swap3A_1097 = vector.shape_cast %swap3A_1096 : vector<1x16xf32> to vector<16xf32>
        %swap3A_1098 = vector.shape_cast %mul3A_1089 : vector<16xf32> to vector<1x16xf32>
        tpu.vector_store %arg6[%swap3A_1094, %swap3A_1095], %swap3A_1098 {strides = array<i32>} : memref<64x128xf32, #tpu.memory_space<vmem>>, vector<1x16xf32>,
        %mul3A_1099 = arith.constant 4 : i32
        %mul3A_1100 = arith.muli %scan3A_134, %mul3A_1099 : i32
        %add3A_1101 = arith.constant 2 : i32
        %add3A_1102 = arith.addi %mul3A_1100, %add3A_1101 : i32
        %get3A_1103 = arith.index_cast %add3A_1102 : i32 to index
        %get3A_1104 = arith.constant 80 : index
        %get3A_1105 = tpu.vector_load %arg6[%get3A_1103, %get3A_1104] {strides = array<i32>} : memref<64x128xf32, #tpu.memory_space<vmem>>, vector<1x16xf32>,
        %get3A_1106 = vector.shape_cast %get3A_1105 : vector<1x16xf32> to vector<16xf32>
        %mul3A_1107 = arith.constant 4 : i32
        %mul3A_1108 = arith.muli %scan3A_134, %mul3A_1107 : i32
        %add3A_1109 = arith.constant 2 : i32
        %add3A_1110 = arith.addi %mul3A_1108, %add3A_1109 : i32
        %get3A_1111 = arith.index_cast %add3A_1110 : i32 to index
        %get3A_1112 = arith.constant 80 : index
        %get3A_1113 = tpu.vector_load %arg7[%get3A_1111, %get3A_1112] {strides = array<i32>} : memref<64x128xf32, #tpu.memory_space<vmem>>, vector<1x16xf32>,
        %get3A_1114 = vector.shape_cast %get3A_1113 : vector<1x16xf32> to vector<16xf32>
        %add3A_1115 = arith.addf %get3A_1106, %get3A_1114 : vector<16xf32>
        %mul3A_1116 = arith.constant 4 : i32
        %mul3A_1117 = arith.muli %scan3A_134, %mul3A_1116 : i32
        %add3A_1118 = arith.constant 2 : i32
        %add3A_1119 = arith.addi %mul3A_1117, %add3A_1118 : i32
        %get3A_1120 = arith.index_cast %add3A_1119 : i32 to index
        %get3A_1121 = arith.constant 80 : index
        %get3A_1122 = tpu.vector_load %arg8[%get3A_1120, %get3A_1121] {strides = array<i32>} : memref<64x128xf32, #tpu.memory_space<vmem>>, vector<1x16xf32>,
        %get3A_1123 = vector.shape_cast %get3A_1122 : vector<1x16xf32> to vector<16xf32>
        %add3A_1124 = arith.addf %add3A_1115, %get3A_1123 : vector<16xf32>
        %mul3A_1125 = arith.constant 4 : i32
        %mul3A_1126 = arith.muli %scan3A_134, %mul3A_1125 : i32
        %add3A_1127 = arith.constant 2 : i32
        %add3A_1128 = arith.addi %mul3A_1126, %add3A_1127 : i32
        %get3A_1129 = arith.index_cast %add3A_1128 : i32 to index
        %get3A_1130 = arith.constant 80 : index
        %get3A_1131 = tpu.vector_load %arg9[%get3A_1129, %get3A_1130] {strides = array<i32>} : memref<64x128xf32, #tpu.memory_space<vmem>>, vector<1x16xf32>,
        %get3A_1132 = vector.shape_cast %get3A_1131 : vector<1x16xf32> to vector<16xf32>
        %add3A_1133 = arith.addf %add3A_1124, %get3A_1132 : vector<16xf32>
        %mul3A_1134 = vector.broadcast %while3A_27 : f32 to vector<16xf32>
        %mul3A_1135 = arith.mulf %add3A_1133, %mul3A_1134 : vector<16xf32>
        %mul3A_1136 = arith.constant 4 : i32
        %mul3A_1137 = arith.muli %scan3A_134, %mul3A_1136 : i32
        %add3A_1138 = arith.constant 2 : i32
        %add3A_1139 = arith.addi %mul3A_1137, %add3A_1138 : i32
        %swap3A_1140 = arith.index_cast %add3A_1139 : i32 to index
        %swap3A_1141 = arith.constant 80 : index
        %swap3A_1142 = tpu.vector_load %arg6[%swap3A_1140, %swap3A_1141] {strides = array<i32>} : memref<64x128xf32, #tpu.memory_space<vmem>>, vector<1x16xf32>,
        %swap3A_1143 = vector.shape_cast %swap3A_1142 : vector<1x16xf32> to vector<16xf32>
        %swap3A_1144 = vector.shape_cast %mul3A_1135 : vector<16xf32> to vector<1x16xf32>
        tpu.vector_store %arg6[%swap3A_1140, %swap3A_1141], %swap3A_1144 {strides = array<i32>} : memref<64x128xf32, #tpu.memory_space<vmem>>, vector<1x16xf32>,
        %mul3A_1145 = arith.constant 4 : i32
        %mul3A_1146 = arith.muli %scan3A_134, %mul3A_1145 : i32
        %add3A_1147 = arith.constant 2 : i32
        %add3A_1148 = arith.addi %mul3A_1146, %add3A_1147 : i32
        %get3A_1149 = arith.index_cast %add3A_1148 : i32 to index
        %get3A_1150 = arith.constant 96 : index
        %get3A_1151 = tpu.vector_load %arg6[%get3A_1149, %get3A_1150] {strides = array<i32>} : memref<64x128xf32, #tpu.memory_space<vmem>>, vector<1x16xf32>,
        %get3A_1152 = vector.shape_cast %get3A_1151 : vector<1x16xf32> to vector<16xf32>
        %mul3A_1153 = arith.constant 4 : i32
        %mul3A_1154 = arith.muli %scan3A_134, %mul3A_1153 : i32
        %add3A_1155 = arith.constant 2 : i32
        %add3A_1156 = arith.addi %mul3A_1154, %add3A_1155 : i32
        %get3A_1157 = arith.index_cast %add3A_1156 : i32 to index
        %get3A_1158 = arith.constant 96 : index
        %get3A_1159 = tpu.vector_load %arg7[%get3A_1157, %get3A_1158] {strides = array<i32>} : memref<64x128xf32, #tpu.memory_space<vmem>>, vector<1x16xf32>,
        %get3A_1160 = vector.shape_cast %get3A_1159 : vector<1x16xf32> to vector<16xf32>
        %add3A_1161 = arith.addf %get3A_1152, %get3A_1160 : vector<16xf32>
        %mul3A_1162 = arith.constant 4 : i32
        %mul3A_1163 = arith.muli %scan3A_134, %mul3A_1162 : i32
        %add3A_1164 = arith.constant 2 : i32
        %add3A_1165 = arith.addi %mul3A_1163, %add3A_1164 : i32
        %get3A_1166 = arith.index_cast %add3A_1165 : i32 to index
        %get3A_1167 = arith.constant 96 : index
        %get3A_1168 = tpu.vector_load %arg8[%get3A_1166, %get3A_1167] {strides = array<i32>} : memref<64x128xf32, #tpu.memory_space<vmem>>, vector<1x16xf32>,
        %get3A_1169 = vector.shape_cast %get3A_1168 : vector<1x16xf32> to vector<16xf32>
        %add3A_1170 = arith.addf %add3A_1161, %get3A_1169 : vector<16xf32>
        %mul3A_1171 = arith.constant 4 : i32
        %mul3A_1172 = arith.muli %scan3A_134, %mul3A_1171 : i32
        %add3A_1173 = arith.constant 2 : i32
        %add3A_1174 = arith.addi %mul3A_1172, %add3A_1173 : i32
        %get3A_1175 = arith.index_cast %add3A_1174 : i32 to index
        %get3A_1176 = arith.constant 96 : index
        %get3A_1177 = tpu.vector_load %arg9[%get3A_1175, %get3A_1176] {strides = array<i32>} : memref<64x128xf32, #tpu.memory_space<vmem>>, vector<1x16xf32>,
        %get3A_1178 = vector.shape_cast %get3A_1177 : vector<1x16xf32> to vector<16xf32>
        %add3A_1179 = arith.addf %add3A_1170, %get3A_1178 : vector<16xf32>
        %mul3A_1180 = vector.broadcast %while3A_27 : f32 to vector<16xf32>
        %mul3A_1181 = arith.mulf %add3A_1179, %mul3A_1180 : vector<16xf32>
        %mul3A_1182 = arith.constant 4 : i32
        %mul3A_1183 = arith.muli %scan3A_134, %mul3A_1182 : i32
        %add3A_1184 = arith.constant 2 : i32
        %add3A_1185 = arith.addi %mul3A_1183, %add3A_1184 : i32
        %swap3A_1186 = arith.index_cast %add3A_1185 : i32 to index
        %swap3A_1187 = arith.constant 96 : index
        %swap3A_1188 = tpu.vector_load %arg6[%swap3A_1186, %swap3A_1187] {strides = array<i32>} : memref<64x128xf32, #tpu.memory_space<vmem>>, vector<1x16xf32>,
        %swap3A_1189 = vector.shape_cast %swap3A_1188 : vector<1x16xf32> to vector<16xf32>
        %swap3A_1190 = vector.shape_cast %mul3A_1181 : vector<16xf32> to vector<1x16xf32>
        tpu.vector_store %arg6[%swap3A_1186, %swap3A_1187], %swap3A_1190 {strides = array<i32>} : memref<64x128xf32, #tpu.memory_space<vmem>>, vector<1x16xf32>,
        %mul3A_1191 = arith.constant 4 : i32
        %mul3A_1192 = arith.muli %scan3A_134, %mul3A_1191 : i32
        %add3A_1193 = arith.constant 2 : i32
        %add3A_1194 = arith.addi %mul3A_1192, %add3A_1193 : i32
        %get3A_1195 = arith.index_cast %add3A_1194 : i32 to index
        %get3A_1196 = arith.constant 112 : index
        %get3A_1197 = tpu.vector_load %arg6[%get3A_1195, %get3A_1196] {strides = array<i32>} : memref<64x128xf32, #tpu.memory_space<vmem>>, vector<1x16xf32>,
        %get3A_1198 = vector.shape_cast %get3A_1197 : vector<1x16xf32> to vector<16xf32>
        %mul3A_1199 = arith.constant 4 : i32
        %mul3A_1200 = arith.muli %scan3A_134, %mul3A_1199 : i32
        %add3A_1201 = arith.constant 2 : i32
        %add3A_1202 = arith.addi %mul3A_1200, %add3A_1201 : i32
        %get3A_1203 = arith.index_cast %add3A_1202 : i32 to index
        %get3A_1204 = arith.constant 112 : index
        %get3A_1205 = tpu.vector_load %arg7[%get3A_1203, %get3A_1204] {strides = array<i32>} : memref<64x128xf32, #tpu.memory_space<vmem>>, vector<1x16xf32>,
        %get3A_1206 = vector.shape_cast %get3A_1205 : vector<1x16xf32> to vector<16xf32>
        %add3A_1207 = arith.addf %get3A_1198, %get3A_1206 : vector<16xf32>
        %mul3A_1208 = arith.constant 4 : i32
        %mul3A_1209 = arith.muli %scan3A_134, %mul3A_1208 : i32
        %add3A_1210 = arith.constant 2 : i32
        %add3A_1211 = arith.addi %mul3A_1209, %add3A_1210 : i32
        %get3A_1212 = arith.index_cast %add3A_1211 : i32 to index
        %get3A_1213 = arith.constant 112 : index
        %get3A_1214 = tpu.vector_load %arg8[%get3A_1212, %get3A_1213] {strides = array<i32>} : memref<64x128xf32, #tpu.memory_space<vmem>>, vector<1x16xf32>,
        %get3A_1215 = vector.shape_cast %get3A_1214 : vector<1x16xf32> to vector<16xf32>
        %add3A_1216 = arith.addf %add3A_1207, %get3A_1215 : vector<16xf32>
        %mul3A_1217 = arith.constant 4 : i32
        %mul3A_1218 = arith.muli %scan3A_134, %mul3A_1217 : i32
        %add3A_1219 = arith.constant 2 : i32
        %add3A_1220 = arith.addi %mul3A_1218, %add3A_1219 : i32
        %get3A_1221 = arith.index_cast %add3A_1220 : i32 to index
        %get3A_1222 = arith.constant 112 : index
        %get3A_1223 = tpu.vector_load %arg9[%get3A_1221, %get3A_1222] {strides = array<i32>} : memref<64x128xf32, #tpu.memory_space<vmem>>, vector<1x16xf32>,
        %get3A_1224 = vector.shape_cast %get3A_1223 : vector<1x16xf32> to vector<16xf32>
        %add3A_1225 = arith.addf %add3A_1216, %get3A_1224 : vector<16xf32>
        %mul3A_1226 = vector.broadcast %while3A_27 : f32 to vector<16xf32>
        %mul3A_1227 = arith.mulf %add3A_1225, %mul3A_1226 : vector<16xf32>
        %mul3A_1228 = arith.constant 4 : i32
        %mul3A_1229 = arith.muli %scan3A_134, %mul3A_1228 : i32
        %add3A_1230 = arith.constant 2 : i32
        %add3A_1231 = arith.addi %mul3A_1229, %add3A_1230 : i32
        %swap3A_1232 = arith.index_cast %add3A_1231 : i32 to index
        %swap3A_1233 = arith.constant 112 : index
        %swap3A_1234 = tpu.vector_load %arg6[%swap3A_1232, %swap3A_1233] {strides = array<i32>} : memref<64x128xf32, #tpu.memory_space<vmem>>, vector<1x16xf32>,
        %swap3A_1235 = vector.shape_cast %swap3A_1234 : vector<1x16xf32> to vector<16xf32>
        %swap3A_1236 = vector.shape_cast %mul3A_1227 : vector<16xf32> to vector<1x16xf32>
        tpu.vector_store %arg6[%swap3A_1232, %swap3A_1233], %swap3A_1236 {strides = array<i32>} : memref<64x128xf32, #tpu.memory_space<vmem>>, vector<1x16xf32>,
        %mul3A_1237 = arith.constant 4 : i32
        %mul3A_1238 = arith.muli %scan3A_134, %mul3A_1237 : i32
        %add3A_1239 = arith.constant 3 : i32
        %add3A_1240 = arith.addi %mul3A_1238, %add3A_1239 : i32
        %get3A_1241 = arith.index_cast %add3A_1240 : i32 to index
        %get3A_1242 = arith.constant 0 : index
        %get3A_1243 = tpu.vector_load %arg6[%get3A_1241, %get3A_1242] {strides = array<i32>} : memref<64x128xf32, #tpu.memory_space<vmem>>, vector<1x16xf32>,
        %get3A_1244 = vector.shape_cast %get3A_1243 : vector<1x16xf32> to vector<16xf32>
        %mul3A_1245 = arith.constant 4 : i32
        %mul3A_1246 = arith.muli %scan3A_134, %mul3A_1245 : i32
        %add3A_1247 = arith.constant 3 : i32
        %add3A_1248 = arith.addi %mul3A_1246, %add3A_1247 : i32
        %get3A_1249 = arith.index_cast %add3A_1248 : i32 to index
        %get3A_1250 = arith.constant 0 : index
        %get3A_1251 = tpu.vector_load %arg7[%get3A_1249, %get3A_1250] {strides = array<i32>} : memref<64x128xf32, #tpu.memory_space<vmem>>, vector<1x16xf32>,
        %get3A_1252 = vector.shape_cast %get3A_1251 : vector<1x16xf32> to vector<16xf32>
        %add3A_1253 = arith.addf %get3A_1244, %get3A_1252 : vector<16xf32>
        %mul3A_1254 = arith.constant 4 : i32
        %mul3A_1255 = arith.muli %scan3A_134, %mul3A_1254 : i32
        %add3A_1256 = arith.constant 3 : i32
        %add3A_1257 = arith.addi %mul3A_1255, %add3A_1256 : i32
        %get3A_1258 = arith.index_cast %add3A_1257 : i32 to index
        %get3A_1259 = arith.constant 0 : index
        %get3A_1260 = tpu.vector_load %arg8[%get3A_1258, %get3A_1259] {strides = array<i32>} : memref<64x128xf32, #tpu.memory_space<vmem>>, vector<1x16xf32>,
        %get3A_1261 = vector.shape_cast %get3A_1260 : vector<1x16xf32> to vector<16xf32>
        %add3A_1262 = arith.addf %add3A_1253, %get3A_1261 : vector<16xf32>
        %mul3A_1263 = arith.constant 4 : i32
        %mul3A_1264 = arith.muli %scan3A_134, %mul3A_1263 : i32
        %add3A_1265 = arith.constant 3 : i32
        %add3A_1266 = arith.addi %mul3A_1264, %add3A_1265 : i32
        %get3A_1267 = arith.index_cast %add3A_1266 : i32 to index
        %get3A_1268 = arith.constant 0 : index
        %get3A_1269 = tpu.vector_load %arg9[%get3A_1267, %get3A_1268] {strides = array<i32>} : memref<64x128xf32, #tpu.memory_space<vmem>>, vector<1x16xf32>,
        %get3A_1270 = vector.shape_cast %get3A_1269 : vector<1x16xf32> to vector<16xf32>
        %add3A_1271 = arith.addf %add3A_1262, %get3A_1270 : vector<16xf32>
        %mul3A_1272 = vector.broadcast %while3A_27 : f32 to vector<16xf32>
        %mul3A_1273 = arith.mulf %add3A_1271, %mul3A_1272 : vector<16xf32>
        %mul3A_1274 = arith.constant 4 : i32
        %mul3A_1275 = arith.muli %scan3A_134, %mul3A_1274 : i32
        %add3A_1276 = arith.constant 3 : i32
        %add3A_1277 = arith.addi %mul3A_1275, %add3A_1276 : i32
        %swap3A_1278 = arith.index_cast %add3A_1277 : i32 to index
        %swap3A_1279 = arith.constant 0 : index
        %swap3A_1280 = tpu.vector_load %arg6[%swap3A_1278, %swap3A_1279] {strides = array<i32>} : memref<64x128xf32, #tpu.memory_space<vmem>>, vector<1x16xf32>,
        %swap3A_1281 = vector.shape_cast %swap3A_1280 : vector<1x16xf32> to vector<16xf32>
        %swap3A_1282 = vector.shape_cast %mul3A_1273 : vector<16xf32> to vector<1x16xf32>
        tpu.vector_store %arg6[%swap3A_1278, %swap3A_1279], %swap3A_1282 {strides = array<i32>} : memref<64x128xf32, #tpu.memory_space<vmem>>, vector<1x16xf32>,
        %mul3A_1283 = arith.constant 4 : i32
        %mul3A_1284 = arith.muli %scan3A_134, %mul3A_1283 : i32
        %add3A_1285 = arith.constant 3 : i32
        %add3A_1286 = arith.addi %mul3A_1284, %add3A_1285 : i32
        %get3A_1287 = arith.index_cast %add3A_1286 : i32 to index
        %get3A_1288 = arith.constant 16 : index
        %get3A_1289 = tpu.vector_load %arg6[%get3A_1287, %get3A_1288] {strides = array<i32>} : memref<64x128xf32, #tpu.memory_space<vmem>>, vector<1x16xf32>,
        %get3A_1290 = vector.shape_cast %get3A_1289 : vector<1x16xf32> to vector<16xf32>
        %mul3A_1291 = arith.constant 4 : i32
        %mul3A_1292 = arith.muli %scan3A_134, %mul3A_1291 : i32
        %add3A_1293 = arith.constant 3 : i32
        %add3A_1294 = arith.addi %mul3A_1292, %add3A_1293 : i32
        %get3A_1295 = arith.index_cast %add3A_1294 : i32 to index
        %get3A_1296 = arith.constant 16 : index
        %get3A_1297 = tpu.vector_load %arg7[%get3A_1295, %get3A_1296] {strides = array<i32>} : memref<64x128xf32, #tpu.memory_space<vmem>>, vector<1x16xf32>,
        %get3A_1298 = vector.shape_cast %get3A_1297 : vector<1x16xf32> to vector<16xf32>
        %add3A_1299 = arith.addf %get3A_1290, %get3A_1298 : vector<16xf32>
        %mul3A_1300 = arith.constant 4 : i32
        %mul3A_1301 = arith.muli %scan3A_134, %mul3A_1300 : i32
        %add3A_1302 = arith.constant 3 : i32
        %add3A_1303 = arith.addi %mul3A_1301, %add3A_1302 : i32
        %get3A_1304 = arith.index_cast %add3A_1303 : i32 to index
        %get3A_1305 = arith.constant 16 : index
        %get3A_1306 = tpu.vector_load %arg8[%get3A_1304, %get3A_1305] {strides = array<i32>} : memref<64x128xf32, #tpu.memory_space<vmem>>, vector<1x16xf32>,
        %get3A_1307 = vector.shape_cast %get3A_1306 : vector<1x16xf32> to vector<16xf32>
        %add3A_1308 = arith.addf %add3A_1299, %get3A_1307 : vector<16xf32>
        %mul3A_1309 = arith.constant 4 : i32
        %mul3A_1310 = arith.muli %scan3A_134, %mul3A_1309 : i32
        %add3A_1311 = arith.constant 3 : i32
        %add3A_1312 = arith.addi %mul3A_1310, %add3A_1311 : i32
        %get3A_1313 = arith.index_cast %add3A_1312 : i32 to index
        %get3A_1314 = arith.constant 16 : index
        %get3A_1315 = tpu.vector_load %arg9[%get3A_1313, %get3A_1314] {strides = array<i32>} : memref<64x128xf32, #tpu.memory_space<vmem>>, vector<1x16xf32>,
        %get3A_1316 = vector.shape_cast %get3A_1315 : vector<1x16xf32> to vector<16xf32>
        %add3A_1317 = arith.addf %add3A_1308, %get3A_1316 : vector<16xf32>
        %mul3A_1318 = vector.broadcast %while3A_27 : f32 to vector<16xf32>
        %mul3A_1319 = arith.mulf %add3A_1317, %mul3A_1318 : vector<16xf32>
        %mul3A_1320 = arith.constant 4 : i32
        %mul3A_1321 = arith.muli %scan3A_134, %mul3A_1320 : i32
        %add3A_1322 = arith.constant 3 : i32
        %add3A_1323 = arith.addi %mul3A_1321, %add3A_1322 : i32
        %swap3A_1324 = arith.index_cast %add3A_1323 : i32 to index
        %swap3A_1325 = arith.constant 16 : index
        %swap3A_1326 = tpu.vector_load %arg6[%swap3A_1324, %swap3A_1325] {strides = array<i32>} : memref<64x128xf32, #tpu.memory_space<vmem>>, vector<1x16xf32>,
        %swap3A_1327 = vector.shape_cast %swap3A_1326 : vector<1x16xf32> to vector<16xf32>
        %swap3A_1328 = vector.shape_cast %mul3A_1319 : vector<16xf32> to vector<1x16xf32>
        tpu.vector_store %arg6[%swap3A_1324, %swap3A_1325], %swap3A_1328 {strides = array<i32>} : memref<64x128xf32, #tpu.memory_space<vmem>>, vector<1x16xf32>,
        %mul3A_1329 = arith.constant 4 : i32
        %mul3A_1330 = arith.muli %scan3A_134, %mul3A_1329 : i32
        %add3A_1331 = arith.constant 3 : i32
        %add3A_1332 = arith.addi %mul3A_1330, %add3A_1331 : i32
        %get3A_1333 = arith.index_cast %add3A_1332 : i32 to index
        %get3A_1334 = arith.constant 32 : index
        %get3A_1335 = tpu.vector_load %arg6[%get3A_1333, %get3A_1334] {strides = array<i32>} : memref<64x128xf32, #tpu.memory_space<vmem>>, vector<1x16xf32>,
        %get3A_1336 = vector.shape_cast %get3A_1335 : vector<1x16xf32> to vector<16xf32>
        %mul3A_1337 = arith.constant 4 : i32
        %mul3A_1338 = arith.muli %scan3A_134, %mul3A_1337 : i32
        %add3A_1339 = arith.constant 3 : i32
        %add3A_1340 = arith.addi %mul3A_1338, %add3A_1339 : i32
        %get3A_1341 = arith.index_cast %add3A_1340 : i32 to index
        %get3A_1342 = arith.constant 32 : index
        %get3A_1343 = tpu.vector_load %arg7[%get3A_1341, %get3A_1342] {strides = array<i32>} : memref<64x128xf32, #tpu.memory_space<vmem>>, vector<1x16xf32>,
        %get3A_1344 = vector.shape_cast %get3A_1343 : vector<1x16xf32> to vector<16xf32>
        %add3A_1345 = arith.addf %get3A_1336, %get3A_1344 : vector<16xf32>
        %mul3A_1346 = arith.constant 4 : i32
        %mul3A_1347 = arith.muli %scan3A_134, %mul3A_1346 : i32
        %add3A_1348 = arith.constant 3 : i32
        %add3A_1349 = arith.addi %mul3A_1347, %add3A_1348 : i32
        %get3A_1350 = arith.index_cast %add3A_1349 : i32 to index
        %get3A_1351 = arith.constant 32 : index
        %get3A_1352 = tpu.vector_load %arg8[%get3A_1350, %get3A_1351] {strides = array<i32>} : memref<64x128xf32, #tpu.memory_space<vmem>>, vector<1x16xf32>,
        %get3A_1353 = vector.shape_cast %get3A_1352 : vector<1x16xf32> to vector<16xf32>
        %add3A_1354 = arith.addf %add3A_1345, %get3A_1353 : vector<16xf32>
        %mul3A_1355 = arith.constant 4 : i32
        %mul3A_1356 = arith.muli %scan3A_134, %mul3A_1355 : i32
        %add3A_1357 = arith.constant 3 : i32
        %add3A_1358 = arith.addi %mul3A_1356, %add3A_1357 : i32
        %get3A_1359 = arith.index_cast %add3A_1358 : i32 to index
        %get3A_1360 = arith.constant 32 : index
        %get3A_1361 = tpu.vector_load %arg9[%get3A_1359, %get3A_1360] {strides = array<i32>} : memref<64x128xf32, #tpu.memory_space<vmem>>, vector<1x16xf32>,
        %get3A_1362 = vector.shape_cast %get3A_1361 : vector<1x16xf32> to vector<16xf32>
        %add3A_1363 = arith.addf %add3A_1354, %get3A_1362 : vector<16xf32>
        %mul3A_1364 = vector.broadcast %while3A_27 : f32 to vector<16xf32>
        %mul3A_1365 = arith.mulf %add3A_1363, %mul3A_1364 : vector<16xf32>
        %mul3A_1366 = arith.constant 4 : i32
        %mul3A_1367 = arith.muli %scan3A_134, %mul3A_1366 : i32
        %add3A_1368 = arith.constant 3 : i32
        %add3A_1369 = arith.addi %mul3A_1367, %add3A_1368 : i32
        %swap3A_1370 = arith.index_cast %add3A_1369 : i32 to index
        %swap3A_1371 = arith.constant 32 : index
        %swap3A_1372 = tpu.vector_load %arg6[%swap3A_1370, %swap3A_1371] {strides = array<i32>} : memref<64x128xf32, #tpu.memory_space<vmem>>, vector<1x16xf32>,
        %swap3A_1373 = vector.shape_cast %swap3A_1372 : vector<1x16xf32> to vector<16xf32>
        %swap3A_1374 = vector.shape_cast %mul3A_1365 : vector<16xf32> to vector<1x16xf32>
        tpu.vector_store %arg6[%swap3A_1370, %swap3A_1371], %swap3A_1374 {strides = array<i32>} : memref<64x128xf32, #tpu.memory_space<vmem>>, vector<1x16xf32>,
        %mul3A_1375 = arith.constant 4 : i32
        %mul3A_1376 = arith.muli %scan3A_134, %mul3A_1375 : i32
        %add3A_1377 = arith.constant 3 : i32
        %add3A_1378 = arith.addi %mul3A_1376, %add3A_1377 : i32
        %get3A_1379 = arith.index_cast %add3A_1378 : i32 to index
        %get3A_1380 = arith.constant 48 : index
        %get3A_1381 = tpu.vector_load %arg6[%get3A_1379, %get3A_1380] {strides = array<i32>} : memref<64x128xf32, #tpu.memory_space<vmem>>, vector<1x16xf32>,
        %get3A_1382 = vector.shape_cast %get3A_1381 : vector<1x16xf32> to vector<16xf32>
        %mul3A_1383 = arith.constant 4 : i32
        %mul3A_1384 = arith.muli %scan3A_134, %mul3A_1383 : i32
        %add3A_1385 = arith.constant 3 : i32
        %add3A_1386 = arith.addi %mul3A_1384, %add3A_1385 : i32
        %get3A_1387 = arith.index_cast %add3A_1386 : i32 to index
        %get3A_1388 = arith.constant 48 : index
        %get3A_1389 = tpu.vector_load %arg7[%get3A_1387, %get3A_1388] {strides = array<i32>} : memref<64x128xf32, #tpu.memory_space<vmem>>, vector<1x16xf32>,
        %get3A_1390 = vector.shape_cast %get3A_1389 : vector<1x16xf32> to vector<16xf32>
        %add3A_1391 = arith.addf %get3A_1382, %get3A_1390 : vector<16xf32>
        %mul3A_1392 = arith.constant 4 : i32
        %mul3A_1393 = arith.muli %scan3A_134, %mul3A_1392 : i32
        %add3A_1394 = arith.constant 3 : i32
        %add3A_1395 = arith.addi %mul3A_1393, %add3A_1394 : i32
        %get3A_1396 = arith.index_cast %add3A_1395 : i32 to index
        %get3A_1397 = arith.constant 48 : index
        %get3A_1398 = tpu.vector_load %arg8[%get3A_1396, %get3A_1397] {strides = array<i32>} : memref<64x128xf32, #tpu.memory_space<vmem>>, vector<1x16xf32>,
        %get3A_1399 = vector.shape_cast %get3A_1398 : vector<1x16xf32> to vector<16xf32>
        %add3A_1400 = arith.addf %add3A_1391, %get3A_1399 : vector<16xf32>
        %mul3A_1401 = arith.constant 4 : i32
        %mul3A_1402 = arith.muli %scan3A_134, %mul3A_1401 : i32
        %add3A_1403 = arith.constant 3 : i32
        %add3A_1404 = arith.addi %mul3A_1402, %add3A_1403 : i32
        %get3A_1405 = arith.index_cast %add3A_1404 : i32 to index
        %get3A_1406 = arith.constant 48 : index
        %get3A_1407 = tpu.vector_load %arg9[%get3A_1405, %get3A_1406] {strides = array<i32>} : memref<64x128xf32, #tpu.memory_space<vmem>>, vector<1x16xf32>,
        %get3A_1408 = vector.shape_cast %get3A_1407 : vector<1x16xf32> to vector<16xf32>
        %add3A_1409 = arith.addf %add3A_1400, %get3A_1408 : vector<16xf32>
        %mul3A_1410 = vector.broadcast %while3A_27 : f32 to vector<16xf32>
        %mul3A_1411 = arith.mulf %add3A_1409, %mul3A_1410 : vector<16xf32>
        %mul3A_1412 = arith.constant 4 : i32
        %mul3A_1413 = arith.muli %scan3A_134, %mul3A_1412 : i32
        %add3A_1414 = arith.constant 3 : i32
        %add3A_1415 = arith.addi %mul3A_1413, %add3A_1414 : i32
        %swap3A_1416 = arith.index_cast %add3A_1415 : i32 to index
        %swap3A_1417 = arith.constant 48 : index
        %swap3A_1418 = tpu.vector_load %arg6[%swap3A_1416, %swap3A_1417] {strides = array<i32>} : memref<64x128xf32, #tpu.memory_space<vmem>>, vector<1x16xf32>,
        %swap3A_1419 = vector.shape_cast %swap3A_1418 : vector<1x16xf32> to vector<16xf32>
        %swap3A_1420 = vector.shape_cast %mul3A_1411 : vector<16xf32> to vector<1x16xf32>
        tpu.vector_store %arg6[%swap3A_1416, %swap3A_1417], %swap3A_1420 {strides = array<i32>} : memref<64x128xf32, #tpu.memory_space<vmem>>, vector<1x16xf32>,
        %mul3A_1421 = arith.constant 4 : i32
        %mul3A_1422 = arith.muli %scan3A_134, %mul3A_1421 : i32
        %add3A_1423 = arith.constant 3 : i32
        %add3A_1424 = arith.addi %mul3A_1422, %add3A_1423 : i32
        %get3A_1425 = arith.index_cast %add3A_1424 : i32 to index
        %get3A_1426 = arith.constant 64 : index
        %get3A_1427 = tpu.vector_load %arg6[%get3A_1425, %get3A_1426] {strides = array<i32>} : memref<64x128xf32, #tpu.memory_space<vmem>>, vector<1x16xf32>,
        %get3A_1428 = vector.shape_cast %get3A_1427 : vector<1x16xf32> to vector<16xf32>
        %mul3A_1429 = arith.constant 4 : i32
        %mul3A_1430 = arith.muli %scan3A_134, %mul3A_1429 : i32
        %add3A_1431 = arith.constant 3 : i32
        %add3A_1432 = arith.addi %mul3A_1430, %add3A_1431 : i32
        %get3A_1433 = arith.index_cast %add3A_1432 : i32 to index
        %get3A_1434 = arith.constant 64 : index
        %get3A_1435 = tpu.vector_load %arg7[%get3A_1433, %get3A_1434] {strides = array<i32>} : memref<64x128xf32, #tpu.memory_space<vmem>>, vector<1x16xf32>,
        %get3A_1436 = vector.shape_cast %get3A_1435 : vector<1x16xf32> to vector<16xf32>
        %add3A_1437 = arith.addf %get3A_1428, %get3A_1436 : vector<16xf32>
        %mul3A_1438 = arith.constant 4 : i32
        %mul3A_1439 = arith.muli %scan3A_134, %mul3A_1438 : i32
        %add3A_1440 = arith.constant 3 : i32
        %add3A_1441 = arith.addi %mul3A_1439, %add3A_1440 : i32
        %get3A_1442 = arith.index_cast %add3A_1441 : i32 to index
        %get3A_1443 = arith.constant 64 : index
        %get3A_1444 = tpu.vector_load %arg8[%get3A_1442, %get3A_1443] {strides = array<i32>} : memref<64x128xf32, #tpu.memory_space<vmem>>, vector<1x16xf32>,
        %get3A_1445 = vector.shape_cast %get3A_1444 : vector<1x16xf32> to vector<16xf32>
        %add3A_1446 = arith.addf %add3A_1437, %get3A_1445 : vector<16xf32>
        %mul3A_1447 = arith.constant 4 : i32
        %mul3A_1448 = arith.muli %scan3A_134, %mul3A_1447 : i32
        %add3A_1449 = arith.constant 3 : i32
        %add3A_1450 = arith.addi %mul3A_1448, %add3A_1449 : i32
        %get3A_1451 = arith.index_cast %add3A_1450 : i32 to index
        %get3A_1452 = arith.constant 64 : index
        %get3A_1453 = tpu.vector_load %arg9[%get3A_1451, %get3A_1452] {strides = array<i32>} : memref<64x128xf32, #tpu.memory_space<vmem>>, vector<1x16xf32>,
        %get3A_1454 = vector.shape_cast %get3A_1453 : vector<1x16xf32> to vector<16xf32>
        %add3A_1455 = arith.addf %add3A_1446, %get3A_1454 : vector<16xf32>
        %mul3A_1456 = vector.broadcast %while3A_27 : f32 to vector<16xf32>
        %mul3A_1457 = arith.mulf %add3A_1455, %mul3A_1456 : vector<16xf32>
        %mul3A_1458 = arith.constant 4 : i32
        %mul3A_1459 = arith.muli %scan3A_134, %mul3A_1458 : i32
        %add3A_1460 = arith.constant 3 : i32
        %add3A_1461 = arith.addi %mul3A_1459, %add3A_1460 : i32
        %swap3A_1462 = arith.index_cast %add3A_1461 : i32 to index
        %swap3A_1463 = arith.constant 64 : index
        %swap3A_1464 = tpu.vector_load %arg6[%swap3A_1462, %swap3A_1463] {strides = array<i32>} : memref<64x128xf32, #tpu.memory_space<vmem>>, vector<1x16xf32>,
        %swap3A_1465 = vector.shape_cast %swap3A_1464 : vector<1x16xf32> to vector<16xf32>
        %swap3A_1466 = vector.shape_cast %mul3A_1457 : vector<16xf32> to vector<1x16xf32>
        tpu.vector_store %arg6[%swap3A_1462, %swap3A_1463], %swap3A_1466 {strides = array<i32>} : memref<64x128xf32, #tpu.memory_space<vmem>>, vector<1x16xf32>,
        %mul3A_1467 = arith.constant 4 : i32
        %mul3A_1468 = arith.muli %scan3A_134, %mul3A_1467 : i32
        %add3A_1469 = arith.constant 3 : i32
        %add3A_1470 = arith.addi %mul3A_1468, %add3A_1469 : i32
        %get3A_1471 = arith.index_cast %add3A_1470 : i32 to index
        %get3A_1472 = arith.constant 80 : index
        %get3A_1473 = tpu.vector_load %arg6[%get3A_1471, %get3A_1472] {strides = array<i32>} : memref<64x128xf32, #tpu.memory_space<vmem>>, vector<1x16xf32>,
        %get3A_1474 = vector.shape_cast %get3A_1473 : vector<1x16xf32> to vector<16xf32>
        %mul3A_1475 = arith.constant 4 : i32
        %mul3A_1476 = arith.muli %scan3A_134, %mul3A_1475 : i32
        %add3A_1477 = arith.constant 3 : i32
        %add3A_1478 = arith.addi %mul3A_1476, %add3A_1477 : i32
        %get3A_1479 = arith.index_cast %add3A_1478 : i32 to index
        %get3A_1480 = arith.constant 80 : index
        %get3A_1481 = tpu.vector_load %arg7[%get3A_1479, %get3A_1480] {strides = array<i32>} : memref<64x128xf32, #tpu.memory_space<vmem>>, vector<1x16xf32>,
        %get3A_1482 = vector.shape_cast %get3A_1481 : vector<1x16xf32> to vector<16xf32>
        %add3A_1483 = arith.addf %get3A_1474, %get3A_1482 : vector<16xf32>
        %mul3A_1484 = arith.constant 4 : i32
        %mul3A_1485 = arith.muli %scan3A_134, %mul3A_1484 : i32
        %add3A_1486 = arith.constant 3 : i32
        %add3A_1487 = arith.addi %mul3A_1485, %add3A_1486 : i32
        %get3A_1488 = arith.index_cast %add3A_1487 : i32 to index
        %get3A_1489 = arith.constant 80 : index
        %get3A_1490 = tpu.vector_load %arg8[%get3A_1488, %get3A_1489] {strides = array<i32>} : memref<64x128xf32, #tpu.memory_space<vmem>>, vector<1x16xf32>,
        %get3A_1491 = vector.shape_cast %get3A_1490 : vector<1x16xf32> to vector<16xf32>
        %add3A_1492 = arith.addf %add3A_1483, %get3A_1491 : vector<16xf32>
        %mul3A_1493 = arith.constant 4 : i32
        %mul3A_1494 = arith.muli %scan3A_134, %mul3A_1493 : i32
        %add3A_1495 = arith.constant 3 : i32
        %add3A_1496 = arith.addi %mul3A_1494, %add3A_1495 : i32
        %get3A_1497 = arith.index_cast %add3A_1496 : i32 to index
        %get3A_1498 = arith.constant 80 : index
        %get3A_1499 = tpu.vector_load %arg9[%get3A_1497, %get3A_1498] {strides = array<i32>} : memref<64x128xf32, #tpu.memory_space<vmem>>, vector<1x16xf32>,
        %get3A_1500 = vector.shape_cast %get3A_1499 : vector<1x16xf32> to vector<16xf32>
        %add3A_1501 = arith.addf %add3A_1492, %get3A_1500 : vector<16xf32>
        %mul3A_1502 = vector.broadcast %while3A_27 : f32 to vector<16xf32>
        %mul3A_1503 = arith.mulf %add3A_1501, %mul3A_1502 : vector<16xf32>
        %mul3A_1504 = arith.constant 4 : i32
        %mul3A_1505 = arith.muli %scan3A_134, %mul3A_1504 : i32
        %add3A_1506 = arith.constant 3 : i32
        %add3A_1507 = arith.addi %mul3A_1505, %add3A_1506 : i32
        %swap3A_1508 = arith.index_cast %add3A_1507 : i32 to index
        %swap3A_1509 = arith.constant 80 : index
        %swap3A_1510 = tpu.vector_load %arg6[%swap3A_1508, %swap3A_1509] {strides = array<i32>} : memref<64x128xf32, #tpu.memory_space<vmem>>, vector<1x16xf32>,
        %swap3A_1511 = vector.shape_cast %swap3A_1510 : vector<1x16xf32> to vector<16xf32>
        %swap3A_1512 = vector.shape_cast %mul3A_1503 : vector<16xf32> to vector<1x16xf32>
        tpu.vector_store %arg6[%swap3A_1508, %swap3A_1509], %swap3A_1512 {strides = array<i32>} : memref<64x128xf32, #tpu.memory_space<vmem>>, vector<1x16xf32>,
        %mul3A_1513 = arith.constant 4 : i32
        %mul3A_1514 = arith.muli %scan3A_134, %mul3A_1513 : i32
        %add3A_1515 = arith.constant 3 : i32
        %add3A_1516 = arith.addi %mul3A_1514, %add3A_1515 : i32
        %get3A_1517 = arith.index_cast %add3A_1516 : i32 to index
        %get3A_1518 = arith.constant 96 : index
        %get3A_1519 = tpu.vector_load %arg6[%get3A_1517, %get3A_1518] {strides = array<i32>} : memref<64x128xf32, #tpu.memory_space<vmem>>, vector<1x16xf32>,
        %get3A_1520 = vector.shape_cast %get3A_1519 : vector<1x16xf32> to vector<16xf32>
        %mul3A_1521 = arith.constant 4 : i32
        %mul3A_1522 = arith.muli %scan3A_134, %mul3A_1521 : i32
        %add3A_1523 = arith.constant 3 : i32
        %add3A_1524 = arith.addi %mul3A_1522, %add3A_1523 : i32
        %get3A_1525 = arith.index_cast %add3A_1524 : i32 to index
        %get3A_1526 = arith.constant 96 : index
        %get3A_1527 = tpu.vector_load %arg7[%get3A_1525, %get3A_1526] {strides = array<i32>} : memref<64x128xf32, #tpu.memory_space<vmem>>, vector<1x16xf32>,
        %get3A_1528 = vector.shape_cast %get3A_1527 : vector<1x16xf32> to vector<16xf32>
        %add3A_1529 = arith.addf %get3A_1520, %get3A_1528 : vector<16xf32>
        %mul3A_1530 = arith.constant 4 : i32
        %mul3A_1531 = arith.muli %scan3A_134, %mul3A_1530 : i32
        %add3A_1532 = arith.constant 3 : i32
        %add3A_1533 = arith.addi %mul3A_1531, %add3A_1532 : i32
        %get3A_1534 = arith.index_cast %add3A_1533 : i32 to index
        %get3A_1535 = arith.constant 96 : index
        %get3A_1536 = tpu.vector_load %arg8[%get3A_1534, %get3A_1535] {strides = array<i32>} : memref<64x128xf32, #tpu.memory_space<vmem>>, vector<1x16xf32>,
        %get3A_1537 = vector.shape_cast %get3A_1536 : vector<1x16xf32> to vector<16xf32>
        %add3A_1538 = arith.addf %add3A_1529, %get3A_1537 : vector<16xf32>
        %mul3A_1539 = arith.constant 4 : i32
        %mul3A_1540 = arith.muli %scan3A_134, %mul3A_1539 : i32
        %add3A_1541 = arith.constant 3 : i32
        %add3A_1542 = arith.addi %mul3A_1540, %add3A_1541 : i32
        %get3A_1543 = arith.index_cast %add3A_1542 : i32 to index
        %get3A_1544 = arith.constant 96 : index
        %get3A_1545 = tpu.vector_load %arg9[%get3A_1543, %get3A_1544] {strides = array<i32>} : memref<64x128xf32, #tpu.memory_space<vmem>>, vector<1x16xf32>,
        %get3A_1546 = vector.shape_cast %get3A_1545 : vector<1x16xf32> to vector<16xf32>
        %add3A_1547 = arith.addf %add3A_1538, %get3A_1546 : vector<16xf32>
        %mul3A_1548 = vector.broadcast %while3A_27 : f32 to vector<16xf32>
        %mul3A_1549 = arith.mulf %add3A_1547, %mul3A_1548 : vector<16xf32>
        %mul3A_1550 = arith.constant 4 : i32
        %mul3A_1551 = arith.muli %scan3A_134, %mul3A_1550 : i32
        %add3A_1552 = arith.constant 3 : i32
        %add3A_1553 = arith.addi %mul3A_1551, %add3A_1552 : i32
        %swap3A_1554 = arith.index_cast %add3A_1553 : i32 to index
        %swap3A_1555 = arith.constant 96 : index
        %swap3A_1556 = tpu.vector_load %arg6[%swap3A_1554, %swap3A_1555] {strides = array<i32>} : memref<64x128xf32, #tpu.memory_space<vmem>>, vector<1x16xf32>,
        %swap3A_1557 = vector.shape_cast %swap3A_1556 : vector<1x16xf32> to vector<16xf32>
        %swap3A_1558 = vector.shape_cast %mul3A_1549 : vector<16xf32> to vector<1x16xf32>
        tpu.vector_store %arg6[%swap3A_1554, %swap3A_1555], %swap3A_1558 {strides = array<i32>} : memref<64x128xf32, #tpu.memory_space<vmem>>, vector<1x16xf32>,
        %mul3A_1559 = arith.constant 4 : i32
        %mul3A_1560 = arith.muli %scan3A_134, %mul3A_1559 : i32
        %add3A_1561 = arith.constant 3 : i32
        %add3A_1562 = arith.addi %mul3A_1560, %add3A_1561 : i32
        %get3A_1563 = arith.index_cast %add3A_1562 : i32 to index
        %get3A_1564 = arith.constant 112 : index
        %get3A_1565 = tpu.vector_load %arg6[%get3A_1563, %get3A_1564] {strides = array<i32>} : memref<64x128xf32, #tpu.memory_space<vmem>>, vector<1x16xf32>,
        %get3A_1566 = vector.shape_cast %get3A_1565 : vector<1x16xf32> to vector<16xf32>
        %mul3A_1567 = arith.constant 4 : i32
        %mul3A_1568 = arith.muli %scan3A_134, %mul3A_1567 : i32
        %add3A_1569 = arith.constant 3 : i32
        %add3A_1570 = arith.addi %mul3A_1568, %add3A_1569 : i32
        %get3A_1571 = arith.index_cast %add3A_1570 : i32 to index
        %get3A_1572 = arith.constant 112 : index
        %get3A_1573 = tpu.vector_load %arg7[%get3A_1571, %get3A_1572] {strides = array<i32>} : memref<64x128xf32, #tpu.memory_space<vmem>>, vector<1x16xf32>,
        %get3A_1574 = vector.shape_cast %get3A_1573 : vector<1x16xf32> to vector<16xf32>
        %add3A_1575 = arith.addf %get3A_1566, %get3A_1574 : vector<16xf32>
        %mul3A_1576 = arith.constant 4 : i32
        %mul3A_1577 = arith.muli %scan3A_134, %mul3A_1576 : i32
        %add3A_1578 = arith.constant 3 : i32
        %add3A_1579 = arith.addi %mul3A_1577, %add3A_1578 : i32
        %get3A_1580 = arith.index_cast %add3A_1579 : i32 to index
        %get3A_1581 = arith.constant 112 : index
        %get3A_1582 = tpu.vector_load %arg8[%get3A_1580, %get3A_1581] {strides = array<i32>} : memref<64x128xf32, #tpu.memory_space<vmem>>, vector<1x16xf32>,
        %get3A_1583 = vector.shape_cast %get3A_1582 : vector<1x16xf32> to vector<16xf32>
        %add3A_1584 = arith.addf %add3A_1575, %get3A_1583 : vector<16xf32>
        %mul3A_1585 = arith.constant 4 : i32
        %mul3A_1586 = arith.muli %scan3A_134, %mul3A_1585 : i32
        %add3A_1587 = arith.constant 3 : i32
        %add3A_1588 = arith.addi %mul3A_1586, %add3A_1587 : i32
        %get3A_1589 = arith.index_cast %add3A_1588 : i32 to index
        %get3A_1590 = arith.constant 112 : index
        %get3A_1591 = tpu.vector_load %arg9[%get3A_1589, %get3A_1590] {strides = array<i32>} : memref<64x128xf32, #tpu.memory_space<vmem>>, vector<1x16xf32>,
        %get3A_1592 = vector.shape_cast %get3A_1591 : vector<1x16xf32> to vector<16xf32>
        %add3A_1593 = arith.addf %add3A_1584, %get3A_1592 : vector<16xf32>
        %mul3A_1594 = vector.broadcast %while3A_27 : f32 to vector<16xf32>
        %mul3A_1595 = arith.mulf %add3A_1593, %mul3A_1594 : vector<16xf32>
        %mul3A_1596 = arith.constant 4 : i32
        %mul3A_1597 = arith.muli %scan3A_134, %mul3A_1596 : i32
        %add3A_1598 = arith.constant 3 : i32
        %add3A_1599 = arith.addi %mul3A_1597, %add3A_1598 : i32
        %swap3A_1600 = arith.index_cast %add3A_1599 : i32 to index
        %swap3A_1601 = arith.constant 112 : index
        %swap3A_1602 = tpu.vector_load %arg6[%swap3A_1600, %swap3A_1601] {strides = array<i32>} : memref<64x128xf32, #tpu.memory_space<vmem>>, vector<1x16xf32>,
        %swap3A_1603 = vector.shape_cast %swap3A_1602 : vector<1x16xf32> to vector<16xf32>
        %swap3A_1604 = vector.shape_cast %mul3A_1595 : vector<16xf32> to vector<1x16xf32>
        tpu.vector_store %arg6[%swap3A_1600, %swap3A_1601], %swap3A_1604 {strides = array<i32>} : memref<64x128xf32, #tpu.memory_space<vmem>>, vector<1x16xf32>,
      }
      %scan3A_118 = arith.constant 16 : i32
      %mul3A_119 = arith.constant 320 : i32
      %mul3A_120 = arith.muli %add3A, %mul3A_119 : i32
      %mul3A_121 = arith.constant 64 : i32
      %mul3A_122 = arith.muli %while3A_37, %mul3A_121 : i32
      %add3A_123 = arith.addi %mul3A_120, %mul3A_122 : i32
      %add3A_124 = arith.constant 64 : i32
      %add3A_125 = arith.addi %add3A_123, %add3A_124 : i32
      %le3A = arith.constant 10000 : i32
      %le3A_126 = arith.cmpi sle, %add3A_125, %le3A : i32
      %convert_element_type3A = arith.extui %le3A_126 : i1 to i32
      %cond3A = arith.constant 0 : i32
      %cond3A_127 = arith.cmpi ne, %convert_element_type3A, %cond3A : i32
      scf.if %cond3A_127 {
        "tpu.region"() ({
          %run_scoped3A = tpu.sem_alloc : memref<!tpu.dma_semaphore, #tpu.memory_space<semaphore_mem>>
          %dma_start3A_134 = arith.constant 0 : i32
          %dma_start3A_135 = tpu.memref_slice %arg4[%add3A_123, %dma_start3A_134] : memref<10000x128xf32, #tpu.memory_space<hbm>> -> memref<64x128xf32, #tpu.memory_space<hbm>>
          %dma_start3A_136 = arith.constant 0 : i32
          %dma_start3A_137 = tpu.memref_slice %arg4[%add3A_123, %dma_start3A_136] : memref<10000x128xf32, #tpu.memory_space<hbm>> -> memref<64x128xf32, #tpu.memory_space<hbm>>
          tpu.enqueue_dma source(%arg6 : memref<64x128xf32, #tpu.memory_space<vmem>>) target(%dma_start3A_137 : memref<64x128xf32, #tpu.memory_space<hbm>>) target_semaphore(%run_scoped3A : memref<!tpu.dma_semaphore, #tpu.memory_space<semaphore_mem>>)
          %dma_wait3A_138 = arith.constant 0 : i32
          %dma_wait3A_139 = tpu.memref_slice %arg4[%add3A_123, %dma_wait3A_138] : memref<10000x128xf32, #tpu.memory_space<hbm>> -> memref<64x128xf32, #tpu.memory_space<hbm>>
          %dma_wait3A_140 = arith.constant 0 : i32
          %dma_wait3A_141 = tpu.memref_slice %arg4[%add3A_123, %dma_wait3A_140] : memref<10000x128xf32, #tpu.memory_space<hbm>> -> memref<64x128xf32, #tpu.memory_space<hbm>>
          tpu.wait_dma2 semaphore(%run_scoped3A : memref<!tpu.dma_semaphore, #tpu.memory_space<semaphore_mem>>) src(%arg6 : memref<64x128xf32, #tpu.memory_space<vmem>>) dst(%dma_wait3A_141 : memref<64x128xf32, #tpu.memory_space<hbm>>)
          tpu.yield
        }) : () -> ()
      } else {
      }
      %add3A_128 = arith.constant 64 : i32
      %add3A_129 = arith.addi %add3A_123, %add3A_128 : i32
      %gt3A = arith.constant 10000 : i32
      %gt3A_130 = arith.cmpi sgt, %add3A_129, %gt3A : i32
      %convert_element_type3A_131 = arith.extui %gt3A_130 : i1 to i32
      %cond3A_132 = arith.constant 0 : i32
      %cond3A_133 = arith.cmpi ne, %convert_element_type3A_131, %cond3A_132 : i32
      scf.if %cond3A_133 {
        "tpu.region"() ({
          %run_scoped3A = tpu.sem_alloc : memref<!tpu.dma_semaphore, #tpu.memory_space<semaphore_mem>>
          %dma_start3A_134 = arith.constant 0 : i32
          %dma_start3A_135 = arith.constant 0 : i32
          %dma_start3A_136 = tpu.memref_slice %arg6[%dma_start3A_134, %dma_start3A_135] : memref<64x128xf32, #tpu.memory_space<vmem>> -> memref<16x128xf32, #tpu.memory_space<vmem>>
          %dma_start3A_137 = arith.constant 9984 : i32
          %dma_start3A_138 = arith.constant 0 : i32
          %dma_start3A_139 = tpu.memref_slice %arg4[%dma_start3A_137, %dma_start3A_138] : memref<10000x128xf32, #tpu.memory_space<hbm>> -> memref<16x128xf32, #tpu.memory_space<hbm>>
          %dma_start3A_140 = arith.constant 9984 : i32
          %dma_start3A_141 = arith.constant 0 : i32
          %dma_start3A_142 = tpu.memref_slice %arg4[%dma_start3A_140, %dma_start3A_141] : memref<10000x128xf32, #tpu.memory_space<hbm>> -> memref<16x128xf32, #tpu.memory_space<hbm>>
          %dma_start3A_143 = arith.constant 0 : i32
          %dma_start3A_144 = arith.constant 0 : i32
          %dma_start3A_145 = tpu.memref_slice %arg6[%dma_start3A_143, %dma_start3A_144] : memref<64x128xf32, #tpu.memory_space<vmem>> -> memref<16x128xf32, #tpu.memory_space<vmem>>
          tpu.enqueue_dma source(%dma_start3A_145 : memref<16x128xf32, #tpu.memory_space<vmem>>) target(%dma_start3A_142 : memref<16x128xf32, #tpu.memory_space<hbm>>) target_semaphore(%run_scoped3A : memref<!tpu.dma_semaphore, #tpu.memory_space<semaphore_mem>>)
          %dma_wait3A_146 = arith.constant 0 : i32
          %dma_wait3A_147 = arith.constant 0 : i32
          %dma_wait3A_148 = tpu.memref_slice %arg6[%dma_wait3A_146, %dma_wait3A_147] : memref<64x128xf32, #tpu.memory_space<vmem>> -> memref<16x128xf32, #tpu.memory_space<vmem>>
          %dma_wait3A_149 = arith.constant 9984 : i32
          %dma_wait3A_150 = arith.constant 0 : i32
          %dma_wait3A_151 = tpu.memref_slice %arg4[%dma_wait3A_149, %dma_wait3A_150] : memref<10000x128xf32, #tpu.memory_space<hbm>> -> memref<16x128xf32, #tpu.memory_space<hbm>>
          %dma_wait3A_152 = arith.constant 9984 : i32
          %dma_wait3A_153 = arith.constant 0 : i32
          %dma_wait3A_154 = tpu.memref_slice %arg4[%dma_wait3A_152, %dma_wait3A_153] : memref<10000x128xf32, #tpu.memory_space<hbm>> -> memref<16x128xf32, #tpu.memory_space<hbm>>
          %dma_wait3A_155 = arith.constant 0 : i32
          %dma_wait3A_156 = arith.constant 0 : i32
          %dma_wait3A_157 = tpu.memref_slice %arg6[%dma_wait3A_155, %dma_wait3A_156] : memref<64x128xf32, #tpu.memory_space<vmem>> -> memref<16x128xf32, #tpu.memory_space<vmem>>
          tpu.wait_dma2 semaphore(%run_scoped3A : memref<!tpu.dma_semaphore, #tpu.memory_space<semaphore_mem>>) src(%dma_wait3A_157 : memref<16x128xf32, #tpu.memory_space<vmem>>) dst(%dma_wait3A_154 : memref<16x128xf32, #tpu.memory_space<hbm>>)
          tpu.yield
        }) : () -> ()
      } else {
      }
    }
    %while3A_36 = arith.constant 1 : i32
    scf.for %while3A_37 = %while3A_34 to %while3A_30 step %while3A_36  : i32 {
      %mul3A_38 = arith.constant 33 : i32
      %mul3A_39 = arith.muli %while3A_37, %mul3A_38 : i32
      %add3A_40 = arith.constant 0 : i32
      %add3A_41 = arith.addi %mul3A_39, %add3A_40 : i32
      %dma_start3A = arith.constant 0 : i32
      %dma_start3A_42 = tpu.memref_slice %arg5[%add3A_41, %dma_start3A] : memref<165x64xi32, #tpu.memory_space<vmem>> -> memref<1x64xi32, #tpu.memory_space<vmem>>
      %dma_start3A_43 = tpu.memref_squeeze %dma_start3A_42 : memref<1x64xi32, #tpu.memory_space<vmem>> -> memref<64xi32, #tpu.memory_space<vmem>>
      %dma_start3A_44 = arith.constant 0 : i32
      %dma_start3A_45 = arith.constant 0 : i32
      %dma_start3A_46 = tpu.memref_slice %arg3[%dma_start3A_44, %dma_start3A_45] : memref<50000x128xf32, #tpu.memory_space<hbm>> -> memref<50000x128xf32, #tpu.memory_space<hbm>>
      tpu.enqueue_indirect_dma source(%dma_start3A_46 : memref<50000x128xf32, #tpu.memory_space<hbm>>) target(%arg6 : memref<64x128xf32, #tpu.memory_space<vmem>>) offsets(%dma_start3A_43 : memref<64xi32, #tpu.memory_space<vmem>>) semaphore(%arg10 : memref<!tpu.dma_semaphore, #tpu.memory_space<semaphore_mem>>)
      %add3A_47 = arith.constant 1 : i32
      %add3A_48 = arith.addi %mul3A_39, %add3A_47 : i32
      %dma_start3A_49 = arith.constant 0 : i32
      %dma_start3A_50 = tpu.memref_slice %arg5[%add3A_48, %dma_start3A_49] : memref<165x64xi32, #tpu.memory_space<vmem>> -> memref<1x64xi32, #tpu.memory_space<vmem>>
      %dma_start3A_51 = tpu.memref_squeeze %dma_start3A_50 : memref<1x64xi32, #tpu.memory_space<vmem>> -> memref<64xi32, #tpu.memory_space<vmem>>
      %dma_start3A_52 = arith.constant 0 : i32
      %dma_start3A_53 = arith.constant 0 : i32
      %dma_start3A_54 = tpu.memref_slice %arg3[%dma_start3A_52, %dma_start3A_53] : memref<50000x128xf32, #tpu.memory_space<hbm>> -> memref<50000x128xf32, #tpu.memory_space<hbm>>
      tpu.enqueue_indirect_dma source(%dma_start3A_54 : memref<50000x128xf32, #tpu.memory_space<hbm>>) target(%arg7 : memref<64x128xf32, #tpu.memory_space<vmem>>) offsets(%dma_start3A_51 : memref<64xi32, #tpu.memory_space<vmem>>) semaphore(%arg11 : memref<!tpu.dma_semaphore, #tpu.memory_space<semaphore_mem>>)
      %add3A_55 = arith.constant 2 : i32
      %add3A_56 = arith.addi %mul3A_39, %add3A_55 : i32
      %dma_start3A_57 = arith.constant 0 : i32
      %dma_start3A_58 = tpu.memref_slice %arg5[%add3A_56, %dma_start3A_57] : memref<165x64xi32, #tpu.memory_space<vmem>> -> memref<1x64xi32, #tpu.memory_space<vmem>>
      %dma_start3A_59 = tpu.memref_squeeze %dma_start3A_58 : memref<1x64xi32, #tpu.memory_space<vmem>> -> memref<64xi32, #tpu.memory_space<vmem>>
      %dma_start3A_60 = arith.constant 0 : i32
      %dma_start3A_61 = arith.constant 0 : i32
      %dma_start3A_62 = tpu.memref_slice %arg3[%dma_start3A_60, %dma_start3A_61] : memref<50000x128xf32, #tpu.memory_space<hbm>> -> memref<50000x128xf32, #tpu.memory_space<hbm>>
      tpu.enqueue_indirect_dma source(%dma_start3A_62 : memref<50000x128xf32, #tpu.memory_space<hbm>>) target(%arg8 : memref<64x128xf32, #tpu.memory_space<vmem>>) offsets(%dma_start3A_59 : memref<64xi32, #tpu.memory_space<vmem>>) semaphore(%arg12 : memref<!tpu.dma_semaphore, #tpu.memory_space<semaphore_mem>>)
      %add3A_63 = arith.constant 3 : i32
      %add3A_64 = arith.addi %mul3A_39, %add3A_63 : i32
      %dma_start3A_65 = arith.constant 0 : i32
      %dma_start3A_66 = tpu.memref_slice %arg5[%add3A_64, %dma_start3A_65] : memref<165x64xi32, #tpu.memory_space<vmem>> -> memref<1x64xi32, #tpu.memory_space<vmem>>
      %dma_start3A_67 = tpu.memref_squeeze %dma_start3A_66 : memref<1x64xi32, #tpu.memory_space<vmem>> -> memref<64xi32, #tpu.memory_space<vmem>>
      %dma_start3A_68 = arith.constant 0 : i32
      %dma_start3A_69 = arith.constant 0 : i32
      %dma_start3A_70 = tpu.memref_slice %arg3[%dma_start3A_68, %dma_start3A_69] : memref<50000x128xf32, #tpu.memory_space<hbm>> -> memref<50000x128xf32, #tpu.memory_space<hbm>>
      tpu.enqueue_indirect_dma source(%dma_start3A_70 : memref<50000x128xf32, #tpu.memory_space<hbm>>) target(%arg9 : memref<64x128xf32, #tpu.memory_space<vmem>>) offsets(%dma_start3A_67 : memref<64xi32, #tpu.memory_space<vmem>>) semaphore(%arg13 : memref<!tpu.dma_semaphore, #tpu.memory_space<semaphore_mem>>)
      %scan3A = arith.constant 0 : i32
      %scan3A_71 = arith.constant 0 : i32
      %scan3A_72 = arith.constant 7 : i32
      %scan3A_73 = arith.addi %scan3A_71, %scan3A_72 : i32
      %scan3A_74 = arith.constant 1 : i32
      scf.for %scan3A_134 = %scan3A_71 to %scan3A_73 step %scan3A_74  : i32 {
        %dma_wait3A_135 = arith.constant 0 : i32
        %dma_wait3A_136 = tpu.memref_slice %arg5[%mul3A_39, %dma_wait3A_135] : memref<165x64xi32, #tpu.memory_space<vmem>> -> memref<1x64xi32, #tpu.memory_space<vmem>>
        %dma_wait3A_137 = tpu.memref_squeeze %dma_wait3A_136 : memref<1x64xi32, #tpu.memory_space<vmem>> -> memref<64xi32, #tpu.memory_space<vmem>>
        %dma_wait3A_138 = arith.constant 0 : i32
        %dma_wait3A_139 = arith.constant 0 : i32
        %dma_wait3A_140 = tpu.memref_slice %arg3[%dma_wait3A_138, %dma_wait3A_139] : memref<50000x128xf32, #tpu.memory_space<hbm>> -> memref<50000x128xf32, #tpu.memory_space<hbm>>
        tpu.wait_indirect_dma semaphore(%arg10 : memref<!tpu.dma_semaphore, #tpu.memory_space<semaphore_mem>>) src(%dma_wait3A_140 : memref<50000x128xf32, #tpu.memory_space<hbm>>) dst(%arg6 : memref<64x128xf32, #tpu.memory_space<vmem>>)
        %mul3A_141 = arith.constant 4 : i32
        %mul3A_142 = arith.muli %mul3A_141, %scan3A_134 : i32
        %add3A_143 = arith.constant 4 : i32
        %add3A_144 = arith.addi %add3A_143, %mul3A_142 : i32
        %add3A_145 = arith.constant 0 : i32
        %add3A_146 = arith.addi %add3A_144, %add3A_145 : i32
        %add3A_147 = arith.addi %mul3A_39, %add3A_146 : i32
        %dma_start3A_148 = arith.constant 0 : i32
        %dma_start3A_149 = tpu.memref_slice %arg5[%add3A_147, %dma_start3A_148] : memref<165x64xi32, #tpu.memory_space<vmem>> -> memref<1x64xi32, #tpu.memory_space<vmem>>
        %dma_start3A_150 = tpu.memref_squeeze %dma_start3A_149 : memref<1x64xi32, #tpu.memory_space<vmem>> -> memref<64xi32, #tpu.memory_space<vmem>>
        %dma_start3A_151 = arith.constant 0 : i32
        %dma_start3A_152 = arith.constant 0 : i32
        %dma_start3A_153 = tpu.memref_slice %arg3[%dma_start3A_151, %dma_start3A_152] : memref<50000x128xf32, #tpu.memory_space<hbm>> -> memref<50000x128xf32, #tpu.memory_space<hbm>>
        tpu.enqueue_indirect_dma source(%dma_start3A_153 : memref<50000x128xf32, #tpu.memory_space<hbm>>) target(%arg6 : memref<64x128xf32, #tpu.memory_space<vmem>>) offsets(%dma_start3A_150 : memref<64xi32, #tpu.memory_space<vmem>>) semaphore(%arg10 : memref<!tpu.dma_semaphore, #tpu.memory_space<semaphore_mem>>) {add = true}
        %dma_wait3A_154 = arith.constant 0 : i32
        %dma_wait3A_155 = tpu.memref_slice %arg5[%mul3A_39, %dma_wait3A_154] : memref<165x64xi32, #tpu.memory_space<vmem>> -> memref<1x64xi32, #tpu.memory_space<vmem>>
        %dma_wait3A_156 = tpu.memref_squeeze %dma_wait3A_155 : memref<1x64xi32, #tpu.memory_space<vmem>> -> memref<64xi32, #tpu.memory_space<vmem>>
        %dma_wait3A_157 = arith.constant 0 : i32
        %dma_wait3A_158 = arith.constant 0 : i32
        %dma_wait3A_159 = tpu.memref_slice %arg3[%dma_wait3A_157, %dma_wait3A_158] : memref<50000x128xf32, #tpu.memory_space<hbm>> -> memref<50000x128xf32, #tpu.memory_space<hbm>>
        tpu.wait_indirect_dma semaphore(%arg11 : memref<!tpu.dma_semaphore, #tpu.memory_space<semaphore_mem>>) src(%dma_wait3A_159 : memref<50000x128xf32, #tpu.memory_space<hbm>>) dst(%arg7 : memref<64x128xf32, #tpu.memory_space<vmem>>)
        %mul3A_160 = arith.constant 4 : i32
        %mul3A_161 = arith.muli %mul3A_160, %scan3A_134 : i32
        %add3A_162 = arith.constant 4 : i32
        %add3A_163 = arith.addi %add3A_162, %mul3A_161 : i32
        %add3A_164 = arith.constant 1 : i32
        %add3A_165 = arith.addi %add3A_163, %add3A_164 : i32
        %add3A_166 = arith.addi %mul3A_39, %add3A_165 : i32
        %dma_start3A_167 = arith.constant 0 : i32
        %dma_start3A_168 = tpu.memref_slice %arg5[%add3A_166, %dma_start3A_167] : memref<165x64xi32, #tpu.memory_space<vmem>> -> memref<1x64xi32, #tpu.memory_space<vmem>>
        %dma_start3A_169 = tpu.memref_squeeze %dma_start3A_168 : memref<1x64xi32, #tpu.memory_space<vmem>> -> memref<64xi32, #tpu.memory_space<vmem>>
        %dma_start3A_170 = arith.constant 0 : i32
        %dma_start3A_171 = arith.constant 0 : i32
        %dma_start3A_172 = tpu.memref_slice %arg3[%dma_start3A_170, %dma_start3A_171] : memref<50000x128xf32, #tpu.memory_space<hbm>> -> memref<50000x128xf32, #tpu.memory_space<hbm>>
        tpu.enqueue_indirect_dma source(%dma_start3A_172 : memref<50000x128xf32, #tpu.memory_space<hbm>>) target(%arg7 : memref<64x128xf32, #tpu.memory_space<vmem>>) offsets(%dma_start3A_169 : memref<64xi32, #tpu.memory_space<vmem>>) semaphore(%arg11 : memref<!tpu.dma_semaphore, #tpu.memory_space<semaphore_mem>>) {add = true}
        %dma_wait3A_173 = arith.constant 0 : i32
        %dma_wait3A_174 = tpu.memref_slice %arg5[%mul3A_39, %dma_wait3A_173] : memref<165x64xi32, #tpu.memory_space<vmem>> -> memref<1x64xi32, #tpu.memory_space<vmem>>
        %dma_wait3A_175 = tpu.memref_squeeze %dma_wait3A_174 : memref<1x64xi32, #tpu.memory_space<vmem>> -> memref<64xi32, #tpu.memory_space<vmem>>
        %dma_wait3A_176 = arith.constant 0 : i32
        %dma_wait3A_177 = arith.constant 0 : i32
        %dma_wait3A_178 = tpu.memref_slice %arg3[%dma_wait3A_176, %dma_wait3A_177] : memref<50000x128xf32, #tpu.memory_space<hbm>> -> memref<50000x128xf32, #tpu.memory_space<hbm>>
        tpu.wait_indirect_dma semaphore(%arg12 : memref<!tpu.dma_semaphore, #tpu.memory_space<semaphore_mem>>) src(%dma_wait3A_178 : memref<50000x128xf32, #tpu.memory_space<hbm>>) dst(%arg8 : memref<64x128xf32, #tpu.memory_space<vmem>>)
        %mul3A_179 = arith.constant 4 : i32
        %mul3A_180 = arith.muli %mul3A_179, %scan3A_134 : i32
        %add3A_181 = arith.constant 4 : i32
        %add3A_182 = arith.addi %add3A_181, %mul3A_180 : i32
        %add3A_183 = arith.constant 2 : i32
        %add3A_184 = arith.addi %add3A_182, %add3A_183 : i32
        %add3A_185 = arith.addi %mul3A_39, %add3A_184 : i32
        %dma_start3A_186 = arith.constant 0 : i32
        %dma_start3A_187 = tpu.memref_slice %arg5[%add3A_185, %dma_start3A_186] : memref<165x64xi32, #tpu.memory_space<vmem>> -> memref<1x64xi32, #tpu.memory_space<vmem>>
        %dma_start3A_188 = tpu.memref_squeeze %dma_start3A_187 : memref<1x64xi32, #tpu.memory_space<vmem>> -> memref<64xi32, #tpu.memory_space<vmem>>
        %dma_start3A_189 = arith.constant 0 : i32
        %dma_start3A_190 = arith.constant 0 : i32
        %dma_start3A_191 = tpu.memref_slice %arg3[%dma_start3A_189, %dma_start3A_190] : memref<50000x128xf32, #tpu.memory_space<hbm>> -> memref<50000x128xf32, #tpu.memory_space<hbm>>
        tpu.enqueue_indirect_dma source(%dma_start3A_191 : memref<50000x128xf32, #tpu.memory_space<hbm>>) target(%arg8 : memref<64x128xf32, #tpu.memory_space<vmem>>) offsets(%dma_start3A_188 : memref<64xi32, #tpu.memory_space<vmem>>) semaphore(%arg12 : memref<!tpu.dma_semaphore, #tpu.memory_space<semaphore_mem>>) {add = true}
        %dma_wait3A_192 = arith.constant 0 : i32
        %dma_wait3A_193 = tpu.memref_slice %arg5[%mul3A_39, %dma_wait3A_192] : memref<165x64xi32, #tpu.memory_space<vmem>> -> memref<1x64xi32, #tpu.memory_space<vmem>>
        %dma_wait3A_194 = tpu.memref_squeeze %dma_wait3A_193 : memref<1x64xi32, #tpu.memory_space<vmem>> -> memref<64xi32, #tpu.memory_space<vmem>>
        %dma_wait3A_195 = arith.constant 0 : i32
        %dma_wait3A_196 = arith.constant 0 : i32
        %dma_wait3A_197 = tpu.memref_slice %arg3[%dma_wait3A_195, %dma_wait3A_196] : memref<50000x128xf32, #tpu.memory_space<hbm>> -> memref<50000x128xf32, #tpu.memory_space<hbm>>
        tpu.wait_indirect_dma semaphore(%arg13 : memref<!tpu.dma_semaphore, #tpu.memory_space<semaphore_mem>>) src(%dma_wait3A_197 : memref<50000x128xf32, #tpu.memory_space<hbm>>) dst(%arg9 : memref<64x128xf32, #tpu.memory_space<vmem>>)
        %mul3A_198 = arith.constant 4 : i32
        %mul3A_199 = arith.muli %mul3A_198, %scan3A_134 : i32
        %add3A_200 = arith.constant 4 : i32
        %add3A_201 = arith.addi %add3A_200, %mul3A_199 : i32
        %add3A_202 = arith.constant 3 : i32
        %add3A_203 = arith.addi %add3A_201, %add3A_202 : i32
        %add3A_204 = arith.addi %mul3A_39, %add3A_203 : i32
        %dma_start3A_205 = arith.constant 0 : i32
        %dma_start3A_206 = tpu.memref_slice %arg5[%add3A_204, %dma_start3A_205] : memref<165x64xi32, #tpu.memory_space<vmem>> -> memref<1x64xi32, #tpu.memory_space<vmem>>
        %dma_start3A_207 = tpu.memref_squeeze %dma_start3A_206 : memref<1x64xi32, #tpu.memory_space<vmem>> -> memref<64xi32, #tpu.memory_space<vmem>>
        %dma_start3A_208 = arith.constant 0 : i32
        %dma_start3A_209 = arith.constant 0 : i32
        %dma_start3A_210 = tpu.memref_slice %arg3[%dma_start3A_208, %dma_start3A_209] : memref<50000x128xf32, #tpu.memory_space<hbm>> -> memref<50000x128xf32, #tpu.memory_space<hbm>>
        tpu.enqueue_indirect_dma source(%dma_start3A_210 : memref<50000x128xf32, #tpu.memory_space<hbm>>) target(%arg9 : memref<64x128xf32, #tpu.memory_space<vmem>>) offsets(%dma_start3A_207 : memref<64xi32, #tpu.memory_space<vmem>>) semaphore(%arg13 : memref<!tpu.dma_semaphore, #tpu.memory_space<semaphore_mem>>) {add = true}
      }
      %scan3A_75 = arith.constant 7 : i32
      %dma_wait3A = arith.constant 0 : i32
      %dma_wait3A_76 = tpu.memref_slice %arg5[%mul3A_39, %dma_wait3A] : memref<165x64xi32, #tpu.memory_space<vmem>> -> memref<1x64xi32, #tpu.memory_space<vmem>>
      %dma_wait3A_77 = tpu.memref_squeeze %dma_wait3A_76 : memref<1x64xi32, #tpu.memory_space<vmem>> -> memref<64xi32, #tpu.memory_space<vmem>>
      %dma_wait3A_78 = arith.constant 0 : i32
      %dma_wait3A_79 = arith.constant 0 : i32
      %dma_wait3A_80 = tpu.memref_slice %arg3[%dma_wait3A_78, %dma_wait3A_79] : memref<50000x128xf32, #tpu.memory_space<hbm>> -> memref<50000x128xf32, #tpu.memory_space<hbm>>
      tpu.wait_indirect_dma semaphore(%arg10 : memref<!tpu.dma_semaphore, #tpu.memory_space<semaphore_mem>>) src(%dma_wait3A_80 : memref<50000x128xf32, #tpu.memory_space<hbm>>) dst(%arg6 : memref<64x128xf32, #tpu.memory_space<vmem>>)
      %add3A_81 = arith.constant 32 : i32
      %add3A_82 = arith.addi %mul3A_39, %add3A_81 : i32
      %dma_start3A_83 = arith.constant 0 : i32
      %dma_start3A_84 = tpu.memref_slice %arg5[%add3A_82, %dma_start3A_83] : memref<165x64xi32, #tpu.memory_space<vmem>> -> memref<1x64xi32, #tpu.memory_space<vmem>>
      %dma_start3A_85 = tpu.memref_squeeze %dma_start3A_84 : memref<1x64xi32, #tpu.memory_space<vmem>> -> memref<64xi32, #tpu.memory_space<vmem>>
      %dma_start3A_86 = arith.constant 0 : i32
      %dma_start3A_87 = arith.constant 0 : i32
      %dma_start3A_88 = tpu.memref_slice %arg3[%dma_start3A_86, %dma_start3A_87] : memref<50000x128xf32, #tpu.memory_space<hbm>> -> memref<50000x128xf32, #tpu.memory_space<hbm>>
      tpu.enqueue_indirect_dma source(%dma_start3A_88 : memref<50000x128xf32, #tpu.memory_space<hbm>>) target(%arg6 : memref<64x128xf32, #tpu.memory_space<vmem>>) offsets(%dma_start3A_85 : memref<64xi32, #tpu.memory_space<vmem>>) semaphore(%arg10 : memref<!tpu.dma_semaphore, #tpu.memory_space<semaphore_mem>>) {add = true}
      %dma_wait3A_89 = arith.constant 0 : i32
      %dma_wait3A_90 = tpu.memref_slice %arg5[%mul3A_39, %dma_wait3A_89] : memref<165x64xi32, #tpu.memory_space<vmem>> -> memref<1x64xi32, #tpu.memory_space<vmem>>
      %dma_wait3A_91 = tpu.memref_squeeze %dma_wait3A_90 : memref<1x64xi32, #tpu.memory_space<vmem>> -> memref<64xi32, #tpu.memory_space<vmem>>
      %dma_wait3A_92 = arith.constant 0 : i32
      %dma_wait3A_93 = arith.constant 0 : i32
      %dma_wait3A_94 = tpu.memref_slice %arg3[%dma_wait3A_92, %dma_wait3A_93] : memref<50000x128xf32, #tpu.memory_space<hbm>> -> memref<50000x128xf32, #tpu.memory_space<hbm>>
      tpu.wait_indirect_dma semaphore(%arg10 : memref<!tpu.dma_semaphore, #tpu.memory_space<semaphore_mem>>) src(%dma_wait3A_94 : memref<50000x128xf32, #tpu.memory_space<hbm>>) dst(%arg6 : memref<64x128xf32, #tpu.memory_space<vmem>>)
      %dma_wait3A_95 = arith.constant 0 : i32
      %dma_wait3A_96 = tpu.memref_slice %arg5[%mul3A_39, %dma_wait3A_95] : memref<165x64xi32, #tpu.memory_space<vmem>> -> memref<1x64xi32, #tpu.memory_space<vmem>>
      %dma_wait3A_97 = tpu.memref_squeeze %dma_wait3A_96 : memref<1x64xi32, #tpu.memory_space<vmem>> -> memref<64xi32, #tpu.memory_space<vmem>>
      %dma_wait3A_98 = arith.constant 0 : i32
      %dma_wait3A_99 = arith.constant 0 : i32
      %dma_wait3A_100 = tpu.memref_slice %arg3[%dma_wait3A_98, %dma_wait3A_99] : memref<50000x128xf32, #tpu.memory_space<hbm>> -> memref<50000x128xf32, #tpu.memory_space<hbm>>
      tpu.wait_indirect_dma semaphore(%arg11 : memref<!tpu.dma_semaphore, #tpu.memory_space<semaphore_mem>>) src(%dma_wait3A_100 : memref<50000x128xf32, #tpu.memory_space<hbm>>) dst(%arg7 : memref<64x128xf32, #tpu.memory_space<vmem>>)
      %dma_wait3A_101 = arith.constant 0 : i32
      %dma_wait3A_102 = tpu.memref_slice %arg5[%mul3A_39, %dma_wait3A_101] : memref<165x64xi32, #tpu.memory_space<vmem>> -> memref<1x64xi32, #tpu.memory_space<vmem>>
      %dma_wait3A_103 = tpu.memref_squeeze %dma_wait3A_102 : memref<1x64xi32, #tpu.memory_space<vmem>> -> memref<64xi32, #tpu.memory_space<vmem>>
      %dma_wait3A_104 = arith.constant 0 : i32
      %dma_wait3A_105 = arith.constant 0 : i32
      %dma_wait3A_106 = tpu.memref_slice %arg3[%dma_wait3A_104, %dma_wait3A_105] : memref<50000x128xf32, #tpu.memory_space<hbm>> -> memref<50000x128xf32, #tpu.memory_space<hbm>>
      tpu.wait_indirect_dma semaphore(%arg12 : memref<!tpu.dma_semaphore, #tpu.memory_space<semaphore_mem>>) src(%dma_wait3A_106 : memref<50000x128xf32, #tpu.memory_space<hbm>>) dst(%arg8 : memref<64x128xf32, #tpu.memory_space<vmem>>)
      %dma_wait3A_107 = arith.constant 0 : i32
      %dma_wait3A_108 = tpu.memref_slice %arg5[%mul3A_39, %dma_wait3A_107] : memref<165x64xi32, #tpu.memory_space<vmem>> -> memref<1x64xi32, #tpu.memory_space<vmem>>
      %dma_wait3A_109 = tpu.memref_squeeze %dma_wait3A_108 : memref<1x64xi32, #tpu.memory_space<vmem>> -> memref<64xi32, #tpu.memory_space<vmem>>
      %dma_wait3A_110 = arith.constant 0 : i32
      %dma_wait3A_111 = arith.constant 0 : i32
      %dma_wait3A_112 = tpu.memref_slice %arg3[%dma_wait3A_110, %dma_wait3A_111] : memref<50000x128xf32, #tpu.memory_space<hbm>> -> memref<50000x128xf32, #tpu.memory_space<hbm>>
      tpu.wait_indirect_dma semaphore(%arg13 : memref<!tpu.dma_semaphore, #tpu.memory_space<semaphore_mem>>) src(%dma_wait3A_112 : memref<50000x128xf32, #tpu.memory_space<hbm>>) dst(%arg9 : memref<64x128xf32, #tpu.memory_space<vmem>>)
      %scan3A_113 = arith.constant 0 : i32
      %scan3A_114 = arith.constant 0 : i32
      %scan3A_115 = arith.constant 16 : i32
      %scan3A_116 = arith.addi %scan3A_114, %scan3A_115 : i32
      %scan3A_117 = arith.constant 1 : i32
      scf.for %scan3A_134 = %scan3A_114 to %scan3A_116 step %scan3A_117  : i32 {
        %mul3A_135 = arith.constant 4 : i32
        %mul3A_136 = arith.muli %scan3A_134, %mul3A_135 : i32
        %add3A_137 = arith.constant 0 : i32
        %add3A_138 = arith.addi %mul3A_136, %add3A_137 : i32
        %get3A = arith.index_cast %add3A_138 : i32 to index
        %get3A_139 = arith.constant 0 : index
        %get3A_140 = tpu.vector_load %arg6[%get3A, %get3A_139] {strides = array<i32>} : memref<64x128xf32, #tpu.memory_space<vmem>>, vector<1x16xf32>,
        %get3A_141 = vector.shape_cast %get3A_140 : vector<1x16xf32> to vector<16xf32>
        %mul3A_142 = arith.constant 4 : i32
        %mul3A_143 = arith.muli %scan3A_134, %mul3A_142 : i32
        %add3A_144 = arith.constant 0 : i32
        %add3A_145 = arith.addi %mul3A_143, %add3A_144 : i32
        %get3A_146 = arith.index_cast %add3A_145 : i32 to index
        %get3A_147 = arith.constant 0 : index
        %get3A_148 = tpu.vector_load %arg7[%get3A_146, %get3A_147] {strides = array<i32>} : memref<64x128xf32, #tpu.memory_space<vmem>>, vector<1x16xf32>,
        %get3A_149 = vector.shape_cast %get3A_148 : vector<1x16xf32> to vector<16xf32>
        %add3A_150 = arith.addf %get3A_141, %get3A_149 : vector<16xf32>
        %mul3A_151 = arith.constant 4 : i32
        %mul3A_152 = arith.muli %scan3A_134, %mul3A_151 : i32
        %add3A_153 = arith.constant 0 : i32
        %add3A_154 = arith.addi %mul3A_152, %add3A_153 : i32
        %get3A_155 = arith.index_cast %add3A_154 : i32 to index
        %get3A_156 = arith.constant 0 : index
        %get3A_157 = tpu.vector_load %arg8[%get3A_155, %get3A_156] {strides = array<i32>} : memref<64x128xf32, #tpu.memory_space<vmem>>, vector<1x16xf32>,
        %get3A_158 = vector.shape_cast %get3A_157 : vector<1x16xf32> to vector<16xf32>
        %add3A_159 = arith.addf %add3A_150, %get3A_158 : vector<16xf32>
        %mul3A_160 = arith.constant 4 : i32
        %mul3A_161 = arith.muli %scan3A_134, %mul3A_160 : i32
        %add3A_162 = arith.constant 0 : i32
        %add3A_163 = arith.addi %mul3A_161, %add3A_162 : i32
        %get3A_164 = arith.index_cast %add3A_163 : i32 to index
        %get3A_165 = arith.constant 0 : index
        %get3A_166 = tpu.vector_load %arg9[%get3A_164, %get3A_165] {strides = array<i32>} : memref<64x128xf32, #tpu.memory_space<vmem>>, vector<1x16xf32>,
        %get3A_167 = vector.shape_cast %get3A_166 : vector<1x16xf32> to vector<16xf32>
        %add3A_168 = arith.addf %add3A_159, %get3A_167 : vector<16xf32>
        %mul3A_169 = vector.broadcast %while3A_27 : f32 to vector<16xf32>
        %mul3A_170 = arith.mulf %add3A_168, %mul3A_169 : vector<16xf32>
        %mul3A_171 = arith.constant 4 : i32
        %mul3A_172 = arith.muli %scan3A_134, %mul3A_171 : i32
        %add3A_173 = arith.constant 0 : i32
        %add3A_174 = arith.addi %mul3A_172, %add3A_173 : i32
        %swap3A = arith.index_cast %add3A_174 : i32 to index
        %swap3A_175 = arith.constant 0 : index
        %swap3A_176 = tpu.vector_load %arg6[%swap3A, %swap3A_175] {strides = array<i32>} : memref<64x128xf32, #tpu.memory_space<vmem>>, vector<1x16xf32>,
        %swap3A_177 = vector.shape_cast %swap3A_176 : vector<1x16xf32> to vector<16xf32>
        %swap3A_178 = vector.shape_cast %mul3A_170 : vector<16xf32> to vector<1x16xf32>
        tpu.vector_store %arg6[%swap3A, %swap3A_175], %swap3A_178 {strides = array<i32>} : memref<64x128xf32, #tpu.memory_space<vmem>>, vector<1x16xf32>,
        %mul3A_179 = arith.constant 4 : i32
        %mul3A_180 = arith.muli %scan3A_134, %mul3A_179 : i32
        %add3A_181 = arith.constant 0 : i32
        %add3A_182 = arith.addi %mul3A_180, %add3A_181 : i32
        %get3A_183 = arith.index_cast %add3A_182 : i32 to index
        %get3A_184 = arith.constant 16 : index
        %get3A_185 = tpu.vector_load %arg6[%get3A_183, %get3A_184] {strides = array<i32>} : memref<64x128xf32, #tpu.memory_space<vmem>>, vector<1x16xf32>,
        %get3A_186 = vector.shape_cast %get3A_185 : vector<1x16xf32> to vector<16xf32>
        %mul3A_187 = arith.constant 4 : i32
        %mul3A_188 = arith.muli %scan3A_134, %mul3A_187 : i32
        %add3A_189 = arith.constant 0 : i32
        %add3A_190 = arith.addi %mul3A_188, %add3A_189 : i32
        %get3A_191 = arith.index_cast %add3A_190 : i32 to index
        %get3A_192 = arith.constant 16 : index
        %get3A_193 = tpu.vector_load %arg7[%get3A_191, %get3A_192] {strides = array<i32>} : memref<64x128xf32, #tpu.memory_space<vmem>>, vector<1x16xf32>,
        %get3A_194 = vector.shape_cast %get3A_193 : vector<1x16xf32> to vector<16xf32>
        %add3A_195 = arith.addf %get3A_186, %get3A_194 : vector<16xf32>
        %mul3A_196 = arith.constant 4 : i32
        %mul3A_197 = arith.muli %scan3A_134, %mul3A_196 : i32
        %add3A_198 = arith.constant 0 : i32
        %add3A_199 = arith.addi %mul3A_197, %add3A_198 : i32
        %get3A_200 = arith.index_cast %add3A_199 : i32 to index
        %get3A_201 = arith.constant 16 : index
        %get3A_202 = tpu.vector_load %arg8[%get3A_200, %get3A_201] {strides = array<i32>} : memref<64x128xf32, #tpu.memory_space<vmem>>, vector<1x16xf32>,
        %get3A_203 = vector.shape_cast %get3A_202 : vector<1x16xf32> to vector<16xf32>
        %add3A_204 = arith.addf %add3A_195, %get3A_203 : vector<16xf32>
        %mul3A_205 = arith.constant 4 : i32
        %mul3A_206 = arith.muli %scan3A_134, %mul3A_205 : i32
        %add3A_207 = arith.constant 0 : i32
        %add3A_208 = arith.addi %mul3A_206, %add3A_207 : i32
        %get3A_209 = arith.index_cast %add3A_208 : i32 to index
        %get3A_210 = arith.constant 16 : index
        %get3A_211 = tpu.vector_load %arg9[%get3A_209, %get3A_210] {strides = array<i32>} : memref<64x128xf32, #tpu.memory_space<vmem>>, vector<1x16xf32>,
        %get3A_212 = vector.shape_cast %get3A_211 : vector<1x16xf32> to vector<16xf32>
        %add3A_213 = arith.addf %add3A_204, %get3A_212 : vector<16xf32>
        %mul3A_214 = vector.broadcast %while3A_27 : f32 to vector<16xf32>
        %mul3A_215 = arith.mulf %add3A_213, %mul3A_214 : vector<16xf32>
        %mul3A_216 = arith.constant 4 : i32
        %mul3A_217 = arith.muli %scan3A_134, %mul3A_216 : i32
        %add3A_218 = arith.constant 0 : i32
        %add3A_219 = arith.addi %mul3A_217, %add3A_218 : i32
        %swap3A_220 = arith.index_cast %add3A_219 : i32 to index
        %swap3A_221 = arith.constant 16 : index
        %swap3A_222 = tpu.vector_load %arg6[%swap3A_220, %swap3A_221] {strides = array<i32>} : memref<64x128xf32, #tpu.memory_space<vmem>>, vector<1x16xf32>,
        %swap3A_223 = vector.shape_cast %swap3A_222 : vector<1x16xf32> to vector<16xf32>
        %swap3A_224 = vector.shape_cast %mul3A_215 : vector<16xf32> to vector<1x16xf32>
        tpu.vector_store %arg6[%swap3A_220, %swap3A_221], %swap3A_224 {strides = array<i32>} : memref<64x128xf32, #tpu.memory_space<vmem>>, vector<1x16xf32>,
        %mul3A_225 = arith.constant 4 : i32
        %mul3A_226 = arith.muli %scan3A_134, %mul3A_225 : i32
        %add3A_227 = arith.constant 0 : i32
        %add3A_228 = arith.addi %mul3A_226, %add3A_227 : i32
        %get3A_229 = arith.index_cast %add3A_228 : i32 to index
        %get3A_230 = arith.constant 32 : index
        %get3A_231 = tpu.vector_load %arg6[%get3A_229, %get3A_230] {strides = array<i32>} : memref<64x128xf32, #tpu.memory_space<vmem>>, vector<1x16xf32>,
        %get3A_232 = vector.shape_cast %get3A_231 : vector<1x16xf32> to vector<16xf32>
        %mul3A_233 = arith.constant 4 : i32
        %mul3A_234 = arith.muli %scan3A_134, %mul3A_233 : i32
        %add3A_235 = arith.constant 0 : i32
        %add3A_236 = arith.addi %mul3A_234, %add3A_235 : i32
        %get3A_237 = arith.index_cast %add3A_236 : i32 to index
        %get3A_238 = arith.constant 32 : index
        %get3A_239 = tpu.vector_load %arg7[%get3A_237, %get3A_238] {strides = array<i32>} : memref<64x128xf32, #tpu.memory_space<vmem>>, vector<1x16xf32>,
        %get3A_240 = vector.shape_cast %get3A_239 : vector<1x16xf32> to vector<16xf32>
        %add3A_241 = arith.addf %get3A_232, %get3A_240 : vector<16xf32>
        %mul3A_242 = arith.constant 4 : i32
        %mul3A_243 = arith.muli %scan3A_134, %mul3A_242 : i32
        %add3A_244 = arith.constant 0 : i32
        %add3A_245 = arith.addi %mul3A_243, %add3A_244 : i32
        %get3A_246 = arith.index_cast %add3A_245 : i32 to index
        %get3A_247 = arith.constant 32 : index
        %get3A_248 = tpu.vector_load %arg8[%get3A_246, %get3A_247] {strides = array<i32>} : memref<64x128xf32, #tpu.memory_space<vmem>>, vector<1x16xf32>,
        %get3A_249 = vector.shape_cast %get3A_248 : vector<1x16xf32> to vector<16xf32>
        %add3A_250 = arith.addf %add3A_241, %get3A_249 : vector<16xf32>
        %mul3A_251 = arith.constant 4 : i32
        %mul3A_252 = arith.muli %scan3A_134, %mul3A_251 : i32
        %add3A_253 = arith.constant 0 : i32
        %add3A_254 = arith.addi %mul3A_252, %add3A_253 : i32
        %get3A_255 = arith.index_cast %add3A_254 : i32 to index
        %get3A_256 = arith.constant 32 : index
        %get3A_257 = tpu.vector_load %arg9[%get3A_255, %get3A_256] {strides = array<i32>} : memref<64x128xf32, #tpu.memory_space<vmem>>, vector<1x16xf32>,
        %get3A_258 = vector.shape_cast %get3A_257 : vector<1x16xf32> to vector<16xf32>
        %add3A_259 = arith.addf %add3A_250, %get3A_258 : vector<16xf32>
        %mul3A_260 = vector.broadcast %while3A_27 : f32 to vector<16xf32>
        %mul3A_261 = arith.mulf %add3A_259, %mul3A_260 : vector<16xf32>
        %mul3A_262 = arith.constant 4 : i32
        %mul3A_263 = arith.muli %scan3A_134, %mul3A_262 : i32
        %add3A_264 = arith.constant 0 : i32
        %add3A_265 = arith.addi %mul3A_263, %add3A_264 : i32
        %swap3A_266 = arith.index_cast %add3A_265 : i32 to index
        %swap3A_267 = arith.constant 32 : index
        %swap3A_268 = tpu.vector_load %arg6[%swap3A_266, %swap3A_267] {strides = array<i32>} : memref<64x128xf32, #tpu.memory_space<vmem>>, vector<1x16xf32>,
        %swap3A_269 = vector.shape_cast %swap3A_268 : vector<1x16xf32> to vector<16xf32>
        %swap3A_270 = vector.shape_cast %mul3A_261 : vector<16xf32> to vector<1x16xf32>
        tpu.vector_store %arg6[%swap3A_266, %swap3A_267], %swap3A_270 {strides = array<i32>} : memref<64x128xf32, #tpu.memory_space<vmem>>, vector<1x16xf32>,
        %mul3A_271 = arith.constant 4 : i32
        %mul3A_272 = arith.muli %scan3A_134, %mul3A_271 : i32
        %add3A_273 = arith.constant 0 : i32
        %add3A_274 = arith.addi %mul3A_272, %add3A_273 : i32
        %get3A_275 = arith.index_cast %add3A_274 : i32 to index
        %get3A_276 = arith.constant 48 : index
        %get3A_277 = tpu.vector_load %arg6[%get3A_275, %get3A_276] {strides = array<i32>} : memref<64x128xf32, #tpu.memory_space<vmem>>, vector<1x16xf32>,
        %get3A_278 = vector.shape_cast %get3A_277 : vector<1x16xf32> to vector<16xf32>
        %mul3A_279 = arith.constant 4 : i32
        %mul3A_280 = arith.muli %scan3A_134, %mul3A_279 : i32
        %add3A_281 = arith.constant 0 : i32
        %add3A_282 = arith.addi %mul3A_280, %add3A_281 : i32
        %get3A_283 = arith.index_cast %add3A_282 : i32 to index
        %get3A_284 = arith.constant 48 : index
        %get3A_285 = tpu.vector_load %arg7[%get3A_283, %get3A_284] {strides = array<i32>} : memref<64x128xf32, #tpu.memory_space<vmem>>, vector<1x16xf32>,
        %get3A_286 = vector.shape_cast %get3A_285 : vector<1x16xf32> to vector<16xf32>
        %add3A_287 = arith.addf %get3A_278, %get3A_286 : vector<16xf32>
        %mul3A_288 = arith.constant 4 : i32
        %mul3A_289 = arith.muli %scan3A_134, %mul3A_288 : i32
        %add3A_290 = arith.constant 0 : i32
        %add3A_291 = arith.addi %mul3A_289, %add3A_290 : i32
        %get3A_292 = arith.index_cast %add3A_291 : i32 to index
        %get3A_293 = arith.constant 48 : index
        %get3A_294 = tpu.vector_load %arg8[%get3A_292, %get3A_293] {strides = array<i32>} : memref<64x128xf32, #tpu.memory_space<vmem>>, vector<1x16xf32>,
        %get3A_295 = vector.shape_cast %get3A_294 : vector<1x16xf32> to vector<16xf32>
        %add3A_296 = arith.addf %add3A_287, %get3A_295 : vector<16xf32>
        %mul3A_297 = arith.constant 4 : i32
        %mul3A_298 = arith.muli %scan3A_134, %mul3A_297 : i32
        %add3A_299 = arith.constant 0 : i32
        %add3A_300 = arith.addi %mul3A_298, %add3A_299 : i32
        %get3A_301 = arith.index_cast %add3A_300 : i32 to index
        %get3A_302 = arith.constant 48 : index
        %get3A_303 = tpu.vector_load %arg9[%get3A_301, %get3A_302] {strides = array<i32>} : memref<64x128xf32, #tpu.memory_space<vmem>>, vector<1x16xf32>,
        %get3A_304 = vector.shape_cast %get3A_303 : vector<1x16xf32> to vector<16xf32>
        %add3A_305 = arith.addf %add3A_296, %get3A_304 : vector<16xf32>
        %mul3A_306 = vector.broadcast %while3A_27 : f32 to vector<16xf32>
        %mul3A_307 = arith.mulf %add3A_305, %mul3A_306 : vector<16xf32>
        %mul3A_308 = arith.constant 4 : i32
        %mul3A_309 = arith.muli %scan3A_134, %mul3A_308 : i32
        %add3A_310 = arith.constant 0 : i32
        %add3A_311 = arith.addi %mul3A_309, %add3A_310 : i32
        %swap3A_312 = arith.index_cast %add3A_311 : i32 to index
        %swap3A_313 = arith.constant 48 : index
        %swap3A_314 = tpu.vector_load %arg6[%swap3A_312, %swap3A_313] {strides = array<i32>} : memref<64x128xf32, #tpu.memory_space<vmem>>, vector<1x16xf32>,
        %swap3A_315 = vector.shape_cast %swap3A_314 : vector<1x16xf32> to vector<16xf32>
        %swap3A_316 = vector.shape_cast %mul3A_307 : vector<16xf32> to vector<1x16xf32>
        tpu.vector_store %arg6[%swap3A_312, %swap3A_313], %swap3A_316 {strides = array<i32>} : memref<64x128xf32, #tpu.memory_space<vmem>>, vector<1x16xf32>,
        %mul3A_317 = arith.constant 4 : i32
        %mul3A_318 = arith.muli %scan3A_134, %mul3A_317 : i32
        %add3A_319 = arith.constant 0 : i32
        %add3A_320 = arith.addi %mul3A_318, %add3A_319 : i32
        %get3A_321 = arith.index_cast %add3A_320 : i32 to index
        %get3A_322 = arith.constant 64 : index
        %get3A_323 = tpu.vector_load %arg6[%get3A_321, %get3A_322] {strides = array<i32>} : memref<64x128xf32, #tpu.memory_space<vmem>>, vector<1x16xf32>,
        %get3A_324 = vector.shape_cast %get3A_323 : vector<1x16xf32> to vector<16xf32>
        %mul3A_325 = arith.constant 4 : i32
        %mul3A_326 = arith.muli %scan3A_134, %mul3A_325 : i32
        %add3A_327 = arith.constant 0 : i32
        %add3A_328 = arith.addi %mul3A_326, %add3A_327 : i32
        %get3A_329 = arith.index_cast %add3A_328 : i32 to index
        %get3A_330 = arith.constant 64 : index
        %get3A_331 = tpu.vector_load %arg7[%get3A_329, %get3A_330] {strides = array<i32>} : memref<64x128xf32, #tpu.memory_space<vmem>>, vector<1x16xf32>,
        %get3A_332 = vector.shape_cast %get3A_331 : vector<1x16xf32> to vector<16xf32>
        %add3A_333 = arith.addf %get3A_324, %get3A_332 : vector<16xf32>
        %mul3A_334 = arith.constant 4 : i32
        %mul3A_335 = arith.muli %scan3A_134, %mul3A_334 : i32
        %add3A_336 = arith.constant 0 : i32
        %add3A_337 = arith.addi %mul3A_335, %add3A_336 : i32
        %get3A_338 = arith.index_cast %add3A_337 : i32 to index
        %get3A_339 = arith.constant 64 : index
        %get3A_340 = tpu.vector_load %arg8[%get3A_338, %get3A_339] {strides = array<i32>} : memref<64x128xf32, #tpu.memory_space<vmem>>, vector<1x16xf32>,
        %get3A_341 = vector.shape_cast %get3A_340 : vector<1x16xf32> to vector<16xf32>
        %add3A_342 = arith.addf %add3A_333, %get3A_341 : vector<16xf32>
        %mul3A_343 = arith.constant 4 : i32
        %mul3A_344 = arith.muli %scan3A_134, %mul3A_343 : i32
        %add3A_345 = arith.constant 0 : i32
        %add3A_346 = arith.addi %mul3A_344, %add3A_345 : i32
        %get3A_347 = arith.index_cast %add3A_346 : i32 to index
        %get3A_348 = arith.constant 64 : index
        %get3A_349 = tpu.vector_load %arg9[%get3A_347, %get3A_348] {strides = array<i32>} : memref<64x128xf32, #tpu.memory_space<vmem>>, vector<1x16xf32>,
        %get3A_350 = vector.shape_cast %get3A_349 : vector<1x16xf32> to vector<16xf32>
        %add3A_351 = arith.addf %add3A_342, %get3A_350 : vector<16xf32>
        %mul3A_352 = vector.broadcast %while3A_27 : f32 to vector<16xf32>
        %mul3A_353 = arith.mulf %add3A_351, %mul3A_352 : vector<16xf32>
        %mul3A_354 = arith.constant 4 : i32
        %mul3A_355 = arith.muli %scan3A_134, %mul3A_354 : i32
        %add3A_356 = arith.constant 0 : i32
        %add3A_357 = arith.addi %mul3A_355, %add3A_356 : i32
        %swap3A_358 = arith.index_cast %add3A_357 : i32 to index
        %swap3A_359 = arith.constant 64 : index
        %swap3A_360 = tpu.vector_load %arg6[%swap3A_358, %swap3A_359] {strides = array<i32>} : memref<64x128xf32, #tpu.memory_space<vmem>>, vector<1x16xf32>,
        %swap3A_361 = vector.shape_cast %swap3A_360 : vector<1x16xf32> to vector<16xf32>
        %swap3A_362 = vector.shape_cast %mul3A_353 : vector<16xf32> to vector<1x16xf32>
        tpu.vector_store %arg6[%swap3A_358, %swap3A_359], %swap3A_362 {strides = array<i32>} : memref<64x128xf32, #tpu.memory_space<vmem>>, vector<1x16xf32>,
        %mul3A_363 = arith.constant 4 : i32
        %mul3A_364 = arith.muli %scan3A_134, %mul3A_363 : i32
        %add3A_365 = arith.constant 0 : i32
        %add3A_366 = arith.addi %mul3A_364, %add3A_365 : i32
        %get3A_367 = arith.index_cast %add3A_366 : i32 to index
        %get3A_368 = arith.constant 80 : index
        %get3A_369 = tpu.vector_load %arg6[%get3A_367, %get3A_368] {strides = array<i32>} : memref<64x128xf32, #tpu.memory_space<vmem>>, vector<1x16xf32>,
        %get3A_370 = vector.shape_cast %get3A_369 : vector<1x16xf32> to vector<16xf32>
        %mul3A_371 = arith.constant 4 : i32
        %mul3A_372 = arith.muli %scan3A_134, %mul3A_371 : i32
        %add3A_373 = arith.constant 0 : i32
        %add3A_374 = arith.addi %mul3A_372, %add3A_373 : i32
        %get3A_375 = arith.index_cast %add3A_374 : i32 to index
        %get3A_376 = arith.constant 80 : index
        %get3A_377 = tpu.vector_load %arg7[%get3A_375, %get3A_376] {strides = array<i32>} : memref<64x128xf32, #tpu.memory_space<vmem>>, vector<1x16xf32>,
        %get3A_378 = vector.shape_cast %get3A_377 : vector<1x16xf32> to vector<16xf32>
        %add3A_379 = arith.addf %get3A_370, %get3A_378 : vector<16xf32>
        %mul3A_380 = arith.constant 4 : i32
        %mul3A_381 = arith.muli %scan3A_134, %mul3A_380 : i32
        %add3A_382 = arith.constant 0 : i32
        %add3A_383 = arith.addi %mul3A_381, %add3A_382 : i32
        %get3A_384 = arith.index_cast %add3A_383 : i32 to index
        %get3A_385 = arith.constant 80 : index
        %get3A_386 = tpu.vector_load %arg8[%get3A_384, %get3A_385] {strides = array<i32>} : memref<64x128xf32, #tpu.memory_space<vmem>>, vector<1x16xf32>,
        %get3A_387 = vector.shape_cast %get3A_386 : vector<1x16xf32> to vector<16xf32>
        %add3A_388 = arith.addf %add3A_379, %get3A_387 : vector<16xf32>
        %mul3A_389 = arith.constant 4 : i32
        %mul3A_390 = arith.muli %scan3A_134, %mul3A_389 : i32
        %add3A_391 = arith.constant 0 : i32
        %add3A_392 = arith.addi %mul3A_390, %add3A_391 : i32
        %get3A_393 = arith.index_cast %add3A_392 : i32 to index
        %get3A_394 = arith.constant 80 : index
        %get3A_395 = tpu.vector_load %arg9[%get3A_393, %get3A_394] {strides = array<i32>} : memref<64x128xf32, #tpu.memory_space<vmem>>, vector<1x16xf32>,
        %get3A_396 = vector.shape_cast %get3A_395 : vector<1x16xf32> to vector<16xf32>
        %add3A_397 = arith.addf %add3A_388, %get3A_396 : vector<16xf32>
        %mul3A_398 = vector.broadcast %while3A_27 : f32 to vector<16xf32>
        %mul3A_399 = arith.mulf %add3A_397, %mul3A_398 : vector<16xf32>
        %mul3A_400 = arith.constant 4 : i32
        %mul3A_401 = arith.muli %scan3A_134, %mul3A_400 : i32
        %add3A_402 = arith.constant 0 : i32
        %add3A_403 = arith.addi %mul3A_401, %add3A_402 : i32
        %swap3A_404 = arith.index_cast %add3A_403 : i32 to index
        %swap3A_405 = arith.constant 80 : index
        %swap3A_406 = tpu.vector_load %arg6[%swap3A_404, %swap3A_405] {strides = array<i32>} : memref<64x128xf32, #tpu.memory_space<vmem>>, vector<1x16xf32>,
        %swap3A_407 = vector.shape_cast %swap3A_406 : vector<1x16xf32> to vector<16xf32>
        %swap3A_408 = vector.shape_cast %mul3A_399 : vector<16xf32> to vector<1x16xf32>
        tpu.vector_store %arg6[%swap3A_404, %swap3A_405], %swap3A_408 {strides = array<i32>} : memref<64x128xf32, #tpu.memory_space<vmem>>, vector<1x16xf32>,
        %mul3A_409 = arith.constant 4 : i32
        %mul3A_410 = arith.muli %scan3A_134, %mul3A_409 : i32
        %add3A_411 = arith.constant 0 : i32
        %add3A_412 = arith.addi %mul3A_410, %add3A_411 : i32
        %get3A_413 = arith.index_cast %add3A_412 : i32 to index
        %get3A_414 = arith.constant 96 : index
        %get3A_415 = tpu.vector_load %arg6[%get3A_413, %get3A_414] {strides = array<i32>} : memref<64x128xf32, #tpu.memory_space<vmem>>, vector<1x16xf32>,
        %get3A_416 = vector.shape_cast %get3A_415 : vector<1x16xf32> to vector<16xf32>
        %mul3A_417 = arith.constant 4 : i32
        %mul3A_418 = arith.muli %scan3A_134, %mul3A_417 : i32
        %add3A_419 = arith.constant 0 : i32
        %add3A_420 = arith.addi %mul3A_418, %add3A_419 : i32
        %get3A_421 = arith.index_cast %add3A_420 : i32 to index
        %get3A_422 = arith.constant 96 : index
        %get3A_423 = tpu.vector_load %arg7[%get3A_421, %get3A_422] {strides = array<i32>} : memref<64x128xf32, #tpu.memory_space<vmem>>, vector<1x16xf32>,
        %get3A_424 = vector.shape_cast %get3A_423 : vector<1x16xf32> to vector<16xf32>
        %add3A_425 = arith.addf %get3A_416, %get3A_424 : vector<16xf32>
        %mul3A_426 = arith.constant 4 : i32
        %mul3A_427 = arith.muli %scan3A_134, %mul3A_426 : i32
        %add3A_428 = arith.constant 0 : i32
        %add3A_429 = arith.addi %mul3A_427, %add3A_428 : i32
        %get3A_430 = arith.index_cast %add3A_429 : i32 to index
        %get3A_431 = arith.constant 96 : index
        %get3A_432 = tpu.vector_load %arg8[%get3A_430, %get3A_431] {strides = array<i32>} : memref<64x128xf32, #tpu.memory_space<vmem>>, vector<1x16xf32>,
        %get3A_433 = vector.shape_cast %get3A_432 : vector<1x16xf32> to vector<16xf32>
        %add3A_434 = arith.addf %add3A_425, %get3A_433 : vector<16xf32>
        %mul3A_435 = arith.constant 4 : i32
        %mul3A_436 = arith.muli %scan3A_134, %mul3A_435 : i32
        %add3A_437 = arith.constant 0 : i32
        %add3A_438 = arith.addi %mul3A_436, %add3A_437 : i32
        %get3A_439 = arith.index_cast %add3A_438 : i32 to index
        %get3A_440 = arith.constant 96 : index
        %get3A_441 = tpu.vector_load %arg9[%get3A_439, %get3A_440] {strides = array<i32>} : memref<64x128xf32, #tpu.memory_space<vmem>>, vector<1x16xf32>,
        %get3A_442 = vector.shape_cast %get3A_441 : vector<1x16xf32> to vector<16xf32>
        %add3A_443 = arith.addf %add3A_434, %get3A_442 : vector<16xf32>
        %mul3A_444 = vector.broadcast %while3A_27 : f32 to vector<16xf32>
        %mul3A_445 = arith.mulf %add3A_443, %mul3A_444 : vector<16xf32>
        %mul3A_446 = arith.constant 4 : i32
        %mul3A_447 = arith.muli %scan3A_134, %mul3A_446 : i32
        %add3A_448 = arith.constant 0 : i32
        %add3A_449 = arith.addi %mul3A_447, %add3A_448 : i32
        %swap3A_450 = arith.index_cast %add3A_449 : i32 to index
        %swap3A_451 = arith.constant 96 : index
        %swap3A_452 = tpu.vector_load %arg6[%swap3A_450, %swap3A_451] {strides = array<i32>} : memref<64x128xf32, #tpu.memory_space<vmem>>, vector<1x16xf32>,
        %swap3A_453 = vector.shape_cast %swap3A_452 : vector<1x16xf32> to vector<16xf32>
        %swap3A_454 = vector.shape_cast %mul3A_445 : vector<16xf32> to vector<1x16xf32>
        tpu.vector_store %arg6[%swap3A_450, %swap3A_451], %swap3A_454 {strides = array<i32>} : memref<64x128xf32, #tpu.memory_space<vmem>>, vector<1x16xf32>,
        %mul3A_455 = arith.constant 4 : i32
        %mul3A_456 = arith.muli %scan3A_134, %mul3A_455 : i32
        %add3A_457 = arith.constant 0 : i32
        %add3A_458 = arith.addi %mul3A_456, %add3A_457 : i32
        %get3A_459 = arith.index_cast %add3A_458 : i32 to index
        %get3A_460 = arith.constant 112 : index
        %get3A_461 = tpu.vector_load %arg6[%get3A_459, %get3A_460] {strides = array<i32>} : memref<64x128xf32, #tpu.memory_space<vmem>>, vector<1x16xf32>,
        %get3A_462 = vector.shape_cast %get3A_461 : vector<1x16xf32> to vector<16xf32>
        %mul3A_463 = arith.constant 4 : i32
        %mul3A_464 = arith.muli %scan3A_134, %mul3A_463 : i32
        %add3A_465 = arith.constant 0 : i32
        %add3A_466 = arith.addi %mul3A_464, %add3A_465 : i32
        %get3A_467 = arith.index_cast %add3A_466 : i32 to index
        %get3A_468 = arith.constant 112 : index
        %get3A_469 = tpu.vector_load %arg7[%get3A_467, %get3A_468] {strides = array<i32>} : memref<64x128xf32, #tpu.memory_space<vmem>>, vector<1x16xf32>,
        %get3A_470 = vector.shape_cast %get3A_469 : vector<1x16xf32> to vector<16xf32>
        %add3A_471 = arith.addf %get3A_462, %get3A_470 : vector<16xf32>
        %mul3A_472 = arith.constant 4 : i32
        %mul3A_473 = arith.muli %scan3A_134, %mul3A_472 : i32
        %add3A_474 = arith.constant 0 : i32
        %add3A_475 = arith.addi %mul3A_473, %add3A_474 : i32
        %get3A_476 = arith.index_cast %add3A_475 : i32 to index
        %get3A_477 = arith.constant 112 : index
        %get3A_478 = tpu.vector_load %arg8[%get3A_476, %get3A_477] {strides = array<i32>} : memref<64x128xf32, #tpu.memory_space<vmem>>, vector<1x16xf32>,
        %get3A_479 = vector.shape_cast %get3A_478 : vector<1x16xf32> to vector<16xf32>
        %add3A_480 = arith.addf %add3A_471, %get3A_479 : vector<16xf32>
        %mul3A_481 = arith.constant 4 : i32
        %mul3A_482 = arith.muli %scan3A_134, %mul3A_481 : i32
        %add3A_483 = arith.constant 0 : i32
        %add3A_484 = arith.addi %mul3A_482, %add3A_483 : i32
        %get3A_485 = arith.index_cast %add3A_484 : i32 to index
        %get3A_486 = arith.constant 112 : index
        %get3A_487 = tpu.vector_load %arg9[%get3A_485, %get3A_486] {strides = array<i32>} : memref<64x128xf32, #tpu.memory_space<vmem>>, vector<1x16xf32>,
        %get3A_488 = vector.shape_cast %get3A_487 : vector<1x16xf32> to vector<16xf32>
        %add3A_489 = arith.addf %add3A_480, %get3A_488 : vector<16xf32>
        %mul3A_490 = vector.broadcast %while3A_27 : f32 to vector<16xf32>
        %mul3A_491 = arith.mulf %add3A_489, %mul3A_490 : vector<16xf32>
        %mul3A_492 = arith.constant 4 : i32
        %mul3A_493 = arith.muli %scan3A_134, %mul3A_492 : i32
        %add3A_494 = arith.constant 0 : i32
        %add3A_495 = arith.addi %mul3A_493, %add3A_494 : i32
        %swap3A_496 = arith.index_cast %add3A_495 : i32 to index
        %swap3A_497 = arith.constant 112 : index
        %swap3A_498 = tpu.vector_load %arg6[%swap3A_496, %swap3A_497] {strides = array<i32>} : memref<64x128xf32, #tpu.memory_space<vmem>>, vector<1x16xf32>,
        %swap3A_499 = vector.shape_cast %swap3A_498 : vector<1x16xf32> to vector<16xf32>
        %swap3A_500 = vector.shape_cast %mul3A_491 : vector<16xf32> to vector<1x16xf32>
        tpu.vector_store %arg6[%swap3A_496, %swap3A_497], %swap3A_500 {strides = array<i32>} : memref<64x128xf32, #tpu.memory_space<vmem>>, vector<1x16xf32>,
        %mul3A_501 = arith.constant 4 : i32
        %mul3A_502 = arith.muli %scan3A_134, %mul3A_501 : i32
        %add3A_503 = arith.constant 1 : i32
        %add3A_504 = arith.addi %mul3A_502, %add3A_503 : i32
        %get3A_505 = arith.index_cast %add3A_504 : i32 to index
        %get3A_506 = arith.constant 0 : index
        %get3A_507 = tpu.vector_load %arg6[%get3A_505, %get3A_506] {strides = array<i32>} : memref<64x128xf32, #tpu.memory_space<vmem>>, vector<1x16xf32>,
        %get3A_508 = vector.shape_cast %get3A_507 : vector<1x16xf32> to vector<16xf32>
        %mul3A_509 = arith.constant 4 : i32
        %mul3A_510 = arith.muli %scan3A_134, %mul3A_509 : i32
        %add3A_511 = arith.constant 1 : i32
        %add3A_512 = arith.addi %mul3A_510, %add3A_511 : i32
        %get3A_513 = arith.index_cast %add3A_512 : i32 to index
        %get3A_514 = arith.constant 0 : index
        %get3A_515 = tpu.vector_load %arg7[%get3A_513, %get3A_514] {strides = array<i32>} : memref<64x128xf32, #tpu.memory_space<vmem>>, vector<1x16xf32>,
        %get3A_516 = vector.shape_cast %get3A_515 : vector<1x16xf32> to vector<16xf32>
        %add3A_517 = arith.addf %get3A_508, %get3A_516 : vector<16xf32>
        %mul3A_518 = arith.constant 4 : i32
        %mul3A_519 = arith.muli %scan3A_134, %mul3A_518 : i32
        %add3A_520 = arith.constant 1 : i32
        %add3A_521 = arith.addi %mul3A_519, %add3A_520 : i32
        %get3A_522 = arith.index_cast %add3A_521 : i32 to index
        %get3A_523 = arith.constant 0 : index
        %get3A_524 = tpu.vector_load %arg8[%get3A_522, %get3A_523] {strides = array<i32>} : memref<64x128xf32, #tpu.memory_space<vmem>>, vector<1x16xf32>,
        %get3A_525 = vector.shape_cast %get3A_524 : vector<1x16xf32> to vector<16xf32>
        %add3A_526 = arith.addf %add3A_517, %get3A_525 : vector<16xf32>
        %mul3A_527 = arith.constant 4 : i32
        %mul3A_528 = arith.muli %scan3A_134, %mul3A_527 : i32
        %add3A_529 = arith.constant 1 : i32
        %add3A_530 = arith.addi %mul3A_528, %add3A_529 : i32
        %get3A_531 = arith.index_cast %add3A_530 : i32 to index
        %get3A_532 = arith.constant 0 : index
        %get3A_533 = tpu.vector_load %arg9[%get3A_531, %get3A_532] {strides = array<i32>} : memref<64x128xf32, #tpu.memory_space<vmem>>, vector<1x16xf32>,
        %get3A_534 = vector.shape_cast %get3A_533 : vector<1x16xf32> to vector<16xf32>
        %add3A_535 = arith.addf %add3A_526, %get3A_534 : vector<16xf32>
        %mul3A_536 = vector.broadcast %while3A_27 : f32 to vector<16xf32>
        %mul3A_537 = arith.mulf %add3A_535, %mul3A_536 : vector<16xf32>
        %mul3A_538 = arith.constant 4 : i32
        %mul3A_539 = arith.muli %scan3A_134, %mul3A_538 : i32
        %add3A_540 = arith.constant 1 : i32
        %add3A_541 = arith.addi %mul3A_539, %add3A_540 : i32
        %swap3A_542 = arith.index_cast %add3A_541 : i32 to index
        %swap3A_543 = arith.constant 0 : index
        %swap3A_544 = tpu.vector_load %arg6[%swap3A_542, %swap3A_543] {strides = array<i32>} : memref<64x128xf32, #tpu.memory_space<vmem>>, vector<1x16xf32>,
        %swap3A_545 = vector.shape_cast %swap3A_544 : vector<1x16xf32> to vector<16xf32>
        %swap3A_546 = vector.shape_cast %mul3A_537 : vector<16xf32> to vector<1x16xf32>
        tpu.vector_store %arg6[%swap3A_542, %swap3A_543], %swap3A_546 {strides = array<i32>} : memref<64x128xf32, #tpu.memory_space<vmem>>, vector<1x16xf32>,
        %mul3A_547 = arith.constant 4 : i32
        %mul3A_548 = arith.muli %scan3A_134, %mul3A_547 : i32
        %add3A_549 = arith.constant 1 : i32
        %add3A_550 = arith.addi %mul3A_548, %add3A_549 : i32
        %get3A_551 = arith.index_cast %add3A_550 : i32 to index
        %get3A_552 = arith.constant 16 : index
        %get3A_553 = tpu.vector_load %arg6[%get3A_551, %get3A_552] {strides = array<i32>} : memref<64x128xf32, #tpu.memory_space<vmem>>, vector<1x16xf32>,
        %get3A_554 = vector.shape_cast %get3A_553 : vector<1x16xf32> to vector<16xf32>
        %mul3A_555 = arith.constant 4 : i32
        %mul3A_556 = arith.muli %scan3A_134, %mul3A_555 : i32
        %add3A_557 = arith.constant 1 : i32
        %add3A_558 = arith.addi %mul3A_556, %add3A_557 : i32
        %get3A_559 = arith.index_cast %add3A_558 : i32 to index
        %get3A_560 = arith.constant 16 : index
        %get3A_561 = tpu.vector_load %arg7[%get3A_559, %get3A_560] {strides = array<i32>} : memref<64x128xf32, #tpu.memory_space<vmem>>, vector<1x16xf32>,
        %get3A_562 = vector.shape_cast %get3A_561 : vector<1x16xf32> to vector<16xf32>
        %add3A_563 = arith.addf %get3A_554, %get3A_562 : vector<16xf32>
        %mul3A_564 = arith.constant 4 : i32
        %mul3A_565 = arith.muli %scan3A_134, %mul3A_564 : i32
        %add3A_566 = arith.constant 1 : i32
        %add3A_567 = arith.addi %mul3A_565, %add3A_566 : i32
        %get3A_568 = arith.index_cast %add3A_567 : i32 to index
        %get3A_569 = arith.constant 16 : index
        %get3A_570 = tpu.vector_load %arg8[%get3A_568, %get3A_569] {strides = array<i32>} : memref<64x128xf32, #tpu.memory_space<vmem>>, vector<1x16xf32>,
        %get3A_571 = vector.shape_cast %get3A_570 : vector<1x16xf32> to vector<16xf32>
        %add3A_572 = arith.addf %add3A_563, %get3A_571 : vector<16xf32>
        %mul3A_573 = arith.constant 4 : i32
        %mul3A_574 = arith.muli %scan3A_134, %mul3A_573 : i32
        %add3A_575 = arith.constant 1 : i32
        %add3A_576 = arith.addi %mul3A_574, %add3A_575 : i32
        %get3A_577 = arith.index_cast %add3A_576 : i32 to index
        %get3A_578 = arith.constant 16 : index
        %get3A_579 = tpu.vector_load %arg9[%get3A_577, %get3A_578] {strides = array<i32>} : memref<64x128xf32, #tpu.memory_space<vmem>>, vector<1x16xf32>,
        %get3A_580 = vector.shape_cast %get3A_579 : vector<1x16xf32> to vector<16xf32>
        %add3A_581 = arith.addf %add3A_572, %get3A_580 : vector<16xf32>
        %mul3A_582 = vector.broadcast %while3A_27 : f32 to vector<16xf32>
        %mul3A_583 = arith.mulf %add3A_581, %mul3A_582 : vector<16xf32>
        %mul3A_584 = arith.constant 4 : i32
        %mul3A_585 = arith.muli %scan3A_134, %mul3A_584 : i32
        %add3A_586 = arith.constant 1 : i32
        %add3A_587 = arith.addi %mul3A_585, %add3A_586 : i32
        %swap3A_588 = arith.index_cast %add3A_587 : i32 to index
        %swap3A_589 = arith.constant 16 : index
        %swap3A_590 = tpu.vector_load %arg6[%swap3A_588, %swap3A_589] {strides = array<i32>} : memref<64x128xf32, #tpu.memory_space<vmem>>, vector<1x16xf32>,
        %swap3A_591 = vector.shape_cast %swap3A_590 : vector<1x16xf32> to vector<16xf32>
        %swap3A_592 = vector.shape_cast %mul3A_583 : vector<16xf32> to vector<1x16xf32>
        tpu.vector_store %arg6[%swap3A_588, %swap3A_589], %swap3A_592 {strides = array<i32>} : memref<64x128xf32, #tpu.memory_space<vmem>>, vector<1x16xf32>,
        %mul3A_593 = arith.constant 4 : i32
        %mul3A_594 = arith.muli %scan3A_134, %mul3A_593 : i32
        %add3A_595 = arith.constant 1 : i32
        %add3A_596 = arith.addi %mul3A_594, %add3A_595 : i32
        %get3A_597 = arith.index_cast %add3A_596 : i32 to index
        %get3A_598 = arith.constant 32 : index
        %get3A_599 = tpu.vector_load %arg6[%get3A_597, %get3A_598] {strides = array<i32>} : memref<64x128xf32, #tpu.memory_space<vmem>>, vector<1x16xf32>,
        %get3A_600 = vector.shape_cast %get3A_599 : vector<1x16xf32> to vector<16xf32>
        %mul3A_601 = arith.constant 4 : i32
        %mul3A_602 = arith.muli %scan3A_134, %mul3A_601 : i32
        %add3A_603 = arith.constant 1 : i32
        %add3A_604 = arith.addi %mul3A_602, %add3A_603 : i32
        %get3A_605 = arith.index_cast %add3A_604 : i32 to index
        %get3A_606 = arith.constant 32 : index
        %get3A_607 = tpu.vector_load %arg7[%get3A_605, %get3A_606] {strides = array<i32>} : memref<64x128xf32, #tpu.memory_space<vmem>>, vector<1x16xf32>,
        %get3A_608 = vector.shape_cast %get3A_607 : vector<1x16xf32> to vector<16xf32>
        %add3A_609 = arith.addf %get3A_600, %get3A_608 : vector<16xf32>
        %mul3A_610 = arith.constant 4 : i32
        %mul3A_611 = arith.muli %scan3A_134, %mul3A_610 : i32
        %add3A_612 = arith.constant 1 : i32
        %add3A_613 = arith.addi %mul3A_611, %add3A_612 : i32
        %get3A_614 = arith.index_cast %add3A_613 : i32 to index
        %get3A_615 = arith.constant 32 : index
        %get3A_616 = tpu.vector_load %arg8[%get3A_614, %get3A_615] {strides = array<i32>} : memref<64x128xf32, #tpu.memory_space<vmem>>, vector<1x16xf32>,
        %get3A_617 = vector.shape_cast %get3A_616 : vector<1x16xf32> to vector<16xf32>
        %add3A_618 = arith.addf %add3A_609, %get3A_617 : vector<16xf32>
        %mul3A_619 = arith.constant 4 : i32
        %mul3A_620 = arith.muli %scan3A_134, %mul3A_619 : i32
        %add3A_621 = arith.constant 1 : i32
        %add3A_622 = arith.addi %mul3A_620, %add3A_621 : i32
        %get3A_623 = arith.index_cast %add3A_622 : i32 to index
        %get3A_624 = arith.constant 32 : index
        %get3A_625 = tpu.vector_load %arg9[%get3A_623, %get3A_624] {strides = array<i32>} : memref<64x128xf32, #tpu.memory_space<vmem>>, vector<1x16xf32>,
        %get3A_626 = vector.shape_cast %get3A_625 : vector<1x16xf32> to vector<16xf32>
        %add3A_627 = arith.addf %add3A_618, %get3A_626 : vector<16xf32>
        %mul3A_628 = vector.broadcast %while3A_27 : f32 to vector<16xf32>
        %mul3A_629 = arith.mulf %add3A_627, %mul3A_628 : vector<16xf32>
        %mul3A_630 = arith.constant 4 : i32
        %mul3A_631 = arith.muli %scan3A_134, %mul3A_630 : i32
        %add3A_632 = arith.constant 1 : i32
        %add3A_633 = arith.addi %mul3A_631, %add3A_632 : i32
        %swap3A_634 = arith.index_cast %add3A_633 : i32 to index
        %swap3A_635 = arith.constant 32 : index
        %swap3A_636 = tpu.vector_load %arg6[%swap3A_634, %swap3A_635] {strides = array<i32>} : memref<64x128xf32, #tpu.memory_space<vmem>>, vector<1x16xf32>,
        %swap3A_637 = vector.shape_cast %swap3A_636 : vector<1x16xf32> to vector<16xf32>
        %swap3A_638 = vector.shape_cast %mul3A_629 : vector<16xf32> to vector<1x16xf32>
        tpu.vector_store %arg6[%swap3A_634, %swap3A_635], %swap3A_638 {strides = array<i32>} : memref<64x128xf32, #tpu.memory_space<vmem>>, vector<1x16xf32>,
        %mul3A_639 = arith.constant 4 : i32
        %mul3A_640 = arith.muli %scan3A_134, %mul3A_639 : i32
        %add3A_641 = arith.constant 1 : i32
        %add3A_642 = arith.addi %mul3A_640, %add3A_641 : i32
        %get3A_643 = arith.index_cast %add3A_642 : i32 to index
        %get3A_644 = arith.constant 48 : index
        %get3A_645 = tpu.vector_load %arg6[%get3A_643, %get3A_644] {strides = array<i32>} : memref<64x128xf32, #tpu.memory_space<vmem>>, vector<1x16xf32>,
        %get3A_646 = vector.shape_cast %get3A_645 : vector<1x16xf32> to vector<16xf32>
        %mul3A_647 = arith.constant 4 : i32
        %mul3A_648 = arith.muli %scan3A_134, %mul3A_647 : i32
        %add3A_649 = arith.constant 1 : i32
        %add3A_650 = arith.addi %mul3A_648, %add3A_649 : i32
        %get3A_651 = arith.index_cast %add3A_650 : i32 to index
        %get3A_652 = arith.constant 48 : index
        %get3A_653 = tpu.vector_load %arg7[%get3A_651, %get3A_652] {strides = array<i32>} : memref<64x128xf32, #tpu.memory_space<vmem>>, vector<1x16xf32>,
        %get3A_654 = vector.shape_cast %get3A_653 : vector<1x16xf32> to vector<16xf32>
        %add3A_655 = arith.addf %get3A_646, %get3A_654 : vector<16xf32>
        %mul3A_656 = arith.constant 4 : i32
        %mul3A_657 = arith.muli %scan3A_134, %mul3A_656 : i32
        %add3A_658 = arith.constant 1 : i32
        %add3A_659 = arith.addi %mul3A_657, %add3A_658 : i32
        %get3A_660 = arith.index_cast %add3A_659 : i32 to index
        %get3A_661 = arith.constant 48 : index
        %get3A_662 = tpu.vector_load %arg8[%get3A_660, %get3A_661] {strides = array<i32>} : memref<64x128xf32, #tpu.memory_space<vmem>>, vector<1x16xf32>,
        %get3A_663 = vector.shape_cast %get3A_662 : vector<1x16xf32> to vector<16xf32>
        %add3A_664 = arith.addf %add3A_655, %get3A_663 : vector<16xf32>
        %mul3A_665 = arith.constant 4 : i32
        %mul3A_666 = arith.muli %scan3A_134, %mul3A_665 : i32
        %add3A_667 = arith.constant 1 : i32
        %add3A_668 = arith.addi %mul3A_666, %add3A_667 : i32
        %get3A_669 = arith.index_cast %add3A_668 : i32 to index
        %get3A_670 = arith.constant 48 : index
        %get3A_671 = tpu.vector_load %arg9[%get3A_669, %get3A_670] {strides = array<i32>} : memref<64x128xf32, #tpu.memory_space<vmem>>, vector<1x16xf32>,
        %get3A_672 = vector.shape_cast %get3A_671 : vector<1x16xf32> to vector<16xf32>
        %add3A_673 = arith.addf %add3A_664, %get3A_672 : vector<16xf32>
        %mul3A_674 = vector.broadcast %while3A_27 : f32 to vector<16xf32>
        %mul3A_675 = arith.mulf %add3A_673, %mul3A_674 : vector<16xf32>
        %mul3A_676 = arith.constant 4 : i32
        %mul3A_677 = arith.muli %scan3A_134, %mul3A_676 : i32
        %add3A_678 = arith.constant 1 : i32
        %add3A_679 = arith.addi %mul3A_677, %add3A_678 : i32
        %swap3A_680 = arith.index_cast %add3A_679 : i32 to index
        %swap3A_681 = arith.constant 48 : index
        %swap3A_682 = tpu.vector_load %arg6[%swap3A_680, %swap3A_681] {strides = array<i32>} : memref<64x128xf32, #tpu.memory_space<vmem>>, vector<1x16xf32>,
        %swap3A_683 = vector.shape_cast %swap3A_682 : vector<1x16xf32> to vector<16xf32>
        %swap3A_684 = vector.shape_cast %mul3A_675 : vector<16xf32> to vector<1x16xf32>
        tpu.vector_store %arg6[%swap3A_680, %swap3A_681], %swap3A_684 {strides = array<i32>} : memref<64x128xf32, #tpu.memory_space<vmem>>, vector<1x16xf32>,
        %mul3A_685 = arith.constant 4 : i32
        %mul3A_686 = arith.muli %scan3A_134, %mul3A_685 : i32
        %add3A_687 = arith.constant 1 : i32
        %add3A_688 = arith.addi %mul3A_686, %add3A_687 : i32
        %get3A_689 = arith.index_cast %add3A_688 : i32 to index
        %get3A_690 = arith.constant 64 : index
        %get3A_691 = tpu.vector_load %arg6[%get3A_689, %get3A_690] {strides = array<i32>} : memref<64x128xf32, #tpu.memory_space<vmem>>, vector<1x16xf32>,
        %get3A_692 = vector.shape_cast %get3A_691 : vector<1x16xf32> to vector<16xf32>
        %mul3A_693 = arith.constant 4 : i32
        %mul3A_694 = arith.muli %scan3A_134, %mul3A_693 : i32
        %add3A_695 = arith.constant 1 : i32
        %add3A_696 = arith.addi %mul3A_694, %add3A_695 : i32
        %get3A_697 = arith.index_cast %add3A_696 : i32 to index
        %get3A_698 = arith.constant 64 : index
        %get3A_699 = tpu.vector_load %arg7[%get3A_697, %get3A_698] {strides = array<i32>} : memref<64x128xf32, #tpu.memory_space<vmem>>, vector<1x16xf32>,
        %get3A_700 = vector.shape_cast %get3A_699 : vector<1x16xf32> to vector<16xf32>
        %add3A_701 = arith.addf %get3A_692, %get3A_700 : vector<16xf32>
        %mul3A_702 = arith.constant 4 : i32
        %mul3A_703 = arith.muli %scan3A_134, %mul3A_702 : i32
        %add3A_704 = arith.constant 1 : i32
        %add3A_705 = arith.addi %mul3A_703, %add3A_704 : i32
        %get3A_706 = arith.index_cast %add3A_705 : i32 to index
        %get3A_707 = arith.constant 64 : index
        %get3A_708 = tpu.vector_load %arg8[%get3A_706, %get3A_707] {strides = array<i32>} : memref<64x128xf32, #tpu.memory_space<vmem>>, vector<1x16xf32>,
        %get3A_709 = vector.shape_cast %get3A_708 : vector<1x16xf32> to vector<16xf32>
        %add3A_710 = arith.addf %add3A_701, %get3A_709 : vector<16xf32>
        %mul3A_711 = arith.constant 4 : i32
        %mul3A_712 = arith.muli %scan3A_134, %mul3A_711 : i32
        %add3A_713 = arith.constant 1 : i32
        %add3A_714 = arith.addi %mul3A_712, %add3A_713 : i32
        %get3A_715 = arith.index_cast %add3A_714 : i32 to index
        %get3A_716 = arith.constant 64 : index
        %get3A_717 = tpu.vector_load %arg9[%get3A_715, %get3A_716] {strides = array<i32>} : memref<64x128xf32, #tpu.memory_space<vmem>>, vector<1x16xf32>,
        %get3A_718 = vector.shape_cast %get3A_717 : vector<1x16xf32> to vector<16xf32>
        %add3A_719 = arith.addf %add3A_710, %get3A_718 : vector<16xf32>
        %mul3A_720 = vector.broadcast %while3A_27 : f32 to vector<16xf32>
        %mul3A_721 = arith.mulf %add3A_719, %mul3A_720 : vector<16xf32>
        %mul3A_722 = arith.constant 4 : i32
        %mul3A_723 = arith.muli %scan3A_134, %mul3A_722 : i32
        %add3A_724 = arith.constant 1 : i32
        %add3A_725 = arith.addi %mul3A_723, %add3A_724 : i32
        %swap3A_726 = arith.index_cast %add3A_725 : i32 to index
        %swap3A_727 = arith.constant 64 : index
        %swap3A_728 = tpu.vector_load %arg6[%swap3A_726, %swap3A_727] {strides = array<i32>} : memref<64x128xf32, #tpu.memory_space<vmem>>, vector<1x16xf32>,
        %swap3A_729 = vector.shape_cast %swap3A_728 : vector<1x16xf32> to vector<16xf32>
        %swap3A_730 = vector.shape_cast %mul3A_721 : vector<16xf32> to vector<1x16xf32>
        tpu.vector_store %arg6[%swap3A_726, %swap3A_727], %swap3A_730 {strides = array<i32>} : memref<64x128xf32, #tpu.memory_space<vmem>>, vector<1x16xf32>,
        %mul3A_731 = arith.constant 4 : i32
        %mul3A_732 = arith.muli %scan3A_134, %mul3A_731 : i32
        %add3A_733 = arith.constant 1 : i32
        %add3A_734 = arith.addi %mul3A_732, %add3A_733 : i32
        %get3A_735 = arith.index_cast %add3A_734 : i32 to index
        %get3A_736 = arith.constant 80 : index
        %get3A_737 = tpu.vector_load %arg6[%get3A_735, %get3A_736] {strides = array<i32>} : memref<64x128xf32, #tpu.memory_space<vmem>>, vector<1x16xf32>,
        %get3A_738 = vector.shape_cast %get3A_737 : vector<1x16xf32> to vector<16xf32>
        %mul3A_739 = arith.constant 4 : i32
        %mul3A_740 = arith.muli %scan3A_134, %mul3A_739 : i32
        %add3A_741 = arith.constant 1 : i32
        %add3A_742 = arith.addi %mul3A_740, %add3A_741 : i32
        %get3A_743 = arith.index_cast %add3A_742 : i32 to index
        %get3A_744 = arith.constant 80 : index
        %get3A_745 = tpu.vector_load %arg7[%get3A_743, %get3A_744] {strides = array<i32>} : memref<64x128xf32, #tpu.memory_space<vmem>>, vector<1x16xf32>,
        %get3A_746 = vector.shape_cast %get3A_745 : vector<1x16xf32> to vector<16xf32>
        %add3A_747 = arith.addf %get3A_738, %get3A_746 : vector<16xf32>
        %mul3A_748 = arith.constant 4 : i32
        %mul3A_749 = arith.muli %scan3A_134, %mul3A_748 : i32
        %add3A_750 = arith.constant 1 : i32
        %add3A_751 = arith.addi %mul3A_749, %add3A_750 : i32
        %get3A_752 = arith.index_cast %add3A_751 : i32 to index
        %get3A_753 = arith.constant 80 : index
        %get3A_754 = tpu.vector_load %arg8[%get3A_752, %get3A_753] {strides = array<i32>} : memref<64x128xf32, #tpu.memory_space<vmem>>, vector<1x16xf32>,
        %get3A_755 = vector.shape_cast %get3A_754 : vector<1x16xf32> to vector<16xf32>
        %add3A_756 = arith.addf %add3A_747, %get3A_755 : vector<16xf32>
        %mul3A_757 = arith.constant 4 : i32
        %mul3A_758 = arith.muli %scan3A_134, %mul3A_757 : i32
        %add3A_759 = arith.constant 1 : i32
        %add3A_760 = arith.addi %mul3A_758, %add3A_759 : i32
        %get3A_761 = arith.index_cast %add3A_760 : i32 to index
        %get3A_762 = arith.constant 80 : index
        %get3A_763 = tpu.vector_load %arg9[%get3A_761, %get3A_762] {strides = array<i32>} : memref<64x128xf32, #tpu.memory_space<vmem>>, vector<1x16xf32>,
        %get3A_764 = vector.shape_cast %get3A_763 : vector<1x16xf32> to vector<16xf32>
        %add3A_765 = arith.addf %add3A_756, %get3A_764 : vector<16xf32>
        %mul3A_766 = vector.broadcast %while3A_27 : f32 to vector<16xf32>
        %mul3A_767 = arith.mulf %add3A_765, %mul3A_766 : vector<16xf32>
        %mul3A_768 = arith.constant 4 : i32
        %mul3A_769 = arith.muli %scan3A_134, %mul3A_768 : i32
        %add3A_770 = arith.constant 1 : i32
        %add3A_771 = arith.addi %mul3A_769, %add3A_770 : i32
        %swap3A_772 = arith.index_cast %add3A_771 : i32 to index
        %swap3A_773 = arith.constant 80 : index
        %swap3A_774 = tpu.vector_load %arg6[%swap3A_772, %swap3A_773] {strides = array<i32>} : memref<64x128xf32, #tpu.memory_space<vmem>>, vector<1x16xf32>,
        %swap3A_775 = vector.shape_cast %swap3A_774 : vector<1x16xf32> to vector<16xf32>
        %swap3A_776 = vector.shape_cast %mul3A_767 : vector<16xf32> to vector<1x16xf32>
        tpu.vector_store %arg6[%swap3A_772, %swap3A_773], %swap3A_776 {strides = array<i32>} : memref<64x128xf32, #tpu.memory_space<vmem>>, vector<1x16xf32>,
        %mul3A_777 = arith.constant 4 : i32
        %mul3A_778 = arith.muli %scan3A_134, %mul3A_777 : i32
        %add3A_779 = arith.constant 1 : i32
        %add3A_780 = arith.addi %mul3A_778, %add3A_779 : i32
        %get3A_781 = arith.index_cast %add3A_780 : i32 to index
        %get3A_782 = arith.constant 96 : index
        %get3A_783 = tpu.vector_load %arg6[%get3A_781, %get3A_782] {strides = array<i32>} : memref<64x128xf32, #tpu.memory_space<vmem>>, vector<1x16xf32>,
        %get3A_784 = vector.shape_cast %get3A_783 : vector<1x16xf32> to vector<16xf32>
        %mul3A_785 = arith.constant 4 : i32
        %mul3A_786 = arith.muli %scan3A_134, %mul3A_785 : i32
        %add3A_787 = arith.constant 1 : i32
        %add3A_788 = arith.addi %mul3A_786, %add3A_787 : i32
        %get3A_789 = arith.index_cast %add3A_788 : i32 to index
        %get3A_790 = arith.constant 96 : index
        %get3A_791 = tpu.vector_load %arg7[%get3A_789, %get3A_790] {strides = array<i32>} : memref<64x128xf32, #tpu.memory_space<vmem>>, vector<1x16xf32>,
        %get3A_792 = vector.shape_cast %get3A_791 : vector<1x16xf32> to vector<16xf32>
        %add3A_793 = arith.addf %get3A_784, %get3A_792 : vector<16xf32>
        %mul3A_794 = arith.constant 4 : i32
        %mul3A_795 = arith.muli %scan3A_134, %mul3A_794 : i32
        %add3A_796 = arith.constant 1 : i32
        %add3A_797 = arith.addi %mul3A_795, %add3A_796 : i32
        %get3A_798 = arith.index_cast %add3A_797 : i32 to index
        %get3A_799 = arith.constant 96 : index
        %get3A_800 = tpu.vector_load %arg8[%get3A_798, %get3A_799] {strides = array<i32>} : memref<64x128xf32, #tpu.memory_space<vmem>>, vector<1x16xf32>,
        %get3A_801 = vector.shape_cast %get3A_800 : vector<1x16xf32> to vector<16xf32>
        %add3A_802 = arith.addf %add3A_793, %get3A_801 : vector<16xf32>
        %mul3A_803 = arith.constant 4 : i32
        %mul3A_804 = arith.muli %scan3A_134, %mul3A_803 : i32
        %add3A_805 = arith.constant 1 : i32
        %add3A_806 = arith.addi %mul3A_804, %add3A_805 : i32
        %get3A_807 = arith.index_cast %add3A_806 : i32 to index
        %get3A_808 = arith.constant 96 : index
        %get3A_809 = tpu.vector_load %arg9[%get3A_807, %get3A_808] {strides = array<i32>} : memref<64x128xf32, #tpu.memory_space<vmem>>, vector<1x16xf32>,
        %get3A_810 = vector.shape_cast %get3A_809 : vector<1x16xf32> to vector<16xf32>
        %add3A_811 = arith.addf %add3A_802, %get3A_810 : vector<16xf32>
        %mul3A_812 = vector.broadcast %while3A_27 : f32 to vector<16xf32>
        %mul3A_813 = arith.mulf %add3A_811, %mul3A_812 : vector<16xf32>
        %mul3A_814 = arith.constant 4 : i32
        %mul3A_815 = arith.muli %scan3A_134, %mul3A_814 : i32
        %add3A_816 = arith.constant 1 : i32
        %add3A_817 = arith.addi %mul3A_815, %add3A_816 : i32
        %swap3A_818 = arith.index_cast %add3A_817 : i32 to index
        %swap3A_819 = arith.constant 96 : index
        %swap3A_820 = tpu.vector_load %arg6[%swap3A_818, %swap3A_819] {strides = array<i32>} : memref<64x128xf32, #tpu.memory_space<vmem>>, vector<1x16xf32>,
        %swap3A_821 = vector.shape_cast %swap3A_820 : vector<1x16xf32> to vector<16xf32>
        %swap3A_822 = vector.shape_cast %mul3A_813 : vector<16xf32> to vector<1x16xf32>
        tpu.vector_store %arg6[%swap3A_818, %swap3A_819], %swap3A_822 {strides = array<i32>} : memref<64x128xf32, #tpu.memory_space<vmem>>, vector<1x16xf32>,
        %mul3A_823 = arith.constant 4 : i32
        %mul3A_824 = arith.muli %scan3A_134, %mul3A_823 : i32
        %add3A_825 = arith.constant 1 : i32
        %add3A_826 = arith.addi %mul3A_824, %add3A_825 : i32
        %get3A_827 = arith.index_cast %add3A_826 : i32 to index
        %get3A_828 = arith.constant 112 : index
        %get3A_829 = tpu.vector_load %arg6[%get3A_827, %get3A_828] {strides = array<i32>} : memref<64x128xf32, #tpu.memory_space<vmem>>, vector<1x16xf32>,
        %get3A_830 = vector.shape_cast %get3A_829 : vector<1x16xf32> to vector<16xf32>
        %mul3A_831 = arith.constant 4 : i32
        %mul3A_832 = arith.muli %scan3A_134, %mul3A_831 : i32
        %add3A_833 = arith.constant 1 : i32
        %add3A_834 = arith.addi %mul3A_832, %add3A_833 : i32
        %get3A_835 = arith.index_cast %add3A_834 : i32 to index
        %get3A_836 = arith.constant 112 : index
        %get3A_837 = tpu.vector_load %arg7[%get3A_835, %get3A_836] {strides = array<i32>} : memref<64x128xf32, #tpu.memory_space<vmem>>, vector<1x16xf32>,
        %get3A_838 = vector.shape_cast %get3A_837 : vector<1x16xf32> to vector<16xf32>
        %add3A_839 = arith.addf %get3A_830, %get3A_838 : vector<16xf32>
        %mul3A_840 = arith.constant 4 : i32
        %mul3A_841 = arith.muli %scan3A_134, %mul3A_840 : i32
        %add3A_842 = arith.constant 1 : i32
        %add3A_843 = arith.addi %mul3A_841, %add3A_842 : i32
        %get3A_844 = arith.index_cast %add3A_843 : i32 to index
        %get3A_845 = arith.constant 112 : index
        %get3A_846 = tpu.vector_load %arg8[%get3A_844, %get3A_845] {strides = array<i32>} : memref<64x128xf32, #tpu.memory_space<vmem>>, vector<1x16xf32>,
        %get3A_847 = vector.shape_cast %get3A_846 : vector<1x16xf32> to vector<16xf32>
        %add3A_848 = arith.addf %add3A_839, %get3A_847 : vector<16xf32>
        %mul3A_849 = arith.constant 4 : i32
        %mul3A_850 = arith.muli %scan3A_134, %mul3A_849 : i32
        %add3A_851 = arith.constant 1 : i32
        %add3A_852 = arith.addi %mul3A_850, %add3A_851 : i32
        %get3A_853 = arith.index_cast %add3A_852 : i32 to index
        %get3A_854 = arith.constant 112 : index
        %get3A_855 = tpu.vector_load %arg9[%get3A_853, %get3A_854] {strides = array<i32>} : memref<64x128xf32, #tpu.memory_space<vmem>>, vector<1x16xf32>,
        %get3A_856 = vector.shape_cast %get3A_855 : vector<1x16xf32> to vector<16xf32>
        %add3A_857 = arith.addf %add3A_848, %get3A_856 : vector<16xf32>
        %mul3A_858 = vector.broadcast %while3A_27 : f32 to vector<16xf32>
        %mul3A_859 = arith.mulf %add3A_857, %mul3A_858 : vector<16xf32>
        %mul3A_860 = arith.constant 4 : i32
        %mul3A_861 = arith.muli %scan3A_134, %mul3A_860 : i32
        %add3A_862 = arith.constant 1 : i32
        %add3A_863 = arith.addi %mul3A_861, %add3A_862 : i32
        %swap3A_864 = arith.index_cast %add3A_863 : i32 to index
        %swap3A_865 = arith.constant 112 : index
        %swap3A_866 = tpu.vector_load %arg6[%swap3A_864, %swap3A_865] {strides = array<i32>} : memref<64x128xf32, #tpu.memory_space<vmem>>, vector<1x16xf32>,
        %swap3A_867 = vector.shape_cast %swap3A_866 : vector<1x16xf32> to vector<16xf32>
        %swap3A_868 = vector.shape_cast %mul3A_859 : vector<16xf32> to vector<1x16xf32>
        tpu.vector_store %arg6[%swap3A_864, %swap3A_865], %swap3A_868 {strides = array<i32>} : memref<64x128xf32, #tpu.memory_space<vmem>>, vector<1x16xf32>,
        %mul3A_869 = arith.constant 4 : i32
        %mul3A_870 = arith.muli %scan3A_134, %mul3A_869 : i32
        %add3A_871 = arith.constant 2 : i32
        %add3A_872 = arith.addi %mul3A_870, %add3A_871 : i32
        %get3A_873 = arith.index_cast %add3A_872 : i32 to index
        %get3A_874 = arith.constant 0 : index
        %get3A_875 = tpu.vector_load %arg6[%get3A_873, %get3A_874] {strides = array<i32>} : memref<64x128xf32, #tpu.memory_space<vmem>>, vector<1x16xf32>,
        %get3A_876 = vector.shape_cast %get3A_875 : vector<1x16xf32> to vector<16xf32>
        %mul3A_877 = arith.constant 4 : i32
        %mul3A_878 = arith.muli %scan3A_134, %mul3A_877 : i32
        %add3A_879 = arith.constant 2 : i32
        %add3A_880 = arith.addi %mul3A_878, %add3A_879 : i32
        %get3A_881 = arith.index_cast %add3A_880 : i32 to index
        %get3A_882 = arith.constant 0 : index
        %get3A_883 = tpu.vector_load %arg7[%get3A_881, %get3A_882] {strides = array<i32>} : memref<64x128xf32, #tpu.memory_space<vmem>>, vector<1x16xf32>,
        %get3A_884 = vector.shape_cast %get3A_883 : vector<1x16xf32> to vector<16xf32>
        %add3A_885 = arith.addf %get3A_876, %get3A_884 : vector<16xf32>
        %mul3A_886 = arith.constant 4 : i32
        %mul3A_887 = arith.muli %scan3A_134, %mul3A_886 : i32
        %add3A_888 = arith.constant 2 : i32
        %add3A_889 = arith.addi %mul3A_887, %add3A_888 : i32
        %get3A_890 = arith.index_cast %add3A_889 : i32 to index
        %get3A_891 = arith.constant 0 : index
        %get3A_892 = tpu.vector_load %arg8[%get3A_890, %get3A_891] {strides = array<i32>} : memref<64x128xf32, #tpu.memory_space<vmem>>, vector<1x16xf32>,
        %get3A_893 = vector.shape_cast %get3A_892 : vector<1x16xf32> to vector<16xf32>
        %add3A_894 = arith.addf %add3A_885, %get3A_893 : vector<16xf32>
        %mul3A_895 = arith.constant 4 : i32
        %mul3A_896 = arith.muli %scan3A_134, %mul3A_895 : i32
        %add3A_897 = arith.constant 2 : i32
        %add3A_898 = arith.addi %mul3A_896, %add3A_897 : i32
        %get3A_899 = arith.index_cast %add3A_898 : i32 to index
        %get3A_900 = arith.constant 0 : index
        %get3A_901 = tpu.vector_load %arg9[%get3A_899, %get3A_900] {strides = array<i32>} : memref<64x128xf32, #tpu.memory_space<vmem>>, vector<1x16xf32>,
        %get3A_902 = vector.shape_cast %get3A_901 : vector<1x16xf32> to vector<16xf32>
        %add3A_903 = arith.addf %add3A_894, %get3A_902 : vector<16xf32>
        %mul3A_904 = vector.broadcast %while3A_27 : f32 to vector<16xf32>
        %mul3A_905 = arith.mulf %add3A_903, %mul3A_904 : vector<16xf32>
        %mul3A_906 = arith.constant 4 : i32
        %mul3A_907 = arith.muli %scan3A_134, %mul3A_906 : i32
        %add3A_908 = arith.constant 2 : i32
        %add3A_909 = arith.addi %mul3A_907, %add3A_908 : i32
        %swap3A_910 = arith.index_cast %add3A_909 : i32 to index
        %swap3A_911 = arith.constant 0 : index
        %swap3A_912 = tpu.vector_load %arg6[%swap3A_910, %swap3A_911] {strides = array<i32>} : memref<64x128xf32, #tpu.memory_space<vmem>>, vector<1x16xf32>,
        %swap3A_913 = vector.shape_cast %swap3A_912 : vector<1x16xf32> to vector<16xf32>
        %swap3A_914 = vector.shape_cast %mul3A_905 : vector<16xf32> to vector<1x16xf32>
        tpu.vector_store %arg6[%swap3A_910, %swap3A_911], %swap3A_914 {strides = array<i32>} : memref<64x128xf32, #tpu.memory_space<vmem>>, vector<1x16xf32>,
        %mul3A_915 = arith.constant 4 : i32
        %mul3A_916 = arith.muli %scan3A_134, %mul3A_915 : i32
        %add3A_917 = arith.constant 2 : i32
        %add3A_918 = arith.addi %mul3A_916, %add3A_917 : i32
        %get3A_919 = arith.index_cast %add3A_918 : i32 to index
        %get3A_920 = arith.constant 16 : index
        %get3A_921 = tpu.vector_load %arg6[%get3A_919, %get3A_920] {strides = array<i32>} : memref<64x128xf32, #tpu.memory_space<vmem>>, vector<1x16xf32>,
        %get3A_922 = vector.shape_cast %get3A_921 : vector<1x16xf32> to vector<16xf32>
        %mul3A_923 = arith.constant 4 : i32
        %mul3A_924 = arith.muli %scan3A_134, %mul3A_923 : i32
        %add3A_925 = arith.constant 2 : i32
        %add3A_926 = arith.addi %mul3A_924, %add3A_925 : i32
        %get3A_927 = arith.index_cast %add3A_926 : i32 to index
        %get3A_928 = arith.constant 16 : index
        %get3A_929 = tpu.vector_load %arg7[%get3A_927, %get3A_928] {strides = array<i32>} : memref<64x128xf32, #tpu.memory_space<vmem>>, vector<1x16xf32>,
        %get3A_930 = vector.shape_cast %get3A_929 : vector<1x16xf32> to vector<16xf32>
        %add3A_931 = arith.addf %get3A_922, %get3A_930 : vector<16xf32>
        %mul3A_932 = arith.constant 4 : i32
        %mul3A_933 = arith.muli %scan3A_134, %mul3A_932 : i32
        %add3A_934 = arith.constant 2 : i32
        %add3A_935 = arith.addi %mul3A_933, %add3A_934 : i32
        %get3A_936 = arith.index_cast %add3A_935 : i32 to index
        %get3A_937 = arith.constant 16 : index
        %get3A_938 = tpu.vector_load %arg8[%get3A_936, %get3A_937] {strides = array<i32>} : memref<64x128xf32, #tpu.memory_space<vmem>>, vector<1x16xf32>,
        %get3A_939 = vector.shape_cast %get3A_938 : vector<1x16xf32> to vector<16xf32>
        %add3A_940 = arith.addf %add3A_931, %get3A_939 : vector<16xf32>
        %mul3A_941 = arith.constant 4 : i32
        %mul3A_942 = arith.muli %scan3A_134, %mul3A_941 : i32
        %add3A_943 = arith.constant 2 : i32
        %add3A_944 = arith.addi %mul3A_942, %add3A_943 : i32
        %get3A_945 = arith.index_cast %add3A_944 : i32 to index
        %get3A_946 = arith.constant 16 : index
        %get3A_947 = tpu.vector_load %arg9[%get3A_945, %get3A_946] {strides = array<i32>} : memref<64x128xf32, #tpu.memory_space<vmem>>, vector<1x16xf32>,
        %get3A_948 = vector.shape_cast %get3A_947 : vector<1x16xf32> to vector<16xf32>
        %add3A_949 = arith.addf %add3A_940, %get3A_948 : vector<16xf32>
        %mul3A_950 = vector.broadcast %while3A_27 : f32 to vector<16xf32>
        %mul3A_951 = arith.mulf %add3A_949, %mul3A_950 : vector<16xf32>
        %mul3A_952 = arith.constant 4 : i32
        %mul3A_953 = arith.muli %scan3A_134, %mul3A_952 : i32
        %add3A_954 = arith.constant 2 : i32
        %add3A_955 = arith.addi %mul3A_953, %add3A_954 : i32
        %swap3A_956 = arith.index_cast %add3A_955 : i32 to index
        %swap3A_957 = arith.constant 16 : index
        %swap3A_958 = tpu.vector_load %arg6[%swap3A_956, %swap3A_957] {strides = array<i32>} : memref<64x128xf32, #tpu.memory_space<vmem>>, vector<1x16xf32>,
        %swap3A_959 = vector.shape_cast %swap3A_958 : vector<1x16xf32> to vector<16xf32>
        %swap3A_960 = vector.shape_cast %mul3A_951 : vector<16xf32> to vector<1x16xf32>
        tpu.vector_store %arg6[%swap3A_956, %swap3A_957], %swap3A_960 {strides = array<i32>} : memref<64x128xf32, #tpu.memory_space<vmem>>, vector<1x16xf32>,
        %mul3A_961 = arith.constant 4 : i32
        %mul3A_962 = arith.muli %scan3A_134, %mul3A_961 : i32
        %add3A_963 = arith.constant 2 : i32
        %add3A_964 = arith.addi %mul3A_962, %add3A_963 : i32
        %get3A_965 = arith.index_cast %add3A_964 : i32 to index
        %get3A_966 = arith.constant 32 : index
        %get3A_967 = tpu.vector_load %arg6[%get3A_965, %get3A_966] {strides = array<i32>} : memref<64x128xf32, #tpu.memory_space<vmem>>, vector<1x16xf32>,
        %get3A_968 = vector.shape_cast %get3A_967 : vector<1x16xf32> to vector<16xf32>
        %mul3A_969 = arith.constant 4 : i32
        %mul3A_970 = arith.muli %scan3A_134, %mul3A_969 : i32
        %add3A_971 = arith.constant 2 : i32
        %add3A_972 = arith.addi %mul3A_970, %add3A_971 : i32
        %get3A_973 = arith.index_cast %add3A_972 : i32 to index
        %get3A_974 = arith.constant 32 : index
        %get3A_975 = tpu.vector_load %arg7[%get3A_973, %get3A_974] {strides = array<i32>} : memref<64x128xf32, #tpu.memory_space<vmem>>, vector<1x16xf32>,
        %get3A_976 = vector.shape_cast %get3A_975 : vector<1x16xf32> to vector<16xf32>
        %add3A_977 = arith.addf %get3A_968, %get3A_976 : vector<16xf32>
        %mul3A_978 = arith.constant 4 : i32
        %mul3A_979 = arith.muli %scan3A_134, %mul3A_978 : i32
        %add3A_980 = arith.constant 2 : i32
        %add3A_981 = arith.addi %mul3A_979, %add3A_980 : i32
        %get3A_982 = arith.index_cast %add3A_981 : i32 to index
        %get3A_983 = arith.constant 32 : index
        %get3A_984 = tpu.vector_load %arg8[%get3A_982, %get3A_983] {strides = array<i32>} : memref<64x128xf32, #tpu.memory_space<vmem>>, vector<1x16xf32>,
        %get3A_985 = vector.shape_cast %get3A_984 : vector<1x16xf32> to vector<16xf32>
        %add3A_986 = arith.addf %add3A_977, %get3A_985 : vector<16xf32>
        %mul3A_987 = arith.constant 4 : i32
        %mul3A_988 = arith.muli %scan3A_134, %mul3A_987 : i32
        %add3A_989 = arith.constant 2 : i32
        %add3A_990 = arith.addi %mul3A_988, %add3A_989 : i32
        %get3A_991 = arith.index_cast %add3A_990 : i32 to index
        %get3A_992 = arith.constant 32 : index
        %get3A_993 = tpu.vector_load %arg9[%get3A_991, %get3A_992] {strides = array<i32>} : memref<64x128xf32, #tpu.memory_space<vmem>>, vector<1x16xf32>,
        %get3A_994 = vector.shape_cast %get3A_993 : vector<1x16xf32> to vector<16xf32>
        %add3A_995 = arith.addf %add3A_986, %get3A_994 : vector<16xf32>
        %mul3A_996 = vector.broadcast %while3A_27 : f32 to vector<16xf32>
        %mul3A_997 = arith.mulf %add3A_995, %mul3A_996 : vector<16xf32>
        %mul3A_998 = arith.constant 4 : i32
        %mul3A_999 = arith.muli %scan3A_134, %mul3A_998 : i32
        %add3A_1000 = arith.constant 2 : i32
        %add3A_1001 = arith.addi %mul3A_999, %add3A_1000 : i32
        %swap3A_1002 = arith.index_cast %add3A_1001 : i32 to index
        %swap3A_1003 = arith.constant 32 : index
        %swap3A_1004 = tpu.vector_load %arg6[%swap3A_1002, %swap3A_1003] {strides = array<i32>} : memref<64x128xf32, #tpu.memory_space<vmem>>, vector<1x16xf32>,
        %swap3A_1005 = vector.shape_cast %swap3A_1004 : vector<1x16xf32> to vector<16xf32>
        %swap3A_1006 = vector.shape_cast %mul3A_997 : vector<16xf32> to vector<1x16xf32>
        tpu.vector_store %arg6[%swap3A_1002, %swap3A_1003], %swap3A_1006 {strides = array<i32>} : memref<64x128xf32, #tpu.memory_space<vmem>>, vector<1x16xf32>,
        %mul3A_1007 = arith.constant 4 : i32
        %mul3A_1008 = arith.muli %scan3A_134, %mul3A_1007 : i32
        %add3A_1009 = arith.constant 2 : i32
        %add3A_1010 = arith.addi %mul3A_1008, %add3A_1009 : i32
        %get3A_1011 = arith.index_cast %add3A_1010 : i32 to index
        %get3A_1012 = arith.constant 48 : index
        %get3A_1013 = tpu.vector_load %arg6[%get3A_1011, %get3A_1012] {strides = array<i32>} : memref<64x128xf32, #tpu.memory_space<vmem>>, vector<1x16xf32>,
        %get3A_1014 = vector.shape_cast %get3A_1013 : vector<1x16xf32> to vector<16xf32>
        %mul3A_1015 = arith.constant 4 : i32
        %mul3A_1016 = arith.muli %scan3A_134, %mul3A_1015 : i32
        %add3A_1017 = arith.constant 2 : i32
        %add3A_1018 = arith.addi %mul3A_1016, %add3A_1017 : i32
        %get3A_1019 = arith.index_cast %add3A_1018 : i32 to index
        %get3A_1020 = arith.constant 48 : index
        %get3A_1021 = tpu.vector_load %arg7[%get3A_1019, %get3A_1020] {strides = array<i32>} : memref<64x128xf32, #tpu.memory_space<vmem>>, vector<1x16xf32>,
        %get3A_1022 = vector.shape_cast %get3A_1021 : vector<1x16xf32> to vector<16xf32>
        %add3A_1023 = arith.addf %get3A_1014, %get3A_1022 : vector<16xf32>
        %mul3A_1024 = arith.constant 4 : i32
        %mul3A_1025 = arith.muli %scan3A_134, %mul3A_1024 : i32
        %add3A_1026 = arith.constant 2 : i32
        %add3A_1027 = arith.addi %mul3A_1025, %add3A_1026 : i32
        %get3A_1028 = arith.index_cast %add3A_1027 : i32 to index
        %get3A_1029 = arith.constant 48 : index
        %get3A_1030 = tpu.vector_load %arg8[%get3A_1028, %get3A_1029] {strides = array<i32>} : memref<64x128xf32, #tpu.memory_space<vmem>>, vector<1x16xf32>,
        %get3A_1031 = vector.shape_cast %get3A_1030 : vector<1x16xf32> to vector<16xf32>
        %add3A_1032 = arith.addf %add3A_1023, %get3A_1031 : vector<16xf32>
        %mul3A_1033 = arith.constant 4 : i32
        %mul3A_1034 = arith.muli %scan3A_134, %mul3A_1033 : i32
        %add3A_1035 = arith.constant 2 : i32
        %add3A_1036 = arith.addi %mul3A_1034, %add3A_1035 : i32
        %get3A_1037 = arith.index_cast %add3A_1036 : i32 to index
        %get3A_1038 = arith.constant 48 : index
        %get3A_1039 = tpu.vector_load %arg9[%get3A_1037, %get3A_1038] {strides = array<i32>} : memref<64x128xf32, #tpu.memory_space<vmem>>, vector<1x16xf32>,
        %get3A_1040 = vector.shape_cast %get3A_1039 : vector<1x16xf32> to vector<16xf32>
        %add3A_1041 = arith.addf %add3A_1032, %get3A_1040 : vector<16xf32>
        %mul3A_1042 = vector.broadcast %while3A_27 : f32 to vector<16xf32>
        %mul3A_1043 = arith.mulf %add3A_1041, %mul3A_1042 : vector<16xf32>
        %mul3A_1044 = arith.constant 4 : i32
        %mul3A_1045 = arith.muli %scan3A_134, %mul3A_1044 : i32
        %add3A_1046 = arith.constant 2 : i32
        %add3A_1047 = arith.addi %mul3A_1045, %add3A_1046 : i32
        %swap3A_1048 = arith.index_cast %add3A_1047 : i32 to index
        %swap3A_1049 = arith.constant 48 : index
        %swap3A_1050 = tpu.vector_load %arg6[%swap3A_1048, %swap3A_1049] {strides = array<i32>} : memref<64x128xf32, #tpu.memory_space<vmem>>, vector<1x16xf32>,
        %swap3A_1051 = vector.shape_cast %swap3A_1050 : vector<1x16xf32> to vector<16xf32>
        %swap3A_1052 = vector.shape_cast %mul3A_1043 : vector<16xf32> to vector<1x16xf32>
        tpu.vector_store %arg6[%swap3A_1048, %swap3A_1049], %swap3A_1052 {strides = array<i32>} : memref<64x128xf32, #tpu.memory_space<vmem>>, vector<1x16xf32>,
        %mul3A_1053 = arith.constant 4 : i32
        %mul3A_1054 = arith.muli %scan3A_134, %mul3A_1053 : i32
        %add3A_1055 = arith.constant 2 : i32
        %add3A_1056 = arith.addi %mul3A_1054, %add3A_1055 : i32
        %get3A_1057 = arith.index_cast %add3A_1056 : i32 to index
        %get3A_1058 = arith.constant 64 : index
        %get3A_1059 = tpu.vector_load %arg6[%get3A_1057, %get3A_1058] {strides = array<i32>} : memref<64x128xf32, #tpu.memory_space<vmem>>, vector<1x16xf32>,
        %get3A_1060 = vector.shape_cast %get3A_1059 : vector<1x16xf32> to vector<16xf32>
        %mul3A_1061 = arith.constant 4 : i32
        %mul3A_1062 = arith.muli %scan3A_134, %mul3A_1061 : i32
        %add3A_1063 = arith.constant 2 : i32
        %add3A_1064 = arith.addi %mul3A_1062, %add3A_1063 : i32
        %get3A_1065 = arith.index_cast %add3A_1064 : i32 to index
        %get3A_1066 = arith.constant 64 : index
        %get3A_1067 = tpu.vector_load %arg7[%get3A_1065, %get3A_1066] {strides = array<i32>} : memref<64x128xf32, #tpu.memory_space<vmem>>, vector<1x16xf32>,
        %get3A_1068 = vector.shape_cast %get3A_1067 : vector<1x16xf32> to vector<16xf32>
        %add3A_1069 = arith.addf %get3A_1060, %get3A_1068 : vector<16xf32>
        %mul3A_1070 = arith.constant 4 : i32
        %mul3A_1071 = arith.muli %scan3A_134, %mul3A_1070 : i32
        %add3A_1072 = arith.constant 2 : i32
        %add3A_1073 = arith.addi %mul3A_1071, %add3A_1072 : i32
        %get3A_1074 = arith.index_cast %add3A_1073 : i32 to index
        %get3A_1075 = arith.constant 64 : index
        %get3A_1076 = tpu.vector_load %arg8[%get3A_1074, %get3A_1075] {strides = array<i32>} : memref<64x128xf32, #tpu.memory_space<vmem>>, vector<1x16xf32>,
        %get3A_1077 = vector.shape_cast %get3A_1076 : vector<1x16xf32> to vector<16xf32>
        %add3A_1078 = arith.addf %add3A_1069, %get3A_1077 : vector<16xf32>
        %mul3A_1079 = arith.constant 4 : i32
        %mul3A_1080 = arith.muli %scan3A_134, %mul3A_1079 : i32
        %add3A_1081 = arith.constant 2 : i32
        %add3A_1082 = arith.addi %mul3A_1080, %add3A_1081 : i32
        %get3A_1083 = arith.index_cast %add3A_1082 : i32 to index
        %get3A_1084 = arith.constant 64 : index
        %get3A_1085 = tpu.vector_load %arg9[%get3A_1083, %get3A_1084] {strides = array<i32>} : memref<64x128xf32, #tpu.memory_space<vmem>>, vector<1x16xf32>,
        %get3A_1086 = vector.shape_cast %get3A_1085 : vector<1x16xf32> to vector<16xf32>
        %add3A_1087 = arith.addf %add3A_1078, %get3A_1086 : vector<16xf32>
        %mul3A_1088 = vector.broadcast %while3A_27 : f32 to vector<16xf32>
        %mul3A_1089 = arith.mulf %add3A_1087, %mul3A_1088 : vector<16xf32>
        %mul3A_1090 = arith.constant 4 : i32
        %mul3A_1091 = arith.muli %scan3A_134, %mul3A_1090 : i32
        %add3A_1092 = arith.constant 2 : i32
        %add3A_1093 = arith.addi %mul3A_1091, %add3A_1092 : i32
        %swap3A_1094 = arith.index_cast %add3A_1093 : i32 to index
        %swap3A_1095 = arith.constant 64 : index
        %swap3A_1096 = tpu.vector_load %arg6[%swap3A_1094, %swap3A_1095] {strides = array<i32>} : memref<64x128xf32, #tpu.memory_space<vmem>>, vector<1x16xf32>,
        %swap3A_1097 = vector.shape_cast %swap3A_1096 : vector<1x16xf32> to vector<16xf32>
        %swap3A_1098 = vector.shape_cast %mul3A_1089 : vector<16xf32> to vector<1x16xf32>
        tpu.vector_store %arg6[%swap3A_1094, %swap3A_1095], %swap3A_1098 {strides = array<i32>} : memref<64x128xf32, #tpu.memory_space<vmem>>, vector<1x16xf32>,
        %mul3A_1099 = arith.constant 4 : i32
        %mul3A_1100 = arith.muli %scan3A_134, %mul3A_1099 : i32
        %add3A_1101 = arith.constant 2 : i32
        %add3A_1102 = arith.addi %mul3A_1100, %add3A_1101 : i32
        %get3A_1103 = arith.index_cast %add3A_1102 : i32 to index
        %get3A_1104 = arith.constant 80 : index
        %get3A_1105 = tpu.vector_load %arg6[%get3A_1103, %get3A_1104] {strides = array<i32>} : memref<64x128xf32, #tpu.memory_space<vmem>>, vector<1x16xf32>,
        %get3A_1106 = vector.shape_cast %get3A_1105 : vector<1x16xf32> to vector<16xf32>
        %mul3A_1107 = arith.constant 4 : i32
        %mul3A_1108 = arith.muli %scan3A_134, %mul3A_1107 : i32
        %add3A_1109 = arith.constant 2 : i32
        %add3A_1110 = arith.addi %mul3A_1108, %add3A_1109 : i32
        %get3A_1111 = arith.index_cast %add3A_1110 : i32 to index
        %get3A_1112 = arith.constant 80 : index
        %get3A_1113 = tpu.vector_load %arg7[%get3A_1111, %get3A_1112] {strides = array<i32>} : memref<64x128xf32, #tpu.memory_space<vmem>>, vector<1x16xf32>,
        %get3A_1114 = vector.shape_cast %get3A_1113 : vector<1x16xf32> to vector<16xf32>
        %add3A_1115 = arith.addf %get3A_1106, %get3A_1114 : vector<16xf32>
        %mul3A_1116 = arith.constant 4 : i32
        %mul3A_1117 = arith.muli %scan3A_134, %mul3A_1116 : i32
        %add3A_1118 = arith.constant 2 : i32
        %add3A_1119 = arith.addi %mul3A_1117, %add3A_1118 : i32
        %get3A_1120 = arith.index_cast %add3A_1119 : i32 to index
        %get3A_1121 = arith.constant 80 : index
        %get3A_1122 = tpu.vector_load %arg8[%get3A_1120, %get3A_1121] {strides = array<i32>} : memref<64x128xf32, #tpu.memory_space<vmem>>, vector<1x16xf32>,
        %get3A_1123 = vector.shape_cast %get3A_1122 : vector<1x16xf32> to vector<16xf32>
        %add3A_1124 = arith.addf %add3A_1115, %get3A_1123 : vector<16xf32>
        %mul3A_1125 = arith.constant 4 : i32
        %mul3A_1126 = arith.muli %scan3A_134, %mul3A_1125 : i32
        %add3A_1127 = arith.constant 2 : i32
        %add3A_1128 = arith.addi %mul3A_1126, %add3A_1127 : i32
        %get3A_1129 = arith.index_cast %add3A_1128 : i32 to index
        %get3A_1130 = arith.constant 80 : index
        %get3A_1131 = tpu.vector_load %arg9[%get3A_1129, %get3A_1130] {strides = array<i32>} : memref<64x128xf32, #tpu.memory_space<vmem>>, vector<1x16xf32>,
        %get3A_1132 = vector.shape_cast %get3A_1131 : vector<1x16xf32> to vector<16xf32>
        %add3A_1133 = arith.addf %add3A_1124, %get3A_1132 : vector<16xf32>
        %mul3A_1134 = vector.broadcast %while3A_27 : f32 to vector<16xf32>
        %mul3A_1135 = arith.mulf %add3A_1133, %mul3A_1134 : vector<16xf32>
        %mul3A_1136 = arith.constant 4 : i32
        %mul3A_1137 = arith.muli %scan3A_134, %mul3A_1136 : i32
        %add3A_1138 = arith.constant 2 : i32
        %add3A_1139 = arith.addi %mul3A_1137, %add3A_1138 : i32
        %swap3A_1140 = arith.index_cast %add3A_1139 : i32 to index
        %swap3A_1141 = arith.constant 80 : index
        %swap3A_1142 = tpu.vector_load %arg6[%swap3A_1140, %swap3A_1141] {strides = array<i32>} : memref<64x128xf32, #tpu.memory_space<vmem>>, vector<1x16xf32>,
        %swap3A_1143 = vector.shape_cast %swap3A_1142 : vector<1x16xf32> to vector<16xf32>
        %swap3A_1144 = vector.shape_cast %mul3A_1135 : vector<16xf32> to vector<1x16xf32>
        tpu.vector_store %arg6[%swap3A_1140, %swap3A_1141], %swap3A_1144 {strides = array<i32>} : memref<64x128xf32, #tpu.memory_space<vmem>>, vector<1x16xf32>,
        %mul3A_1145 = arith.constant 4 : i32
        %mul3A_1146 = arith.muli %scan3A_134, %mul3A_1145 : i32
        %add3A_1147 = arith.constant 2 : i32
        %add3A_1148 = arith.addi %mul3A_1146, %add3A_1147 : i32
        %get3A_1149 = arith.index_cast %add3A_1148 : i32 to index
        %get3A_1150 = arith.constant 96 : index
        %get3A_1151 = tpu.vector_load %arg6[%get3A_1149, %get3A_1150] {strides = array<i32>} : memref<64x128xf32, #tpu.memory_space<vmem>>, vector<1x16xf32>,
        %get3A_1152 = vector.shape_cast %get3A_1151 : vector<1x16xf32> to vector<16xf32>
        %mul3A_1153 = arith.constant 4 : i32
        %mul3A_1154 = arith.muli %scan3A_134, %mul3A_1153 : i32
        %add3A_1155 = arith.constant 2 : i32
        %add3A_1156 = arith.addi %mul3A_1154, %add3A_1155 : i32
        %get3A_1157 = arith.index_cast %add3A_1156 : i32 to index
        %get3A_1158 = arith.constant 96 : index
        %get3A_1159 = tpu.vector_load %arg7[%get3A_1157, %get3A_1158] {strides = array<i32>} : memref<64x128xf32, #tpu.memory_space<vmem>>, vector<1x16xf32>,
        %get3A_1160 = vector.shape_cast %get3A_1159 : vector<1x16xf32> to vector<16xf32>
        %add3A_1161 = arith.addf %get3A_1152, %get3A_1160 : vector<16xf32>
        %mul3A_1162 = arith.constant 4 : i32
        %mul3A_1163 = arith.muli %scan3A_134, %mul3A_1162 : i32
        %add3A_1164 = arith.constant 2 : i32
        %add3A_1165 = arith.addi %mul3A_1163, %add3A_1164 : i32
        %get3A_1166 = arith.index_cast %add3A_1165 : i32 to index
        %get3A_1167 = arith.constant 96 : index
        %get3A_1168 = tpu.vector_load %arg8[%get3A_1166, %get3A_1167] {strides = array<i32>} : memref<64x128xf32, #tpu.memory_space<vmem>>, vector<1x16xf32>,
        %get3A_1169 = vector.shape_cast %get3A_1168 : vector<1x16xf32> to vector<16xf32>
        %add3A_1170 = arith.addf %add3A_1161, %get3A_1169 : vector<16xf32>
        %mul3A_1171 = arith.constant 4 : i32
        %mul3A_1172 = arith.muli %scan3A_134, %mul3A_1171 : i32
        %add3A_1173 = arith.constant 2 : i32
        %add3A_1174 = arith.addi %mul3A_1172, %add3A_1173 : i32
        %get3A_1175 = arith.index_cast %add3A_1174 : i32 to index
        %get3A_1176 = arith.constant 96 : index
        %get3A_1177 = tpu.vector_load %arg9[%get3A_1175, %get3A_1176] {strides = array<i32>} : memref<64x128xf32, #tpu.memory_space<vmem>>, vector<1x16xf32>,
        %get3A_1178 = vector.shape_cast %get3A_1177 : vector<1x16xf32> to vector<16xf32>
        %add3A_1179 = arith.addf %add3A_1170, %get3A_1178 : vector<16xf32>
        %mul3A_1180 = vector.broadcast %while3A_27 : f32 to vector<16xf32>
        %mul3A_1181 = arith.mulf %add3A_1179, %mul3A_1180 : vector<16xf32>
        %mul3A_1182 = arith.constant 4 : i32
        %mul3A_1183 = arith.muli %scan3A_134, %mul3A_1182 : i32
        %add3A_1184 = arith.constant 2 : i32
        %add3A_1185 = arith.addi %mul3A_1183, %add3A_1184 : i32
        %swap3A_1186 = arith.index_cast %add3A_1185 : i32 to index
        %swap3A_1187 = arith.constant 96 : index
        %swap3A_1188 = tpu.vector_load %arg6[%swap3A_1186, %swap3A_1187] {strides = array<i32>} : memref<64x128xf32, #tpu.memory_space<vmem>>, vector<1x16xf32>,
        %swap3A_1189 = vector.shape_cast %swap3A_1188 : vector<1x16xf32> to vector<16xf32>
        %swap3A_1190 = vector.shape_cast %mul3A_1181 : vector<16xf32> to vector<1x16xf32>
        tpu.vector_store %arg6[%swap3A_1186, %swap3A_1187], %swap3A_1190 {strides = array<i32>} : memref<64x128xf32, #tpu.memory_space<vmem>>, vector<1x16xf32>,
        %mul3A_1191 = arith.constant 4 : i32
        %mul3A_1192 = arith.muli %scan3A_134, %mul3A_1191 : i32
        %add3A_1193 = arith.constant 2 : i32
        %add3A_1194 = arith.addi %mul3A_1192, %add3A_1193 : i32
        %get3A_1195 = arith.index_cast %add3A_1194 : i32 to index
        %get3A_1196 = arith.constant 112 : index
        %get3A_1197 = tpu.vector_load %arg6[%get3A_1195, %get3A_1196] {strides = array<i32>} : memref<64x128xf32, #tpu.memory_space<vmem>>, vector<1x16xf32>,
        %get3A_1198 = vector.shape_cast %get3A_1197 : vector<1x16xf32> to vector<16xf32>
        %mul3A_1199 = arith.constant 4 : i32
        %mul3A_1200 = arith.muli %scan3A_134, %mul3A_1199 : i32
        %add3A_1201 = arith.constant 2 : i32
        %add3A_1202 = arith.addi %mul3A_1200, %add3A_1201 : i32
        %get3A_1203 = arith.index_cast %add3A_1202 : i32 to index
        %get3A_1204 = arith.constant 112 : index
        %get3A_1205 = tpu.vector_load %arg7[%get3A_1203, %get3A_1204] {strides = array<i32>} : memref<64x128xf32, #tpu.memory_space<vmem>>, vector<1x16xf32>,
        %get3A_1206 = vector.shape_cast %get3A_1205 : vector<1x16xf32> to vector<16xf32>
        %add3A_1207 = arith.addf %get3A_1198, %get3A_1206 : vector<16xf32>
        %mul3A_1208 = arith.constant 4 : i32
        %mul3A_1209 = arith.muli %scan3A_134, %mul3A_1208 : i32
        %add3A_1210 = arith.constant 2 : i32
        %add3A_1211 = arith.addi %mul3A_1209, %add3A_1210 : i32
        %get3A_1212 = arith.index_cast %add3A_1211 : i32 to index
        %get3A_1213 = arith.constant 112 : index
        %get3A_1214 = tpu.vector_load %arg8[%get3A_1212, %get3A_1213] {strides = array<i32>} : memref<64x128xf32, #tpu.memory_space<vmem>>, vector<1x16xf32>,
        %get3A_1215 = vector.shape_cast %get3A_1214 : vector<1x16xf32> to vector<16xf32>
        %add3A_1216 = arith.addf %add3A_1207, %get3A_1215 : vector<16xf32>
        %mul3A_1217 = arith.constant 4 : i32
        %mul3A_1218 = arith.muli %scan3A_134, %mul3A_1217 : i32
        %add3A_1219 = arith.constant 2 : i32
        %add3A_1220 = arith.addi %mul3A_1218, %add3A_1219 : i32
        %get3A_1221 = arith.index_cast %add3A_1220 : i32 to index
        %get3A_1222 = arith.constant 112 : index
        %get3A_1223 = tpu.vector_load %arg9[%get3A_1221, %get3A_1222] {strides = array<i32>} : memref<64x128xf32, #tpu.memory_space<vmem>>, vector<1x16xf32>,
        %get3A_1224 = vector.shape_cast %get3A_1223 : vector<1x16xf32> to vector<16xf32>
        %add3A_1225 = arith.addf %add3A_1216, %get3A_1224 : vector<16xf32>
        %mul3A_1226 = vector.broadcast %while3A_27 : f32 to vector<16xf32>
        %mul3A_1227 = arith.mulf %add3A_1225, %mul3A_1226 : vector<16xf32>
        %mul3A_1228 = arith.constant 4 : i32
        %mul3A_1229 = arith.muli %scan3A_134, %mul3A_1228 : i32
        %add3A_1230 = arith.constant 2 : i32
        %add3A_1231 = arith.addi %mul3A_1229, %add3A_1230 : i32
        %swap3A_1232 = arith.index_cast %add3A_1231 : i32 to index
        %swap3A_1233 = arith.constant 112 : index
        %swap3A_1234 = tpu.vector_load %arg6[%swap3A_1232, %swap3A_1233] {strides = array<i32>} : memref<64x128xf32, #tpu.memory_space<vmem>>, vector<1x16xf32>,
        %swap3A_1235 = vector.shape_cast %swap3A_1234 : vector<1x16xf32> to vector<16xf32>
        %swap3A_1236 = vector.shape_cast %mul3A_1227 : vector<16xf32> to vector<1x16xf32>
        tpu.vector_store %arg6[%swap3A_1232, %swap3A_1233], %swap3A_1236 {strides = array<i32>} : memref<64x128xf32, #tpu.memory_space<vmem>>, vector<1x16xf32>,
        %mul3A_1237 = arith.constant 4 : i32
        %mul3A_1238 = arith.muli %scan3A_134, %mul3A_1237 : i32
        %add3A_1239 = arith.constant 3 : i32
        %add3A_1240 = arith.addi %mul3A_1238, %add3A_1239 : i32
        %get3A_1241 = arith.index_cast %add3A_1240 : i32 to index
        %get3A_1242 = arith.constant 0 : index
        %get3A_1243 = tpu.vector_load %arg6[%get3A_1241, %get3A_1242] {strides = array<i32>} : memref<64x128xf32, #tpu.memory_space<vmem>>, vector<1x16xf32>,
        %get3A_1244 = vector.shape_cast %get3A_1243 : vector<1x16xf32> to vector<16xf32>
        %mul3A_1245 = arith.constant 4 : i32
        %mul3A_1246 = arith.muli %scan3A_134, %mul3A_1245 : i32
        %add3A_1247 = arith.constant 3 : i32
        %add3A_1248 = arith.addi %mul3A_1246, %add3A_1247 : i32
        %get3A_1249 = arith.index_cast %add3A_1248 : i32 to index
        %get3A_1250 = arith.constant 0 : index
        %get3A_1251 = tpu.vector_load %arg7[%get3A_1249, %get3A_1250] {strides = array<i32>} : memref<64x128xf32, #tpu.memory_space<vmem>>, vector<1x16xf32>,
        %get3A_1252 = vector.shape_cast %get3A_1251 : vector<1x16xf32> to vector<16xf32>
        %add3A_1253 = arith.addf %get3A_1244, %get3A_1252 : vector<16xf32>
        %mul3A_1254 = arith.constant 4 : i32
        %mul3A_1255 = arith.muli %scan3A_134, %mul3A_1254 : i32
        %add3A_1256 = arith.constant 3 : i32
        %add3A_1257 = arith.addi %mul3A_1255, %add3A_1256 : i32
        %get3A_1258 = arith.index_cast %add3A_1257 : i32 to index
        %get3A_1259 = arith.constant 0 : index
        %get3A_1260 = tpu.vector_load %arg8[%get3A_1258, %get3A_1259] {strides = array<i32>} : memref<64x128xf32, #tpu.memory_space<vmem>>, vector<1x16xf32>,
        %get3A_1261 = vector.shape_cast %get3A_1260 : vector<1x16xf32> to vector<16xf32>
        %add3A_1262 = arith.addf %add3A_1253, %get3A_1261 : vector<16xf32>
        %mul3A_1263 = arith.constant 4 : i32
        %mul3A_1264 = arith.muli %scan3A_134, %mul3A_1263 : i32
        %add3A_1265 = arith.constant 3 : i32
        %add3A_1266 = arith.addi %mul3A_1264, %add3A_1265 : i32
        %get3A_1267 = arith.index_cast %add3A_1266 : i32 to index
        %get3A_1268 = arith.constant 0 : index
        %get3A_1269 = tpu.vector_load %arg9[%get3A_1267, %get3A_1268] {strides = array<i32>} : memref<64x128xf32, #tpu.memory_space<vmem>>, vector<1x16xf32>,
        %get3A_1270 = vector.shape_cast %get3A_1269 : vector<1x16xf32> to vector<16xf32>
        %add3A_1271 = arith.addf %add3A_1262, %get3A_1270 : vector<16xf32>
        %mul3A_1272 = vector.broadcast %while3A_27 : f32 to vector<16xf32>
        %mul3A_1273 = arith.mulf %add3A_1271, %mul3A_1272 : vector<16xf32>
        %mul3A_1274 = arith.constant 4 : i32
        %mul3A_1275 = arith.muli %scan3A_134, %mul3A_1274 : i32
        %add3A_1276 = arith.constant 3 : i32
        %add3A_1277 = arith.addi %mul3A_1275, %add3A_1276 : i32
        %swap3A_1278 = arith.index_cast %add3A_1277 : i32 to index
        %swap3A_1279 = arith.constant 0 : index
        %swap3A_1280 = tpu.vector_load %arg6[%swap3A_1278, %swap3A_1279] {strides = array<i32>} : memref<64x128xf32, #tpu.memory_space<vmem>>, vector<1x16xf32>,
        %swap3A_1281 = vector.shape_cast %swap3A_1280 : vector<1x16xf32> to vector<16xf32>
        %swap3A_1282 = vector.shape_cast %mul3A_1273 : vector<16xf32> to vector<1x16xf32>
        tpu.vector_store %arg6[%swap3A_1278, %swap3A_1279], %swap3A_1282 {strides = array<i32>} : memref<64x128xf32, #tpu.memory_space<vmem>>, vector<1x16xf32>,
        %mul3A_1283 = arith.constant 4 : i32
        %mul3A_1284 = arith.muli %scan3A_134, %mul3A_1283 : i32
        %add3A_1285 = arith.constant 3 : i32
        %add3A_1286 = arith.addi %mul3A_1284, %add3A_1285 : i32
        %get3A_1287 = arith.index_cast %add3A_1286 : i32 to index
        %get3A_1288 = arith.constant 16 : index
        %get3A_1289 = tpu.vector_load %arg6[%get3A_1287, %get3A_1288] {strides = array<i32>} : memref<64x128xf32, #tpu.memory_space<vmem>>, vector<1x16xf32>,
        %get3A_1290 = vector.shape_cast %get3A_1289 : vector<1x16xf32> to vector<16xf32>
        %mul3A_1291 = arith.constant 4 : i32
        %mul3A_1292 = arith.muli %scan3A_134, %mul3A_1291 : i32
        %add3A_1293 = arith.constant 3 : i32
        %add3A_1294 = arith.addi %mul3A_1292, %add3A_1293 : i32
        %get3A_1295 = arith.index_cast %add3A_1294 : i32 to index
        %get3A_1296 = arith.constant 16 : index
        %get3A_1297 = tpu.vector_load %arg7[%get3A_1295, %get3A_1296] {strides = array<i32>} : memref<64x128xf32, #tpu.memory_space<vmem>>, vector<1x16xf32>,
        %get3A_1298 = vector.shape_cast %get3A_1297 : vector<1x16xf32> to vector<16xf32>
        %add3A_1299 = arith.addf %get3A_1290, %get3A_1298 : vector<16xf32>
        %mul3A_1300 = arith.constant 4 : i32
        %mul3A_1301 = arith.muli %scan3A_134, %mul3A_1300 : i32
        %add3A_1302 = arith.constant 3 : i32
        %add3A_1303 = arith.addi %mul3A_1301, %add3A_1302 : i32
        %get3A_1304 = arith.index_cast %add3A_1303 : i32 to index
        %get3A_1305 = arith.constant 16 : index
        %get3A_1306 = tpu.vector_load %arg8[%get3A_1304, %get3A_1305] {strides = array<i32>} : memref<64x128xf32, #tpu.memory_space<vmem>>, vector<1x16xf32>,
        %get3A_1307 = vector.shape_cast %get3A_1306 : vector<1x16xf32> to vector<16xf32>
        %add3A_1308 = arith.addf %add3A_1299, %get3A_1307 : vector<16xf32>
        %mul3A_1309 = arith.constant 4 : i32
        %mul3A_1310 = arith.muli %scan3A_134, %mul3A_1309 : i32
        %add3A_1311 = arith.constant 3 : i32
        %add3A_1312 = arith.addi %mul3A_1310, %add3A_1311 : i32
        %get3A_1313 = arith.index_cast %add3A_1312 : i32 to index
        %get3A_1314 = arith.constant 16 : index
        %get3A_1315 = tpu.vector_load %arg9[%get3A_1313, %get3A_1314] {strides = array<i32>} : memref<64x128xf32, #tpu.memory_space<vmem>>, vector<1x16xf32>,
        %get3A_1316 = vector.shape_cast %get3A_1315 : vector<1x16xf32> to vector<16xf32>
        %add3A_1317 = arith.addf %add3A_1308, %get3A_1316 : vector<16xf32>
        %mul3A_1318 = vector.broadcast %while3A_27 : f32 to vector<16xf32>
        %mul3A_1319 = arith.mulf %add3A_1317, %mul3A_1318 : vector<16xf32>
        %mul3A_1320 = arith.constant 4 : i32
        %mul3A_1321 = arith.muli %scan3A_134, %mul3A_1320 : i32
        %add3A_1322 = arith.constant 3 : i32
        %add3A_1323 = arith.addi %mul3A_1321, %add3A_1322 : i32
        %swap3A_1324 = arith.index_cast %add3A_1323 : i32 to index
        %swap3A_1325 = arith.constant 16 : index
        %swap3A_1326 = tpu.vector_load %arg6[%swap3A_1324, %swap3A_1325] {strides = array<i32>} : memref<64x128xf32, #tpu.memory_space<vmem>>, vector<1x16xf32>,
        %swap3A_1327 = vector.shape_cast %swap3A_1326 : vector<1x16xf32> to vector<16xf32>
        %swap3A_1328 = vector.shape_cast %mul3A_1319 : vector<16xf32> to vector<1x16xf32>
        tpu.vector_store %arg6[%swap3A_1324, %swap3A_1325], %swap3A_1328 {strides = array<i32>} : memref<64x128xf32, #tpu.memory_space<vmem>>, vector<1x16xf32>,
        %mul3A_1329 = arith.constant 4 : i32
        %mul3A_1330 = arith.muli %scan3A_134, %mul3A_1329 : i32
        %add3A_1331 = arith.constant 3 : i32
        %add3A_1332 = arith.addi %mul3A_1330, %add3A_1331 : i32
        %get3A_1333 = arith.index_cast %add3A_1332 : i32 to index
        %get3A_1334 = arith.constant 32 : index
        %get3A_1335 = tpu.vector_load %arg6[%get3A_1333, %get3A_1334] {strides = array<i32>} : memref<64x128xf32, #tpu.memory_space<vmem>>, vector<1x16xf32>,
        %get3A_1336 = vector.shape_cast %get3A_1335 : vector<1x16xf32> to vector<16xf32>
        %mul3A_1337 = arith.constant 4 : i32
        %mul3A_1338 = arith.muli %scan3A_134, %mul3A_1337 : i32
        %add3A_1339 = arith.constant 3 : i32
        %add3A_1340 = arith.addi %mul3A_1338, %add3A_1339 : i32
        %get3A_1341 = arith.index_cast %add3A_1340 : i32 to index
        %get3A_1342 = arith.constant 32 : index
        %get3A_1343 = tpu.vector_load %arg7[%get3A_1341, %get3A_1342] {strides = array<i32>} : memref<64x128xf32, #tpu.memory_space<vmem>>, vector<1x16xf32>,
        %get3A_1344 = vector.shape_cast %get3A_1343 : vector<1x16xf32> to vector<16xf32>
        %add3A_1345 = arith.addf %get3A_1336, %get3A_1344 : vector<16xf32>
        %mul3A_1346 = arith.constant 4 : i32
        %mul3A_1347 = arith.muli %scan3A_134, %mul3A_1346 : i32
        %add3A_1348 = arith.constant 3 : i32
        %add3A_1349 = arith.addi %mul3A_1347, %add3A_1348 : i32
        %get3A_1350 = arith.index_cast %add3A_1349 : i32 to index
        %get3A_1351 = arith.constant 32 : index
        %get3A_1352 = tpu.vector_load %arg8[%get3A_1350, %get3A_1351] {strides = array<i32>} : memref<64x128xf32, #tpu.memory_space<vmem>>, vector<1x16xf32>,
        %get3A_1353 = vector.shape_cast %get3A_1352 : vector<1x16xf32> to vector<16xf32>
        %add3A_1354 = arith.addf %add3A_1345, %get3A_1353 : vector<16xf32>
        %mul3A_1355 = arith.constant 4 : i32
        %mul3A_1356 = arith.muli %scan3A_134, %mul3A_1355 : i32
        %add3A_1357 = arith.constant 3 : i32
        %add3A_1358 = arith.addi %mul3A_1356, %add3A_1357 : i32
        %get3A_1359 = arith.index_cast %add3A_1358 : i32 to index
        %get3A_1360 = arith.constant 32 : index
        %get3A_1361 = tpu.vector_load %arg9[%get3A_1359, %get3A_1360] {strides = array<i32>} : memref<64x128xf32, #tpu.memory_space<vmem>>, vector<1x16xf32>,
        %get3A_1362 = vector.shape_cast %get3A_1361 : vector<1x16xf32> to vector<16xf32>
        %add3A_1363 = arith.addf %add3A_1354, %get3A_1362 : vector<16xf32>
        %mul3A_1364 = vector.broadcast %while3A_27 : f32 to vector<16xf32>
        %mul3A_1365 = arith.mulf %add3A_1363, %mul3A_1364 : vector<16xf32>
        %mul3A_1366 = arith.constant 4 : i32
        %mul3A_1367 = arith.muli %scan3A_134, %mul3A_1366 : i32
        %add3A_1368 = arith.constant 3 : i32
        %add3A_1369 = arith.addi %mul3A_1367, %add3A_1368 : i32
        %swap3A_1370 = arith.index_cast %add3A_1369 : i32 to index
        %swap3A_1371 = arith.constant 32 : index
        %swap3A_1372 = tpu.vector_load %arg6[%swap3A_1370, %swap3A_1371] {strides = array<i32>} : memref<64x128xf32, #tpu.memory_space<vmem>>, vector<1x16xf32>,
        %swap3A_1373 = vector.shape_cast %swap3A_1372 : vector<1x16xf32> to vector<16xf32>
        %swap3A_1374 = vector.shape_cast %mul3A_1365 : vector<16xf32> to vector<1x16xf32>
        tpu.vector_store %arg6[%swap3A_1370, %swap3A_1371], %swap3A_1374 {strides = array<i32>} : memref<64x128xf32, #tpu.memory_space<vmem>>, vector<1x16xf32>,
        %mul3A_1375 = arith.constant 4 : i32
        %mul3A_1376 = arith.muli %scan3A_134, %mul3A_1375 : i32
        %add3A_1377 = arith.constant 3 : i32
        %add3A_1378 = arith.addi %mul3A_1376, %add3A_1377 : i32
        %get3A_1379 = arith.index_cast %add3A_1378 : i32 to index
        %get3A_1380 = arith.constant 48 : index
        %get3A_1381 = tpu.vector_load %arg6[%get3A_1379, %get3A_1380] {strides = array<i32>} : memref<64x128xf32, #tpu.memory_space<vmem>>, vector<1x16xf32>,
        %get3A_1382 = vector.shape_cast %get3A_1381 : vector<1x16xf32> to vector<16xf32>
        %mul3A_1383 = arith.constant 4 : i32
        %mul3A_1384 = arith.muli %scan3A_134, %mul3A_1383 : i32
        %add3A_1385 = arith.constant 3 : i32
        %add3A_1386 = arith.addi %mul3A_1384, %add3A_1385 : i32
        %get3A_1387 = arith.index_cast %add3A_1386 : i32 to index
        %get3A_1388 = arith.constant 48 : index
        %get3A_1389 = tpu.vector_load %arg7[%get3A_1387, %get3A_1388] {strides = array<i32>} : memref<64x128xf32, #tpu.memory_space<vmem>>, vector<1x16xf32>,
        %get3A_1390 = vector.shape_cast %get3A_1389 : vector<1x16xf32> to vector<16xf32>
        %add3A_1391 = arith.addf %get3A_1382, %get3A_1390 : vector<16xf32>
        %mul3A_1392 = arith.constant 4 : i32
        %mul3A_1393 = arith.muli %scan3A_134, %mul3A_1392 : i32
        %add3A_1394 = arith.constant 3 : i32
        %add3A_1395 = arith.addi %mul3A_1393, %add3A_1394 : i32
        %get3A_1396 = arith.index_cast %add3A_1395 : i32 to index
        %get3A_1397 = arith.constant 48 : index
        %get3A_1398 = tpu.vector_load %arg8[%get3A_1396, %get3A_1397] {strides = array<i32>} : memref<64x128xf32, #tpu.memory_space<vmem>>, vector<1x16xf32>,
        %get3A_1399 = vector.shape_cast %get3A_1398 : vector<1x16xf32> to vector<16xf32>
        %add3A_1400 = arith.addf %add3A_1391, %get3A_1399 : vector<16xf32>
        %mul3A_1401 = arith.constant 4 : i32
        %mul3A_1402 = arith.muli %scan3A_134, %mul3A_1401 : i32
        %add3A_1403 = arith.constant 3 : i32
        %add3A_1404 = arith.addi %mul3A_1402, %add3A_1403 : i32
        %get3A_1405 = arith.index_cast %add3A_1404 : i32 to index
        %get3A_1406 = arith.constant 48 : index
        %get3A_1407 = tpu.vector_load %arg9[%get3A_1405, %get3A_1406] {strides = array<i32>} : memref<64x128xf32, #tpu.memory_space<vmem>>, vector<1x16xf32>,
        %get3A_1408 = vector.shape_cast %get3A_1407 : vector<1x16xf32> to vector<16xf32>
        %add3A_1409 = arith.addf %add3A_1400, %get3A_1408 : vector<16xf32>
        %mul3A_1410 = vector.broadcast %while3A_27 : f32 to vector<16xf32>
        %mul3A_1411 = arith.mulf %add3A_1409, %mul3A_1410 : vector<16xf32>
        %mul3A_1412 = arith.constant 4 : i32
        %mul3A_1413 = arith.muli %scan3A_134, %mul3A_1412 : i32
        %add3A_1414 = arith.constant 3 : i32
        %add3A_1415 = arith.addi %mul3A_1413, %add3A_1414 : i32
        %swap3A_1416 = arith.index_cast %add3A_1415 : i32 to index
        %swap3A_1417 = arith.constant 48 : index
        %swap3A_1418 = tpu.vector_load %arg6[%swap3A_1416, %swap3A_1417] {strides = array<i32>} : memref<64x128xf32, #tpu.memory_space<vmem>>, vector<1x16xf32>,
        %swap3A_1419 = vector.shape_cast %swap3A_1418 : vector<1x16xf32> to vector<16xf32>
        %swap3A_1420 = vector.shape_cast %mul3A_1411 : vector<16xf32> to vector<1x16xf32>
        tpu.vector_store %arg6[%swap3A_1416, %swap3A_1417], %swap3A_1420 {strides = array<i32>} : memref<64x128xf32, #tpu.memory_space<vmem>>, vector<1x16xf32>,
        %mul3A_1421 = arith.constant 4 : i32
        %mul3A_1422 = arith.muli %scan3A_134, %mul3A_1421 : i32
        %add3A_1423 = arith.constant 3 : i32
        %add3A_1424 = arith.addi %mul3A_1422, %add3A_1423 : i32
        %get3A_1425 = arith.index_cast %add3A_1424 : i32 to index
        %get3A_1426 = arith.constant 64 : index
        %get3A_1427 = tpu.vector_load %arg6[%get3A_1425, %get3A_1426] {strides = array<i32>} : memref<64x128xf32, #tpu.memory_space<vmem>>, vector<1x16xf32>,
        %get3A_1428 = vector.shape_cast %get3A_1427 : vector<1x16xf32> to vector<16xf32>
        %mul3A_1429 = arith.constant 4 : i32
        %mul3A_1430 = arith.muli %scan3A_134, %mul3A_1429 : i32
        %add3A_1431 = arith.constant 3 : i32
        %add3A_1432 = arith.addi %mul3A_1430, %add3A_1431 : i32
        %get3A_1433 = arith.index_cast %add3A_1432 : i32 to index
        %get3A_1434 = arith.constant 64 : index
        %get3A_1435 = tpu.vector_load %arg7[%get3A_1433, %get3A_1434] {strides = array<i32>} : memref<64x128xf32, #tpu.memory_space<vmem>>, vector<1x16xf32>,
        %get3A_1436 = vector.shape_cast %get3A_1435 : vector<1x16xf32> to vector<16xf32>
        %add3A_1437 = arith.addf %get3A_1428, %get3A_1436 : vector<16xf32>
        %mul3A_1438 = arith.constant 4 : i32
        %mul3A_1439 = arith.muli %scan3A_134, %mul3A_1438 : i32
        %add3A_1440 = arith.constant 3 : i32
        %add3A_1441 = arith.addi %mul3A_1439, %add3A_1440 : i32
        %get3A_1442 = arith.index_cast %add3A_1441 : i32 to index
        %get3A_1443 = arith.constant 64 : index
        %get3A_1444 = tpu.vector_load %arg8[%get3A_1442, %get3A_1443] {strides = array<i32>} : memref<64x128xf32, #tpu.memory_space<vmem>>, vector<1x16xf32>,
        %get3A_1445 = vector.shape_cast %get3A_1444 : vector<1x16xf32> to vector<16xf32>
        %add3A_1446 = arith.addf %add3A_1437, %get3A_1445 : vector<16xf32>
        %mul3A_1447 = arith.constant 4 : i32
        %mul3A_1448 = arith.muli %scan3A_134, %mul3A_1447 : i32
        %add3A_1449 = arith.constant 3 : i32
        %add3A_1450 = arith.addi %mul3A_1448, %add3A_1449 : i32
        %get3A_1451 = arith.index_cast %add3A_1450 : i32 to index
        %get3A_1452 = arith.constant 64 : index
        %get3A_1453 = tpu.vector_load %arg9[%get3A_1451, %get3A_1452] {strides = array<i32>} : memref<64x128xf32, #tpu.memory_space<vmem>>, vector<1x16xf32>,
        %get3A_1454 = vector.shape_cast %get3A_1453 : vector<1x16xf32> to vector<16xf32>
        %add3A_1455 = arith.addf %add3A_1446, %get3A_1454 : vector<16xf32>
        %mul3A_1456 = vector.broadcast %while3A_27 : f32 to vector<16xf32>
        %mul3A_1457 = arith.mulf %add3A_1455, %mul3A_1456 : vector<16xf32>
        %mul3A_1458 = arith.constant 4 : i32
        %mul3A_1459 = arith.muli %scan3A_134, %mul3A_1458 : i32
        %add3A_1460 = arith.constant 3 : i32
        %add3A_1461 = arith.addi %mul3A_1459, %add3A_1460 : i32
        %swap3A_1462 = arith.index_cast %add3A_1461 : i32 to index
        %swap3A_1463 = arith.constant 64 : index
        %swap3A_1464 = tpu.vector_load %arg6[%swap3A_1462, %swap3A_1463] {strides = array<i32>} : memref<64x128xf32, #tpu.memory_space<vmem>>, vector<1x16xf32>,
        %swap3A_1465 = vector.shape_cast %swap3A_1464 : vector<1x16xf32> to vector<16xf32>
        %swap3A_1466 = vector.shape_cast %mul3A_1457 : vector<16xf32> to vector<1x16xf32>
        tpu.vector_store %arg6[%swap3A_1462, %swap3A_1463], %swap3A_1466 {strides = array<i32>} : memref<64x128xf32, #tpu.memory_space<vmem>>, vector<1x16xf32>,
        %mul3A_1467 = arith.constant 4 : i32
        %mul3A_1468 = arith.muli %scan3A_134, %mul3A_1467 : i32
        %add3A_1469 = arith.constant 3 : i32
        %add3A_1470 = arith.addi %mul3A_1468, %add3A_1469 : i32
        %get3A_1471 = arith.index_cast %add3A_1470 : i32 to index
        %get3A_1472 = arith.constant 80 : index
        %get3A_1473 = tpu.vector_load %arg6[%get3A_1471, %get3A_1472] {strides = array<i32>} : memref<64x128xf32, #tpu.memory_space<vmem>>, vector<1x16xf32>,
        %get3A_1474 = vector.shape_cast %get3A_1473 : vector<1x16xf32> to vector<16xf32>
        %mul3A_1475 = arith.constant 4 : i32
        %mul3A_1476 = arith.muli %scan3A_134, %mul3A_1475 : i32
        %add3A_1477 = arith.constant 3 : i32
        %add3A_1478 = arith.addi %mul3A_1476, %add3A_1477 : i32
        %get3A_1479 = arith.index_cast %add3A_1478 : i32 to index
        %get3A_1480 = arith.constant 80 : index
        %get3A_1481 = tpu.vector_load %arg7[%get3A_1479, %get3A_1480] {strides = array<i32>} : memref<64x128xf32, #tpu.memory_space<vmem>>, vector<1x16xf32>,
        %get3A_1482 = vector.shape_cast %get3A_1481 : vector<1x16xf32> to vector<16xf32>
        %add3A_1483 = arith.addf %get3A_1474, %get3A_1482 : vector<16xf32>
        %mul3A_1484 = arith.constant 4 : i32
        %mul3A_1485 = arith.muli %scan3A_134, %mul3A_1484 : i32
        %add3A_1486 = arith.constant 3 : i32
        %add3A_1487 = arith.addi %mul3A_1485, %add3A_1486 : i32
        %get3A_1488 = arith.index_cast %add3A_1487 : i32 to index
        %get3A_1489 = arith.constant 80 : index
        %get3A_1490 = tpu.vector_load %arg8[%get3A_1488, %get3A_1489] {strides = array<i32>} : memref<64x128xf32, #tpu.memory_space<vmem>>, vector<1x16xf32>,
        %get3A_1491 = vector.shape_cast %get3A_1490 : vector<1x16xf32> to vector<16xf32>
        %add3A_1492 = arith.addf %add3A_1483, %get3A_1491 : vector<16xf32>
        %mul3A_1493 = arith.constant 4 : i32
        %mul3A_1494 = arith.muli %scan3A_134, %mul3A_1493 : i32
        %add3A_1495 = arith.constant 3 : i32
        %add3A_1496 = arith.addi %mul3A_1494, %add3A_1495 : i32
        %get3A_1497 = arith.index_cast %add3A_1496 : i32 to index
        %get3A_1498 = arith.constant 80 : index
        %get3A_1499 = tpu.vector_load %arg9[%get3A_1497, %get3A_1498] {strides = array<i32>} : memref<64x128xf32, #tpu.memory_space<vmem>>, vector<1x16xf32>,
        %get3A_1500 = vector.shape_cast %get3A_1499 : vector<1x16xf32> to vector<16xf32>
        %add3A_1501 = arith.addf %add3A_1492, %get3A_1500 : vector<16xf32>
        %mul3A_1502 = vector.broadcast %while3A_27 : f32 to vector<16xf32>
        %mul3A_1503 = arith.mulf %add3A_1501, %mul3A_1502 : vector<16xf32>
        %mul3A_1504 = arith.constant 4 : i32
        %mul3A_1505 = arith.muli %scan3A_134, %mul3A_1504 : i32
        %add3A_1506 = arith.constant 3 : i32
        %add3A_1507 = arith.addi %mul3A_1505, %add3A_1506 : i32
        %swap3A_1508 = arith.index_cast %add3A_1507 : i32 to index
        %swap3A_1509 = arith.constant 80 : index
        %swap3A_1510 = tpu.vector_load %arg6[%swap3A_1508, %swap3A_1509] {strides = array<i32>} : memref<64x128xf32, #tpu.memory_space<vmem>>, vector<1x16xf32>,
        %swap3A_1511 = vector.shape_cast %swap3A_1510 : vector<1x16xf32> to vector<16xf32>
        %swap3A_1512 = vector.shape_cast %mul3A_1503 : vector<16xf32> to vector<1x16xf32>
        tpu.vector_store %arg6[%swap3A_1508, %swap3A_1509], %swap3A_1512 {strides = array<i32>} : memref<64x128xf32, #tpu.memory_space<vmem>>, vector<1x16xf32>,
        %mul3A_1513 = arith.constant 4 : i32
        %mul3A_1514 = arith.muli %scan3A_134, %mul3A_1513 : i32
        %add3A_1515 = arith.constant 3 : i32
        %add3A_1516 = arith.addi %mul3A_1514, %add3A_1515 : i32
        %get3A_1517 = arith.index_cast %add3A_1516 : i32 to index
        %get3A_1518 = arith.constant 96 : index
        %get3A_1519 = tpu.vector_load %arg6[%get3A_1517, %get3A_1518] {strides = array<i32>} : memref<64x128xf32, #tpu.memory_space<vmem>>, vector<1x16xf32>,
        %get3A_1520 = vector.shape_cast %get3A_1519 : vector<1x16xf32> to vector<16xf32>
        %mul3A_1521 = arith.constant 4 : i32
        %mul3A_1522 = arith.muli %scan3A_134, %mul3A_1521 : i32
        %add3A_1523 = arith.constant 3 : i32
        %add3A_1524 = arith.addi %mul3A_1522, %add3A_1523 : i32
        %get3A_1525 = arith.index_cast %add3A_1524 : i32 to index
        %get3A_1526 = arith.constant 96 : index
        %get3A_1527 = tpu.vector_load %arg7[%get3A_1525, %get3A_1526] {strides = array<i32>} : memref<64x128xf32, #tpu.memory_space<vmem>>, vector<1x16xf32>,
        %get3A_1528 = vector.shape_cast %get3A_1527 : vector<1x16xf32> to vector<16xf32>
        %add3A_1529 = arith.addf %get3A_1520, %get3A_1528 : vector<16xf32>
        %mul3A_1530 = arith.constant 4 : i32
        %mul3A_1531 = arith.muli %scan3A_134, %mul3A_1530 : i32
        %add3A_1532 = arith.constant 3 : i32
        %add3A_1533 = arith.addi %mul3A_1531, %add3A_1532 : i32
        %get3A_1534 = arith.index_cast %add3A_1533 : i32 to index
        %get3A_1535 = arith.constant 96 : index
        %get3A_1536 = tpu.vector_load %arg8[%get3A_1534, %get3A_1535] {strides = array<i32>} : memref<64x128xf32, #tpu.memory_space<vmem>>, vector<1x16xf32>,
        %get3A_1537 = vector.shape_cast %get3A_1536 : vector<1x16xf32> to vector<16xf32>
        %add3A_1538 = arith.addf %add3A_1529, %get3A_1537 : vector<16xf32>
        %mul3A_1539 = arith.constant 4 : i32
        %mul3A_1540 = arith.muli %scan3A_134, %mul3A_1539 : i32
        %add3A_1541 = arith.constant 3 : i32
        %add3A_1542 = arith.addi %mul3A_1540, %add3A_1541 : i32
        %get3A_1543 = arith.index_cast %add3A_1542 : i32 to index
        %get3A_1544 = arith.constant 96 : index
        %get3A_1545 = tpu.vector_load %arg9[%get3A_1543, %get3A_1544] {strides = array<i32>} : memref<64x128xf32, #tpu.memory_space<vmem>>, vector<1x16xf32>,
        %get3A_1546 = vector.shape_cast %get3A_1545 : vector<1x16xf32> to vector<16xf32>
        %add3A_1547 = arith.addf %add3A_1538, %get3A_1546 : vector<16xf32>
        %mul3A_1548 = vector.broadcast %while3A_27 : f32 to vector<16xf32>
        %mul3A_1549 = arith.mulf %add3A_1547, %mul3A_1548 : vector<16xf32>
        %mul3A_1550 = arith.constant 4 : i32
        %mul3A_1551 = arith.muli %scan3A_134, %mul3A_1550 : i32
        %add3A_1552 = arith.constant 3 : i32
        %add3A_1553 = arith.addi %mul3A_1551, %add3A_1552 : i32
        %swap3A_1554 = arith.index_cast %add3A_1553 : i32 to index
        %swap3A_1555 = arith.constant 96 : index
        %swap3A_1556 = tpu.vector_load %arg6[%swap3A_1554, %swap3A_1555] {strides = array<i32>} : memref<64x128xf32, #tpu.memory_space<vmem>>, vector<1x16xf32>,
        %swap3A_1557 = vector.shape_cast %swap3A_1556 : vector<1x16xf32> to vector<16xf32>
        %swap3A_1558 = vector.shape_cast %mul3A_1549 : vector<16xf32> to vector<1x16xf32>
        tpu.vector_store %arg6[%swap3A_1554, %swap3A_1555], %swap3A_1558 {strides = array<i32>} : memref<64x128xf32, #tpu.memory_space<vmem>>, vector<1x16xf32>,
        %mul3A_1559 = arith.constant 4 : i32
        %mul3A_1560 = arith.muli %scan3A_134, %mul3A_1559 : i32
        %add3A_1561 = arith.constant 3 : i32
        %add3A_1562 = arith.addi %mul3A_1560, %add3A_1561 : i32
        %get3A_1563 = arith.index_cast %add3A_1562 : i32 to index
        %get3A_1564 = arith.constant 112 : index
        %get3A_1565 = tpu.vector_load %arg6[%get3A_1563, %get3A_1564] {strides = array<i32>} : memref<64x128xf32, #tpu.memory_space<vmem>>, vector<1x16xf32>,
        %get3A_1566 = vector.shape_cast %get3A_1565 : vector<1x16xf32> to vector<16xf32>
        %mul3A_1567 = arith.constant 4 : i32
        %mul3A_1568 = arith.muli %scan3A_134, %mul3A_1567 : i32
        %add3A_1569 = arith.constant 3 : i32
        %add3A_1570 = arith.addi %mul3A_1568, %add3A_1569 : i32
        %get3A_1571 = arith.index_cast %add3A_1570 : i32 to index
        %get3A_1572 = arith.constant 112 : index
        %get3A_1573 = tpu.vector_load %arg7[%get3A_1571, %get3A_1572] {strides = array<i32>} : memref<64x128xf32, #tpu.memory_space<vmem>>, vector<1x16xf32>,
        %get3A_1574 = vector.shape_cast %get3A_1573 : vector<1x16xf32> to vector<16xf32>
        %add3A_1575 = arith.addf %get3A_1566, %get3A_1574 : vector<16xf32>
        %mul3A_1576 = arith.constant 4 : i32
        %mul3A_1577 = arith.muli %scan3A_134, %mul3A_1576 : i32
        %add3A_1578 = arith.constant 3 : i32
        %add3A_1579 = arith.addi %mul3A_1577, %add3A_1578 : i32
        %get3A_1580 = arith.index_cast %add3A_1579 : i32 to index
        %get3A_1581 = arith.constant 112 : index
        %get3A_1582 = tpu.vector_load %arg8[%get3A_1580, %get3A_1581] {strides = array<i32>} : memref<64x128xf32, #tpu.memory_space<vmem>>, vector<1x16xf32>,
        %get3A_1583 = vector.shape_cast %get3A_1582 : vector<1x16xf32> to vector<16xf32>
        %add3A_1584 = arith.addf %add3A_1575, %get3A_1583 : vector<16xf32>
        %mul3A_1585 = arith.constant 4 : i32
        %mul3A_1586 = arith.muli %scan3A_134, %mul3A_1585 : i32
        %add3A_1587 = arith.constant 3 : i32
        %add3A_1588 = arith.addi %mul3A_1586, %add3A_1587 : i32
        %get3A_1589 = arith.index_cast %add3A_1588 : i32 to index
        %get3A_1590 = arith.constant 112 : index
        %get3A_1591 = tpu.vector_load %arg9[%get3A_1589, %get3A_1590] {strides = array<i32>} : memref<64x128xf32, #tpu.memory_space<vmem>>, vector<1x16xf32>,
        %get3A_1592 = vector.shape_cast %get3A_1591 : vector<1x16xf32> to vector<16xf32>
        %add3A_1593 = arith.addf %add3A_1584, %get3A_1592 : vector<16xf32>
        %mul3A_1594 = vector.broadcast %while3A_27 : f32 to vector<16xf32>
        %mul3A_1595 = arith.mulf %add3A_1593, %mul3A_1594 : vector<16xf32>
        %mul3A_1596 = arith.constant 4 : i32
        %mul3A_1597 = arith.muli %scan3A_134, %mul3A_1596 : i32
        %add3A_1598 = arith.constant 3 : i32
        %add3A_1599 = arith.addi %mul3A_1597, %add3A_1598 : i32
        %swap3A_1600 = arith.index_cast %add3A_1599 : i32 to index
        %swap3A_1601 = arith.constant 112 : index
        %swap3A_1602 = tpu.vector_load %arg6[%swap3A_1600, %swap3A_1601] {strides = array<i32>} : memref<64x128xf32, #tpu.memory_space<vmem>>, vector<1x16xf32>,
        %swap3A_1603 = vector.shape_cast %swap3A_1602 : vector<1x16xf32> to vector<16xf32>
        %swap3A_1604 = vector.shape_cast %mul3A_1595 : vector<16xf32> to vector<1x16xf32>
        tpu.vector_store %arg6[%swap3A_1600, %swap3A_1601], %swap3A_1604 {strides = array<i32>} : memref<64x128xf32, #tpu.memory_space<vmem>>, vector<1x16xf32>,
      }
      %scan3A_118 = arith.constant 16 : i32
      %mul3A_119 = arith.constant 320 : i32
      %mul3A_120 = arith.muli %add3A, %mul3A_119 : i32
      %mul3A_121 = arith.constant 64 : i32
      %mul3A_122 = arith.muli %while3A_37, %mul3A_121 : i32
      %add3A_123 = arith.addi %mul3A_120, %mul3A_122 : i32
      %add3A_124 = arith.constant 64 : i32
      %add3A_125 = arith.addi %add3A_123, %add3A_124 : i32
      %le3A = arith.constant 10000 : i32
      %le3A_126 = arith.cmpi sle, %add3A_125, %le3A : i32
      %convert_element_type3A = arith.extui %le3A_126 : i1 to i32
      %cond3A = arith.constant 0 : i32
      %cond3A_127 = arith.cmpi ne, %convert_element_type3A, %cond3A : i32
      scf.if %cond3A_127 {
        "tpu.region"() ({
          %run_scoped3A = tpu.sem_alloc : memref<!tpu.dma_semaphore, #tpu.memory_space<semaphore_mem>>
          %dma_start3A_134 = arith.constant 0 : i32
          %dma_start3A_135 = tpu.memref_slice %arg4[%add3A_123, %dma_start3A_134] : memref<10000x128xf32, #tpu.memory_space<hbm>> -> memref<64x128xf32, #tpu.memory_space<hbm>>
          %dma_start3A_136 = arith.constant 0 : i32
          %dma_start3A_137 = tpu.memref_slice %arg4[%add3A_123, %dma_start3A_136] : memref<10000x128xf32, #tpu.memory_space<hbm>> -> memref<64x128xf32, #tpu.memory_space<hbm>>
          tpu.enqueue_dma source(%arg6 : memref<64x128xf32, #tpu.memory_space<vmem>>) target(%dma_start3A_137 : memref<64x128xf32, #tpu.memory_space<hbm>>) target_semaphore(%run_scoped3A : memref<!tpu.dma_semaphore, #tpu.memory_space<semaphore_mem>>)
          %dma_wait3A_138 = arith.constant 0 : i32
          %dma_wait3A_139 = tpu.memref_slice %arg4[%add3A_123, %dma_wait3A_138] : memref<10000x128xf32, #tpu.memory_space<hbm>> -> memref<64x128xf32, #tpu.memory_space<hbm>>
          %dma_wait3A_140 = arith.constant 0 : i32
          %dma_wait3A_141 = tpu.memref_slice %arg4[%add3A_123, %dma_wait3A_140] : memref<10000x128xf32, #tpu.memory_space<hbm>> -> memref<64x128xf32, #tpu.memory_space<hbm>>
          tpu.wait_dma2 semaphore(%run_scoped3A : memref<!tpu.dma_semaphore, #tpu.memory_space<semaphore_mem>>) src(%arg6 : memref<64x128xf32, #tpu.memory_space<vmem>>) dst(%dma_wait3A_141 : memref<64x128xf32, #tpu.memory_space<hbm>>)
          tpu.yield
        }) : () -> ()
      } else {
      }
      %add3A_128 = arith.constant 64 : i32
      %add3A_129 = arith.addi %add3A_123, %add3A_128 : i32
      %gt3A = arith.constant 10000 : i32
      %gt3A_130 = arith.cmpi sgt, %add3A_129, %gt3A : i32
      %convert_element_type3A_131 = arith.extui %gt3A_130 : i1 to i32
      %cond3A_132 = arith.constant 0 : i32
      %cond3A_133 = arith.cmpi ne, %convert_element_type3A_131, %cond3A_132 : i32
      scf.if %cond3A_133 {
        "tpu.region"() ({
          %run_scoped3A = tpu.sem_alloc : memref<!tpu.dma_semaphore, #tpu.memory_space<semaphore_mem>>
          %dma_start3A_134 = arith.constant 0 : i32
          %dma_start3A_135 = arith.constant 0 : i32
          %dma_start3A_136 = tpu.memref_slice %arg6[%dma_start3A_134, %dma_start3A_135] : memref<64x128xf32, #tpu.memory_space<vmem>> -> memref<16x128xf32, #tpu.memory_space<vmem>>
          %dma_start3A_137 = arith.constant 9984 : i32
          %dma_start3A_138 = arith.constant 0 : i32
          %dma_start3A_139 = tpu.memref_slice %arg4[%dma_start3A_137, %dma_start3A_138] : memref<10000x128xf32, #tpu.memory_space<hbm>> -> memref<16x128xf32, #tpu.memory_space<hbm>>
          %dma_start3A_140 = arith.constant 9984 : i32
          %dma_start3A_141 = arith.constant 0 : i32
          %dma_start3A_142 = tpu.memref_slice %arg4[%dma_start3A_140, %dma_start3A_141] : memref<10000x128xf32, #tpu.memory_space<hbm>> -> memref<16x128xf32, #tpu.memory_space<hbm>>
          %dma_start3A_143 = arith.constant 0 : i32
          %dma_start3A_144 = arith.constant 0 : i32
          %dma_start3A_145 = tpu.memref_slice %arg6[%dma_start3A_143, %dma_start3A_144] : memref<64x128xf32, #tpu.memory_space<vmem>> -> memref<16x128xf32, #tpu.memory_space<vmem>>
          tpu.enqueue_dma source(%dma_start3A_145 : memref<16x128xf32, #tpu.memory_space<vmem>>) target(%dma_start3A_142 : memref<16x128xf32, #tpu.memory_space<hbm>>) target_semaphore(%run_scoped3A : memref<!tpu.dma_semaphore, #tpu.memory_space<semaphore_mem>>)
          %dma_wait3A_146 = arith.constant 0 : i32
          %dma_wait3A_147 = arith.constant 0 : i32
          %dma_wait3A_148 = tpu.memref_slice %arg6[%dma_wait3A_146, %dma_wait3A_147] : memref<64x128xf32, #tpu.memory_space<vmem>> -> memref<16x128xf32, #tpu.memory_space<vmem>>
          %dma_wait3A_149 = arith.constant 9984 : i32
          %dma_wait3A_150 = arith.constant 0 : i32
          %dma_wait3A_151 = tpu.memref_slice %arg4[%dma_wait3A_149, %dma_wait3A_150] : memref<10000x128xf32, #tpu.memory_space<hbm>> -> memref<16x128xf32, #tpu.memory_space<hbm>>
          %dma_wait3A_152 = arith.constant 9984 : i32
          %dma_wait3A_153 = arith.constant 0 : i32
          %dma_wait3A_154 = tpu.memref_slice %arg4[%dma_wait3A_152, %dma_wait3A_153] : memref<10000x128xf32, #tpu.memory_space<hbm>> -> memref<16x128xf32, #tpu.memory_space<hbm>>
          %dma_wait3A_155 = arith.constant 0 : i32
          %dma_wait3A_156 = arith.constant 0 : i32
          %dma_wait3A_157 = tpu.memref_slice %arg6[%dma_wait3A_155, %dma_wait3A_156] : memref<64x128xf32, #tpu.memory_space<vmem>> -> memref<16x128xf32, #tpu.memory_space<vmem>>
          tpu.wait_dma2 semaphore(%run_scoped3A : memref<!tpu.dma_semaphore, #tpu.memory_space<semaphore_mem>>) src(%dma_wait3A_157 : memref<16x128xf32, #tpu.memory_space<vmem>>) dst(%dma_wait3A_154 : memref<16x128xf32, #tpu.memory_space<hbm>>)
          tpu.yield
        }) : () -> ()
      } else {
      }
    }
    return
  }
}

</mosaic_0001>

<sc_bundles>
// kernel: kernel.3.cloned.1.call-start
scs
__scs_entry_jumppad:
0x0: {  	(pc) =	sbr.rel $0x88, $3  }
0x1: {  	(tag) =	ssettag $0x0;
	lr =	simm.s32 $0x1  }
0x2: {  	[smem:$0x3F9E] =	sst lr;
	_ =	strace $0xD0000000  }
0x3: {  	_ = 	snop  }
0x4: {  	_ = 	snop  }
0x5: {  	_ = 	snop  }
0x6: {  	_ = 	snop  }
0x7: {  	_ = 	snop  }
__scs_overlays_trampoline_lowered:
0x8: {  	[smem:$0x3FAD] =	sst s0  }
0x9: {  	[smem:$0x3FAE] =	sst s1  }
0xa: {  	[smem:$0x3FAF] =	sst s2  }
0xb: {  	[smem:$0x3FB0] =	sst s3  }
0xc: {  	[smem:$0x3FB1] =	sst s4  }
0xd: {  	[smem:$0x3FB2] =	sst s5  }
0xe: {  	[smem:$0x3FB3] =	sst s6  }
0xf: {  	[smem:$0x3FB4] =	sst s7  }
0x10: {  	[smem:$0x3FB5] =	sst s8  }
0x11: {  	[smem:$0x3FB6] =	sst s9;
	s0 =	simm.s32 @!p0 $0x0  }
0x12: {  	s1 =	sld [smem:$0x3F9C];
	s0 =	simm.s32 @p0 $0x1  }
0x13: {  	[smem:$0x3FB7] =	sst s0;
	s0 =	simm.s32 @!p1 $0x0  }
0x14: {  	s2 =	sld [smem:$0x3F9B];
	s0 =	simm.s32 @p1 $0x1  }
0x15: {  	[smem:$0x3FB8] =	sst s0;
	s0 =	simm.s32 @!p2 $0x0  }
0x16: {  	s3 =	sld [smem:$0x3FDB];
	s0 =	simm.s32 @p2 $0x1  }
0x17: {  	s4 =	simm.s32 $0x1BF5;
	[smem:$0x3FBA] =	sst s0  }
0x18: {  	s0 =	sld [smem:$0x3F9D];
	_ =	swait.ge [sflag:s4], $0x0  }
0x19: {  	s7 =	sld [smem:$0x3F9E]  }
0x1a: {  	s8 =	sadd.s32 $0xFFFFE003, lr  }
0x1b: {  	s9 =	sadd.s32 $0xFFFFFEF7, lr;
	s5 =	simm.s32 $0xFFFFFFFF;
	p2 =	slt.u32 s8, $0xFFFFF086  }
0x1c: {  	p1 =	slt.u32 s9, $0xF7A;
	s5 =	simm.s32 @!p2 $0x0  }
0x1d: {  	s5 =	simm.s32 @p1 $0x1;
	p0 =	seq.s32 s7, s2  }
0x1e: {  	s7 =	smul.u32 @!p0 $0xF7A, s2;
	p2 =	seq.s32 @!p0 s5, $0x0  }
0x1f: {  	s9 =	smul.u32 $0xF7A, s1;
	s8 =	simm.s32 @!p0 $0x1BF5;
	p2 =	por !p2, p0  }
0x20: {  	[sflag:s8] =	ssyncset.s32 @!p0 $0xFFFFF086;
	s6 =	sadd.s32 @!p0 s3, s7;
	s7 =	simm.s32 @!p0 $0x108  }
0x21: {  	s3 =	sadd.s32 s3, s9;
	s6 =	sadd.s32 @!p0 $0x88, s6;
	s7 =	simm.s32 @p2 $0x1082  }
0x22: {  	[simem:s7], [sflag:s8] =	dma.local @!p0 [hbm:s6], $0xF7A  }
0x23: {  	s9 =	sor.u32 $0xD0000000, s2;
	s6 =	simm.s32 $0x108;
	_ =	swait.ge @!p0 [sflag:s8], $0x0  }
0x24: {  	s3 =	sadd.s32 $0x88, s3;
	s6 =	simm.s32 @!p1 $0x1082;
	[sflag:s4] =	ssyncset.s32 $0xFFFFF086  }
0x25: {  	[simem:s6], [sflag:s4] =	dma.local [hbm:s3], $0xF7A  }
0x26: {  	[smem:$0x3F9E] =	sst s1;
	(tag) =	ssettag s2;
	_ =	strace s9  }
0x27: {  	s1 =	sld [smem:$0x3FAE]  }
0x28: {  	s2 =	sld [smem:$0x3FAF]  }
0x29: {  	s4 =	sld [smem:$0x3FB1]  }
0x2a: {  	p0 =	seq.s32 s5, $0x0;
	s5 =	sld [smem:$0x3FB2]  }
0x2b: {  	s6 =	sld [smem:$0x3FB3]  }
0x2c: {  	s7 =	sld [smem:$0x3FB4]  }
0x2d: {  	s3 =	simm.s32 $0x108;
	s8 =	sld [smem:$0x3FB5]  }
0x2e: {  	s3 =	simm.s32 @!p0 $0x1082;
	s9 =	sld [smem:$0x3FB6]  }
0x2f: {  	lr =	sadd.s32 s0, s3;
	s0 =	sld [smem:$0x3FAD]  }
0x30: {  	s3 =	sld [smem:$0x3FB0]  }
0x31: {  	[smem:$0x3FB9] =	sst s10  }
0x32: {  	s10 =	sld [smem:$0x3FB7];
	_ =	sdelay $0x3  }
0x33: {  	p0 =	seq.s32 s10, $0x1;
	s10 =	sld [smem:$0x3FB9];
	_ =	sdelay $0x3  }
0x34: {  	[smem:$0x3FB9] =	sst s10  }
0x35: {  	s10 =	sld [smem:$0x3FB8];
	_ =	sdelay $0x3  }
0x36: {  	p1 =	seq.s32 s10, $0x1;
	s10 =	sld [smem:$0x3FB9];
	_ =	sdelay $0x3  }
0x37: {  	[smem:$0x3FB9] =	sst s10  }
0x38: {  	s10 =	sld [smem:$0x3FBA]  }
0x39: {  	_ = 	snop;
	(pc) =	sbr.ind lr, $3  }
0x3a: {  	_ = 	snop  }
0x3b: {  	_ = 	snop  }
0x3c: {  	p2 =	seq.s32 s10, $0x1;
	s10 =	sld [smem:$0x3FB9]  }
0x3d: {  	_ =	shalt  }
0x3e: {  	_ =	shalt  }
0x3f: {  	_ =	shalt  }
0x40: {  	_ =	shalt  }
0x41: {  	_ =	shalt  }
0x42: {  	_ =	shalt  }
0x43: {  	_ =	shalt  }
0x44: {  	_ =	shalt  }
0x45: {  	_ =	shalt  }
0x46: {  	_ =	shalt  }
0x47: {  	_ =	shalt  }
0x48: {  	_ =	shalt  }
0x49: {  	_ =	shalt  }
0x4a: {  	_ =	shalt  }
0x4b: {  	_ =	shalt  }
0x4c: {  	_ =	shalt  }
0x4d: {  	_ =	shalt  }
0x4e: {  	_ =	shalt  }
0x4f: {  	_ =	shalt  }
0x50: {  	_ =	shalt  }
0x51: {  	_ =	shalt  }
0x52: {  	_ =	shalt  }
0x53: {  	_ =	shalt  }
0x54: {  	_ =	shalt  }
0x55: {  	_ =	shalt  }
0x56: {  	_ =	shalt  }
0x57: {  	_ =	shalt  }
0x58: {  	_ =	shalt  }
0x59: {  	_ =	shalt  }
0x5a: {  	_ =	shalt  }
0x5b: {  	_ =	shalt  }
0x5c: {  	_ =	shalt  }
0x5d: {  	_ =	shalt  }
0x5e: {  	_ =	shalt  }
0x5f: {  	_ =	shalt  }
0x60: {  	_ =	shalt  }
0x61: {  	_ =	shalt  }
0x62: {  	_ =	shalt  }
0x63: {  	_ =	shalt  }
0x64: {  	_ =	shalt  }
0x65: {  	_ =	shalt  }
0x66: {  	_ =	shalt  }
0x67: {  	_ =	shalt  }
0x68: {  	_ =	shalt  }
0x69: {  	_ =	shalt  }
0x6a: {  	_ =	shalt  }
0x6b: {  	_ =	shalt  }
0x6c: {  	_ =	shalt  }
0x6d: {  	_ =	shalt  }
0x6e: {  	_ =	shalt  }
0x6f: {  	_ =	shalt  }
0x70: {  	_ =	shalt  }
0x71: {  	_ =	shalt  }
0x72: {  	_ =	shalt  }
0x73: {  	_ =	shalt  }
0x74: {  	_ =	shalt  }
0x75: {  	_ =	shalt  }
0x76: {  	_ =	shalt  }
0x77: {  	_ =	shalt  }
0x78: {  	_ =	shalt  }
0x79: {  	_ =	shalt  }
0x7a: {  	_ =	shalt  }
0x7b: {  	_ =	shalt  }
0x7c: {  	_ =	shalt  }
0x7d: {  	_ =	shalt  }
0x7e: {  	_ =	shalt  }
0x7f: {  	_ =	shalt  }
0x80: {  	_ =	shalt  }
0x81: {  	_ =	shalt  }
0x82: {  	_ =	shalt  }
0x83: {  	_ =	shalt  }
0x84: {  	_ =	shalt  }
0x85: {  	_ =	shalt  }
0x86: {  	_ =	shalt  }
0x87: {  	_ =	shalt  }
.Lfunc_end0:
.L_simem_size_0:
called_computation_lowered:
.L_overlay_start_0:
0x88: {  	s2 =	sld [smem:$0x3FD9]  }
0x89: {  	s3 =	sld [smem:$0x3FFE];
	_ =	sdelay $0x1  }
0x8a: {  	s1 =	srdreg.scid  }
0x8b: {  	s0 =	sand.u32 $0x1, s1  }
0x8c: {  	s17 =	sshll.u32 s0, $0xA;
	s2 =	sadd.s32 s3, s2  }
0x8d: {  	s2 =	sadd.s32 s2, s17  }
0x8e: {  	[smem:$0x3FC5] =	sst s2  }
0x8f: {  	_ = 	snop  }
0x90: {  	s2 =	sld [smem:$0x3FC7]  }
0x91: {  	s18 =	sld [smem:$0x3FD0];
	(tm) =	ssettm $0x1  }
0x92: {  	s4 =	sld [smem:$0x3FFB];
	_ =	sdelay $0x3  }
0x93: {  	_ =	strace s4  }
0x94: {  	s4 =	sld [smem:$0x3FFC];
	_ =	sdelay $0x3  }
0x95: {  	_ =	strace s4  }
0x96: {  	s4 =	sld [smem:$0x3FFD];
	_ =	sdelay $0x3  }
0x97: {  	_ =	strace s4  }
0x98: {  	_ =	strace $0x8FFFFFFF  }
0x99: {  	s19 =	sld [smem:$0x3FDB];
	_ =	sdelay $0x1  }
0x9a: {  	s5 =	simm.s32 $_scs_section_size  }
0x9b: {  	s6 =	simm.s32 $_size__tile_overlayer_lowered;
	s7 =	simm.s32 $_tile_overlayer_lowered  }
0x9c: {  	s22 =	simm.s32 $0x1BFF;
	s21 =	sshll.u32 s7, $0x1;
	s4 =	sadd.s32 s5, s19  }
0x9d: {  	s8 =	simm.s32 $0x0;
	s20 =	sshll.u32 s6, $0x1;
	s6 =	sadd.s32 s21, s4  }
0x9e: {  	[timem:s8], [sflag:s22] =	dma.local [hbm:s6], s20  }
0x9f: {  	_ =	swait.ge [sflag:s22], s20  }
0xa0: {  	s5 =	ssub.s32 $0x0, s20;
	[sflag:s22] =	ssyncset.done $0x0  }
0xa1: {  	[sflag:s22] =	ssyncadd.s32 s5;
	_ =	sdelay $0x1  }
0xa2: {  	s23 =	simm.s32 $0x1B8B  }
0xa3: {  	_ =	swait.ge [sflag:s23], $0x1  }
0xa4: {  	[sflag:s23] =	ssyncset.done $0x0  }
0xa5: {  	s25 =	simm.s32 $0x1B8E;
	s24 =	sld [smem:$0x3FFE];
	[sflag:s23] =	ssyncadd.s32 $0xFFFFFFFF  }
0xa6: {  	s26 =	simm.s32 $execute0_lowered;
	[smem:$0x3FD2] =	sst s25  }
0xa7: {  	s6 =	sshll.u32 s26, $0x1;
	_ =	strace $0x80000046;
	[dreg:$0x1] =	wrdreg $0xFFFFFFFF  }
0xa8: {  	s28 =	simm.s32 $_size_execute0_lowered;
	s4 =	sadd.s32 s4, s6;
	[dreg:$0x0] =	wrdreg $0x0  }
0xa9: {  	s6 =	sshll.u32 s28, $0x1;
	[dreg:$0x2] =	wrdreg s4  }
0xaa: {  	[dreg:$0x3] =	wrdreg s6  }
0xab: {  	[dreg:$0x4] =	wrdreg $0xC0  }
0xac: {  	_ =	task [dreg:s8], $0x5FFFF  }
0xad: {  	[dreg:$0x1] =	wrdreg $0xFFFFFFFF  }
0xae: {  	[dreg:$0x0] =	wrdreg $0x60  }
0xaf: {  	[dreg:$0x2] =	wrdreg s24  }
0xb0: {  	[dreg:$0x3] =	wrdreg s2  }
0xb1: {  	[dreg:$0x4] =	wrdreg s18  }
0xb2: {  	[dreg:$0x5] =	wrdreg $0x9  }
0xb3: {  	_ =	task.clear_ibuf [dreg:s8], $0x6FFFF;
	_ =	strace $0x90000046  }
0xb4: {  	s29 =	simm.s32 $0x9;
	_ =	strace $0x80000048  }
0xb5: {  	_ =	swait.ge [sflag:s29], $0x1  }
0xb6: {  	[sflag:s29] =	ssyncadd.s32 $0xFFFFFFFF  }
0xb7: {  	_ =	strace $0x90000048  }
0xb8: {  	_ =	sfence  }
0xb9: {  	s30 =	sld [smem:$0x0];
	_ =	sdelay $0x2  }
0xba: {  	s31 =	sshll.u32 s1, $0xD;
	s1 =	sshrl.u32 s1, $0x2  }
0xbb: {  	s3 =	sand.u32 $0x4000, s31;
	s1 =	sadd.s32 s1, s30  }
0xbc: {  	s0 =	sor.u32 s3, s0;
	s1 =	sshll.u32 s1, $0x11  }
0xbd: {  	s0 =	sor.u32 s1, s0  }
0xbe: {  	s0 =	sadd.s32 $0x8F2B, s0  }
0xbf: {  	[sflag:s0] =	ssyncadd.remote.s32 $0x1  }
0xc0: {  	_ =	sfence.sel $0xFFFF  }
0xc1: {  	[dreg:$0x0] =	wrdreg $0xFFFFFFFF;
	(pc) =	sbr.abs _section_cstart, $3  }
0xc2: {  	[dreg:$0x1] =	wrdreg $0xFFFFFFFF  }
0xc3: {  	_ =	task.clear_ibuf [dreg:s8], $0x2FFFF;
	_ =	strace $0x9FFFFFFF  }
0xc4: {  	(tm) =	ssettm $0x7FFFFFFF  }
0xc5: {  	_ =	shalt  }
tec
execute0_lowered:
.L_overlay_start_1:
0x0: {  	(tag) =	ssettag $0x1  }
0x1: {  	s5 =	rddreg [dreg:$0x0]  }
0x2: {  	s2 =	rddreg [dreg:$0x1];
	s0 =	srdreg.scid  }
0x3: {  	s3 =	rddreg [dreg:$0x2];
	s1 =	stileid.u32  }
0x4: {  	s4 =	simm.s32 $0x0;
	s11 =	simm.s32 $0x40;
	s12 =	simm.s32 $0x5400  }
0x5: {  	s13 =	simm.s32 $0x7400;
	s14 =	simm.s32 $0x9400;
	s15 =	simm.s32 $0xB400  }
0x6: {  	s16 =	simm.s32 $0x1;
	s17 =	simm.s32 $0x2;
	s18 =	simm.s32 $0x3  }
0x7: {  	s19 =	simm.s32 $0x4;
	s20 =	simm.s32 $0x0;
	s6 =	sand.u32 $0x1, s0  }
0x8: {  	s7 =	sshll.u32 s1, $0x1;
	s9 =	smul.u32 $0xFFFFFD80, s1;
	[smem:$0x7FF] =	sst s4  }
0x9: {  	s8 =	smul.u32 $0xFFFFFEC0, s6;
	s7 =	sor.u32 s6, s7;
	s6 =	ssub.s32 $0x2, s6  }
0xa: {  	s0 =	rddreg [dreg:$0x3];
	_ =	strace $0x80000047;
	s31 =	sshrl.u32 s6, $0x1  }
0xb: {  	s10 =	smul.u32 $0xA80, s7;
	s8 =	sadd.s32 s9, s8;
	s9 =	ssub.s32 s6, s31  }
0xc: {  	s6 =	smul.u32 $0x140, s7;
	s7 =	sadd.s32 $0x27000, s3;
	s8 =	sadd.s32 $0x2740, s8  }
0xd: {  	s5 =	sadd.s32 s10, s5;
	s9 =	smax.u32 s9, $0x1;
	s8 =	sshrl.u32 s8, $0x6  }
0xe: {  	s10 =	simm.s32 $0x5;
	s5 =	sadd.s32 $0x400, s5;
	s8 =	smin.u32 s8, $0x5  }
.LBB2_1:
0xf: {  	[tilespmem:s4], [sflag:$0x5] =	stream.linear.gather [hbm4b:s5+s4], $0x5280, $0x38;
	[tilespmem:$0xD400] =	vst v63  }
0x10: {  	_ =	swait.ge [sflag:s10], $0x5280  }
0x11: {  	[sflag:s10] =	ssyncset.done $0x0  }
0x12: {  	s21 =	simm.s32 $0x0;
	[sflag:s10] =	ssyncadd.s32 $0xFFFFAD80  }
.LBB2_2:
0x13: {  	s22 =	smul.u32 $0x4200, s21;
	_ =	sdelay $0x1  }
0x14: {  	s22 =	sshra.s32 s22, $0x2  }
0x15: {  	[tilespmem:s12], [sflag:$0x1] =	stream.indirect.gather [hbm4b:s2+s11], $0x80, s22, s11, $0xb8;
	[tilespmem:$0xD400] =	vst v63  }
0x16: {  	s23 =	sadd.s32 $0x80, s22  }
0x17: {  	[tilespmem:s13], [sflag:$0x2] =	stream.indirect.gather [hbm4b:s2+s11], $0x80, s23, s11, $0xb8;
	[tilespmem:$0xD400] =	vst v63  }
0x18: {  	s30 =	sadd.s32 $0x100, s22  }
0x19: {  	[tilespmem:s14], [sflag:$0x3] =	stream.indirect.gather [hbm4b:s2+s11], $0x80, s30, s11, $0xb8;
	[tilespmem:$0xD400] =	vst v63  }
0x1a: {  	s31 =	sadd.s32 $0x180, s22  }
0x1b: {  	[tilespmem:s15], [sflag:$0x4] =	stream.indirect.gather [hbm4b:s2+s11], $0x80, s31, s11, $0xb8;
	[tilespmem:$0xD400] =	vst v63  }
0x1c: {  	_ =	swait.ge [sflag:s16], $0x2000  }
0x1d: {  	[sflag:s16] =	ssyncset.done $0x0  }
0x1e: {  	s24 =	sadd.s32 $0x200, s22;
	[sflag:s16] =	ssyncadd.s32 $0xFFFFE000  }
0x1f: {  	[tilespmem:s12], [sflag:$0x1] =	stream.indirect.gather.add.f32 [hbm:s2], $0x80, s24, s11, $0xb8;
	[tilespmem:$0xD400] =	vst v63  }
0x20: {  	_ =	swait.ge [sflag:s17], $0x2000  }
0x21: {  	[sflag:s17] =	ssyncset.done $0x0  }
0x22: {  	s25 =	sadd.s32 $0x280, s22;
	[sflag:s17] =	ssyncadd.s32 $0xFFFFE000  }
0x23: {  	[tilespmem:s13], [sflag:$0x2] =	stream.indirect.gather.add.f32 [hbm:s2], $0x80, s25, s11, $0xb8;
	[tilespmem:$0xD400] =	vst v63  }
0x24: {  	_ =	swait.ge [sflag:s18], $0x2000  }
0x25: {  	[sflag:s18] =	ssyncset.done $0x0  }
0x26: {  	s26 =	sadd.s32 $0x300, s22;
	[sflag:s18] =	ssyncadd.s32 $0xFFFFE000  }
0x27: {  	[tilespmem:s14], [sflag:$0x3] =	stream.indirect.gather.add.f32 [hbm:s2], $0x80, s26, s11, $0xb8;
	[tilespmem:$0xD400] =	vst v63  }
0x28: {  	_ =	swait.ge [sflag:s19], $0x2000  }
0x29: {  	[sflag:s19] =	ssyncset.done $0x0  }
0x2a: {  	s28 =	sadd.s32 $0x380, s22;
	[sflag:s19] =	ssyncadd.s32 $0xFFFFE000  }
0x2b: {  	[tilespmem:s15], [sflag:$0x4] =	stream.indirect.gather.add.f32 [hbm:s2], $0x80, s28, s11, $0xb8;
	[tilespmem:$0xD400] =	vst v63  }
0x2c: {  	_ =	swait.ge [sflag:s16], $0x2000  }
0x2d: {  	[sflag:s16] =	ssyncset.done $0x0  }
0x2e: {  	s29 =	sadd.s32 $0x400, s22;
	[sflag:s16] =	ssyncadd.s32 $0xFFFFE000  }
0x2f: {  	[tilespmem:s12], [sflag:$0x1] =	stream.indirect.gather.add.f32 [hbm:s2], $0x80, s29, s11, $0xb8;
	[tilespmem:$0xD400] =	vst v63  }
0x30: {  	_ =	swait.ge [sflag:s17], $0x2000  }
0x31: {  	[sflag:s17] =	ssyncset.done $0x0  }
0x32: {  	s30 =	sadd.s32 $0x480, s22;
	[sflag:s17] =	ssyncadd.s32 $0xFFFFE000  }
0x33: {  	[tilespmem:s13], [sflag:$0x2] =	stream.indirect.gather.add.f32 [hbm:s2], $0x80, s30, s11, $0xb8;
	[tilespmem:$0xD400] =	vst v63  }
0x34: {  	_ =	swait.ge [sflag:s18], $0x2000  }
0x35: {  	[sflag:s18] =	ssyncset.done $0x0  }
0x36: {  	s31 =	sadd.s32 $0x500, s22;
	[sflag:s18] =	ssyncadd.s32 $0xFFFFE000  }
0x37: {  	[tilespmem:s14], [sflag:$0x3] =	stream.indirect.gather.add.f32 [hbm:s2], $0x80, s31, s11, $0xb8;
	[tilespmem:$0xD400] =	vst v63  }
0x38: {  	_ =	swait.ge [sflag:s19], $0x2000  }
0x39: {  	[sflag:s19] =	ssyncset.done $0x0  }
0x3a: {  	s24 =	sadd.s32 $0x580, s22;
	[sflag:s19] =	ssyncadd.s32 $0xFFFFE000  }
0x3b: {  	[tilespmem:s15], [sflag:$0x4] =	stream.indirect.gather.add.f32 [hbm:s2], $0x80, s24, s11, $0xb8;
	[tilespmem:$0xD400] =	vst v63  }
0x3c: {  	_ =	swait.ge [sflag:s16], $0x2000  }
0x3d: {  	[sflag:s16] =	ssyncset.done $0x0  }
0x3e: {  	s25 =	sadd.s32 $0x600, s22;
	[sflag:s16] =	ssyncadd.s32 $0xFFFFE000  }
0x3f: {  	[tilespmem:s12], [sflag:$0x1] =	stream.indirect.gather.add.f32 [hbm:s2], $0x80, s25, s11, $0xb8;
	[tilespmem:$0xD400] =	vst v63  }
0x40: {  	_ =	swait.ge [sflag:s17], $0x2000  }
0x41: {  	[sflag:s17] =	ssyncset.done $0x0  }
0x42: {  	s26 =	sadd.s32 $0x680, s22;
	[sflag:s17] =	ssyncadd.s32 $0xFFFFE000  }
0x43: {  	[tilespmem:s13], [sflag:$0x2] =	stream.indirect.gather.add.f32 [hbm:s2], $0x80, s26, s11, $0xb8;
	[tilespmem:$0xD400] =	vst v63  }
0x44: {  	_ =	swait.ge [sflag:s18], $0x2000  }
0x45: {  	[sflag:s18] =	ssyncset.done $0x0  }
0x46: {  	s28 =	sadd.s32 $0x700, s22;
	[sflag:s18] =	ssyncadd.s32 $0xFFFFE000  }
0x47: {  	[tilespmem:s14], [sflag:$0x3] =	stream.indirect.gather.add.f32 [hbm:s2], $0x80, s28, s11, $0xb8;
	[tilespmem:$0xD400] =	vst v63  }
0x48: {  	_ =	swait.ge [sflag:s19], $0x2000  }
0x49: {  	[sflag:s19] =	ssyncset.done $0x0  }
0x4a: {  	s29 =	sadd.s32 $0x780, s22;
	[sflag:s19] =	ssyncadd.s32 $0xFFFFE000  }
0x4b: {  	[tilespmem:s15], [sflag:$0x4] =	stream.indirect.gather.add.f32 [hbm:s2], $0x80, s29, s11, $0xb8;
	[tilespmem:$0xD400] =	vst v63  }
0x4c: {  	_ =	swait.ge [sflag:s16], $0x2000  }
0x4d: {  	[sflag:s16] =	ssyncset.done $0x0  }
0x4e: {  	s30 =	sadd.s32 $0x800, s22;
	[sflag:s16] =	ssyncadd.s32 $0xFFFFE000  }
0x4f: {  	[tilespmem:s12], [sflag:$0x1] =	stream.indirect.gather.add.f32 [hbm:s2], $0x80, s30, s11, $0xb8;
	[tilespmem:$0xD400] =	vst v63  }
0x50: {  	_ =	swait.ge [sflag:s17], $0x2000  }
0x51: {  	[sflag:s17] =	ssyncset.done $0x0  }
0x52: {  	s31 =	sadd.s32 $0x880, s22;
	[sflag:s17] =	ssyncadd.s32 $0xFFFFE000  }
0x53: {  	[tilespmem:s13], [sflag:$0x2] =	stream.indirect.gather.add.f32 [hbm:s2], $0x80, s31, s11, $0xb8;
	[tilespmem:$0xD400] =	vst v63  }
0x54: {  	_ =	swait.ge [sflag:s18], $0x2000  }
0x55: {  	[sflag:s18] =	ssyncset.done $0x0  }
0x56: {  	s24 =	sadd.s32 $0x900, s22;
	[sflag:s18] =	ssyncadd.s32 $0xFFFFE000  }
0x57: {  	[tilespmem:s14], [sflag:$0x3] =	stream.indirect.gather.add.f32 [hbm:s2], $0x80, s24, s11, $0xb8;
	[tilespmem:$0xD400] =	vst v63  }
0x58: {  	_ =	swait.ge [sflag:s19], $0x2000  }
0x59: {  	[sflag:s19] =	ssyncset.done $0x0  }
0x5a: {  	s25 =	sadd.s32 $0x980, s22;
	[sflag:s19] =	ssyncadd.s32 $0xFFFFE000  }
0x5b: {  	[tilespmem:s15], [sflag:$0x4] =	stream.indirect.gather.add.f32 [hbm:s2], $0x80, s25, s11, $0xb8;
	[tilespmem:$0xD400] =	vst v63  }
0x5c: {  	_ =	swait.ge [sflag:s16], $0x2000  }
0x5d: {  	[sflag:s16] =	ssyncset.done $0x0  }
0x5e: {  	s26 =	sadd.s32 $0xA00, s22;
	[sflag:s16] =	ssyncadd.s32 $0xFFFFE000  }
0x5f: {  	[tilespmem:s12], [sflag:$0x1] =	stream.indirect.gather.add.f32 [hbm:s2], $0x80, s26, s11, $0xb8;
	[tilespmem:$0xD400] =	vst v63  }
0x60: {  	_ =	swait.ge [sflag:s17], $0x2000  }
0x61: {  	[sflag:s17] =	ssyncset.done $0x0  }
0x62: {  	s28 =	sadd.s32 $0xA80, s22;
	[sflag:s17] =	ssyncadd.s32 $0xFFFFE000  }
0x63: {  	[tilespmem:s13], [sflag:$0x2] =	stream.indirect.gather.add.f32 [hbm:s2], $0x80, s28, s11, $0xb8;
	[tilespmem:$0xD400] =	vst v63  }
0x64: {  	_ =	swait.ge [sflag:s18], $0x2000  }
0x65: {  	[sflag:s18] =	ssyncset.done $0x0  }
0x66: {  	s29 =	sadd.s32 $0xB00, s22;
	[sflag:s18] =	ssyncadd.s32 $0xFFFFE000  }
0x67: {  	[tilespmem:s14], [sflag:$0x3] =	stream.indirect.gather.add.f32 [hbm:s2], $0x80, s29, s11, $0xb8;
	[tilespmem:$0xD400] =	vst v63  }
0x68: {  	_ =	swait.ge [sflag:s19], $0x2000  }
0x69: {  	[sflag:s19] =	ssyncset.done $0x0  }
0x6a: {  	s30 =	sadd.s32 $0xB80, s22;
	[sflag:s19] =	ssyncadd.s32 $0xFFFFE000  }
0x6b: {  	[tilespmem:s15], [sflag:$0x4] =	stream.indirect.gather.add.f32 [hbm:s2], $0x80, s30, s11, $0xb8;
	[tilespmem:$0xD400] =	vst v63  }
0x6c: {  	_ =	swait.ge [sflag:s16], $0x2000  }
0x6d: {  	[sflag:s16] =	ssyncset.done $0x0  }
0x6e: {  	s31 =	sadd.s32 $0xC00, s22;
	[sflag:s16] =	ssyncadd.s32 $0xFFFFE000  }
0x6f: {  	[tilespmem:s12], [sflag:$0x1] =	stream.indirect.gather.add.f32 [hbm:s2], $0x80, s31, s11, $0xb8;
	[tilespmem:$0xD400] =	vst v63  }
0x70: {  	_ =	swait.ge [sflag:s17], $0x2000  }
0x71: {  	[sflag:s17] =	ssyncset.done $0x0  }
0x72: {  	s24 =	sadd.s32 $0xC80, s22;
	[sflag:s17] =	ssyncadd.s32 $0xFFFFE000  }
0x73: {  	[tilespmem:s13], [sflag:$0x2] =	stream.indirect.gather.add.f32 [hbm:s2], $0x80, s24, s11, $0xb8;
	[tilespmem:$0xD400] =	vst v63  }
0x74: {  	_ =	swait.ge [sflag:s18], $0x2000  }
0x75: {  	[sflag:s18] =	ssyncset.done $0x0  }
0x76: {  	s25 =	sadd.s32 $0xD00, s22;
	[sflag:s18] =	ssyncadd.s32 $0xFFFFE000  }
0x77: {  	[tilespmem:s14], [sflag:$0x3] =	stream.indirect.gather.add.f32 [hbm:s2], $0x80, s25, s11, $0xb8;
	[tilespmem:$0xD400] =	vst v63  }
0x78: {  	_ =	swait.ge [sflag:s19], $0x2000  }
0x79: {  	[sflag:s19] =	ssyncset.done $0x0  }
0x7a: {  	s26 =	sadd.s32 $0xD80, s22;
	[sflag:s19] =	ssyncadd.s32 $0xFFFFE000  }
0x7b: {  	[tilespmem:s15], [sflag:$0x4] =	stream.indirect.gather.add.f32 [hbm:s2], $0x80, s26, s11, $0xb8;
	[tilespmem:$0xD400] =	vst v63  }
0x7c: {  	_ =	swait.ge [sflag:s16], $0x2000  }
0x7d: {  	[sflag:s16] =	ssyncset.done $0x0  }
0x7e: {  	s28 =	sadd.s32 $0xE00, s22;
	[sflag:s16] =	ssyncadd.s32 $0xFFFFE000  }
0x7f: {  	[tilespmem:s12], [sflag:$0x1] =	stream.indirect.gather.add.f32 [hbm:s2], $0x80, s28, s11, $0xb8;
	[tilespmem:$0xD400] =	vst v63  }
0x80: {  	_ =	swait.ge [sflag:s17], $0x2000  }
0x81: {  	[sflag:s17] =	ssyncset.done $0x0  }
0x82: {  	s29 =	sadd.s32 $0xE80, s22;
	[sflag:s17] =	ssyncadd.s32 $0xFFFFE000  }
0x83: {  	[tilespmem:s13], [sflag:$0x2] =	stream.indirect.gather.add.f32 [hbm:s2], $0x80, s29, s11, $0xb8;
	[tilespmem:$0xD400] =	vst v63  }
0x84: {  	_ =	swait.ge [sflag:s18], $0x2000  }
0x85: {  	[sflag:s18] =	ssyncset.done $0x0  }
0x86: {  	s30 =	sadd.s32 $0xF00, s22;
	[sflag:s18] =	ssyncadd.s32 $0xFFFFE000  }
0x87: {  	[tilespmem:s14], [sflag:$0x3] =	stream.indirect.gather.add.f32 [hbm:s2], $0x80, s30, s11, $0xb8;
	[tilespmem:$0xD400] =	vst v63  }
0x88: {  	_ =	swait.ge [sflag:s19], $0x2000  }
0x89: {  	[sflag:s19] =	ssyncset.done $0x0  }
0x8a: {  	s31 =	sadd.s32 $0xF80, s22;
	[sflag:s19] =	ssyncadd.s32 $0xFFFFE000  }
0x8b: {  	[tilespmem:s15], [sflag:$0x4] =	stream.indirect.gather.add.f32 [hbm:s2], $0x80, s31, s11, $0xb8;
	[tilespmem:$0xD400] =	vst v63  }
0x8c: {  	_ =	swait.ge [sflag:s16], $0x2000  }
0x8d: {  	[sflag:s16] =	ssyncset.done $0x0  }
0x8e: {  	s22 =	sadd.s32 $0x1000, s22;
	[sflag:s16] =	ssyncadd.s32 $0xFFFFE000  }
0x8f: {  	[tilespmem:s12], [sflag:$0x1] =	stream.indirect.gather.add.f32 [hbm:s2], $0x80, s22, s11, $0xb8;
	[tilespmem:$0xD400] =	vst v63  }
0x90: {  	_ =	swait.ge [sflag:s16], $0x2000  }
0x91: {  	[sflag:s16] =	ssyncset.done $0x0  }
0x92: {  	[sflag:s16] =	ssyncadd.s32 $0xFFFFE000  }
0x93: {  	_ =	swait.ge [sflag:s17], $0x2000  }
0x94: {  	[sflag:s17] =	ssyncset.done $0x0  }
0x95: {  	[sflag:s17] =	ssyncadd.s32 $0xFFFFE000  }
0x96: {  	_ =	swait.ge [sflag:s18], $0x2000  }
0x97: {  	[sflag:s18] =	ssyncset.done $0x0  }
0x98: {  	[sflag:s18] =	ssyncadd.s32 $0xFFFFE000  }
0x99: {  	_ =	swait.ge [sflag:s19], $0x2000  }
0x9a: {  	[sflag:s19] =	ssyncset.done $0x0  }
0x9b: {  	s22 =	simm.s32 $0x0;
	[sflag:s19] =	ssyncadd.s32 $0xFFFFE000  }
0x9c: {  	v41 =	vld [tilespmem:s22+$0xB400]  }
0x9d: {  	v42 =	vld [tilespmem:s22+$0xB410]  }
0x9e: {  	v43 =	vld [tilespmem:s22+$0xB420]  }
0x9f: {  	v57 =	vld [tilespmem:s22+$0xB430]  }
0xa0: {  	v0 =	vld [tilespmem:s22+$0xB440]  }
0xa1: {  	v38 =	vld [tilespmem:s22+$0xB450]  }
0xa2: {  	v39 =	vld [tilespmem:s22+$0xB460]  }
0xa3: {  	v40 =	vld [tilespmem:s22+$0xB470]  }
0xa4: {  	v44 =	vld [tilespmem:s22+$0xB480]  }
0xa5: {  	v45 =	vld [tilespmem:s22+$0xB490]  }
0xa6: {  	v46 =	vld [tilespmem:s22+$0xB4A0]  }
0xa7: {  	v47 =	vld [tilespmem:s22+$0xB4B0]  }
0xa8: {  	v48 =	vld [tilespmem:s22+$0xB4C0]  }
0xa9: {  	v49 =	vld [tilespmem:s22+$0xB4D0]  }
0xaa: {  	v50 =	vld [tilespmem:s22+$0xB4E0]  }
0xab: {  	v51 =	vld [tilespmem:s22+$0xB4F0]  }
0xac: {  	v52 =	vld [tilespmem:s22+$0xB500]  }
0xad: {  	v53 =	vld [tilespmem:s22+$0xB510]  }
0xae: {  	v54 =	vld [tilespmem:s22+$0xB520]  }
0xaf: {  	v55 =	vld [tilespmem:s22+$0xB530]  }
0xb0: {  	v56 =	vld [tilespmem:s22+$0xB540]  }
0xb1: {  	v58 =	vld [tilespmem:s22+$0xB550]  }
0xb2: {  	v59 =	vld [tilespmem:s22+$0xB560]  }
0xb3: {  	v9 =	vld [tilespmem:s22+$0xB570]  }
0xb4: {  	v5 =	vld [tilespmem:s22+$0xB580]  }
0xb5: {  	v6 =	vld [tilespmem:s22+$0xB590]  }
0xb6: {  	v30 =	vld [tilespmem:s22+$0xB5A0]  }
0xb7: {  	v29 =	vld [tilespmem:s22+$0xB5B0]  }
0xb8: {  	v28 =	vld [tilespmem:s22+$0xB5C0]  }
0xb9: {  	v26 =	vld [tilespmem:s22+$0xB5D0]  }
0xba: {  	v60 =	vld [tilespmem:s22+$0x94C0]  }
0xbb: {  	v61 =	vld [tilespmem:s22+$0x94D0]  }
0xbc: {  	v62 =	vld [tilespmem:s22+$0x94E0]  }
0xbd: {  	v63 =	vld [tilespmem:s22+$0x94F0]  }
0xbe: {  	v32 =	vld [tilespmem:s22+$0x9500]  }
0xbf: {  	v33 =	vld [tilespmem:s22+$0x9510]  }
0xc0: {  	v34 =	vld [tilespmem:s22+$0x9520]  }
0xc1: {  	v35 =	vld [tilespmem:s22+$0x9530]  }
0xc2: {  	v36 =	vld [tilespmem:s22+$0x9540]  }
0xc3: {  	v37 =	vld [tilespmem:s22+$0x9550]  }
0xc4: {  	v8 =	vld [tilespmem:s22+$0x95A0]  }
0xc5: {  	v7 =	vld [tilespmem:s22+$0x95B0]  }
0xc6: {  	v31 =	vld [tilespmem:s22+$0x95D0]  }
0xc7: {  	v20 =	vld [tilespmem:s22+$0x7440]  }
0xc8: {  	v22 =	vld [tilespmem:s22+$0x7450]  }
0xc9: {  	v24 =	vld [tilespmem:s22+$0x7460]  }
0xca: {  	v1 =	vld [tilespmem:s22+$0x7480]  }
0xcb: {  	v2 =	vld [tilespmem:s22+$0x7490]  }
0xcc: {  	v3 =	vld [tilespmem:s22+$0x74A0]  }
0xcd: {  	v4 =	vld [tilespmem:s22+$0x74B0]  }
0xce: {  	v10 =	vld [tilespmem:s22+$0x5400]  }
0xcf: {  	v11 =	vld [tilespmem:s22+$0x5410]  }
0xd0: {  	v12 =	vld [tilespmem:s22+$0x5420]  }
0xd1: {  	v13 =	vld [tilespmem:s22+$0x5430]  }
0xd2: {  	v14 =	vld [tilespmem:s22+$0x5440]  }
0xd3: {  	v15 =	vld [tilespmem:s22+$0x5450]  }
0xd4: {  	v16 =	vld [tilespmem:s22+$0x5460]  }
0xd5: {  	v17 =	vld [tilespmem:s22+$0x5470]  }
0xd6: {  	v18 =	vld [tilespmem:s22+$0x5480]  }
0xd7: {  	v19 =	vld [tilespmem:s22+$0x5490]  }
0xd8: {  	v21 =	vld [tilespmem:s22+$0x54A0]  }
0xd9: {  	v23 =	vld [tilespmem:s22+$0x54B0]  }
0xda: {  	v25 =	vld [tilespmem:s22+$0x54C0]  }
0xdb: {  	v27 =	vld [tilespmem:s22+$0x54E0];
	[tilespmem:$0x1FDF0] =	vst v0  }
0xdc: {  	[tilespmem:$0x1FE50] =	vst v46;
	v46 =	vld [tilespmem:s22+$0x9400]  }
0xdd: {  	[tilespmem:$0x1FE60] =	vst v47;
	v47 =	vld [tilespmem:s22+$0x9410]  }
0xde: {  	[tilespmem:$0x1FE90] =	vst v48;
	v48 =	vld [tilespmem:s22+$0x9420]  }
0xdf: {  	[tilespmem:$0x1FEB0] =	vst v49;
	v49 =	vld [tilespmem:s22+$0x9430]  }
0xe0: {  	[tilespmem:$0x1FED0] =	vst v50;
	v50 =	vld [tilespmem:s22+$0x9440]  }
0xe1: {  	[tilespmem:$0x1FEE0] =	vst v51;
	v51 =	vld [tilespmem:s22+$0x9450]  }
0xe2: {  	[tilespmem:$0x1FF10] =	vst v52;
	v52 =	vld [tilespmem:s22+$0x9460]  }
0xe3: {  	[tilespmem:$0x1FF30] =	vst v53;
	v53 =	vld [tilespmem:s22+$0x9470]  }
0xe4: {  	[tilespmem:$0x1FF50] =	vst v54;
	v54 =	vld [tilespmem:s22+$0x9480]  }
0xe5: {  	[tilespmem:$0x1FF60] =	vst v55;
	v55 =	vld [tilespmem:s22+$0x9490]  }
0xe6: {  	[tilespmem:$0x1FE70] =	vst v60;
	v60 =	vld [tilespmem:s22+$0x7400]  }
0xe7: {  	[tilespmem:$0x1FF90] =	vst v56;
	v56 =	vld [tilespmem:s22+$0x94A0]  }
0xe8: {  	[tilespmem:$0x1FE80] =	vst v61;
	v61 =	vld [tilespmem:s22+$0x7410]  }
0xe9: {  	[tilespmem:$0x1FEA0] =	vst v62;
	v62 =	vld [tilespmem:s22+$0x7420]  }
0xea: {  	[tilespmem:$0x1FFB0] =	vst v58;
	v58 =	vld [tilespmem:s22+$0x94B0]  }
0xeb: {  	[tilespmem:$0x1FE00] =	vst v38;
	v38 =	vld [tilespmem:s22+$0x9560];
	v10 =	vadd.f32 v60, v10  }
0xec: {  	[tilespmem:$0x1FE10] =	vst v39;
	v39 =	vld [tilespmem:s22+$0x9570]  }
0xed: {  	[tilespmem:$0x1FE20] =	vst v40;
	v40 =	vld [tilespmem:s22+$0x9580];
	v11 =	vadd.f32 v61, v11;
	v10 =	vadd.f32 v46, v10  }
0xee: {  	[tilespmem:$0x1FE30] =	vst v44;
	v44 =	vld [tilespmem:s22+$0x9590];
	v12 =	vadd.f32 v62, v12  }
0xef: {  	[tilespmem:$0x1FE40] =	vst v45;
	v45 =	vld [tilespmem:s22+$0x95C0];
	v11 =	vadd.f32 v47, v11;
	v10 =	vadd.f32 v41, v10  }
0xf0: {  	[tilespmem:$0x1FEC0] =	vst v63;
	v63 =	vld [tilespmem:s22+$0x7430]  }
0xf1: {  	[tilespmem:$0x1FEF0] =	vst v32;
	v0 =	vld [tilespmem:s22+$0x7470];
	v12 =	vadd.f32 v48, v12;
	v11 =	vadd.f32 v42, v11;
	v10 =	vmul.f32 $3.030303120e-02, v10  }
0xf2: {  	[tilespmem:$0x1FF00] =	vst v33;
	v32 =	vld [tilespmem:s22+$0x74C0]  }
0xf3: {  	v33 =	vld [tilespmem:s22+$0x74D0];
	v12 =	vadd.f32 v43, v12;
	[tilespmem:s22+$0x5400] =	vst v10;
	v10 =	vmul.f32 $3.030303120e-02, v11  }
0xf4: {  	[tilespmem:$0x1FF20] =	vst v34;
	v34 =	vld [tilespmem:s22+$0x74E0]  }
0xf5: {  	[tilespmem:s22+$0x5410] =	vst v10;
	v10 =	vmul.f32 $3.030303120e-02, v12;
	v12 =	vadd.f32 v24, v16;
	v16 =	vld [tilespmem:$0x1FDF0]  }
0xf6: {  	[tilespmem:$0x1FF40] =	vst v35;
	v35 =	vld [tilespmem:s22+$0x74F0];
	v14 =	vadd.f32 v20, v14;
	v13 =	vadd.f32 v63, v13  }
0xf7: {  	[tilespmem:$0x1FF70] =	vst v36;
	v36 =	vld [tilespmem:s22+$0x7500]  }
0xf8: {  	[tilespmem:$0x1FF80] =	vst v37;
	v37 =	vld [tilespmem:s22+$0x7510];
	v14 =	vadd.f32 v50, v14;
	v13 =	vadd.f32 v49, v13  }
0xf9: {  	[tilespmem:$0x1FFD0] =	vst v59;
	v59 =	vld [tilespmem:s22+$0x7570]  }
0xfa: {  	v11 =	vadd.f32 v57, v13;
	v14 =	vadd.f32 v16, v14;
	v16 =	vld [tilespmem:$0x1FE00]  }
0xfb: {  	v15 =	vadd.f32 v22, v15;
	[tilespmem:$0x1FFA0] =	vst v38;
	v38 =	vld [tilespmem:s22+$0x7520]  }
0xfc: {  	[tilespmem:s22+$0x5420] =	vst v10;
	v10 =	vmul.f32 $3.030303120e-02, v11;
	v11 =	vadd.f32 v0, v17;
	v12 =	vadd.f32 v52, v12;
	v52 =	vld [tilespmem:$0x1FE10]  }
0xfd: {  	[tilespmem:$0x1FFC0] =	vst v39;
	v39 =	vld [tilespmem:s22+$0x7530];
	v15 =	vadd.f32 v51, v15  }
0xfe: {  	v11 =	vadd.f32 v53, v11;
	v53 =	vld [tilespmem:$0x1FE20]  }
0xff: {  	v60 =	vld [tilespmem:s22+$0x54D0];
	[tilespmem:s22+$0x5430] =	vst v10;
	v10 =	vmul.f32 $3.030303120e-02, v14;
	v15 =	vadd.f32 v16, v15  }
0x100: {  	[tilespmem:$0x1FFE0] =	vst v40;
	v57 =	vld [tilespmem:$0x1FE30];
	v17 =	vadd.f32 v2, v19  }
0x101: {  	v40 =	vld [tilespmem:s22+$0x7540];
	v14 =	vadd.f32 v1, v18;
	v12 =	vadd.f32 v52, v12;
	[tilespmem:s22+$0x5440] =	vst v10;
	v10 =	vmul.f32 $3.030303120e-02, v15  }
0x102: {  	[tilespmem:$0x1FFF0] =	vst v44;
	v62 =	vld [tilespmem:$0x1FE40];
	v17 =	vadd.f32 v55, v17  }
0x103: {  	v44 =	vld [tilespmem:s22+$0x7550];
	v11 =	vadd.f32 v53, v11;
	v14 =	vadd.f32 v54, v14;
	[tilespmem:s22+$0x5450] =	vst v10;
	v10 =	vmul.f32 $3.030303120e-02, v12  }
0x104: {  	v63 =	vld [tilespmem:$0x1FE50];
	v18 =	vadd.f32 v3, v21;
	v12 =	vadd.f32 v4, v23  }
0x105: {  	v14 =	vadd.f32 v57, v14;
	v23 =	vadd.f32 v33, v60;
	v33 =	vld [tilespmem:$0x1FE70];
	[tilespmem:s22+$0x5460] =	vst v10;
	v10 =	vmul.f32 $3.030303120e-02, v11  }
0x106: {  	v11 =	vadd.f32 v58, v12;
	v12 =	vadd.f32 v32, v25;
	v32 =	vld [tilespmem:$0x1FE60]  }
0x107: {  	v48 =	vld [tilespmem:s22+$0x5520];
	v17 =	vadd.f32 v62, v17;
	v18 =	vadd.f32 v56, v18;
	[tilespmem:s22+$0x5470] =	vst v10;
	v10 =	vmul.f32 $3.030303120e-02, v14  }
0x108: {  	v43 =	vld [tilespmem:$0x1FE90]  }
0x109: {  	v13 =	vld [tilespmem:s22+$0x5530];
	v18 =	vadd.f32 v63, v18;
	[tilespmem:s22+$0x5480] =	vst v10;
	v10 =	vmul.f32 $3.030303120e-02, v17  }
0x10a: {  	[tilespmem:$0x1FDE0] =	vst v45;
	v3 =	vld [tilespmem:$0x1FF20]  }
0x10b: {  	v45 =	vld [tilespmem:s22+$0x7560];
	v12 =	vadd.f32 v33, v12;
	v11 =	vadd.f32 v32, v11;
	[tilespmem:s22+$0x5490] =	vst v10;
	v10 =	vmul.f32 $3.030303120e-02, v18  }
0x10c: {  	v16 =	vld [tilespmem:s22+$0x5540]  }
0x10d: {  	v54 =	vadd.f32 v38, v48;
	v60 =	vld [tilespmem:$0x1FF40];
	v12 =	vadd.f32 v43, v12;
	[tilespmem:s22+$0x54A0] =	vst v10;
	v10 =	vmul.f32 $3.030303120e-02, v11  }
0x10e: {  	v4 =	vld [tilespmem:$0x1FF70]  }
0x10f: {  	[tilespmem:s22+$0x54B0] =	vst v10;
	v10 =	vmul.f32 $3.030303120e-02, v12;
	v12 =	vadd.f32 v39, v13;
	v13 =	vadd.f32 v3, v54;
	v3 =	vld [tilespmem:$0x1FF60]  }
0x110: {  	v46 =	vld [tilespmem:s22+$0x54F0]  }
0x111: {  	v62 =	vld [tilespmem:$0x1FF50]  }
0x112: {  	v15 =	vld [tilespmem:s22+$0x5550];
	v16 =	vadd.f32 v40, v16;
	v12 =	vadd.f32 v60, v12  }
0x113: {  	v19 =	vld [tilespmem:s22+$0x5560]  }
0x114: {  	v3 =	vadd.f32 v3, v12;
	v12 =	vadd.f32 v4, v16;
	v4 =	vld [tilespmem:$0x1FF80]  }
0x115: {  	v50 =	vld [tilespmem:$0x1FEC0]  }
0x116: {  	v14 =	vadd.f32 v34, v27;
	v34 =	vld [tilespmem:$0x1FE80]  }
0x117: {  	v49 =	vld [tilespmem:$0x1FEB0];
	v1 =	vadd.f32 v62, v13;
	v13 =	vadd.f32 v44, v15  }
0x118: {  	v17 =	vadd.f32 v35, v46;
	v46 =	vld [tilespmem:$0x1FEA0]  }
0x119: {  	v16 =	vadd.f32 v45, v19;
	v19 =	vadd.f32 v4, v13;
	v4 =	vld [tilespmem:$0x1FF90]  }
0x11a: {  	v51 =	vld [tilespmem:$0x1FED0]  }
0x11b: {  	v20 =	vld [tilespmem:s22+$0x75A0];
	v23 =	vadd.f32 v34, v23  }
0x11c: {  	v52 =	vld [tilespmem:$0x1FEE0]  }
0x11d: {  	v22 =	vld [tilespmem:s22+$0x5570];
	v14 =	vadd.f32 v46, v14;
	v23 =	vadd.f32 v49, v23  }
0x11e: {  	v15 =	vadd.f32 v4, v12;
	v4 =	vld [tilespmem:$0x1FFA0]  }
0x11f: {  	v61 =	vld [tilespmem:s22+$0x7580];
	v17 =	vadd.f32 v50, v17;
	v14 =	vadd.f32 v51, v14;
	[tilespmem:s22+$0x54C0] =	vst v10;
	v10 =	vmul.f32 $3.030303120e-02, v23  }
0x120: {  	v47 =	vld [tilespmem:s22+$0x5500]  }
0x121: {  	v41 =	vld [tilespmem:s22+$0x7590];
	v11 =	vadd.f32 v52, v17;
	[tilespmem:s22+$0x54D0] =	vst v10;
	v10 =	vmul.f32 $3.030303120e-02, v14  }
0x122: {  	v42 =	vld [tilespmem:s22+$0x5510]  }
0x123: {  	[tilespmem:s22+$0x54E0] =	vst v10;
	v10 =	vmul.f32 $3.030303120e-02, v11;
	v11 =	vadd.f32 v59, v22;
	v22 =	vadd.f32 v4, v16;
	v4 =	vld [tilespmem:$0x1FFB0]  }
0x124: {  	v53 =	vld [tilespmem:$0x1FEF0]  }
0x125: {  	v24 =	vld [tilespmem:s22+$0x5580]  }
0x126: {  	v56 =	vld [tilespmem:$0x1FF10]  }
0x127: {  	v0 =	vld [tilespmem:s22+$0x75B0];
	v18 =	vadd.f32 v36, v47  }
0x128: {  	v12 =	vadd.f32 v4, v19;
	v4 =	vld [tilespmem:$0x1FFC0]  }
0x129: {  	v55 =	vld [tilespmem:$0x1FF00];
	v17 =	vadd.f32 v53, v18  }
0x12a: {  	v21 =	vld [tilespmem:s22+$0x75C0]  }
0x12b: {  	v57 =	vld [tilespmem:s22+$0x55A0];
	v17 =	vadd.f32 v56, v17  }
0x12c: {  	v63 =	vld [tilespmem:$0x1FFF0]  }
0x12d: {  	[tilespmem:s22+$0x54F0] =	vst v10;
	v10 =	vmul.f32 $3.030303120e-02, v17;
	v17 =	vadd.f32 v4, v11;
	v4 =	vld [tilespmem:$0x1FFD0]  }
0x12e: {  	v58 =	vld [tilespmem:$0x1FF30]  }
0x12f: {  	v25 =	vadd.f32 v37, v42;
	v27 =	vld [tilespmem:s22+$0x75D0]  }
0x130: {  	v18 =	vld [tilespmem:s22+$0x5590]  }
0x131: {  	v25 =	vadd.f32 v55, v25;
	v23 =	vld [tilespmem:s22+$0x55B0]  }
0x132: {  	v11 =	vadd.f32 v4, v22;
	v4 =	vld [tilespmem:$0x1FFE0]  }
0x133: {  	v25 =	vadd.f32 v58, v25;
	v14 =	vld [tilespmem:s22+$0x75E0]  }
0x134: {  	v20 =	vadd.f32 v20, v57;
	v13 =	vld [tilespmem:s22+$0x75F0]  }
0x135: {  	v18 =	vadd.f32 v41, v18;
	v16 =	vld [tilespmem:s22+$0x55C0];
	v19 =	vadd.f32 v61, v24;
	v22 =	vmul.f32 $3.030303120e-02, v25  }
0x136: {  	v23 =	vadd.f32 v0, v23;
	[tilespmem:s22+$0x5500] =	vst v10;
	v24 =	vmul.f32 $3.030303120e-02, v3;
	v10 =	vadd.f32 v9, v17;
	v17 =	vld [tilespmem:s22+$0x55D0]  }
0x137: {  	s23 =	simm.s32 $0x800;
	v25 =	vmul.f32 $3.030303120e-02, v1;
	[tilespmem:s22+$0x5510] =	vst v22;
	v22 =	vadd.f32 v63, v18;
	v18 =	vld [tilespmem:s22+$0x55E0];
	v19 =	vadd.f32 v4, v19  }
.LBB2_3:
0x138: {  	_ = 	snop  }
0x139: {  	v0 =	vld [tilespmem:$0x1FDE0]  }
0x13a: {  	v15 =	vmul.f32 $3.030303120e-02, v15;
	[tilespmem:s22+$0x5520] =	vst v25;
	v5 =	vadd.f32 v5, v19;
	v9 =	vadd.f32 v8, v20;
	v19 =	vld [tilespmem:s22+$0x55F0]  }
0x13b: {  	v12 =	vmul.f32 $3.030303120e-02, v12;
	[tilespmem:s22+$0x5530] =	vst v24;
	v4 =	vadd.f32 v6, v22;
	v8 =	vadd.f32 v7, v23;
	v20 =	vld [tilespmem:s22+$0x95E0]  }
0x13c: {  	v11 =	vmul.f32 $3.030303120e-02, v11;
	[tilespmem:s22+$0x5540] =	vst v15;
	v15 =	vld [tilespmem:s22+$0x95F0];
	v3 =	vadd.f32 v30, v9;
	v9 =	vadd.f32 v21, v16  }
0x13d: {  	v10 =	vmul.f32 $3.030303120e-02, v10;
	[tilespmem:s22+$0x5550] =	vst v12;
	v12 =	vld [tilespmem:s22+$0xB5E0];
	v2 =	vadd.f32 v29, v8;
	v8 =	vadd.f32 v27, v17  }
0x13e: {  	s24 =	sshra.s32 s23, $0x2;
	[tilespmem:s22+$0x5560] =	vst v11;
	v11 =	vld [tilespmem:s22+$0xB5F0];
	v5 =	vmul.f32 $3.030303120e-02, v5;
	v7 =	vadd.f32 v0, v9;
	v9 =	vadd.f32 v14, v18  }
0x13f: {  	v33 =	vld [tilespmem:s24+$0xB400];
	[tilespmem:s22+$0x5570] =	vst v10;
	v4 =	vmul.f32 $3.030303120e-02, v4;
	v6 =	vadd.f32 v31, v8;
	v8 =	vadd.f32 v13, v19  }
0x140: {  	v37 =	vld [tilespmem:s24+$0xB410];
	[tilespmem:s22+$0x5580] =	vst v5;
	v3 =	vmul.f32 $3.030303120e-02, v3;
	v1 =	vadd.f32 v28, v7;
	v5 =	vadd.f32 v20, v9  }
0x141: {  	v2 =	vmul.f32 $3.030303120e-02, v2;
	v38 =	vld [tilespmem:s24+$0xB420];
	[tilespmem:s22+$0x5590] =	vst v4;
	v44 =	vadd.f32 v26, v6;
	v4 =	vadd.f32 v15, v8  }
0x142: {  	v40 =	vld [tilespmem:s24+$0xB430];
	[tilespmem:s22+$0x55A0] =	vst v3;
	v1 =	vmul.f32 $3.030303120e-02, v1;
	v3 =	vadd.f32 v12, v5  }
0x143: {  	v32 =	vld [tilespmem:s24+$0xB440];
	[tilespmem:s22+$0x55B0] =	vst v2;
	v0 =	vmul.f32 $3.030303120e-02, v44;
	v45 =	vadd.f32 v11, v4  }
0x144: {  	v34 =	vld [tilespmem:s24+$0xB450];
	[tilespmem:s22+$0x55C0] =	vst v1;
	v46 =	vmul.f32 $3.030303120e-02, v3  }
0x145: {  	v35 =	vld [tilespmem:s24+$0xB460];
	[tilespmem:s22+$0x55D0] =	vst v0;
	v47 =	vmul.f32 $3.030303120e-02, v45  }
0x146: {  	v36 =	vld [tilespmem:s24+$0xB470];
	[tilespmem:s22+$0x55E0] =	vst v46  }
0x147: {  	v15 =	vld [tilespmem:s24+$0xB480];
	[tilespmem:s22+$0x55F0] =	vst v47;
	s22 =	smov.u32 s24  }
0x148: {  	v14 =	vld [tilespmem:s22+$0xB490]  }
0x149: {  	v16 =	vld [tilespmem:s22+$0xB4A0]  }
0x14a: {  	v27 =	vld [tilespmem:s22+$0xB4B0]  }
0x14b: {  	v23 =	vld [tilespmem:s22+$0xB4C0]  }
0x14c: {  	v22 =	vld [tilespmem:s22+$0xB4D0]  }
0x14d: {  	v0 =	vld [tilespmem:s22+$0xB4E0]  }
0x14e: {  	v48 =	vld [tilespmem:s22+$0xB4F0]  }
0x14f: {  	v49 =	vld [tilespmem:s22+$0xB500]  }
0x150: {  	v50 =	vld [tilespmem:s22+$0xB510]  }
0x151: {  	v51 =	vld [tilespmem:s22+$0xB520]  }
0x152: {  	v52 =	vld [tilespmem:s22+$0xB530]  }
0x153: {  	v53 =	vld [tilespmem:s22+$0xB540]  }
0x154: {  	v54 =	vld [tilespmem:s22+$0xB550]  }
0x155: {  	v55 =	vld [tilespmem:s22+$0xB560]  }
0x156: {  	v56 =	vld [tilespmem:s22+$0xB570]  }
0x157: {  	v57 =	vld [tilespmem:s22+$0xB580]  }
0x158: {  	v58 =	vld [tilespmem:s22+$0xB590]  }
0x159: {  	v21 =	vld [tilespmem:s22+$0xB5A0]  }
0x15a: {  	v59 =	vld [tilespmem:s22+$0xB5B0]  }
0x15b: {  	v18 =	vld [tilespmem:s22+$0xB5C0]  }
0x15c: {  	v19 =	vld [tilespmem:s22+$0xB5D0]  }
0x15d: {  	v47 =	vld [tilespmem:s22+$0x94C0]  }
0x15e: {  	v46 =	vld [tilespmem:s22+$0x94D0]  }
0x15f: {  	v45 =	vld [tilespmem:s22+$0x94E0]  }
0x160: {  	v44 =	vld [tilespmem:s22+$0x94F0]  }
0x161: {  	v43 =	vld [tilespmem:s22+$0x9500]  }
0x162: {  	v42 =	vld [tilespmem:s22+$0x9510]  }
0x163: {  	v41 =	vld [tilespmem:s22+$0x9520]  }
0x164: {  	v39 =	vld [tilespmem:s22+$0x9530]  }
0x165: {  	v20 =	vld [tilespmem:s22+$0x9540]  }
0x166: {  	v24 =	vld [tilespmem:s22+$0x9550]  }
0x167: {  	v25 =	vld [tilespmem:s22+$0x9560]  }
0x168: {  	v60 =	vld [tilespmem:s22+$0x9570]  }
0x169: {  	v61 =	vld [tilespmem:s22+$0x9580]  }
0x16a: {  	v62 =	vld [tilespmem:s22+$0x9590]  }
0x16b: {  	v63 =	vld [tilespmem:s22+$0x95A0]  }
0x16c: {  	v17 =	vld [tilespmem:s22+$0x95D0]  }
0x16d: {  	v2 =	vld [tilespmem:s22+$0x7440]  }
0x16e: {  	v3 =	vld [tilespmem:s22+$0x7450]  }
0x16f: {  	v4 =	vld [tilespmem:s22+$0x7460]  }
0x170: {  	v5 =	vld [tilespmem:s22+$0x7470]  }
0x171: {  	v6 =	vld [tilespmem:s22+$0x7480]  }
0x172: {  	v7 =	vld [tilespmem:s22+$0x7490]  }
0x173: {  	v8 =	vld [tilespmem:s22+$0x74A0]  }
0x174: {  	v9 =	vld [tilespmem:s22+$0x74B0]  }
0x175: {  	v10 =	vld [tilespmem:s22+$0x74C0]  }
0x176: {  	v26 =	vld [tilespmem:s22+$0x74D0]  }
0x177: {  	v28 =	vld [tilespmem:s22+$0x74E0]  }
0x178: {  	v29 =	vld [tilespmem:s22+$0x74F0]  }
0x179: {  	v11 =	vld [tilespmem:s22+$0x7500]  }
0x17a: {  	v13 =	vld [tilespmem:s22+$0x7510]  }
0x17b: {  	v30 =	vld [tilespmem:s22+$0x5400]  }
0x17c: {  	v31 =	vld [tilespmem:s22+$0x5410]  }
0x17d: {  	v1 =	vld [tilespmem:s22+$0x5430]  }
0x17e: {  	v12 =	vld [tilespmem:s22+$0x7520]  }
0x17f: {  	[tilespmem:$0x1FD60] =	vst v55;
	v55 =	vld [tilespmem:s22+$0x9400]  }
0x180: {  	[tilespmem:$0x1FD80] =	vst v56;
	v56 =	vld [tilespmem:s22+$0x9410]  }
0x181: {  	[tilespmem:$0x1FD70] =	vst v57;
	v57 =	vld [tilespmem:s22+$0x9420]  }
0x182: {  	[tilespmem:$0x1FD90] =	vst v58;
	v58 =	vld [tilespmem:s22+$0x9430]  }
0x183: {  	[tilespmem:$0x1FCE0] =	vst v59;
	v59 =	vld [tilespmem:s22+$0x9440]  }
0x184: {  	[tilespmem:$0x1FD40] =	vst v54;
	v54 =	vld [tilespmem:s22+$0x9450]  }
0x185: {  	[tilespmem:$0x1FD30] =	vst v53;
	v53 =	vld [tilespmem:s22+$0x9460]  }
0x186: {  	[tilespmem:$0x1FD20] =	vst v52;
	v52 =	vld [tilespmem:s22+$0x9470]  }
0x187: {  	[tilespmem:$0x1FD10] =	vst v51;
	v51 =	vld [tilespmem:s22+$0x9480]  }
0x188: {  	[tilespmem:$0x1FD00] =	vst v50;
	v50 =	vld [tilespmem:s22+$0x9490]  }
0x189: {  	[tilespmem:$0x1FCF0] =	vst v49;
	v49 =	vld [tilespmem:s22+$0x94A0]  }
0x18a: {  	[tilespmem:$0x1FD50] =	vst v60;
	v60 =	vld [tilespmem:s22+$0x95B0]  }
0x18b: {  	[tilespmem:$0x1FDA0] =	vst v61;
	v61 =	vld [tilespmem:s22+$0x95C0]  }
0x18c: {  	[tilespmem:$0x1FDC0] =	vst v62;
	v62 =	vld [tilespmem:s22+$0x7420]  }
0x18d: {  	[tilespmem:$0x1FCC0] =	vst v0;
	v0 =	vld [tilespmem:s22+$0x5420]  }
0x18e: {  	[tilespmem:$0x1FDD0] =	vst v63;
	v63 =	vld [tilespmem:s22+$0x7430]  }
0x18f: {  	[tilespmem:$0x1FCD0] =	vst v48;
	v48 =	vld [tilespmem:s22+$0x94B0]  }
0x190: {  	[tilespmem:$0x1FDB0] =	vst v60;
	v60 =	vld [tilespmem:s22+$0x7400]  }
0x191: {  	[tilespmem:$0x1FDE0] =	vst v61;
	v61 =	vld [tilespmem:s22+$0x7410]  }
0x192: {  	v0 =	vadd.f32 v62, v0;
	v62 =	vld [tilespmem:s22+$0x5450]  }
0x193: {  	v1 =	vadd.f32 v63, v1;
	v63 =	vld [tilespmem:s22+$0x5460]  }
0x194: {  	v0 =	vadd.f32 v57, v0;
	v57 =	vld [tilespmem:s22+$0x5470]  }
0x195: {  	v1 =	vadd.f32 v58, v1;
	v58 =	vld [tilespmem:s22+$0x7570]  }
0x196: {  	v0 =	vadd.f32 v38, v0;
	v38 =	vld [tilespmem:s22+$0x7550]  }
0x197: {  	v30 =	vadd.f32 v60, v30;
	v60 =	vld [tilespmem:s22+$0x7530]  }
0x198: {  	v31 =	vadd.f32 v61, v31;
	v61 =	vld [tilespmem:s22+$0x5440]  }
0x199: {  	v3 =	vadd.f32 v3, v62;
	v62 =	vld [tilespmem:s22+$0x5480]  }
0x19a: {  	v4 =	vadd.f32 v4, v63;
	v63 =	vld [tilespmem:s22+$0x5490]  }
0x19b: {  	v3 =	vadd.f32 v54, v3;
	v54 =	vld [tilespmem:s22+$0x54A0]  }
0x19c: {  	v31 =	vadd.f32 v56, v31;
	v56 =	vld [tilespmem:s22+$0x54B0]  }
0x19d: {  	v5 =	vadd.f32 v5, v57;
	v57 =	vld [tilespmem:s22+$0x7560]  }
0x19e: {  	v31 =	vadd.f32 v37, v31;
	v37 =	vld [tilespmem:s22+$0x7540]  }
0x19f: {  	v2 =	vadd.f32 v2, v61;
	v61 =	vld [tilespmem:s22+$0x54D0]  }
0x1a0: {  	v5 =	vadd.f32 v52, v5;
	v6 =	vadd.f32 v6, v62;
	v62 =	vld [tilespmem:s22+$0x54E0]  }
0x1a1: {  	v30 =	vadd.f32 v55, v30;
	v7 =	vadd.f32 v7, v63;
	v63 =	vld [tilespmem:s22+$0x7580]  }
0x1a2: {  	v5 =	vadd.f32 v36, v5;
	v2 =	vadd.f32 v59, v2;
	v59 =	vld [tilespmem:s22+$0x54C0]  }
0x1a3: {  	v6 =	vadd.f32 v51, v6;
	v9 =	vadd.f32 v9, v56;
	v56 =	vld [tilespmem:$0x1FD30]  }
0x1a4: {  	v36 =	vmul.f32 $3.030303120e-02, v31;
	v8 =	vadd.f32 v8, v54;
	v7 =	vadd.f32 v50, v7;
	v31 =	vmovc v17;
	v17 =	vld [tilespmem:s22+$0x5590]  }
0x1a5: {  	v2 =	vadd.f32 v32, v2;
	v6 =	vadd.f32 v15, v6;
	v15 =	vld [tilespmem:s22+$0x54F0]  }
0x1a6: {  	v7 =	vadd.f32 v14, v7;
	v14 =	vadd.f32 v26, v61;
	v26 =	vld [tilespmem:s22+$0x5500]  }
0x1a7: {  	v8 =	vadd.f32 v49, v8;
	v32 =	vadd.f32 v28, v62;
	v28 =	vmov v18;
	v18 =	vld [tilespmem:s22+$0x55A0]  }
0x1a8: {  	v30 =	vadd.f32 v33, v30;
	v9 =	vadd.f32 v48, v9;
	v62 =	vld [tilespmem:$0x1FDA0]  }
0x1a9: {  	v8 =	vadd.f32 v16, v8;
	v16 =	vld [tilespmem:s22+$0x7590]  }
0x1aa: {  	v9 =	vadd.f32 v27, v9;
	v27 =	vmul.f32 $3.030303120e-02, v30;
	v30 =	vld [tilespmem:s22+$0x5510]  }
0x1ab: {  	v3 =	vadd.f32 v34, v3;
	v49 =	vmul.f32 $3.030303120e-02, v6;
	v6 =	vld [tilespmem:$0x1FCF0]  }
0x1ac: {  	v50 =	vmul.f32 $3.030303120e-02, v7;
	v7 =	vld [tilespmem:$0x1FD00]  }
0x1ad: {  	v14 =	vadd.f32 v46, v14;
	v46 =	vmul.f32 $3.030303120e-02, v3;
	v3 =	vld [tilespmem:$0x1FCD0]  }
0x1ae: {  	v10 =	vadd.f32 v10, v59;
	v15 =	vadd.f32 v29, v15;
	v29 =	vld [tilespmem:s22+$0x5520]  }
0x1af: {  	v4 =	vadd.f32 v53, v4;
	[tilespmem:s22+$0x5400] =	vst v27;
	v27 =	vld [tilespmem:s22+$0x5530]  }
0x1b0: {  	v51 =	vmul.f32 $3.030303120e-02, v8;
	v8 =	vld [tilespmem:$0x1FD10];
	v10 =	vadd.f32 v47, v10  }
0x1b1: {  	v4 =	vadd.f32 v35, v4;
	v52 =	vmul.f32 $3.030303120e-02, v9;
	v9 =	vld [tilespmem:$0x1FD20];
	v11 =	vadd.f32 v11, v26  }
0x1b2: {  	v14 =	vadd.f32 v22, v14;
	v22 =	vld [tilespmem:s22+$0x75A0];
	v10 =	vadd.f32 v23, v10  }
0x1b3: {  	v47 =	vmul.f32 $3.030303120e-02, v4;
	v26 =	vmovc v19;
	v19 =	vld [tilespmem:s22+$0x5560];
	v4 =	vadd.f32 v43, v11;
	v11 =	vadd.f32 v12, v29  }
0x1b4: {  	v23 =	vadd.f32 v45, v32;
	v45 =	vld [tilespmem:$0x1FCC0];
	v13 =	vadd.f32 v13, v30  }
0x1b5: {  	v4 =	vadd.f32 v6, v4;
	v6 =	vadd.f32 v41, v11;
	v11 =	vld [tilespmem:s22+$0x5570]  }
0x1b6: {  	v15 =	vadd.f32 v44, v15;
	v12 =	vld [tilespmem:s22+$0x5550]  }
0x1b7: {  	v48 =	vmul.f32 $3.030303120e-02, v5;
	v30 =	vmovc v21;
	v21 =	vld [tilespmem:s22+$0x75C0];
	v5 =	vadd.f32 v42, v13;
	v13 =	vadd.f32 v60, v27  }
0x1b8: {  	v1 =	vadd.f32 v40, v1;
	v54 =	vmul.f32 $3.030303120e-02, v14;
	v14 =	vld [tilespmem:s22+$0x75E0];
	v3 =	vadd.f32 v3, v15  }
0x1b9: {  	v0 =	vmul.f32 $3.030303120e-02, v0;
	v15 =	vld [tilespmem:s22+$0x5540];
	v5 =	vadd.f32 v7, v5;
	v7 =	vadd.f32 v39, v13  }
0x1ba: {  	v1 =	vmul.f32 $3.030303120e-02, v1;
	v11 =	vadd.f32 v58, v11;
	v58 =	vmul.f32 $3.030303120e-02, v3;
	v3 =	vld [tilespmem:$0x1FD40]  }
0x1bb: {  	[tilespmem:s22+$0x5420] =	vst v0;
	v27 =	vld [tilespmem:s22+$0x75D0];
	v7 =	vadd.f32 v9, v7;
	v9 =	vadd.f32 v38, v12  }
0x1bc: {  	[tilespmem:s22+$0x5430] =	vst v1;
	v29 =	vld [tilespmem:$0x1FCE0]  }
0x1bd: {  	[tilespmem:s22+$0x5410] =	vst v36;
	v13 =	vld [tilespmem:s22+$0x5580];
	v9 =	vadd.f32 v24, v9  }
0x1be: {  	[tilespmem:s22+$0x5470] =	vst v48;
	v59 =	vmul.f32 $3.030303120e-02, v4;
	v4 =	vld [tilespmem:$0x1FD60];
	v6 =	vadd.f32 v8, v6  }
0x1bf: {  	[tilespmem:s22+$0x5480] =	vst v49;
	v44 =	vmul.f32 $3.030303120e-02, v2;
	v8 =	vadd.f32 v37, v15;
	v12 =	vadd.f32 v3, v9;
	v3 =	vld [tilespmem:$0x1FD50]  }
0x1c0: {  	[tilespmem:s22+$0x5490] =	vst v50;
	v53 =	vmul.f32 $3.030303120e-02, v10;
	v10 =	vadd.f32 v57, v19;
	v2 =	vadd.f32 v45, v23;
	v23 =	vld [tilespmem:s22+$0x75B0]  }
0x1c1: {  	[tilespmem:s22+$0x5450] =	vst v46;
	v61 =	vmul.f32 $3.030303120e-02, v5;
	v5 =	vld [tilespmem:$0x1FD70];
	v8 =	vadd.f32 v20, v8  }
0x1c2: {  	[tilespmem:s22+$0x54A0] =	vst v51;
	v57 =	vadd.f32 v25, v10;
	v60 =	vadd.f32 v63, v13;
	v13 =	vld [tilespmem:s22+$0x75F0]  }
0x1c3: {  	[tilespmem:s22+$0x54B0] =	vst v52;
	v15 =	vadd.f32 v56, v8;
	v8 =	vld [tilespmem:s22+$0x55B0]  }
0x1c4: {  	[tilespmem:s22+$0x5460] =	vst v47;
	v3 =	vadd.f32 v3, v11;
	v11 =	vadd.f32 v4, v57;
	v4 =	vld [tilespmem:$0x1FD80]  }
0x1c5: {  	[tilespmem:s22+$0x5440] =	vst v44;
	v25 =	vmul.f32 $3.030303120e-02, v6;
	v6 =	vld [tilespmem:$0x1FD90]  }
0x1c6: {  	p0 =	sne.s32 s23, $0x7800;
	[tilespmem:s22+$0x54D0] =	vst v54;
	v63 =	vld [tilespmem:$0x1FDC0]  }
.Ltmp0:
0x1c7: {  	[tilespmem:s22+$0x54C0] =	vst v53;
	v20 =	vadd.f32 v22, v18;
	v18 =	vld [tilespmem:s22+$0x55E0];
	(pc) =	sbr.rel @p0 .LBB2_3-.Ltmp0, $4  }
0x1c8: {  	v55 =	vmul.f32 $3.030303120e-02, v2;
	[tilespmem:s22+$0x5500] =	vst v59;
	v24 =	vmul.f32 $3.030303120e-02, v7;
	v7 =	vld [tilespmem:$0x1FDB0];
	v23 =	vadd.f32 v23, v8  }
0x1c9: {  	[tilespmem:s22+$0x5510] =	vst v61;
	v8 =	vld [tilespmem:$0x1FDD0];
	v10 =	vadd.f32 v4, v3;
	v3 =	vadd.f32 v16, v17  }
0x1ca: {  	[tilespmem:s22+$0x54E0] =	vst v55;
	v16 =	vld [tilespmem:s22+$0x55C0]  }
0x1cb: {  	s23 =	sadd.s32 $0x800, s23;
	v19 =	vadd.f32 v62, v60;
	[tilespmem:s22+$0x54F0] =	vst v58;
	v17 =	vld [tilespmem:s22+$0x55D0];
	v22 =	vadd.f32 v63, v3  }
0x1cc: {  	v0 =	vld [tilespmem:s22+$0x55F0]  }
0x1cd: {  	v53 =	vld [tilespmem:$0x1FDE0]  }
0x1ce: {  	[tilespmem:s22+$0x5520] =	vst v25;
	v1 =	vmul.f32 $3.030303120e-02, v15;
	v2 =	vld [tilespmem:s22+$0x95E0];
	v54 =	vadd.f32 v14, v18;
	v47 =	vadd.f32 v5, v19  }
0x1cf: {  	[tilespmem:s22+$0x5530] =	vst v24;
	v3 =	vmul.f32 $3.030303120e-02, v12;
	v48 =	vld [tilespmem:s22+$0x95F0];
	v7 =	vadd.f32 v7, v23;
	v4 =	vadd.f32 v8, v20  }
0x1d0: {  	v49 =	vmul.f32 $3.030303120e-02, v11;
	v9 =	vld [tilespmem:s22+$0xB5E0];
	v6 =	vadd.f32 v6, v22;
	[tilespmem:s22+$0x5540] =	vst v1;
	v51 =	vadd.f32 v21, v16  }
0x1d1: {  	v10 =	vmul.f32 $3.030303120e-02, v10;
	[tilespmem:s22+$0x5550] =	vst v3;
	v7 =	vadd.f32 v29, v7;
	v50 =	vadd.f32 v30, v4  }
0x1d2: {  	v55 =	vld [tilespmem:s22+$0xB5F0];
	[tilespmem:s22+$0x5560] =	vst v49;
	v1 =	vmul.f32 $3.030303120e-02, v47;
	v52 =	vadd.f32 v27, v17;
	v4 =	vadd.f32 v53, v51  }
0x1d3: {  	[tilespmem:s22+$0x5570] =	vst v10;
	v6 =	vmul.f32 $3.030303120e-02, v6;
	v0 =	vadd.f32 v13, v0;
	v2 =	vadd.f32 v2, v54  }
0x1d4: {  	[tilespmem:s22+$0x5580] =	vst v1;
	v59 =	vmul.f32 $3.030303120e-02, v7;
	v56 =	vadd.f32 v31, v52;
	v58 =	vadd.f32 v28, v4  }
0x1d5: {  	[tilespmem:s22+$0x5590] =	vst v6;
	v57 =	vmul.f32 $3.030303120e-02, v50;
	v0 =	vadd.f32 v48, v0;
	v2 =	vadd.f32 v9, v2  }
0x1d6: {  	[tilespmem:s22+$0x55B0] =	vst v59;
	v60 =	vadd.f32 v26, v56;
	v61 =	vmul.f32 $3.030303120e-02, v58  }
0x1d7: {  	[tilespmem:s22+$0x55A0] =	vst v57;
	v0 =	vadd.f32 v55, v0;
	v63 =	vmul.f32 $3.030303120e-02, v2  }
0x1d8: {  	s23 =	sshll.u32 s21, $0x6;
	v62 =	vmul.f32 $3.030303120e-02, v60;
	[tilespmem:s22+$0x55C0] =	vst v61  }
0x1d9: {  	s23 =	sadd.s32 s6, s23;
	v0 =	vmul.f32 $3.030303120e-02, v0;
	[tilespmem:s22+$0x55E0] =	vst v63  }
0x1da: {  	p0 =	sgt.u32 s23, $0x26D0;
	[tilespmem:s22+$0x55D0] =	vst v62  }
0x1db: {  	s24 =	simm.s32 @p0 $0x5400;
	[tilespmem:s22+$0x55F0] =	vst v0;
	s22 =	simm.s32 @p0 $0x0  }
0x1dc: {  	[hbm4b:s7+s22] =	stream.linear.scatter @p0 [tilespmem:s24], [sflag:$0x5], $0x800, $0x38;
	[tilespmem:$0xD400] =	vst v63  }
0x1dd: {  	s22 =	simm.s32 @p0 $0x5  }
0x1de: {  	_ =	swait.ge @p0 [sflag:s22], $0x800  }
0x1df: {  	s21 =	sadd.s32 $0x1, s21;
	[sflag:s22] =	ssyncset.done @p0 $0x0  }
0x1e0: {  	p1 =	sne.s32 s21, s8;
	[sflag:s22] =	ssyncadd.s32 @p0 $0xFFFFF800;
	s22 =	sshll.u32 @!p0 s23, $0x4  }
0x1e1: {  	s24 =	simm.s32 @!p0 $0x5400;
	s23 =	simm.s32 @!p0 $0x0;
	s22 =	sadd.s32 @!p0 s3, s22  }
0x1e2: {  	[hbm4b:s22+s23] =	stream.linear.scatter @!p0 [tilespmem:s24], [sflag:$0x6], $0x2000, $0x38;
	[tilespmem:$0xD400] =	vst v63  }
.Ltmp1:
0x1e3: {  	_ = 	snop;
	(pc) =	sbr.rel @p1 .LBB2_2-.Ltmp1, $4  }
0x1e4: {  	s22 =	simm.s32 @!p0 $0x6  }
0x1e5: {  	_ =	swait.ge @!p0 [sflag:s22], $0x2000  }
0x1e6: {  	[sflag:s22] =	ssyncset.done @!p0 $0x0  }
0x1e7: {  	[sflag:s22] =	ssyncadd.s32 @!p0 $0xFFFFE000  }
0x1e8: {  	s20 =	sadd.s32 $0x1, s20  }
0x1e9: {  	p0 =	sne.s32 s20, s9  }
.Ltmp2:
0x1ea: {  	_ = 	snop;
	(pc) =	sbr.rel @p0 .LBB2_1-.Ltmp2, $1  }
0x1eb: {  	_ =	sdelay $0x3  }
0x1ec: {  	_ =	sfence.sel $0x180000  }
0x1ed: {  	[bflag:$0x0] =	sbarrier.arrive $0xFFFF  }
0x1ee: {  	p0 =	sne.s32 s1, $0x0;
	_ =	strace $0x90000047  }
0x1ef: {  	s0 =	sadd.s32 @!p0 $0x100000, s0;
	[bflag:$0x2] =	sbarrier.arrive $0xFFFF  }
0x1f0: {  	[sflag:s0] =	ssyncadd.tile.s32 @!p0 $0x1;
	_ =	shalt  }
.Lfunc_end2:
_tile_overlayer_lowered:
.L_overlay_start_2:
0x1f1: {  	(tag) =	ssettag $0x2  }
0x1f2: {  	s0 =	rddreg [dreg:$0x0];
	s2 =	stileid.u32  }
0x1f3: {  	s1 =	rddreg [dreg:$0x1];
	p0 =	sne.s32 s2, $0x0  }
0x1f4: {  	s3 =	rddreg [dreg:$0x2];
	[bflag:$0x3] =	sbarrier.arrive $0xFFFF;
	s2 =	simm.s32 @!p0 $0x1C05  }
0x1f5: {  	[timem:s3], [sflag:s2] =	dma.local @!p0 [hbm:s0], s1  }
0x1f6: {  	s0 =	simm.s32 @!p0 $0x5  }
0x1f7: {  	_ =	swait.ge @!p0 [sflag:s0], s1  }
0x1f8: {  	s1 =	ssub.s32 @!p0 $0x0, s1;
	[sflag:s0] =	ssyncset.done @!p0 $0x0  }
0x1f9: {  	[sflag:s0] =	ssyncadd.s32 @!p0 s1  }
0x1fa: {  	[bflag:$0x3] =	sbarrier.arrive $0xFFFF  }
0x1fb: {  	_ =	shalt  }

</sc_bundles>
